<compile_context>
chip_gen: v7x
topology: tpu7x:2x2x1
jax: 0.10.2.dev20260603
libtpu: 0.0.44.dev20260713+nightly
codegen_flags: <defaults>
</compile_context>

<pallas_src>
import functools

import jax
import jax.numpy as jnp
from jax import lax
from jax.experimental import pallas as pl
from jax.experimental.pallas import tpu as pltpu
from jax.experimental.pallas import tpu_sc as plsc

N = 100000
E = 1600000
G = 128

NC = 2
NS = 16
K = 80
EPT = E // NS
NCHUNK = EPT // K
ROWS_PT = 6256
ROWS_LAST = N - 15 * ROWS_PT

_MESH = plsc.VectorSubcoreMesh(
    core_axis_name="c", subcore_axis_name="s", num_cores=NC, num_subcores=NS)

_SC_SCRATCH = [
    pltpu.VMEM_SHARED((N, 16), jnp.float32),
    pltpu.VMEM((9, 32), jnp.float32),
] + 2 * [
    pltpu.VMEM((K,), jnp.int32),
    pltpu.VMEM((K,), jnp.int32),
    pltpu.VMEM((K * 8,), jnp.float32),
    pltpu.VMEM((K, 32), jnp.float32),
    pltpu.VMEM((K, 32), jnp.float32),
] + [
    pltpu.VMEM((K, 16), jnp.float32),
] + 4 * [pltpu.SemaphoreType.DMA]


def _softplus16(x):
    t = jnp.exp(-jnp.abs(x))
    w = t / (t + 2.0)
    w2 = w * w
    p = w2 * (1.0 / 13.0) + (1.0 / 11.0)
    p = p * w2 + (1.0 / 9.0)
    p = p * w2 + (1.0 / 7.0)
    p = p * w2 + (1.0 / 5.0)
    p = p * w2 + (1.0 / 3.0)
    p = p * w2 + 1.0
    return jnp.maximum(x, 0.0) + 2.0 * w * p


def _sigmoid16(x):
    return 1.0 / (1.0 + jnp.exp(-x))


@functools.partial(
    pl.kernel,
    out_type=jax.ShapeDtypeStruct((NC, N, 16), jnp.float32),
    mesh=_MESH,
    scratch_types=_SC_SCRATCH,
    compiler_params=pltpu.CompilerParams(use_tc_tiling_on_sc=False),
)
def _sc_edge(p_hbm, q_hbm, dst_hbm, src_hbm, ea_hbm, wcb_hbm, zeros_hbm,
             out_hbm, agg, wcb_v,
             dA, sA, eA, pA, qA,
             dB, sB, eB, pB, qB,
             mbuf, semiA, semiB, semgA, semgB):
    c = lax.axis_index("c")
    s = lax.axis_index("s")
    base_e = s * EPT
    r0 = s * ROWS_PT

    @pl.when(s < 15)
    def _():
        pltpu.sync_copy(zeros_hbm.at[pl.ds(r0, ROWS_PT)],
                        agg.at[pl.ds(r0, ROWS_PT)])

    @pl.when(s == 15)
    def _():
        pltpu.sync_copy(zeros_hbm.at[pl.ds(15 * ROWS_PT, ROWS_LAST)],
                        agg.at[pl.ds(15 * ROWS_PT, ROWS_LAST)])

    pltpu.sync_copy(wcb_hbm.at[c], wcb_v)
    plsc.subcore_barrier()

    wcf = [wcb_v[k, 0:16] for k in range(8)]
    wcs = [wcb_v[k, 16:32] for k in range(8)]
    bf = wcb_v[8, 0:16]
    bs = wcb_v[8, 16:32]

    bufs = ((dA, sA, eA, pA, qA, semiA, semgA),
            (dB, sB, eB, pB, qB, semiB, semgB))

    def start_idx(i, b):
        d, sr, ea, _, _, si, _ = bufs[b]
        off = base_e + i * K
        pltpu.async_copy(dst_hbm.at[pl.ds(off, K)], d, si)
        pltpu.async_copy(src_hbm.at[pl.ds(off, K)], sr, si)
        pltpu.async_copy(ea_hbm.at[pl.ds(off * 8, K * 8)], ea, si)

    def wait_idx(b):
        d, sr, ea, _, _, si, _ = bufs[b]
        pltpu.make_async_copy(dst_hbm.at[pl.ds(0, K)], d, si).wait()
        pltpu.make_async_copy(src_hbm.at[pl.ds(0, K)], sr, si).wait()
        pltpu.make_async_copy(ea_hbm.at[pl.ds(0, K * 8)], ea, si).wait()

    def start_gather(b):
        d, sr, _, p, q, _, sg = bufs[b]
        pltpu.async_copy(p_hbm.at[c].at[d], p, sg)
        pltpu.async_copy(q_hbm.at[c].at[sr], q, sg)

    def wait_gather(b):
        d, sr, _, p, q, _, sg = bufs[b]
        pltpu.make_async_copy(p_hbm.at[c].at[d], p, sg).wait()
        pltpu.make_async_copy(q_hbm.at[c].at[sr], q, sg).wait()

    def compute(b):
        _, _, ea, p, q, _, _ = bufs[b]

        def edge(e, ev, eoff):
            af = bf
            asv = bs
            for k in range(8):
                sv = ev[eoff + k]
                af = af + sv * wcf[k]
                asv = asv + sv * wcs[k]
            lf = af + p[e, pl.ds(0, 16)] + q[e, pl.ds(0, 16)]
            ls = asv + p[e, pl.ds(16, 16)] + q[e, pl.ds(16, 16)]
            mbuf[e, pl.ds(0, 16)] = _sigmoid16(lf) * _softplus16(ls)

        def body(e2, carry):
            ev = ea[pl.ds(e2 * 16, 16)]
            edge(2 * e2, ev, 0)
            edge(2 * e2 + 1, ev, 8)
            return carry

        lax.fori_loop(0, K // 2, body, 0)

    start_idx(0, 0)
    wait_idx(0)
    start_gather(0)
    start_idx(1, 1)

    def outer(i2, carry):
        for half in range(2):
            i = 2 * i2 + half
            b = half
            nb = 1 - half
            wait_gather(b)

            @pl.when(i + 1 < NCHUNK)
            def _():
                wait_idx(nb)
                start_gather(nb)

            compute(b)
            pltpu.sync_copy(mbuf, agg.at[bufs[b][0]], add=True)

            @pl.when(i + 2 < NCHUNK)
            def _():
                start_idx(i + 2, b)

        return carry

    lax.fori_loop(0, NCHUNK // 2, outer, 0)

    plsc.subcore_barrier()

    @pl.when(s < 15)
    def _():
        pltpu.sync_copy(agg.at[pl.ds(r0, ROWS_PT)],
                        out_hbm.at[c, pl.ds(r0, ROWS_PT)])

    @pl.when(s == 15)
    def _():
        pltpu.sync_copy(agg.at[pl.ds(15 * ROWS_PT, ROWS_LAST)],
                        out_hbm.at[c, pl.ds(15 * ROWS_PT, ROWS_LAST)])



BN = 2000
NB = N // BN


def _split_pq(pq):
    p = jnp.stack([pq[:, 0:32], pq[:, 32:64]])
    q = jnp.stack([pq[:, 64:96], pq[:, 96:128]])
    return p, q


def _proj_body(x_ref, w_ref, p_ref, q_ref):
    pq = jnp.dot(x_ref[...], w_ref[...], preferred_element_type=jnp.float32)
    p_ref[...], q_ref[...] = _split_pq(pq)


def _proj(x, wpq):
    return pl.pallas_call(
        _proj_body,
        grid=(NB,),
        in_specs=[
            pl.BlockSpec((BN, 20), lambda i: (i, 0)),
            pl.BlockSpec((20, 128), lambda i: (0, 0)),
        ],
        out_specs=[
            pl.BlockSpec((NC, BN, 32), lambda i: (0, i, 0)),
            pl.BlockSpec((NC, BN, 32), lambda i: (0, i, 0)),
        ],
        out_shape=[
            jax.ShapeDtypeStruct((NC, N, 32), jnp.float32),
            jax.ShapeDtypeStruct((NC, N, 32), jnp.float32),
        ],
    )(x, wpq)


def _merge_agg(a0, a1):
    return jnp.concatenate([a0, a1[:, 12:16]], axis=1)


def _stats_body(x_ref, a0_ref, a1_ref, y_ref, st_ref):
    i = pl.program_id(0)
    y = x_ref[...] + _merge_agg(a0_ref[...], a1_ref[...])
    y_ref[...] = y

    @pl.when(i == 0)
    def _():
        st_ref[...] = jnp.zeros_like(st_ref)

    st_ref[...] += jnp.stack([jnp.sum(y, 0), jnp.sum(y * y, 0)])


def _stats(x, a0, a1):
    return pl.pallas_call(
        _stats_body,
        grid=(NB,),
        in_specs=[
            pl.BlockSpec((BN, 20), lambda i: (i, 0)),
            pl.BlockSpec((BN, 16), lambda i: (i, 0)),
            pl.BlockSpec((BN, 16), lambda i: (i, 0)),
        ],
        out_specs=[
            pl.BlockSpec((BN, 20), lambda i: (i, 0)),
            pl.BlockSpec((2, 20), lambda i: (0, 0)),
        ],
        out_shape=[
            jax.ShapeDtypeStruct((N, 20), jnp.float32),
            jax.ShapeDtypeStruct((2, 20), jnp.float32),
        ],
    )(x, a0, a1)


def _bn_apply(y, st_ref, gb_ref):
    mu = st_ref[0:1, :] * (1.0 / N)
    var = st_ref[1:2, :] * (1.0 / N) - mu * mu
    scale = gb_ref[0:1, :] * jax.lax.rsqrt(var + 1e-5)
    return jnp.tanh((y - mu) * scale + gb_ref[1:2, :])


def _apply_proj_body(y_ref, st_ref, gb_ref, w_ref, x1_ref, p_ref, q_ref):
    xn = _bn_apply(y_ref[...], st_ref, gb_ref)
    x1_ref[...] = xn
    pq = jnp.dot(xn, w_ref[...], preferred_element_type=jnp.float32)
    p_ref[...], q_ref[...] = _split_pq(pq)


def _apply_proj(y, st, gb, wpq):
    return pl.pallas_call(
        _apply_proj_body,
        grid=(NB,),
        in_specs=[
            pl.BlockSpec((BN, 20), lambda i: (i, 0)),
            pl.BlockSpec((2, 20), lambda i: (0, 0)),
            pl.BlockSpec((2, 20), lambda i: (0, 0)),
            pl.BlockSpec((20, 128), lambda i: (0, 0)),
        ],
        out_specs=[
            pl.BlockSpec((BN, 20), lambda i: (i, 0)),
            pl.BlockSpec((NC, BN, 32), lambda i: (0, i, 0)),
            pl.BlockSpec((NC, BN, 32), lambda i: (0, i, 0)),
        ],
        out_shape=[
            jax.ShapeDtypeStruct((N, 20), jnp.float32),
            jax.ShapeDtypeStruct((NC, N, 32), jnp.float32),
            jax.ShapeDtypeStruct((NC, N, 32), jnp.float32),
        ],
    )(y, st, gb, wpq)


def _apply_pool_body(y_ref, st_ref, gb_ref, batch_ref, pooled_ref):
    i = pl.program_id(0)
    xn = _bn_apply(y_ref[...], st_ref, gb_ref)
    b = batch_ref[0, 0, :]
    oh = (b[:, None] == lax.broadcasted_iota(jnp.int32, (1, G), 1)
          ).astype(jnp.float32)

    @pl.when(i == 0)
    def _():
        pooled_ref[...] = jnp.zeros_like(pooled_ref)

    pooled_ref[...] += lax.dot_general(
        oh, xn, (((0,), (0,)), ((), ())), preferred_element_type=jnp.float32)


def _apply_pool(y, st, gb, batch3):
    return pl.pallas_call(
        _apply_pool_body,
        grid=(NB,),
        in_specs=[
            pl.BlockSpec((BN, 20), lambda i: (i, 0)),
            pl.BlockSpec((2, 20), lambda i: (0, 0)),
            pl.BlockSpec((2, 20), lambda i: (0, 0)),
            pl.BlockSpec((1, 1, BN), lambda i: (i, 0, 0)),
        ],
        out_specs=pl.BlockSpec((G, 20), lambda i: (0, 0)),
        out_shape=jax.ShapeDtypeStruct((G, 20), jnp.float32),
    )(y, st, gb, batch3)


def _mlp_body(pooled_ref, w1_ref, b1_ref, w2_ref, b2_ref, w3_ref, b3_ref,
              out_ref):
    h = jnp.tanh(jnp.dot(pooled_ref[...], w1_ref[...],
                         preferred_element_type=jnp.float32) + b1_ref[...])
    h = jnp.tanh(jnp.dot(h, w2_ref[...],
                         preferred_element_type=jnp.float32) + b2_ref[...])
    out_ref[...] = jnp.dot(h, w3_ref[...],
                           preferred_element_type=jnp.float32) + b3_ref[...]


def _mlp(pooled, W1, b1, W2, b2, W3, b3):
    return pl.pallas_call(
        _mlp_body,
        out_shape=jax.ShapeDtypeStruct((G, 1), jnp.float32),
    )(pooled, W1, b1[None], W2, b2[None], W3, b3[None])


def _win32(a, b, c):
    lo = 0 if c == 0 else 4
    return jnp.concatenate([a[:, lo:lo + 16], b[:, lo:lo + 16]], axis=1)


def _wpq(Wf, Ws):
    return jnp.concatenate(
        [_win32(Wf[0:20], Ws[0:20], 0), _win32(Wf[0:20], Ws[0:20], 1),
         _win32(Wf[20:40], Ws[20:40], 0), _win32(Wf[20:40], Ws[20:40], 1)],
        axis=1)


def _wcb(Wf, Ws, bf, bs):
    out = []
    for c in range(NC):
        wcrows = _win32(Wf[40:48], Ws[40:48], c)
        brow = _win32(bf[None], bs[None], c)
        out.append(jnp.concatenate([wcrows, brow], axis=0))
    return jnp.stack(out)


def kernel(x, edge_index, edge_attr, batch, Wf0, bf0, Ws0, bs0, g0, be0,
           Wf1, bf1, Ws1, bs1, g1, be1, W1, b1, W2, b2, W3, b3):
    src = edge_index[0]
    dst = edge_index[1]
    zeros = jnp.zeros((N, 16), jnp.float32)
    batch3 = batch.reshape(NB, 1, BN)
    eaflat = edge_attr.reshape(E * 8)

    P0, Q0 = _proj(x, _wpq(Wf0, Ws0))
    agg0 = _sc_edge(P0, Q0, dst, src, eaflat, _wcb(Wf0, Ws0, bf0, bs0),
                    zeros)
    y0, st0 = _stats(x, agg0[0], agg0[1])
    x1, P1, Q1 = _apply_proj(y0, st0, jnp.stack([g0, be0]), _wpq(Wf1, Ws1))
    agg1 = _sc_edge(P1, Q1, dst, src, eaflat, _wcb(Wf1, Ws1, bf1, bs1),
                    zeros)
    y1, st1 = _stats(x1, agg1[0], agg1[1])
    pooled = _apply_pool(y1, st1, jnp.stack([g1, be1]), batch3)
    return _mlp(pooled, W1, b1, W2, b2, W3, b3)

# --- scband reference (transcript-rebuilt; emitter-appended) ---
"""Pipeline reference for scband-cgnnet-13881334300807 (READ-ONLY COPY).

The authoritative reference and input builder live on the scoring server;
editing this copy changes nothing except your own understanding.
"""

import jax, jax.numpy as jnp
import numpy as np

N = 100000
E = 1600000
G = 128

def setup_inputs(seed: int = 0):
    key = jax.random.key(seed)
    ks = jax.random.split(key, 24)
    inp = {}
    inp['x'] = jax.random.normal(ks[0], (N, 20), dtype=jnp.float32)
    inp['edge_index'] = jax.random.randint(ks[1], (2, E), 0, N, dtype=jnp.int32)
    inp['edge_attr'] = jax.random.normal(ks[2], (E, 8), dtype=jnp.float32)
    inp['batch'] = jnp.sort(jax.random.randint(ks[3], (N,), 0, G, dtype=jnp.int32))
    for l in range(2):
        inp['Wf%d' % l] = 0.1 * jax.random.normal(ks[4 + 6 * l], (48, 20), dtype=jnp.float32)
        inp['bf%d' % l] = jnp.zeros((20,), dtype=jnp.float32)
        inp['Ws%d' % l] = 0.1 * jax.random.normal(ks[5 + 6 * l], (48, 20), dtype=jnp.float32)
        inp['bs%d' % l] = jnp.zeros((20,), dtype=jnp.float32)
        inp['g%d' % l] = jnp.ones((20,), dtype=jnp.float32)
        inp['be%d' % l] = jnp.zeros((20,), dtype=jnp.float32)
    inp['W1'] = 0.1 * jax.random.normal(ks[16], (20, 32), dtype=jnp.float32)
    inp['b1'] = jnp.zeros((32,), dtype=jnp.float32)
    inp['W2'] = 0.1 * jax.random.normal(ks[17], (32, 8), dtype=jnp.float32)
    inp['b2'] = jnp.zeros((8,), dtype=jnp.float32)
    inp['W3'] = 0.1 * jax.random.normal(ks[18], (8, 1), dtype=jnp.float32)
    inp['b3'] = jnp.zeros((1,), dtype=jnp.float32)
    return inp

def _cgconv(x, edge_index, edge_attr, Wf, bf, Ws, bs):
    # PyG CGConv: z_ij = [x_i, x_j, e_ij]; out_i = x_i + sum_j sigmoid(lin_f(z)) * softplus(lin_s(z))
    src = edge_index[0]
    dst = edge_index[1]
    z = jnp.concatenate([x[dst], x[src], edge_attr], axis=1)
    m = jax.nn.sigmoid(z @ Wf + bf) * jax.nn.softplus(z @ Ws + bs)
    agg = jax.ops.segment_sum(m, dst, num_segments=x.shape[0])
    return x + agg

def _bn(x, g, b):
    # BatchNorm1d in training mode: batch statistics, eps=1e-5
    mu = jnp.mean(x, axis=0)
    var = jnp.var(x, axis=0)
    return (x - mu) / jnp.sqrt(var + 1e-5) * g + b

def reference(x, edge_index, edge_attr, batch, Wf0, bf0, Ws0, bs0, g0, be0, Wf1, bf1, Ws1, bs1, g1, be1, W1, b1, W2, b2, W3, b3):
    x = jnp.tanh(_bn(_cgconv(x, edge_index, edge_attr, Wf0, bf0, Ws0, bs0), g0, be0))
    x = jnp.tanh(_bn(_cgconv(x, edge_index, edge_attr, Wf1, bf1, Ws1, bs1), g1, be1))
    pooled = jax.ops.segment_sum(x, batch, num_segments=G)
    h = jnp.tanh(pooled @ W1 + b1)
    h = jnp.tanh(h @ W2 + b2)
    return h @ W3 + b3

if __name__ == "__main__":
    import jax
    _d = setup_inputs()
    print(jax.jit(kernel)(*tuple(_d.values())))

</pallas_src>

<mosaic_0001>
#map = affine_map<(d0, d1) -> (0, 0, 0)>
#map1 = affine_map<(d0, d1) -> (0)>
#map2 = affine_map<(d0, d1) -> (0, 0)>
module attributes {stable_mosaic.version = 14 : i64} {
  func.func @_sc_edge(%arg0: i32, %arg1: i32, %arg2: memref<2x100000x32xf32, #tpu.memory_space<hbm>>, %arg3: memref<2x100000x32xf32, #tpu.memory_space<hbm>>, %arg4: memref<1600000xi32, #tpu.memory_space<hbm>>, %arg5: memref<1600000xi32, #tpu.memory_space<hbm>>, %arg6: memref<12800000xf32, #tpu.memory_space<hbm>>, %arg7: memref<2x9x32xf32, #tpu.memory_space<hbm>>, %arg8: memref<100000x16xf32, #tpu.memory_space<hbm>>, %arg9: memref<2x100000x16xf32, #tpu.memory_space<hbm>>, %arg10: memref<100000x16xf32, #tpu.memory_space<vmem_shared>>, %arg11: memref<9x32xf32, #tpu.memory_space<vmem>>, %arg12: memref<80xi32, #tpu.memory_space<vmem>>, %arg13: memref<80xi32, #tpu.memory_space<vmem>>, %arg14: memref<640xf32, #tpu.memory_space<vmem>>, %arg15: memref<80x32xf32, #tpu.memory_space<vmem>>, %arg16: memref<80x32xf32, #tpu.memory_space<vmem>>, %arg17: memref<80xi32, #tpu.memory_space<vmem>>, %arg18: memref<80xi32, #tpu.memory_space<vmem>>, %arg19: memref<640xf32, #tpu.memory_space<vmem>>, %arg20: memref<80x32xf32, #tpu.memory_space<vmem>>, %arg21: memref<80x32xf32, #tpu.memory_space<vmem>>, %arg22: memref<80x16xf32, #tpu.memory_space<vmem>>, %arg23: memref<!tpu.dma_semaphore, #tpu.memory_space<semaphore_mem>>, %arg24: memref<!tpu.dma_semaphore, #tpu.memory_space<semaphore_mem>>, %arg25: memref<!tpu.dma_semaphore, #tpu.memory_space<semaphore_mem>>, %arg26: memref<!tpu.dma_semaphore, #tpu.memory_space<semaphore_mem>>) attributes {dimension_semantics = [#tpu.dimension_semantics<core_parallel>, #tpu.dimension_semantics<subcore_parallel>], iteration_bounds = array<i64: 2, 16>, scalar_prefetch = 0 : i64, scratch_operands = 17 : i64, tpu.core_type = #tpu.core_type<sc_vector_subcore>, window_params = [{transform_indices = #map}, {transform_indices = #map}, {transform_indices = #map1}, {transform_indices = #map1}, {transform_indices = #map1}, {transform_indices = #map}, {transform_indices = #map2}, {transform_indices = #map}]} {
    %mul3A = arith.constant 100000 : i32
    %mul3A_0 = arith.muli %arg1, %mul3A : i32
    %mul3A_1 = arith.constant 6256 : i32
    %mul3A_2 = arith.muli %arg1, %mul3A_1 : i32
    %lt3A = arith.constant 15 : i32
    %lt3A_3 = arith.cmpi slt, %arg1, %lt3A : i32
    %convert_element_type3A = arith.extui %lt3A_3 : i1 to i32
    %cond3A = arith.constant 0 : i32
    %cond3A_4 = arith.cmpi ne, %convert_element_type3A, %cond3A : i32
    scf.if %cond3A_4 {
      "tpu.region"() ({
        %run_scoped3A = tpu.sem_alloc : memref<!tpu.dma_semaphore, #tpu.memory_space<semaphore_mem>>
        %dma_start3A_157 = arith.constant 0 : i32
        %dma_start3A_158 = tpu.memref_slice %arg10[%mul3A_2, %dma_start3A_157] : memref<100000x16xf32, #tpu.memory_space<vmem_shared>> -> memref<6256x16xf32, #tpu.memory_space<vmem_shared>>
        %dma_start3A_159 = arith.constant 0 : i32
        %dma_start3A_160 = tpu.memref_slice %arg8[%mul3A_2, %dma_start3A_159] : memref<100000x16xf32, #tpu.memory_space<hbm>> -> memref<6256x16xf32, #tpu.memory_space<hbm>>
        tpu.enqueue_dma source(%dma_start3A_160 : memref<6256x16xf32, #tpu.memory_space<hbm>>) target(%dma_start3A_158 : memref<6256x16xf32, #tpu.memory_space<vmem_shared>>) target_semaphore(%run_scoped3A : memref<!tpu.dma_semaphore, #tpu.memory_space<semaphore_mem>>)
        %dma_wait3A_161 = arith.constant 0 : i32
        %dma_wait3A_162 = tpu.memref_slice %arg10[%mul3A_2, %dma_wait3A_161] : memref<100000x16xf32, #tpu.memory_space<vmem_shared>> -> memref<6256x16xf32, #tpu.memory_space<vmem_shared>>
        %dma_wait3A_163 = arith.constant 0 : i32
        %dma_wait3A_164 = tpu.memref_slice %arg8[%mul3A_2, %dma_wait3A_163] : memref<100000x16xf32, #tpu.memory_space<hbm>> -> memref<6256x16xf32, #tpu.memory_space<hbm>>
        tpu.wait_dma2 semaphore(%run_scoped3A : memref<!tpu.dma_semaphore, #tpu.memory_space<semaphore_mem>>) src(%dma_wait3A_164 : memref<6256x16xf32, #tpu.memory_space<hbm>>) dst(%dma_wait3A_162 : memref<6256x16xf32, #tpu.memory_space<vmem_shared>>)
        tpu.yield
      }) : () -> ()
    } else {
    }
    %eq3A = arith.constant 15 : i32
    %eq3A_5 = arith.cmpi eq, %arg1, %eq3A : i32
    %convert_element_type3A_6 = arith.extui %eq3A_5 : i1 to i32
    %cond3A_7 = arith.constant 0 : i32
    %cond3A_8 = arith.cmpi ne, %convert_element_type3A_6, %cond3A_7 : i32
    scf.if %cond3A_8 {
      "tpu.region"() ({
        %run_scoped3A = tpu.sem_alloc : memref<!tpu.dma_semaphore, #tpu.memory_space<semaphore_mem>>
        %dma_start3A_157 = arith.constant 93840 : i32
        %dma_start3A_158 = arith.constant 0 : i32
        %dma_start3A_159 = tpu.memref_slice %arg10[%dma_start3A_157, %dma_start3A_158] : memref<100000x16xf32, #tpu.memory_space<vmem_shared>> -> memref<6160x16xf32, #tpu.memory_space<vmem_shared>>
        %dma_start3A_160 = arith.constant 93840 : i32
        %dma_start3A_161 = arith.constant 0 : i32
        %dma_start3A_162 = tpu.memref_slice %arg8[%dma_start3A_160, %dma_start3A_161] : memref<100000x16xf32, #tpu.memory_space<hbm>> -> memref<6160x16xf32, #tpu.memory_space<hbm>>
        tpu.enqueue_dma source(%dma_start3A_162 : memref<6160x16xf32, #tpu.memory_space<hbm>>) target(%dma_start3A_159 : memref<6160x16xf32, #tpu.memory_space<vmem_shared>>) target_semaphore(%run_scoped3A : memref<!tpu.dma_semaphore, #tpu.memory_space<semaphore_mem>>)
        %dma_wait3A_163 = arith.constant 93840 : i32
        %dma_wait3A_164 = arith.constant 0 : i32
        %dma_wait3A_165 = tpu.memref_slice %arg10[%dma_wait3A_163, %dma_wait3A_164] : memref<100000x16xf32, #tpu.memory_space<vmem_shared>> -> memref<6160x16xf32, #tpu.memory_space<vmem_shared>>
        %dma_wait3A_166 = arith.constant 93840 : i32
        %dma_wait3A_167 = arith.constant 0 : i32
        %dma_wait3A_168 = tpu.memref_slice %arg8[%dma_wait3A_166, %dma_wait3A_167] : memref<100000x16xf32, #tpu.memory_space<hbm>> -> memref<6160x16xf32, #tpu.memory_space<hbm>>
        tpu.wait_dma2 semaphore(%run_scoped3A : memref<!tpu.dma_semaphore, #tpu.memory_space<semaphore_mem>>) src(%dma_wait3A_168 : memref<6160x16xf32, #tpu.memory_space<hbm>>) dst(%dma_wait3A_165 : memref<6160x16xf32, #tpu.memory_space<vmem_shared>>)
        tpu.yield
      }) : () -> ()
    } else {
    }
    "tpu.region"() ({
      %run_scoped3A = tpu.sem_alloc : memref<!tpu.dma_semaphore, #tpu.memory_space<semaphore_mem>>
      %dma_start3A_157 = arith.constant 0 : i32
      %dma_start3A_158 = arith.constant 0 : i32
      %dma_start3A_159 = tpu.memref_slice %arg7[%arg0, %dma_start3A_157, %dma_start3A_158] : memref<2x9x32xf32, #tpu.memory_space<hbm>> -> memref<1x9x32xf32, #tpu.memory_space<hbm>>
      %dma_start3A_160 = tpu.memref_squeeze %dma_start3A_159 : memref<1x9x32xf32, #tpu.memory_space<hbm>> -> memref<9x32xf32, #tpu.memory_space<hbm>>
      %dma_start3A_161 = arith.constant 0 : i32
      %dma_start3A_162 = arith.constant 0 : i32
      %dma_start3A_163 = tpu.memref_slice %arg7[%arg0, %dma_start3A_161, %dma_start3A_162] : memref<2x9x32xf32, #tpu.memory_space<hbm>> -> memref<1x9x32xf32, #tpu.memory_space<hbm>>
      %dma_start3A_164 = tpu.memref_squeeze %dma_start3A_163 : memref<1x9x32xf32, #tpu.memory_space<hbm>> -> memref<9x32xf32, #tpu.memory_space<hbm>>
      tpu.enqueue_dma source(%dma_start3A_164 : memref<9x32xf32, #tpu.memory_space<hbm>>) target(%arg11 : memref<9x32xf32, #tpu.memory_space<vmem>>) target_semaphore(%run_scoped3A : memref<!tpu.dma_semaphore, #tpu.memory_space<semaphore_mem>>)
      %dma_wait3A_165 = arith.constant 0 : i32
      %dma_wait3A_166 = arith.constant 0 : i32
      %dma_wait3A_167 = tpu.memref_slice %arg7[%arg0, %dma_wait3A_165, %dma_wait3A_166] : memref<2x9x32xf32, #tpu.memory_space<hbm>> -> memref<1x9x32xf32, #tpu.memory_space<hbm>>
      %dma_wait3A_168 = tpu.memref_squeeze %dma_wait3A_167 : memref<1x9x32xf32, #tpu.memory_space<hbm>> -> memref<9x32xf32, #tpu.memory_space<hbm>>
      %dma_wait3A_169 = arith.constant 0 : i32
      %dma_wait3A_170 = arith.constant 0 : i32
      %dma_wait3A_171 = tpu.memref_slice %arg7[%arg0, %dma_wait3A_169, %dma_wait3A_170] : memref<2x9x32xf32, #tpu.memory_space<hbm>> -> memref<1x9x32xf32, #tpu.memory_space<hbm>>
      %dma_wait3A_172 = tpu.memref_squeeze %dma_wait3A_171 : memref<1x9x32xf32, #tpu.memory_space<hbm>> -> memref<9x32xf32, #tpu.memory_space<hbm>>
      tpu.wait_dma2 semaphore(%run_scoped3A : memref<!tpu.dma_semaphore, #tpu.memory_space<semaphore_mem>>) src(%dma_wait3A_172 : memref<9x32xf32, #tpu.memory_space<hbm>>) dst(%arg11 : memref<9x32xf32, #tpu.memory_space<vmem>>)
      tpu.yield
    }) : () -> ()
    %barrier3A = arith.constant 0 : index
    tpu.barrier barrier_id(%barrier3A)
    %get3A = arith.constant 0 : i32
    %get3A_9 = arith.index_cast %get3A : i32 to index
    %get3A_10 = arith.constant 0 : index
    %get3A_11 = tpu.vector_load %arg11[%get3A_9, %get3A_10] {strides = array<i32>} : memref<9x32xf32, #tpu.memory_space<vmem>>, vector<1x16xf32>,
    %get3A_12 = vector.shape_cast %get3A_11 : vector<1x16xf32> to vector<16xf32>
    %get3A_13 = arith.constant 1 : i32
    %get3A_14 = arith.index_cast %get3A_13 : i32 to index
    %get3A_15 = arith.constant 0 : index
    %get3A_16 = tpu.vector_load %arg11[%get3A_14, %get3A_15] {strides = array<i32>} : memref<9x32xf32, #tpu.memory_space<vmem>>, vector<1x16xf32>,
    %get3A_17 = vector.shape_cast %get3A_16 : vector<1x16xf32> to vector<16xf32>
    %get3A_18 = arith.constant 2 : i32
    %get3A_19 = arith.index_cast %get3A_18 : i32 to index
    %get3A_20 = arith.constant 0 : index
    %get3A_21 = tpu.vector_load %arg11[%get3A_19, %get3A_20] {strides = array<i32>} : memref<9x32xf32, #tpu.memory_space<vmem>>, vector<1x16xf32>,
    %get3A_22 = vector.shape_cast %get3A_21 : vector<1x16xf32> to vector<16xf32>
    %get3A_23 = arith.constant 3 : i32
    %get3A_24 = arith.index_cast %get3A_23 : i32 to index
    %get3A_25 = arith.constant 0 : index
    %get3A_26 = tpu.vector_load %arg11[%get3A_24, %get3A_25] {strides = array<i32>} : memref<9x32xf32, #tpu.memory_space<vmem>>, vector<1x16xf32>,
    %get3A_27 = vector.shape_cast %get3A_26 : vector<1x16xf32> to vector<16xf32>
    %get3A_28 = arith.constant 4 : i32
    %get3A_29 = arith.index_cast %get3A_28 : i32 to index
    %get3A_30 = arith.constant 0 : index
    %get3A_31 = tpu.vector_load %arg11[%get3A_29, %get3A_30] {strides = array<i32>} : memref<9x32xf32, #tpu.memory_space<vmem>>, vector<1x16xf32>,
    %get3A_32 = vector.shape_cast %get3A_31 : vector<1x16xf32> to vector<16xf32>
    %get3A_33 = arith.constant 5 : i32
    %get3A_34 = arith.index_cast %get3A_33 : i32 to index
    %get3A_35 = arith.constant 0 : index
    %get3A_36 = tpu.vector_load %arg11[%get3A_34, %get3A_35] {strides = array<i32>} : memref<9x32xf32, #tpu.memory_space<vmem>>, vector<1x16xf32>,
    %get3A_37 = vector.shape_cast %get3A_36 : vector<1x16xf32> to vector<16xf32>
    %get3A_38 = arith.constant 6 : i32
    %get3A_39 = arith.index_cast %get3A_38 : i32 to index
    %get3A_40 = arith.constant 0 : index
    %get3A_41 = tpu.vector_load %arg11[%get3A_39, %get3A_40] {strides = array<i32>} : memref<9x32xf32, #tpu.memory_space<vmem>>, vector<1x16xf32>,
    %get3A_42 = vector.shape_cast %get3A_41 : vector<1x16xf32> to vector<16xf32>
    %get3A_43 = arith.constant 7 : i32
    %get3A_44 = arith.index_cast %get3A_43 : i32 to index
    %get3A_45 = arith.constant 0 : index
    %get3A_46 = tpu.vector_load %arg11[%get3A_44, %get3A_45] {strides = array<i32>} : memref<9x32xf32, #tpu.memory_space<vmem>>, vector<1x16xf32>,
    %get3A_47 = vector.shape_cast %get3A_46 : vector<1x16xf32> to vector<16xf32>
    %get3A_48 = arith.constant 0 : i32
    %get3A_49 = arith.index_cast %get3A_48 : i32 to index
    %get3A_50 = arith.constant 16 : index
    %get3A_51 = tpu.vector_load %arg11[%get3A_49, %get3A_50] {strides = array<i32>} : memref<9x32xf32, #tpu.memory_space<vmem>>, vector<1x16xf32>,
    %get3A_52 = vector.shape_cast %get3A_51 : vector<1x16xf32> to vector<16xf32>
    %get3A_53 = arith.constant 1 : i32
    %get3A_54 = arith.index_cast %get3A_53 : i32 to index
    %get3A_55 = arith.constant 16 : index
    %get3A_56 = tpu.vector_load %arg11[%get3A_54, %get3A_55] {strides = array<i32>} : memref<9x32xf32, #tpu.memory_space<vmem>>, vector<1x16xf32>,
    %get3A_57 = vector.shape_cast %get3A_56 : vector<1x16xf32> to vector<16xf32>
    %get3A_58 = arith.constant 2 : i32
    %get3A_59 = arith.index_cast %get3A_58 : i32 to index
    %get3A_60 = arith.constant 16 : index
    %get3A_61 = tpu.vector_load %arg11[%get3A_59, %get3A_60] {strides = array<i32>} : memref<9x32xf32, #tpu.memory_space<vmem>>, vector<1x16xf32>,
    %get3A_62 = vector.shape_cast %get3A_61 : vector<1x16xf32> to vector<16xf32>
    %get3A_63 = arith.constant 3 : i32
    %get3A_64 = arith.index_cast %get3A_63 : i32 to index
    %get3A_65 = arith.constant 16 : index
    %get3A_66 = tpu.vector_load %arg11[%get3A_64, %get3A_65] {strides = array<i32>} : memref<9x32xf32, #tpu.memory_space<vmem>>, vector<1x16xf32>,
    %get3A_67 = vector.shape_cast %get3A_66 : vector<1x16xf32> to vector<16xf32>
    %get3A_68 = arith.constant 4 : i32
    %get3A_69 = arith.index_cast %get3A_68 : i32 to index
    %get3A_70 = arith.constant 16 : index
    %get3A_71 = tpu.vector_load %arg11[%get3A_69, %get3A_70] {strides = array<i32>} : memref<9x32xf32, #tpu.memory_space<vmem>>, vector<1x16xf32>,
    %get3A_72 = vector.shape_cast %get3A_71 : vector<1x16xf32> to vector<16xf32>
    %get3A_73 = arith.constant 5 : i32
    %get3A_74 = arith.index_cast %get3A_73 : i32 to index
    %get3A_75 = arith.constant 16 : index
    %get3A_76 = tpu.vector_load %arg11[%get3A_74, %get3A_75] {strides = array<i32>} : memref<9x32xf32, #tpu.memory_space<vmem>>, vector<1x16xf32>,
    %get3A_77 = vector.shape_cast %get3A_76 : vector<1x16xf32> to vector<16xf32>
    %get3A_78 = arith.constant 6 : i32
    %get3A_79 = arith.index_cast %get3A_78 : i32 to index
    %get3A_80 = arith.constant 16 : index
    %get3A_81 = tpu.vector_load %arg11[%get3A_79, %get3A_80] {strides = array<i32>} : memref<9x32xf32, #tpu.memory_space<vmem>>, vector<1x16xf32>,
    %get3A_82 = vector.shape_cast %get3A_81 : vector<1x16xf32> to vector<16xf32>
    %get3A_83 = arith.constant 7 : i32
    %get3A_84 = arith.index_cast %get3A_83 : i32 to index
    %get3A_85 = arith.constant 16 : index
    %get3A_86 = tpu.vector_load %arg11[%get3A_84, %get3A_85] {strides = array<i32>} : memref<9x32xf32, #tpu.memory_space<vmem>>, vector<1x16xf32>,
    %get3A_87 = vector.shape_cast %get3A_86 : vector<1x16xf32> to vector<16xf32>
    %get3A_88 = arith.constant 8 : i32
    %get3A_89 = arith.index_cast %get3A_88 : i32 to index
    %get3A_90 = arith.constant 0 : index
    %get3A_91 = tpu.vector_load %arg11[%get3A_89, %get3A_90] {strides = array<i32>} : memref<9x32xf32, #tpu.memory_space<vmem>>, vector<1x16xf32>,
    %get3A_92 = vector.shape_cast %get3A_91 : vector<1x16xf32> to vector<16xf32>
    %get3A_93 = arith.constant 8 : i32
    %get3A_94 = arith.index_cast %get3A_93 : i32 to index
    %get3A_95 = arith.constant 16 : index
    %get3A_96 = tpu.vector_load %arg11[%get3A_94, %get3A_95] {strides = array<i32>} : memref<9x32xf32, #tpu.memory_space<vmem>>, vector<1x16xf32>,
    %get3A_97 = vector.shape_cast %get3A_96 : vector<1x16xf32> to vector<16xf32>
    %add3A = arith.constant 0 : i32
    %add3A_98 = arith.addi %mul3A_0, %add3A : i32
    %dma_start3A = tpu.memref_slice %arg4[%add3A_98] : memref<1600000xi32, #tpu.memory_space<hbm>> -> memref<80xi32, #tpu.memory_space<hbm>>
    %dma_start3A_99 = tpu.memref_slice %arg4[%add3A_98] : memref<1600000xi32, #tpu.memory_space<hbm>> -> memref<80xi32, #tpu.memory_space<hbm>>
    tpu.enqueue_dma source(%dma_start3A_99 : memref<80xi32, #tpu.memory_space<hbm>>) target(%arg12 : memref<80xi32, #tpu.memory_space<vmem>>) target_semaphore(%arg23 : memref<!tpu.dma_semaphore, #tpu.memory_space<semaphore_mem>>)
    %dma_start3A_100 = tpu.memref_slice %arg5[%add3A_98] : memref<1600000xi32, #tpu.memory_space<hbm>> -> memref<80xi32, #tpu.memory_space<hbm>>
    %dma_start3A_101 = tpu.memref_slice %arg5[%add3A_98] : memref<1600000xi32, #tpu.memory_space<hbm>> -> memref<80xi32, #tpu.memory_space<hbm>>
    tpu.enqueue_dma source(%dma_start3A_101 : memref<80xi32, #tpu.memory_space<hbm>>) target(%arg13 : memref<80xi32, #tpu.memory_space<vmem>>) target_semaphore(%arg23 : memref<!tpu.dma_semaphore, #tpu.memory_space<semaphore_mem>>)
    %mul3A_102 = arith.constant 8 : i32
    %mul3A_103 = arith.muli %add3A_98, %mul3A_102 : i32
    %dma_start3A_104 = tpu.memref_slice %arg6[%mul3A_103] : memref<12800000xf32, #tpu.memory_space<hbm>> -> memref<640xf32, #tpu.memory_space<hbm>>
    %dma_start3A_105 = tpu.memref_slice %arg6[%mul3A_103] : memref<12800000xf32, #tpu.memory_space<hbm>> -> memref<640xf32, #tpu.memory_space<hbm>>
    tpu.enqueue_dma source(%dma_start3A_105 : memref<640xf32, #tpu.memory_space<hbm>>) target(%arg14 : memref<640xf32, #tpu.memory_space<vmem>>) target_semaphore(%arg23 : memref<!tpu.dma_semaphore, #tpu.memory_space<semaphore_mem>>)
    %dma_wait3A = arith.constant 0 : i32
    %dma_wait3A_106 = tpu.memref_slice %arg4[%dma_wait3A] : memref<1600000xi32, #tpu.memory_space<hbm>> -> memref<80xi32, #tpu.memory_space<hbm>>
    %dma_wait3A_107 = arith.constant 0 : i32
    %dma_wait3A_108 = tpu.memref_slice %arg4[%dma_wait3A_107] : memref<1600000xi32, #tpu.memory_space<hbm>> -> memref<80xi32, #tpu.memory_space<hbm>>
    tpu.wait_dma2 semaphore(%arg23 : memref<!tpu.dma_semaphore, #tpu.memory_space<semaphore_mem>>) src(%dma_wait3A_108 : memref<80xi32, #tpu.memory_space<hbm>>) dst(%arg12 : memref<80xi32, #tpu.memory_space<vmem>>)
    %dma_wait3A_109 = arith.constant 0 : i32
    %dma_wait3A_110 = tpu.memref_slice %arg5[%dma_wait3A_109] : memref<1600000xi32, #tpu.memory_space<hbm>> -> memref<80xi32, #tpu.memory_space<hbm>>
    %dma_wait3A_111 = arith.constant 0 : i32
    %dma_wait3A_112 = tpu.memref_slice %arg5[%dma_wait3A_111] : memref<1600000xi32, #tpu.memory_space<hbm>> -> memref<80xi32, #tpu.memory_space<hbm>>
    tpu.wait_dma2 semaphore(%arg23 : memref<!tpu.dma_semaphore, #tpu.memory_space<semaphore_mem>>) src(%dma_wait3A_112 : memref<80xi32, #tpu.memory_space<hbm>>) dst(%arg13 : memref<80xi32, #tpu.memory_space<vmem>>)
    %dma_wait3A_113 = arith.constant 0 : i32
    %dma_wait3A_114 = tpu.memref_slice %arg6[%dma_wait3A_113] : memref<12800000xf32, #tpu.memory_space<hbm>> -> memref<640xf32, #tpu.memory_space<hbm>>
    %dma_wait3A_115 = arith.constant 0 : i32
    %dma_wait3A_116 = tpu.memref_slice %arg6[%dma_wait3A_115] : memref<12800000xf32, #tpu.memory_space<hbm>> -> memref<640xf32, #tpu.memory_space<hbm>>
    tpu.wait_dma2 semaphore(%arg23 : memref<!tpu.dma_semaphore, #tpu.memory_space<semaphore_mem>>) src(%dma_wait3A_116 : memref<640xf32, #tpu.memory_space<hbm>>) dst(%arg14 : memref<640xf32, #tpu.memory_space<vmem>>)
    %dma_start3A_117 = arith.constant 0 : i32
    %dma_start3A_118 = arith.constant 0 : i32
    %dma_start3A_119 = tpu.memref_slice %arg2[%arg0, %dma_start3A_117, %dma_start3A_118] : memref<2x100000x32xf32, #tpu.memory_space<hbm>> -> memref<1x100000x32xf32, #tpu.memory_space<hbm>>
    %dma_start3A_120 = tpu.memref_squeeze %dma_start3A_119 : memref<1x100000x32xf32, #tpu.memory_space<hbm>> -> memref<100000x32xf32, #tpu.memory_space<hbm>>
    %dma_start3A_121 = arith.constant 0 : i32
    %dma_start3A_122 = arith.constant 0 : i32
    %dma_start3A_123 = tpu.memref_slice %dma_start3A_120[%dma_start3A_121, %dma_start3A_122] : memref<100000x32xf32, #tpu.memory_space<hbm>> -> memref<100000x32xf32, #tpu.memory_space<hbm>>
    tpu.enqueue_indirect_dma source(%dma_start3A_123 : memref<100000x32xf32, #tpu.memory_space<hbm>>) target(%arg15 : memref<80x32xf32, #tpu.memory_space<vmem>>) offsets(%arg12 : memref<80xi32, #tpu.memory_space<vmem>>) semaphore(%arg25 : memref<!tpu.dma_semaphore, #tpu.memory_space<semaphore_mem>>)
    %dma_start3A_124 = arith.constant 0 : i32
    %dma_start3A_125 = arith.constant 0 : i32
    %dma_start3A_126 = tpu.memref_slice %arg3[%arg0, %dma_start3A_124, %dma_start3A_125] : memref<2x100000x32xf32, #tpu.memory_space<hbm>> -> memref<1x100000x32xf32, #tpu.memory_space<hbm>>
    %dma_start3A_127 = tpu.memref_squeeze %dma_start3A_126 : memref<1x100000x32xf32, #tpu.memory_space<hbm>> -> memref<100000x32xf32, #tpu.memory_space<hbm>>
    %dma_start3A_128 = arith.constant 0 : i32
    %dma_start3A_129 = arith.constant 0 : i32
    %dma_start3A_130 = tpu.memref_slice %dma_start3A_127[%dma_start3A_128, %dma_start3A_129] : memref<100000x32xf32, #tpu.memory_space<hbm>> -> memref<100000x32xf32, #tpu.memory_space<hbm>>
    tpu.enqueue_indirect_dma source(%dma_start3A_130 : memref<100000x32xf32, #tpu.memory_space<hbm>>) target(%arg16 : memref<80x32xf32, #tpu.memory_space<vmem>>) offsets(%arg13 : memref<80xi32, #tpu.memory_space<vmem>>) semaphore(%arg25 : memref<!tpu.dma_semaphore, #tpu.memory_space<semaphore_mem>>)
    %add3A_131 = arith.constant 80 : i32
    %add3A_132 = arith.addi %mul3A_0, %add3A_131 : i32
    %dma_start3A_133 = tpu.memref_slice %arg4[%add3A_132] : memref<1600000xi32, #tpu.memory_space<hbm>> -> memref<80xi32, #tpu.memory_space<hbm>>
    %dma_start3A_134 = tpu.memref_slice %arg4[%add3A_132] : memref<1600000xi32, #tpu.memory_space<hbm>> -> memref<80xi32, #tpu.memory_space<hbm>>
    tpu.enqueue_dma source(%dma_start3A_134 : memref<80xi32, #tpu.memory_space<hbm>>) target(%arg17 : memref<80xi32, #tpu.memory_space<vmem>>) target_semaphore(%arg24 : memref<!tpu.dma_semaphore, #tpu.memory_space<semaphore_mem>>)
    %dma_start3A_135 = tpu.memref_slice %arg5[%add3A_132] : memref<1600000xi32, #tpu.memory_space<hbm>> -> memref<80xi32, #tpu.memory_space<hbm>>
    %dma_start3A_136 = tpu.memref_slice %arg5[%add3A_132] : memref<1600000xi32, #tpu.memory_space<hbm>> -> memref<80xi32, #tpu.memory_space<hbm>>
    tpu.enqueue_dma source(%dma_start3A_136 : memref<80xi32, #tpu.memory_space<hbm>>) target(%arg18 : memref<80xi32, #tpu.memory_space<vmem>>) target_semaphore(%arg24 : memref<!tpu.dma_semaphore, #tpu.memory_space<semaphore_mem>>)
    %mul3A_137 = arith.constant 8 : i32
    %mul3A_138 = arith.muli %add3A_132, %mul3A_137 : i32
    %dma_start3A_139 = tpu.memref_slice %arg6[%mul3A_138] : memref<12800000xf32, #tpu.memory_space<hbm>> -> memref<640xf32, #tpu.memory_space<hbm>>
    %dma_start3A_140 = tpu.memref_slice %arg6[%mul3A_138] : memref<12800000xf32, #tpu.memory_space<hbm>> -> memref<640xf32, #tpu.memory_space<hbm>>
    tpu.enqueue_dma source(%dma_start3A_140 : memref<640xf32, #tpu.memory_space<hbm>>) target(%arg19 : memref<640xf32, #tpu.memory_space<vmem>>) target_semaphore(%arg24 : memref<!tpu.dma_semaphore, #tpu.memory_space<semaphore_mem>>)
    %scan3A = arith.constant 0 : i32
    %scan3A_141 = arith.constant 0 : i32
    %scan3A_142 = arith.constant 625 : i32
    %scan3A_143 = arith.addi %scan3A_141, %scan3A_142 : i32
    %scan3A_144 = arith.constant 1 : i32
    scf.for %scan3A_157 = %scan3A_141 to %scan3A_143 step %scan3A_144  : i32 {
      %mul3A_158 = arith.constant 2 : i32
      %mul3A_159 = arith.muli %mul3A_158, %scan3A_157 : i32
      %add3A_160 = arith.constant 0 : i32
      %add3A_161 = arith.addi %mul3A_159, %add3A_160 : i32
      %dma_wait3A_162 = arith.constant 0 : i32
      %dma_wait3A_163 = arith.constant 0 : i32
      %dma_wait3A_164 = tpu.memref_slice %arg2[%arg0, %dma_wait3A_162, %dma_wait3A_163] : memref<2x100000x32xf32, #tpu.memory_space<hbm>> -> memref<1x100000x32xf32, #tpu.memory_space<hbm>>
      %dma_wait3A_165 = tpu.memref_squeeze %dma_wait3A_164 : memref<1x100000x32xf32, #tpu.memory_space<hbm>> -> memref<100000x32xf32, #tpu.memory_space<hbm>>
      %dma_wait3A_166 = arith.constant 0 : i32
      %dma_wait3A_167 = arith.constant 0 : i32
      %dma_wait3A_168 = tpu.memref_slice %dma_wait3A_165[%dma_wait3A_166, %dma_wait3A_167] : memref<100000x32xf32, #tpu.memory_space<hbm>> -> memref<100000x32xf32, #tpu.memory_space<hbm>>
      tpu.wait_indirect_dma semaphore(%arg25 : memref<!tpu.dma_semaphore, #tpu.memory_space<semaphore_mem>>) src(%dma_wait3A_168 : memref<100000x32xf32, #tpu.memory_space<hbm>>) dst(%arg15 : memref<80x32xf32, #tpu.memory_space<vmem>>)
      %dma_wait3A_169 = arith.constant 0 : i32
      %dma_wait3A_170 = arith.constant 0 : i32
      %dma_wait3A_171 = tpu.memref_slice %arg3[%arg0, %dma_wait3A_169, %dma_wait3A_170] : memref<2x100000x32xf32, #tpu.memory_space<hbm>> -> memref<1x100000x32xf32, #tpu.memory_space<hbm>>
      %dma_wait3A_172 = tpu.memref_squeeze %dma_wait3A_171 : memref<1x100000x32xf32, #tpu.memory_space<hbm>> -> memref<100000x32xf32, #tpu.memory_space<hbm>>
      %dma_wait3A_173 = arith.constant 0 : i32
      %dma_wait3A_174 = arith.constant 0 : i32
      %dma_wait3A_175 = tpu.memref_slice %dma_wait3A_172[%dma_wait3A_173, %dma_wait3A_174] : memref<100000x32xf32, #tpu.memory_space<hbm>> -> memref<100000x32xf32, #tpu.memory_space<hbm>>
      tpu.wait_indirect_dma semaphore(%arg25 : memref<!tpu.dma_semaphore, #tpu.memory_space<semaphore_mem>>) src(%dma_wait3A_175 : memref<100000x32xf32, #tpu.memory_space<hbm>>) dst(%arg16 : memref<80x32xf32, #tpu.memory_space<vmem>>)
      %add3A_176 = arith.constant 1 : i32
      %add3A_177 = arith.addi %add3A_161, %add3A_176 : i32
      %lt3A_178 = arith.constant 1250 : i32
      %lt3A_179 = arith.cmpi slt, %add3A_177, %lt3A_178 : i32
      %convert_element_type3A_180 = arith.extui %lt3A_179 : i1 to i32
      %cond3A_181 = arith.constant 0 : i32
      %cond3A_182 = arith.cmpi ne, %convert_element_type3A_180, %cond3A_181 : i32
      scf.if %cond3A_182 {
        %dma_wait3A_234 = arith.constant 0 : i32
        %dma_wait3A_235 = tpu.memref_slice %arg4[%dma_wait3A_234] : memref<1600000xi32, #tpu.memory_space<hbm>> -> memref<80xi32, #tpu.memory_space<hbm>>
        %dma_wait3A_236 = arith.constant 0 : i32
        %dma_wait3A_237 = tpu.memref_slice %arg4[%dma_wait3A_236] : memref<1600000xi32, #tpu.memory_space<hbm>> -> memref<80xi32, #tpu.memory_space<hbm>>
        tpu.wait_dma2 semaphore(%arg24 : memref<!tpu.dma_semaphore, #tpu.memory_space<semaphore_mem>>) src(%dma_wait3A_237 : memref<80xi32, #tpu.memory_space<hbm>>) dst(%arg17 : memref<80xi32, #tpu.memory_space<vmem>>)
        %dma_wait3A_238 = arith.constant 0 : i32
        %dma_wait3A_239 = tpu.memref_slice %arg5[%dma_wait3A_238] : memref<1600000xi32, #tpu.memory_space<hbm>> -> memref<80xi32, #tpu.memory_space<hbm>>
        %dma_wait3A_240 = arith.constant 0 : i32
        %dma_wait3A_241 = tpu.memref_slice %arg5[%dma_wait3A_240] : memref<1600000xi32, #tpu.memory_space<hbm>> -> memref<80xi32, #tpu.memory_space<hbm>>
        tpu.wait_dma2 semaphore(%arg24 : memref<!tpu.dma_semaphore, #tpu.memory_space<semaphore_mem>>) src(%dma_wait3A_241 : memref<80xi32, #tpu.memory_space<hbm>>) dst(%arg18 : memref<80xi32, #tpu.memory_space<vmem>>)
        %dma_wait3A_242 = arith.constant 0 : i32
        %dma_wait3A_243 = tpu.memref_slice %arg6[%dma_wait3A_242] : memref<12800000xf32, #tpu.memory_space<hbm>> -> memref<640xf32, #tpu.memory_space<hbm>>
        %dma_wait3A_244 = arith.constant 0 : i32
        %dma_wait3A_245 = tpu.memref_slice %arg6[%dma_wait3A_244] : memref<12800000xf32, #tpu.memory_space<hbm>> -> memref<640xf32, #tpu.memory_space<hbm>>
        tpu.wait_dma2 semaphore(%arg24 : memref<!tpu.dma_semaphore, #tpu.memory_space<semaphore_mem>>) src(%dma_wait3A_245 : memref<640xf32, #tpu.memory_space<hbm>>) dst(%arg19 : memref<640xf32, #tpu.memory_space<vmem>>)
        %dma_start3A_246 = arith.constant 0 : i32
        %dma_start3A_247 = arith.constant 0 : i32
        %dma_start3A_248 = tpu.memref_slice %arg2[%arg0, %dma_start3A_246, %dma_start3A_247] : memref<2x100000x32xf32, #tpu.memory_space<hbm>> -> memref<1x100000x32xf32, #tpu.memory_space<hbm>>
        %dma_start3A_249 = tpu.memref_squeeze %dma_start3A_248 : memref<1x100000x32xf32, #tpu.memory_space<hbm>> -> memref<100000x32xf32, #tpu.memory_space<hbm>>
        %dma_start3A_250 = arith.constant 0 : i32
        %dma_start3A_251 = arith.constant 0 : i32
        %dma_start3A_252 = tpu.memref_slice %dma_start3A_249[%dma_start3A_250, %dma_start3A_251] : memref<100000x32xf32, #tpu.memory_space<hbm>> -> memref<100000x32xf32, #tpu.memory_space<hbm>>
        tpu.enqueue_indirect_dma source(%dma_start3A_252 : memref<100000x32xf32, #tpu.memory_space<hbm>>) target(%arg20 : memref<80x32xf32, #tpu.memory_space<vmem>>) offsets(%arg17 : memref<80xi32, #tpu.memory_space<vmem>>) semaphore(%arg26 : memref<!tpu.dma_semaphore, #tpu.memory_space<semaphore_mem>>)
        %dma_start3A_253 = arith.constant 0 : i32
        %dma_start3A_254 = arith.constant 0 : i32
        %dma_start3A_255 = tpu.memref_slice %arg3[%arg0, %dma_start3A_253, %dma_start3A_254] : memref<2x100000x32xf32, #tpu.memory_space<hbm>> -> memref<1x100000x32xf32, #tpu.memory_space<hbm>>
        %dma_start3A_256 = tpu.memref_squeeze %dma_start3A_255 : memref<1x100000x32xf32, #tpu.memory_space<hbm>> -> memref<100000x32xf32, #tpu.memory_space<hbm>>
        %dma_start3A_257 = arith.constant 0 : i32
        %dma_start3A_258 = arith.constant 0 : i32
        %dma_start3A_259 = tpu.memref_slice %dma_start3A_256[%dma_start3A_257, %dma_start3A_258] : memref<100000x32xf32, #tpu.memory_space<hbm>> -> memref<100000x32xf32, #tpu.memory_space<hbm>>
        tpu.enqueue_indirect_dma source(%dma_start3A_259 : memref<100000x32xf32, #tpu.memory_space<hbm>>) target(%arg21 : memref<80x32xf32, #tpu.memory_space<vmem>>) offsets(%arg18 : memref<80xi32, #tpu.memory_space<vmem>>) semaphore(%arg26 : memref<!tpu.dma_semaphore, #tpu.memory_space<semaphore_mem>>)
      } else {
      }
      %scan3A_183 = arith.constant 0 : i32
      %scan3A_184 = arith.constant 0 : i32
      %scan3A_185 = arith.constant 40 : i32
      %scan3A_186 = arith.addi %scan3A_184, %scan3A_185 : i32
      %scan3A_187 = arith.constant 1 : i32
      scf.for %scan3A_234 = %scan3A_184 to %scan3A_186 step %scan3A_187  : i32 {
        %mul3A_235 = arith.constant 16 : i32
        %mul3A_236 = arith.muli %scan3A_234, %mul3A_235 : i32
        %get3A_237 = arith.index_cast %mul3A_236 : i32 to index
        %get3A_238 = tpu.vector_load %arg14[%get3A_237] {strides = array<i32>} : memref<640xf32, #tpu.memory_space<vmem>>, vector<16xf32>,
        %get3A_239 = vector.shape_cast %get3A_238 : vector<16xf32> to vector<16xf32>
        %mul3A_240 = arith.constant 2 : i32
        %mul3A_241 = arith.muli %mul3A_240, %scan3A_234 : i32
        %slice3A = vector.extract_strided_slice %get3A_239 {offsets = [0], sizes = [1], strides = [1]} : vector<16xf32> to vector<1xf32>
        %squeeze3A = vector.extract %slice3A[0] : f32 from vector<1xf32>
        %mul3A_242 = vector.broadcast %squeeze3A : f32 to vector<16xf32>
        %mul3A_243 = arith.mulf %mul3A_242, %get3A_12 : vector<16xf32>
        %add3A_244 = arith.addf %get3A_92, %mul3A_243 : vector<16xf32>
        %mul3A_245 = vector.broadcast %squeeze3A : f32 to vector<16xf32>
        %mul3A_246 = arith.mulf %mul3A_245, %get3A_52 : vector<16xf32>
        %add3A_247 = arith.addf %get3A_97, %mul3A_246 : vector<16xf32>
        %slice3A_248 = vector.extract_strided_slice %get3A_239 {offsets = [1], sizes = [1], strides = [1]} : vector<16xf32> to vector<1xf32>
        %squeeze3A_249 = vector.extract %slice3A_248[0] : f32 from vector<1xf32>
        %mul3A_250 = vector.broadcast %squeeze3A_249 : f32 to vector<16xf32>
        %mul3A_251 = arith.mulf %mul3A_250, %get3A_17 : vector<16xf32>
        %add3A_252 = arith.addf %add3A_244, %mul3A_251 : vector<16xf32>
        %mul3A_253 = vector.broadcast %squeeze3A_249 : f32 to vector<16xf32>
        %mul3A_254 = arith.mulf %mul3A_253, %get3A_57 : vector<16xf32>
        %add3A_255 = arith.addf %add3A_247, %mul3A_254 : vector<16xf32>
        %slice3A_256 = vector.extract_strided_slice %get3A_239 {offsets = [2], sizes = [1], strides = [1]} : vector<16xf32> to vector<1xf32>
        %squeeze3A_257 = vector.extract %slice3A_256[0] : f32 from vector<1xf32>
        %mul3A_258 = vector.broadcast %squeeze3A_257 : f32 to vector<16xf32>
        %mul3A_259 = arith.mulf %mul3A_258, %get3A_22 : vector<16xf32>
        %add3A_260 = arith.addf %add3A_252, %mul3A_259 : vector<16xf32>
        %mul3A_261 = vector.broadcast %squeeze3A_257 : f32 to vector<16xf32>
        %mul3A_262 = arith.mulf %mul3A_261, %get3A_62 : vector<16xf32>
        %add3A_263 = arith.addf %add3A_255, %mul3A_262 : vector<16xf32>
        %slice3A_264 = vector.extract_strided_slice %get3A_239 {offsets = [3], sizes = [1], strides = [1]} : vector<16xf32> to vector<1xf32>
        %squeeze3A_265 = vector.extract %slice3A_264[0] : f32 from vector<1xf32>
        %mul3A_266 = vector.broadcast %squeeze3A_265 : f32 to vector<16xf32>
        %mul3A_267 = arith.mulf %mul3A_266, %get3A_27 : vector<16xf32>
        %add3A_268 = arith.addf %add3A_260, %mul3A_267 : vector<16xf32>
        %mul3A_269 = vector.broadcast %squeeze3A_265 : f32 to vector<16xf32>
        %mul3A_270 = arith.mulf %mul3A_269, %get3A_67 : vector<16xf32>
        %add3A_271 = arith.addf %add3A_263, %mul3A_270 : vector<16xf32>
        %slice3A_272 = vector.extract_strided_slice %get3A_239 {offsets = [4], sizes = [1], strides = [1]} : vector<16xf32> to vector<1xf32>
        %squeeze3A_273 = vector.extract %slice3A_272[0] : f32 from vector<1xf32>
        %mul3A_274 = vector.broadcast %squeeze3A_273 : f32 to vector<16xf32>
        %mul3A_275 = arith.mulf %mul3A_274, %get3A_32 : vector<16xf32>
        %add3A_276 = arith.addf %add3A_268, %mul3A_275 : vector<16xf32>
        %mul3A_277 = vector.broadcast %squeeze3A_273 : f32 to vector<16xf32>
        %mul3A_278 = arith.mulf %mul3A_277, %get3A_72 : vector<16xf32>
        %add3A_279 = arith.addf %add3A_271, %mul3A_278 : vector<16xf32>
        %slice3A_280 = vector.extract_strided_slice %get3A_239 {offsets = [5], sizes = [1], strides = [1]} : vector<16xf32> to vector<1xf32>
        %squeeze3A_281 = vector.extract %slice3A_280[0] : f32 from vector<1xf32>
        %mul3A_282 = vector.broadcast %squeeze3A_281 : f32 to vector<16xf32>
        %mul3A_283 = arith.mulf %mul3A_282, %get3A_37 : vector<16xf32>
        %add3A_284 = arith.addf %add3A_276, %mul3A_283 : vector<16xf32>
        %mul3A_285 = vector.broadcast %squeeze3A_281 : f32 to vector<16xf32>
        %mul3A_286 = arith.mulf %mul3A_285, %get3A_77 : vector<16xf32>
        %add3A_287 = arith.addf %add3A_279, %mul3A_286 : vector<16xf32>
        %slice3A_288 = vector.extract_strided_slice %get3A_239 {offsets = [6], sizes = [1], strides = [1]} : vector<16xf32> to vector<1xf32>
        %squeeze3A_289 = vector.extract %slice3A_288[0] : f32 from vector<1xf32>
        %mul3A_290 = vector.broadcast %squeeze3A_289 : f32 to vector<16xf32>
        %mul3A_291 = arith.mulf %mul3A_290, %get3A_42 : vector<16xf32>
        %add3A_292 = arith.addf %add3A_284, %mul3A_291 : vector<16xf32>
        %mul3A_293 = vector.broadcast %squeeze3A_289 : f32 to vector<16xf32>
        %mul3A_294 = arith.mulf %mul3A_293, %get3A_82 : vector<16xf32>
        %add3A_295 = arith.addf %add3A_287, %mul3A_294 : vector<16xf32>
        %slice3A_296 = vector.extract_strided_slice %get3A_239 {offsets = [7], sizes = [1], strides = [1]} : vector<16xf32> to vector<1xf32>
        %squeeze3A_297 = vector.extract %slice3A_296[0] : f32 from vector<1xf32>
        %mul3A_298 = vector.broadcast %squeeze3A_297 : f32 to vector<16xf32>
        %mul3A_299 = arith.mulf %mul3A_298, %get3A_47 : vector<16xf32>
        %add3A_300 = arith.addf %add3A_292, %mul3A_299 : vector<16xf32>
        %mul3A_301 = vector.broadcast %squeeze3A_297 : f32 to vector<16xf32>
        %mul3A_302 = arith.mulf %mul3A_301, %get3A_87 : vector<16xf32>
        %add3A_303 = arith.addf %add3A_295, %mul3A_302 : vector<16xf32>
        %get3A_304 = arith.index_cast %mul3A_241 : i32 to index
        %get3A_305 = arith.constant 0 : index
        %get3A_306 = tpu.vector_load %arg15[%get3A_304, %get3A_305] {strides = array<i32>} : memref<80x32xf32, #tpu.memory_space<vmem>>, vector<1x16xf32>,
        %get3A_307 = vector.shape_cast %get3A_306 : vector<1x16xf32> to vector<16xf32>
        %add3A_308 = arith.addf %add3A_300, %get3A_307 : vector<16xf32>
        %get3A_309 = arith.index_cast %mul3A_241 : i32 to index
        %get3A_310 = arith.constant 0 : index
        %get3A_311 = tpu.vector_load %arg16[%get3A_309, %get3A_310] {strides = array<i32>} : memref<80x32xf32, #tpu.memory_space<vmem>>, vector<1x16xf32>,
        %get3A_312 = vector.shape_cast %get3A_311 : vector<1x16xf32> to vector<16xf32>
        %add3A_313 = arith.addf %add3A_308, %get3A_312 : vector<16xf32>
        %get3A_314 = arith.index_cast %mul3A_241 : i32 to index
        %get3A_315 = arith.constant 16 : index
        %get3A_316 = tpu.vector_load %arg15[%get3A_314, %get3A_315] {strides = array<i32>} : memref<80x32xf32, #tpu.memory_space<vmem>>, vector<1x16xf32>,
        %get3A_317 = vector.shape_cast %get3A_316 : vector<1x16xf32> to vector<16xf32>
        %add3A_318 = arith.addf %add3A_303, %get3A_317 : vector<16xf32>
        %get3A_319 = arith.index_cast %mul3A_241 : i32 to index
        %get3A_320 = arith.constant 16 : index
        %get3A_321 = tpu.vector_load %arg16[%get3A_319, %get3A_320] {strides = array<i32>} : memref<80x32xf32, #tpu.memory_space<vmem>>, vector<1x16xf32>,
        %get3A_322 = vector.shape_cast %get3A_321 : vector<1x16xf32> to vector<16xf32>
        %add3A_323 = arith.addf %add3A_318, %get3A_322 : vector<16xf32>
        %neg3A = arith.constant 0.000000e+00 : f32
        %neg3A_324 = vector.broadcast %neg3A : f32 to vector<16xf32>
        %neg3A_325 = arith.subf %neg3A_324, %add3A_313 : vector<16xf32>
        %exp3A = math.exp %neg3A_325 : vector<16xf32>
        %add3A_326 = arith.constant 1.000000e+00 : f32
        %add3A_327 = vector.broadcast %add3A_326 : f32 to vector<16xf32>
        %add3A_328 = arith.addf %add3A_327, %exp3A : vector<16xf32>
        %div3A = arith.constant 1.000000e+00 : f32
        %div3A_329 = vector.broadcast %div3A : f32 to vector<16xf32>
        %div3A_330 = arith.divf %div3A_329, %add3A_328 : vector<16xf32>
        %abs3A = math.absf %add3A_323 : vector<16xf32>
        %neg3A_331 = arith.constant 0.000000e+00 : f32
        %neg3A_332 = vector.broadcast %neg3A_331 : f32 to vector<16xf32>
        %neg3A_333 = arith.subf %neg3A_332, %abs3A : vector<16xf32>
        %exp3A_334 = math.exp %neg3A_333 : vector<16xf32>
        %add3A_335 = arith.constant 2.000000e+00 : f32
        %add3A_336 = vector.broadcast %add3A_335 : f32 to vector<16xf32>
        %add3A_337 = arith.addf %exp3A_334, %add3A_336 : vector<16xf32>
        %div3A_338 = arith.divf %exp3A_334, %add3A_337 : vector<16xf32>
        %mul3A_339 = arith.mulf %div3A_338, %div3A_338 : vector<16xf32>
        %mul3A_340 = arith.constant 0.0769230798 : f32
        %mul3A_341 = vector.broadcast %mul3A_340 : f32 to vector<16xf32>
        %mul3A_342 = arith.mulf %mul3A_339, %mul3A_341 : vector<16xf32>
        %add3A_343 = arith.constant 0.0909090936 : f32
        %add3A_344 = vector.broadcast %add3A_343 : f32 to vector<16xf32>
        %add3A_345 = arith.addf %mul3A_342, %add3A_344 : vector<16xf32>
        %mul3A_346 = arith.mulf %add3A_345, %mul3A_339 : vector<16xf32>
        %add3A_347 = arith.constant 0.111111112 : f32
        %add3A_348 = vector.broadcast %add3A_347 : f32 to vector<16xf32>
        %add3A_349 = arith.addf %mul3A_346, %add3A_348 : vector<16xf32>
        %mul3A_350 = arith.mulf %add3A_349, %mul3A_339 : vector<16xf32>
        %add3A_351 = arith.constant 0.142857149 : f32
        %add3A_352 = vector.broadcast %add3A_351 : f32 to vector<16xf32>
        %add3A_353 = arith.addf %mul3A_350, %add3A_352 : vector<16xf32>
        %mul3A_354 = arith.mulf %add3A_353, %mul3A_339 : vector<16xf32>
        %add3A_355 = arith.constant 2.000000e-01 : f32
        %add3A_356 = vector.broadcast %add3A_355 : f32 to vector<16xf32>
        %add3A_357 = arith.addf %mul3A_354, %add3A_356 : vector<16xf32>
        %mul3A_358 = arith.mulf %add3A_357, %mul3A_339 : vector<16xf32>
        %add3A_359 = arith.constant 0.333333343 : f32
        %add3A_360 = vector.broadcast %add3A_359 : f32 to vector<16xf32>
        %add3A_361 = arith.addf %mul3A_358, %add3A_360 : vector<16xf32>
        %mul3A_362 = arith.mulf %add3A_361, %mul3A_339 : vector<16xf32>
        %add3A_363 = arith.constant 1.000000e+00 : f32
        %add3A_364 = vector.broadcast %add3A_363 : f32 to vector<16xf32>
        %add3A_365 = arith.addf %mul3A_362, %add3A_364 : vector<16xf32>
        %max3A = arith.constant 0.000000e+00 : f32
        %max3A_366 = vector.broadcast %max3A : f32 to vector<16xf32>
        %max3A_367 = arith.maximumf %add3A_323, %max3A_366 : vector<16xf32>
        %mul3A_368 = arith.constant 2.000000e+00 : f32
        %mul3A_369 = vector.broadcast %mul3A_368 : f32 to vector<16xf32>
        %mul3A_370 = arith.mulf %mul3A_369, %div3A_338 : vector<16xf32>
        %mul3A_371 = arith.mulf %mul3A_370, %add3A_365 : vector<16xf32>
        %add3A_372 = arith.addf %max3A_367, %mul3A_371 : vector<16xf32>
        %mul3A_373 = arith.mulf %div3A_330, %add3A_372 : vector<16xf32>
        %swap3A = arith.index_cast %mul3A_241 : i32 to index
        %swap3A_374 = arith.constant 0 : index
        %swap3A_375 = tpu.vector_load %arg22[%swap3A, %swap3A_374] {strides = array<i32>} : memref<80x16xf32, #tpu.memory_space<vmem>>, vector<1x16xf32>,
        %swap3A_376 = vector.shape_cast %swap3A_375 : vector<1x16xf32> to vector<16xf32>
        %swap3A_377 = vector.shape_cast %mul3A_373 : vector<16xf32> to vector<1x16xf32>
        tpu.vector_store %arg22[%swap3A, %swap3A_374], %swap3A_377 {strides = array<i32>} : memref<80x16xf32, #tpu.memory_space<vmem>>, vector<1x16xf32>,
        %mul3A_378 = arith.constant 2 : i32
        %mul3A_379 = arith.muli %mul3A_378, %scan3A_234 : i32
        %add3A_380 = arith.constant 1 : i32
        %add3A_381 = arith.addi %mul3A_379, %add3A_380 : i32
        %slice3A_382 = vector.extract_strided_slice %get3A_239 {offsets = [8], sizes = [1], strides = [1]} : vector<16xf32> to vector<1xf32>
        %squeeze3A_383 = vector.extract %slice3A_382[0] : f32 from vector<1xf32>
        %mul3A_384 = vector.broadcast %squeeze3A_383 : f32 to vector<16xf32>
        %mul3A_385 = arith.mulf %mul3A_384, %get3A_12 : vector<16xf32>
        %add3A_386 = arith.addf %get3A_92, %mul3A_385 : vector<16xf32>
        %mul3A_387 = vector.broadcast %squeeze3A_383 : f32 to vector<16xf32>
        %mul3A_388 = arith.mulf %mul3A_387, %get3A_52 : vector<16xf32>
        %add3A_389 = arith.addf %get3A_97, %mul3A_388 : vector<16xf32>
        %slice3A_390 = vector.extract_strided_slice %get3A_239 {offsets = [9], sizes = [1], strides = [1]} : vector<16xf32> to vector<1xf32>
        %squeeze3A_391 = vector.extract %slice3A_390[0] : f32 from vector<1xf32>
        %mul3A_392 = vector.broadcast %squeeze3A_391 : f32 to vector<16xf32>
        %mul3A_393 = arith.mulf %mul3A_392, %get3A_17 : vector<16xf32>
        %add3A_394 = arith.addf %add3A_386, %mul3A_393 : vector<16xf32>
        %mul3A_395 = vector.broadcast %squeeze3A_391 : f32 to vector<16xf32>
        %mul3A_396 = arith.mulf %mul3A_395, %get3A_57 : vector<16xf32>
        %add3A_397 = arith.addf %add3A_389, %mul3A_396 : vector<16xf32>
        %slice3A_398 = vector.extract_strided_slice %get3A_239 {offsets = [10], sizes = [1], strides = [1]} : vector<16xf32> to vector<1xf32>
        %squeeze3A_399 = vector.extract %slice3A_398[0] : f32 from vector<1xf32>
        %mul3A_400 = vector.broadcast %squeeze3A_399 : f32 to vector<16xf32>
        %mul3A_401 = arith.mulf %mul3A_400, %get3A_22 : vector<16xf32>
        %add3A_402 = arith.addf %add3A_394, %mul3A_401 : vector<16xf32>
        %mul3A_403 = vector.broadcast %squeeze3A_399 : f32 to vector<16xf32>
        %mul3A_404 = arith.mulf %mul3A_403, %get3A_62 : vector<16xf32>
        %add3A_405 = arith.addf %add3A_397, %mul3A_404 : vector<16xf32>
        %slice3A_406 = vector.extract_strided_slice %get3A_239 {offsets = [11], sizes = [1], strides = [1]} : vector<16xf32> to vector<1xf32>
        %squeeze3A_407 = vector.extract %slice3A_406[0] : f32 from vector<1xf32>
        %mul3A_408 = vector.broadcast %squeeze3A_407 : f32 to vector<16xf32>
        %mul3A_409 = arith.mulf %mul3A_408, %get3A_27 : vector<16xf32>
        %add3A_410 = arith.addf %add3A_402, %mul3A_409 : vector<16xf32>
        %mul3A_411 = vector.broadcast %squeeze3A_407 : f32 to vector<16xf32>
        %mul3A_412 = arith.mulf %mul3A_411, %get3A_67 : vector<16xf32>
        %add3A_413 = arith.addf %add3A_405, %mul3A_412 : vector<16xf32>
        %slice3A_414 = vector.extract_strided_slice %get3A_239 {offsets = [12], sizes = [1], strides = [1]} : vector<16xf32> to vector<1xf32>
        %squeeze3A_415 = vector.extract %slice3A_414[0] : f32 from vector<1xf32>
        %mul3A_416 = vector.broadcast %squeeze3A_415 : f32 to vector<16xf32>
        %mul3A_417 = arith.mulf %mul3A_416, %get3A_32 : vector<16xf32>
        %add3A_418 = arith.addf %add3A_410, %mul3A_417 : vector<16xf32>
        %mul3A_419 = vector.broadcast %squeeze3A_415 : f32 to vector<16xf32>
        %mul3A_420 = arith.mulf %mul3A_419, %get3A_72 : vector<16xf32>
        %add3A_421 = arith.addf %add3A_413, %mul3A_420 : vector<16xf32>
        %slice3A_422 = vector.extract_strided_slice %get3A_239 {offsets = [13], sizes = [1], strides = [1]} : vector<16xf32> to vector<1xf32>
        %squeeze3A_423 = vector.extract %slice3A_422[0] : f32 from vector<1xf32>
        %mul3A_424 = vector.broadcast %squeeze3A_423 : f32 to vector<16xf32>
        %mul3A_425 = arith.mulf %mul3A_424, %get3A_37 : vector<16xf32>
        %add3A_426 = arith.addf %add3A_418, %mul3A_425 : vector<16xf32>
        %mul3A_427 = vector.broadcast %squeeze3A_423 : f32 to vector<16xf32>
        %mul3A_428 = arith.mulf %mul3A_427, %get3A_77 : vector<16xf32>
        %add3A_429 = arith.addf %add3A_421, %mul3A_428 : vector<16xf32>
        %slice3A_430 = vector.extract_strided_slice %get3A_239 {offsets = [14], sizes = [1], strides = [1]} : vector<16xf32> to vector<1xf32>
        %squeeze3A_431 = vector.extract %slice3A_430[0] : f32 from vector<1xf32>
        %mul3A_432 = vector.broadcast %squeeze3A_431 : f32 to vector<16xf32>
        %mul3A_433 = arith.mulf %mul3A_432, %get3A_42 : vector<16xf32>
        %add3A_434 = arith.addf %add3A_426, %mul3A_433 : vector<16xf32>
        %mul3A_435 = vector.broadcast %squeeze3A_431 : f32 to vector<16xf32>
        %mul3A_436 = arith.mulf %mul3A_435, %get3A_82 : vector<16xf32>
        %add3A_437 = arith.addf %add3A_429, %mul3A_436 : vector<16xf32>
        %slice3A_438 = vector.extract_strided_slice %get3A_239 {offsets = [15], sizes = [1], strides = [1]} : vector<16xf32> to vector<1xf32>
        %squeeze3A_439 = vector.extract %slice3A_438[0] : f32 from vector<1xf32>
        %mul3A_440 = vector.broadcast %squeeze3A_439 : f32 to vector<16xf32>
        %mul3A_441 = arith.mulf %mul3A_440, %get3A_47 : vector<16xf32>
        %add3A_442 = arith.addf %add3A_434, %mul3A_441 : vector<16xf32>
        %mul3A_443 = vector.broadcast %squeeze3A_439 : f32 to vector<16xf32>
        %mul3A_444 = arith.mulf %mul3A_443, %get3A_87 : vector<16xf32>
        %add3A_445 = arith.addf %add3A_437, %mul3A_444 : vector<16xf32>
        %get3A_446 = arith.index_cast %add3A_381 : i32 to index
        %get3A_447 = arith.constant 0 : index
        %get3A_448 = tpu.vector_load %arg15[%get3A_446, %get3A_447] {strides = array<i32>} : memref<80x32xf32, #tpu.memory_space<vmem>>, vector<1x16xf32>,
        %get3A_449 = vector.shape_cast %get3A_448 : vector<1x16xf32> to vector<16xf32>
        %add3A_450 = arith.addf %add3A_442, %get3A_449 : vector<16xf32>
        %get3A_451 = arith.index_cast %add3A_381 : i32 to index
        %get3A_452 = arith.constant 0 : index
        %get3A_453 = tpu.vector_load %arg16[%get3A_451, %get3A_452] {strides = array<i32>} : memref<80x32xf32, #tpu.memory_space<vmem>>, vector<1x16xf32>,
        %get3A_454 = vector.shape_cast %get3A_453 : vector<1x16xf32> to vector<16xf32>
        %add3A_455 = arith.addf %add3A_450, %get3A_454 : vector<16xf32>
        %get3A_456 = arith.index_cast %add3A_381 : i32 to index
        %get3A_457 = arith.constant 16 : index
        %get3A_458 = tpu.vector_load %arg15[%get3A_456, %get3A_457] {strides = array<i32>} : memref<80x32xf32, #tpu.memory_space<vmem>>, vector<1x16xf32>,
        %get3A_459 = vector.shape_cast %get3A_458 : vector<1x16xf32> to vector<16xf32>
        %add3A_460 = arith.addf %add3A_445, %get3A_459 : vector<16xf32>
        %get3A_461 = arith.index_cast %add3A_381 : i32 to index
        %get3A_462 = arith.constant 16 : index
        %get3A_463 = tpu.vector_load %arg16[%get3A_461, %get3A_462] {strides = array<i32>} : memref<80x32xf32, #tpu.memory_space<vmem>>, vector<1x16xf32>,
        %get3A_464 = vector.shape_cast %get3A_463 : vector<1x16xf32> to vector<16xf32>
        %add3A_465 = arith.addf %add3A_460, %get3A_464 : vector<16xf32>
        %neg3A_466 = arith.constant 0.000000e+00 : f32
        %neg3A_467 = vector.broadcast %neg3A_466 : f32 to vector<16xf32>
        %neg3A_468 = arith.subf %neg3A_467, %add3A_455 : vector<16xf32>
        %exp3A_469 = math.exp %neg3A_468 : vector<16xf32>
        %add3A_470 = arith.constant 1.000000e+00 : f32
        %add3A_471 = vector.broadcast %add3A_470 : f32 to vector<16xf32>
        %add3A_472 = arith.addf %add3A_471, %exp3A_469 : vector<16xf32>
        %div3A_473 = arith.constant 1.000000e+00 : f32
        %div3A_474 = vector.broadcast %div3A_473 : f32 to vector<16xf32>
        %div3A_475 = arith.divf %div3A_474, %add3A_472 : vector<16xf32>
        %abs3A_476 = math.absf %add3A_465 : vector<16xf32>
        %neg3A_477 = arith.constant 0.000000e+00 : f32
        %neg3A_478 = vector.broadcast %neg3A_477 : f32 to vector<16xf32>
        %neg3A_479 = arith.subf %neg3A_478, %abs3A_476 : vector<16xf32>
        %exp3A_480 = math.exp %neg3A_479 : vector<16xf32>
        %add3A_481 = arith.constant 2.000000e+00 : f32
        %add3A_482 = vector.broadcast %add3A_481 : f32 to vector<16xf32>
        %add3A_483 = arith.addf %exp3A_480, %add3A_482 : vector<16xf32>
        %div3A_484 = arith.divf %exp3A_480, %add3A_483 : vector<16xf32>
        %mul3A_485 = arith.mulf %div3A_484, %div3A_484 : vector<16xf32>
        %mul3A_486 = arith.constant 0.0769230798 : f32
        %mul3A_487 = vector.broadcast %mul3A_486 : f32 to vector<16xf32>
        %mul3A_488 = arith.mulf %mul3A_485, %mul3A_487 : vector<16xf32>
        %add3A_489 = arith.constant 0.0909090936 : f32
        %add3A_490 = vector.broadcast %add3A_489 : f32 to vector<16xf32>
        %add3A_491 = arith.addf %mul3A_488, %add3A_490 : vector<16xf32>
        %mul3A_492 = arith.mulf %add3A_491, %mul3A_485 : vector<16xf32>
        %add3A_493 = arith.constant 0.111111112 : f32
        %add3A_494 = vector.broadcast %add3A_493 : f32 to vector<16xf32>
        %add3A_495 = arith.addf %mul3A_492, %add3A_494 : vector<16xf32>
        %mul3A_496 = arith.mulf %add3A_495, %mul3A_485 : vector<16xf32>
        %add3A_497 = arith.constant 0.142857149 : f32
        %add3A_498 = vector.broadcast %add3A_497 : f32 to vector<16xf32>
        %add3A_499 = arith.addf %mul3A_496, %add3A_498 : vector<16xf32>
        %mul3A_500 = arith.mulf %add3A_499, %mul3A_485 : vector<16xf32>
        %add3A_501 = arith.constant 2.000000e-01 : f32
        %add3A_502 = vector.broadcast %add3A_501 : f32 to vector<16xf32>
        %add3A_503 = arith.addf %mul3A_500, %add3A_502 : vector<16xf32>
        %mul3A_504 = arith.mulf %add3A_503, %mul3A_485 : vector<16xf32>
        %add3A_505 = arith.constant 0.333333343 : f32
        %add3A_506 = vector.broadcast %add3A_505 : f32 to vector<16xf32>
        %add3A_507 = arith.addf %mul3A_504, %add3A_506 : vector<16xf32>
        %mul3A_508 = arith.mulf %add3A_507, %mul3A_485 : vector<16xf32>
        %add3A_509 = arith.constant 1.000000e+00 : f32
        %add3A_510 = vector.broadcast %add3A_509 : f32 to vector<16xf32>
        %add3A_511 = arith.addf %mul3A_508, %add3A_510 : vector<16xf32>
        %max3A_512 = arith.constant 0.000000e+00 : f32
        %max3A_513 = vector.broadcast %max3A_512 : f32 to vector<16xf32>
        %max3A_514 = arith.maximumf %add3A_465, %max3A_513 : vector<16xf32>
        %mul3A_515 = arith.constant 2.000000e+00 : f32
        %mul3A_516 = vector.broadcast %mul3A_515 : f32 to vector<16xf32>
        %mul3A_517 = arith.mulf %mul3A_516, %div3A_484 : vector<16xf32>
        %mul3A_518 = arith.mulf %mul3A_517, %add3A_511 : vector<16xf32>
        %add3A_519 = arith.addf %max3A_514, %mul3A_518 : vector<16xf32>
        %mul3A_520 = arith.mulf %div3A_475, %add3A_519 : vector<16xf32>
        %swap3A_521 = arith.index_cast %add3A_381 : i32 to index
        %swap3A_522 = arith.constant 0 : index
        %swap3A_523 = tpu.vector_load %arg22[%swap3A_521, %swap3A_522] {strides = array<i32>} : memref<80x16xf32, #tpu.memory_space<vmem>>, vector<1x16xf32>,
        %swap3A_524 = vector.shape_cast %swap3A_523 : vector<1x16xf32> to vector<16xf32>
        %swap3A_525 = vector.shape_cast %mul3A_520 : vector<16xf32> to vector<1x16xf32>
        tpu.vector_store %arg22[%swap3A_521, %swap3A_522], %swap3A_525 {strides = array<i32>} : memref<80x16xf32, #tpu.memory_space<vmem>>, vector<1x16xf32>,
      }
      %scan3A_188 = arith.constant 40 : i32
      "tpu.region"() ({
        %run_scoped3A = tpu.sem_alloc : memref<!tpu.dma_semaphore, #tpu.memory_space<semaphore_mem>>
        %dma_start3A_234 = arith.constant 0 : i32
        %dma_start3A_235 = arith.constant 0 : i32
        %dma_start3A_236 = tpu.memref_slice %arg10[%dma_start3A_234, %dma_start3A_235] : memref<100000x16xf32, #tpu.memory_space<vmem_shared>> -> memref<100000x16xf32, #tpu.memory_space<vmem_shared>>
        tpu.enqueue_indirect_dma source(%arg22 : memref<80x16xf32, #tpu.memory_space<vmem>>) target(%dma_start3A_236 : memref<100000x16xf32, #tpu.memory_space<vmem_shared>>) offsets(%arg12 : memref<80xi32, #tpu.memory_space<vmem>>) semaphore(%run_scoped3A : memref<!tpu.dma_semaphore, #tpu.memory_space<semaphore_mem>>) {add = true}
        %dma_wait3A_237 = arith.constant 0 : i32
        %dma_wait3A_238 = arith.constant 0 : i32
        %dma_wait3A_239 = tpu.memref_slice %arg10[%dma_wait3A_237, %dma_wait3A_238] : memref<100000x16xf32, #tpu.memory_space<vmem_shared>> -> memref<100000x16xf32, #tpu.memory_space<vmem_shared>>
        tpu.wait_indirect_dma semaphore(%run_scoped3A : memref<!tpu.dma_semaphore, #tpu.memory_space<semaphore_mem>>) src(%arg22 : memref<80x16xf32, #tpu.memory_space<vmem>>) dst(%dma_wait3A_239 : memref<100000x16xf32, #tpu.memory_space<vmem_shared>>)
        tpu.yield
      }) : () -> ()
      %add3A_189 = arith.constant 2 : i32
      %add3A_190 = arith.addi %add3A_161, %add3A_189 : i32
      %lt3A_191 = arith.constant 1250 : i32
      %lt3A_192 = arith.cmpi slt, %add3A_190, %lt3A_191 : i32
      %convert_element_type3A_193 = arith.extui %lt3A_192 : i1 to i32
      %cond3A_194 = arith.constant 0 : i32
      %cond3A_195 = arith.cmpi ne, %convert_element_type3A_193, %cond3A_194 : i32
      scf.if %cond3A_195 {
        %add3A_234 = arith.constant 2 : i32
        %add3A_235 = arith.addi %add3A_161, %add3A_234 : i32
        %mul3A_236 = arith.constant 80 : i32
        %mul3A_237 = arith.muli %add3A_235, %mul3A_236 : i32
        %add3A_238 = arith.addi %mul3A_0, %mul3A_237 : i32
        %dma_start3A_239 = tpu.memref_slice %arg4[%add3A_238] : memref<1600000xi32, #tpu.memory_space<hbm>> -> memref<80xi32, #tpu.memory_space<hbm>>
        %dma_start3A_240 = tpu.memref_slice %arg4[%add3A_238] : memref<1600000xi32, #tpu.memory_space<hbm>> -> memref<80xi32, #tpu.memory_space<hbm>>
        tpu.enqueue_dma source(%dma_start3A_240 : memref<80xi32, #tpu.memory_space<hbm>>) target(%arg12 : memref<80xi32, #tpu.memory_space<vmem>>) target_semaphore(%arg23 : memref<!tpu.dma_semaphore, #tpu.memory_space<semaphore_mem>>)
        %dma_start3A_241 = tpu.memref_slice %arg5[%add3A_238] : memref<1600000xi32, #tpu.memory_space<hbm>> -> memref<80xi32, #tpu.memory_space<hbm>>
        %dma_start3A_242 = tpu.memref_slice %arg5[%add3A_238] : memref<1600000xi32, #tpu.memory_space<hbm>> -> memref<80xi32, #tpu.memory_space<hbm>>
        tpu.enqueue_dma source(%dma_start3A_242 : memref<80xi32, #tpu.memory_space<hbm>>) target(%arg13 : memref<80xi32, #tpu.memory_space<vmem>>) target_semaphore(%arg23 : memref<!tpu.dma_semaphore, #tpu.memory_space<semaphore_mem>>)
        %mul3A_243 = arith.constant 8 : i32
        %mul3A_244 = arith.muli %add3A_238, %mul3A_243 : i32
        %dma_start3A_245 = tpu.memref_slice %arg6[%mul3A_244] : memref<12800000xf32, #tpu.memory_space<hbm>> -> memref<640xf32, #tpu.memory_space<hbm>>
        %dma_start3A_246 = tpu.memref_slice %arg6[%mul3A_244] : memref<12800000xf32, #tpu.memory_space<hbm>> -> memref<640xf32, #tpu.memory_space<hbm>>
        tpu.enqueue_dma source(%dma_start3A_246 : memref<640xf32, #tpu.memory_space<hbm>>) target(%arg14 : memref<640xf32, #tpu.memory_space<vmem>>) target_semaphore(%arg23 : memref<!tpu.dma_semaphore, #tpu.memory_space<semaphore_mem>>)
      } else {
      }
      %mul3A_196 = arith.constant 2 : i32
      %mul3A_197 = arith.muli %mul3A_196, %scan3A_157 : i32
      %add3A_198 = arith.constant 1 : i32
      %add3A_199 = arith.addi %mul3A_197, %add3A_198 : i32
      %dma_wait3A_200 = arith.constant 0 : i32
      %dma_wait3A_201 = arith.constant 0 : i32
      %dma_wait3A_202 = tpu.memref_slice %arg2[%arg0, %dma_wait3A_200, %dma_wait3A_201] : memref<2x100000x32xf32, #tpu.memory_space<hbm>> -> memref<1x100000x32xf32, #tpu.memory_space<hbm>>
      %dma_wait3A_203 = tpu.memref_squeeze %dma_wait3A_202 : memref<1x100000x32xf32, #tpu.memory_space<hbm>> -> memref<100000x32xf32, #tpu.memory_space<hbm>>
      %dma_wait3A_204 = arith.constant 0 : i32
      %dma_wait3A_205 = arith.constant 0 : i32
      %dma_wait3A_206 = tpu.memref_slice %dma_wait3A_203[%dma_wait3A_204, %dma_wait3A_205] : memref<100000x32xf32, #tpu.memory_space<hbm>> -> memref<100000x32xf32, #tpu.memory_space<hbm>>
      tpu.wait_indirect_dma semaphore(%arg26 : memref<!tpu.dma_semaphore, #tpu.memory_space<semaphore_mem>>) src(%dma_wait3A_206 : memref<100000x32xf32, #tpu.memory_space<hbm>>) dst(%arg20 : memref<80x32xf32, #tpu.memory_space<vmem>>)
      %dma_wait3A_207 = arith.constant 0 : i32
      %dma_wait3A_208 = arith.constant 0 : i32
      %dma_wait3A_209 = tpu.memref_slice %arg3[%arg0, %dma_wait3A_207, %dma_wait3A_208] : memref<2x100000x32xf32, #tpu.memory_space<hbm>> -> memref<1x100000x32xf32, #tpu.memory_space<hbm>>
      %dma_wait3A_210 = tpu.memref_squeeze %dma_wait3A_209 : memref<1x100000x32xf32, #tpu.memory_space<hbm>> -> memref<100000x32xf32, #tpu.memory_space<hbm>>
      %dma_wait3A_211 = arith.constant 0 : i32
      %dma_wait3A_212 = arith.constant 0 : i32
      %dma_wait3A_213 = tpu.memref_slice %dma_wait3A_210[%dma_wait3A_211, %dma_wait3A_212] : memref<100000x32xf32, #tpu.memory_space<hbm>> -> memref<100000x32xf32, #tpu.memory_space<hbm>>
      tpu.wait_indirect_dma semaphore(%arg26 : memref<!tpu.dma_semaphore, #tpu.memory_space<semaphore_mem>>) src(%dma_wait3A_213 : memref<100000x32xf32, #tpu.memory_space<hbm>>) dst(%arg21 : memref<80x32xf32, #tpu.memory_space<vmem>>)
      %add3A_214 = arith.constant 1 : i32
      %add3A_215 = arith.addi %add3A_199, %add3A_214 : i32
      %lt3A_216 = arith.constant 1250 : i32
      %lt3A_217 = arith.cmpi slt, %add3A_215, %lt3A_216 : i32
      %convert_element_type3A_218 = arith.extui %lt3A_217 : i1 to i32
      %cond3A_219 = arith.constant 0 : i32
      %cond3A_220 = arith.cmpi ne, %convert_element_type3A_218, %cond3A_219 : i32
      scf.if %cond3A_220 {
        %dma_wait3A_234 = arith.constant 0 : i32
        %dma_wait3A_235 = tpu.memref_slice %arg4[%dma_wait3A_234] : memref<1600000xi32, #tpu.memory_space<hbm>> -> memref<80xi32, #tpu.memory_space<hbm>>
        %dma_wait3A_236 = arith.constant 0 : i32
        %dma_wait3A_237 = tpu.memref_slice %arg4[%dma_wait3A_236] : memref<1600000xi32, #tpu.memory_space<hbm>> -> memref<80xi32, #tpu.memory_space<hbm>>
        tpu.wait_dma2 semaphore(%arg23 : memref<!tpu.dma_semaphore, #tpu.memory_space<semaphore_mem>>) src(%dma_wait3A_237 : memref<80xi32, #tpu.memory_space<hbm>>) dst(%arg12 : memref<80xi32, #tpu.memory_space<vmem>>)
        %dma_wait3A_238 = arith.constant 0 : i32
        %dma_wait3A_239 = tpu.memref_slice %arg5[%dma_wait3A_238] : memref<1600000xi32, #tpu.memory_space<hbm>> -> memref<80xi32, #tpu.memory_space<hbm>>
        %dma_wait3A_240 = arith.constant 0 : i32
        %dma_wait3A_241 = tpu.memref_slice %arg5[%dma_wait3A_240] : memref<1600000xi32, #tpu.memory_space<hbm>> -> memref<80xi32, #tpu.memory_space<hbm>>
        tpu.wait_dma2 semaphore(%arg23 : memref<!tpu.dma_semaphore, #tpu.memory_space<semaphore_mem>>) src(%dma_wait3A_241 : memref<80xi32, #tpu.memory_space<hbm>>) dst(%arg13 : memref<80xi32, #tpu.memory_space<vmem>>)
        %dma_wait3A_242 = arith.constant 0 : i32
        %dma_wait3A_243 = tpu.memref_slice %arg6[%dma_wait3A_242] : memref<12800000xf32, #tpu.memory_space<hbm>> -> memref<640xf32, #tpu.memory_space<hbm>>
        %dma_wait3A_244 = arith.constant 0 : i32
        %dma_wait3A_245 = tpu.memref_slice %arg6[%dma_wait3A_244] : memref<12800000xf32, #tpu.memory_space<hbm>> -> memref<640xf32, #tpu.memory_space<hbm>>
        tpu.wait_dma2 semaphore(%arg23 : memref<!tpu.dma_semaphore, #tpu.memory_space<semaphore_mem>>) src(%dma_wait3A_245 : memref<640xf32, #tpu.memory_space<hbm>>) dst(%arg14 : memref<640xf32, #tpu.memory_space<vmem>>)
        %dma_start3A_246 = arith.constant 0 : i32
        %dma_start3A_247 = arith.constant 0 : i32
        %dma_start3A_248 = tpu.memref_slice %arg2[%arg0, %dma_start3A_246, %dma_start3A_247] : memref<2x100000x32xf32, #tpu.memory_space<hbm>> -> memref<1x100000x32xf32, #tpu.memory_space<hbm>>
        %dma_start3A_249 = tpu.memref_squeeze %dma_start3A_248 : memref<1x100000x32xf32, #tpu.memory_space<hbm>> -> memref<100000x32xf32, #tpu.memory_space<hbm>>
        %dma_start3A_250 = arith.constant 0 : i32
        %dma_start3A_251 = arith.constant 0 : i32
        %dma_start3A_252 = tpu.memref_slice %dma_start3A_249[%dma_start3A_250, %dma_start3A_251] : memref<100000x32xf32, #tpu.memory_space<hbm>> -> memref<100000x32xf32, #tpu.memory_space<hbm>>
        tpu.enqueue_indirect_dma source(%dma_start3A_252 : memref<100000x32xf32, #tpu.memory_space<hbm>>) target(%arg15 : memref<80x32xf32, #tpu.memory_space<vmem>>) offsets(%arg12 : memref<80xi32, #tpu.memory_space<vmem>>) semaphore(%arg25 : memref<!tpu.dma_semaphore, #tpu.memory_space<semaphore_mem>>)
        %dma_start3A_253 = arith.constant 0 : i32
        %dma_start3A_254 = arith.constant 0 : i32
        %dma_start3A_255 = tpu.memref_slice %arg3[%arg0, %dma_start3A_253, %dma_start3A_254] : memref<2x100000x32xf32, #tpu.memory_space<hbm>> -> memref<1x100000x32xf32, #tpu.memory_space<hbm>>
        %dma_start3A_256 = tpu.memref_squeeze %dma_start3A_255 : memref<1x100000x32xf32, #tpu.memory_space<hbm>> -> memref<100000x32xf32, #tpu.memory_space<hbm>>
        %dma_start3A_257 = arith.constant 0 : i32
        %dma_start3A_258 = arith.constant 0 : i32
        %dma_start3A_259 = tpu.memref_slice %dma_start3A_256[%dma_start3A_257, %dma_start3A_258] : memref<100000x32xf32, #tpu.memory_space<hbm>> -> memref<100000x32xf32, #tpu.memory_space<hbm>>
        tpu.enqueue_indirect_dma source(%dma_start3A_259 : memref<100000x32xf32, #tpu.memory_space<hbm>>) target(%arg16 : memref<80x32xf32, #tpu.memory_space<vmem>>) offsets(%arg13 : memref<80xi32, #tpu.memory_space<vmem>>) semaphore(%arg25 : memref<!tpu.dma_semaphore, #tpu.memory_space<semaphore_mem>>)
      } else {
      }
      %scan3A_221 = arith.constant 0 : i32
      %scan3A_222 = arith.constant 0 : i32
      %scan3A_223 = arith.constant 40 : i32
      %scan3A_224 = arith.addi %scan3A_222, %scan3A_223 : i32
      %scan3A_225 = arith.constant 1 : i32
      scf.for %scan3A_234 = %scan3A_222 to %scan3A_224 step %scan3A_225  : i32 {
        %mul3A_235 = arith.constant 16 : i32
        %mul3A_236 = arith.muli %scan3A_234, %mul3A_235 : i32
        %get3A_237 = arith.index_cast %mul3A_236 : i32 to index
        %get3A_238 = tpu.vector_load %arg19[%get3A_237] {strides = array<i32>} : memref<640xf32, #tpu.memory_space<vmem>>, vector<16xf32>,
        %get3A_239 = vector.shape_cast %get3A_238 : vector<16xf32> to vector<16xf32>
        %mul3A_240 = arith.constant 2 : i32
        %mul3A_241 = arith.muli %mul3A_240, %scan3A_234 : i32
        %slice3A = vector.extract_strided_slice %get3A_239 {offsets = [0], sizes = [1], strides = [1]} : vector<16xf32> to vector<1xf32>
        %squeeze3A = vector.extract %slice3A[0] : f32 from vector<1xf32>
        %mul3A_242 = vector.broadcast %squeeze3A : f32 to vector<16xf32>
        %mul3A_243 = arith.mulf %mul3A_242, %get3A_12 : vector<16xf32>
        %add3A_244 = arith.addf %get3A_92, %mul3A_243 : vector<16xf32>
        %mul3A_245 = vector.broadcast %squeeze3A : f32 to vector<16xf32>
        %mul3A_246 = arith.mulf %mul3A_245, %get3A_52 : vector<16xf32>
        %add3A_247 = arith.addf %get3A_97, %mul3A_246 : vector<16xf32>
        %slice3A_248 = vector.extract_strided_slice %get3A_239 {offsets = [1], sizes = [1], strides = [1]} : vector<16xf32> to vector<1xf32>
        %squeeze3A_249 = vector.extract %slice3A_248[0] : f32 from vector<1xf32>
        %mul3A_250 = vector.broadcast %squeeze3A_249 : f32 to vector<16xf32>
        %mul3A_251 = arith.mulf %mul3A_250, %get3A_17 : vector<16xf32>
        %add3A_252 = arith.addf %add3A_244, %mul3A_251 : vector<16xf32>
        %mul3A_253 = vector.broadcast %squeeze3A_249 : f32 to vector<16xf32>
        %mul3A_254 = arith.mulf %mul3A_253, %get3A_57 : vector<16xf32>
        %add3A_255 = arith.addf %add3A_247, %mul3A_254 : vector<16xf32>
        %slice3A_256 = vector.extract_strided_slice %get3A_239 {offsets = [2], sizes = [1], strides = [1]} : vector<16xf32> to vector<1xf32>
        %squeeze3A_257 = vector.extract %slice3A_256[0] : f32 from vector<1xf32>
        %mul3A_258 = vector.broadcast %squeeze3A_257 : f32 to vector<16xf32>
        %mul3A_259 = arith.mulf %mul3A_258, %get3A_22 : vector<16xf32>
        %add3A_260 = arith.addf %add3A_252, %mul3A_259 : vector<16xf32>
        %mul3A_261 = vector.broadcast %squeeze3A_257 : f32 to vector<16xf32>
        %mul3A_262 = arith.mulf %mul3A_261, %get3A_62 : vector<16xf32>
        %add3A_263 = arith.addf %add3A_255, %mul3A_262 : vector<16xf32>
        %slice3A_264 = vector.extract_strided_slice %get3A_239 {offsets = [3], sizes = [1], strides = [1]} : vector<16xf32> to vector<1xf32>
        %squeeze3A_265 = vector.extract %slice3A_264[0] : f32 from vector<1xf32>
        %mul3A_266 = vector.broadcast %squeeze3A_265 : f32 to vector<16xf32>
        %mul3A_267 = arith.mulf %mul3A_266, %get3A_27 : vector<16xf32>
        %add3A_268 = arith.addf %add3A_260, %mul3A_267 : vector<16xf32>
        %mul3A_269 = vector.broadcast %squeeze3A_265 : f32 to vector<16xf32>
        %mul3A_270 = arith.mulf %mul3A_269, %get3A_67 : vector<16xf32>
        %add3A_271 = arith.addf %add3A_263, %mul3A_270 : vector<16xf32>
        %slice3A_272 = vector.extract_strided_slice %get3A_239 {offsets = [4], sizes = [1], strides = [1]} : vector<16xf32> to vector<1xf32>
        %squeeze3A_273 = vector.extract %slice3A_272[0] : f32 from vector<1xf32>
        %mul3A_274 = vector.broadcast %squeeze3A_273 : f32 to vector<16xf32>
        %mul3A_275 = arith.mulf %mul3A_274, %get3A_32 : vector<16xf32>
        %add3A_276 = arith.addf %add3A_268, %mul3A_275 : vector<16xf32>
        %mul3A_277 = vector.broadcast %squeeze3A_273 : f32 to vector<16xf32>
        %mul3A_278 = arith.mulf %mul3A_277, %get3A_72 : vector<16xf32>
        %add3A_279 = arith.addf %add3A_271, %mul3A_278 : vector<16xf32>
        %slice3A_280 = vector.extract_strided_slice %get3A_239 {offsets = [5], sizes = [1], strides = [1]} : vector<16xf32> to vector<1xf32>
        %squeeze3A_281 = vector.extract %slice3A_280[0] : f32 from vector<1xf32>
        %mul3A_282 = vector.broadcast %squeeze3A_281 : f32 to vector<16xf32>
        %mul3A_283 = arith.mulf %mul3A_282, %get3A_37 : vector<16xf32>
        %add3A_284 = arith.addf %add3A_276, %mul3A_283 : vector<16xf32>
        %mul3A_285 = vector.broadcast %squeeze3A_281 : f32 to vector<16xf32>
        %mul3A_286 = arith.mulf %mul3A_285, %get3A_77 : vector<16xf32>
        %add3A_287 = arith.addf %add3A_279, %mul3A_286 : vector<16xf32>
        %slice3A_288 = vector.extract_strided_slice %get3A_239 {offsets = [6], sizes = [1], strides = [1]} : vector<16xf32> to vector<1xf32>
        %squeeze3A_289 = vector.extract %slice3A_288[0] : f32 from vector<1xf32>
        %mul3A_290 = vector.broadcast %squeeze3A_289 : f32 to vector<16xf32>
        %mul3A_291 = arith.mulf %mul3A_290, %get3A_42 : vector<16xf32>
        %add3A_292 = arith.addf %add3A_284, %mul3A_291 : vector<16xf32>
        %mul3A_293 = vector.broadcast %squeeze3A_289 : f32 to vector<16xf32>
        %mul3A_294 = arith.mulf %mul3A_293, %get3A_82 : vector<16xf32>
        %add3A_295 = arith.addf %add3A_287, %mul3A_294 : vector<16xf32>
        %slice3A_296 = vector.extract_strided_slice %get3A_239 {offsets = [7], sizes = [1], strides = [1]} : vector<16xf32> to vector<1xf32>
        %squeeze3A_297 = vector.extract %slice3A_296[0] : f32 from vector<1xf32>
        %mul3A_298 = vector.broadcast %squeeze3A_297 : f32 to vector<16xf32>
        %mul3A_299 = arith.mulf %mul3A_298, %get3A_47 : vector<16xf32>
        %add3A_300 = arith.addf %add3A_292, %mul3A_299 : vector<16xf32>
        %mul3A_301 = vector.broadcast %squeeze3A_297 : f32 to vector<16xf32>
        %mul3A_302 = arith.mulf %mul3A_301, %get3A_87 : vector<16xf32>
        %add3A_303 = arith.addf %add3A_295, %mul3A_302 : vector<16xf32>
        %get3A_304 = arith.index_cast %mul3A_241 : i32 to index
        %get3A_305 = arith.constant 0 : index
        %get3A_306 = tpu.vector_load %arg20[%get3A_304, %get3A_305] {strides = array<i32>} : memref<80x32xf32, #tpu.memory_space<vmem>>, vector<1x16xf32>,
        %get3A_307 = vector.shape_cast %get3A_306 : vector<1x16xf32> to vector<16xf32>
        %add3A_308 = arith.addf %add3A_300, %get3A_307 : vector<16xf32>
        %get3A_309 = arith.index_cast %mul3A_241 : i32 to index
        %get3A_310 = arith.constant 0 : index
        %get3A_311 = tpu.vector_load %arg21[%get3A_309, %get3A_310] {strides = array<i32>} : memref<80x32xf32, #tpu.memory_space<vmem>>, vector<1x16xf32>,
        %get3A_312 = vector.shape_cast %get3A_311 : vector<1x16xf32> to vector<16xf32>
        %add3A_313 = arith.addf %add3A_308, %get3A_312 : vector<16xf32>
        %get3A_314 = arith.index_cast %mul3A_241 : i32 to index
        %get3A_315 = arith.constant 16 : index
        %get3A_316 = tpu.vector_load %arg20[%get3A_314, %get3A_315] {strides = array<i32>} : memref<80x32xf32, #tpu.memory_space<vmem>>, vector<1x16xf32>,
        %get3A_317 = vector.shape_cast %get3A_316 : vector<1x16xf32> to vector<16xf32>
        %add3A_318 = arith.addf %add3A_303, %get3A_317 : vector<16xf32>
        %get3A_319 = arith.index_cast %mul3A_241 : i32 to index
        %get3A_320 = arith.constant 16 : index
        %get3A_321 = tpu.vector_load %arg21[%get3A_319, %get3A_320] {strides = array<i32>} : memref<80x32xf32, #tpu.memory_space<vmem>>, vector<1x16xf32>,
        %get3A_322 = vector.shape_cast %get3A_321 : vector<1x16xf32> to vector<16xf32>
        %add3A_323 = arith.addf %add3A_318, %get3A_322 : vector<16xf32>
        %neg3A = arith.constant 0.000000e+00 : f32
        %neg3A_324 = vector.broadcast %neg3A : f32 to vector<16xf32>
        %neg3A_325 = arith.subf %neg3A_324, %add3A_313 : vector<16xf32>
        %exp3A = math.exp %neg3A_325 : vector<16xf32>
        %add3A_326 = arith.constant 1.000000e+00 : f32
        %add3A_327 = vector.broadcast %add3A_326 : f32 to vector<16xf32>
        %add3A_328 = arith.addf %add3A_327, %exp3A : vector<16xf32>
        %div3A = arith.constant 1.000000e+00 : f32
        %div3A_329 = vector.broadcast %div3A : f32 to vector<16xf32>
        %div3A_330 = arith.divf %div3A_329, %add3A_328 : vector<16xf32>
        %abs3A = math.absf %add3A_323 : vector<16xf32>
        %neg3A_331 = arith.constant 0.000000e+00 : f32
        %neg3A_332 = vector.broadcast %neg3A_331 : f32 to vector<16xf32>
        %neg3A_333 = arith.subf %neg3A_332, %abs3A : vector<16xf32>
        %exp3A_334 = math.exp %neg3A_333 : vector<16xf32>
        %add3A_335 = arith.constant 2.000000e+00 : f32
        %add3A_336 = vector.broadcast %add3A_335 : f32 to vector<16xf32>
        %add3A_337 = arith.addf %exp3A_334, %add3A_336 : vector<16xf32>
        %div3A_338 = arith.divf %exp3A_334, %add3A_337 : vector<16xf32>
        %mul3A_339 = arith.mulf %div3A_338, %div3A_338 : vector<16xf32>
        %mul3A_340 = arith.constant 0.0769230798 : f32
        %mul3A_341 = vector.broadcast %mul3A_340 : f32 to vector<16xf32>
        %mul3A_342 = arith.mulf %mul3A_339, %mul3A_341 : vector<16xf32>
        %add3A_343 = arith.constant 0.0909090936 : f32
        %add3A_344 = vector.broadcast %add3A_343 : f32 to vector<16xf32>
        %add3A_345 = arith.addf %mul3A_342, %add3A_344 : vector<16xf32>
        %mul3A_346 = arith.mulf %add3A_345, %mul3A_339 : vector<16xf32>
        %add3A_347 = arith.constant 0.111111112 : f32
        %add3A_348 = vector.broadcast %add3A_347 : f32 to vector<16xf32>
        %add3A_349 = arith.addf %mul3A_346, %add3A_348 : vector<16xf32>
        %mul3A_350 = arith.mulf %add3A_349, %mul3A_339 : vector<16xf32>
        %add3A_351 = arith.constant 0.142857149 : f32
        %add3A_352 = vector.broadcast %add3A_351 : f32 to vector<16xf32>
        %add3A_353 = arith.addf %mul3A_350, %add3A_352 : vector<16xf32>
        %mul3A_354 = arith.mulf %add3A_353, %mul3A_339 : vector<16xf32>
        %add3A_355 = arith.constant 2.000000e-01 : f32
        %add3A_356 = vector.broadcast %add3A_355 : f32 to vector<16xf32>
        %add3A_357 = arith.addf %mul3A_354, %add3A_356 : vector<16xf32>
        %mul3A_358 = arith.mulf %add3A_357, %mul3A_339 : vector<16xf32>
        %add3A_359 = arith.constant 0.333333343 : f32
        %add3A_360 = vector.broadcast %add3A_359 : f32 to vector<16xf32>
        %add3A_361 = arith.addf %mul3A_358, %add3A_360 : vector<16xf32>
        %mul3A_362 = arith.mulf %add3A_361, %mul3A_339 : vector<16xf32>
        %add3A_363 = arith.constant 1.000000e+00 : f32
        %add3A_364 = vector.broadcast %add3A_363 : f32 to vector<16xf32>
        %add3A_365 = arith.addf %mul3A_362, %add3A_364 : vector<16xf32>
        %max3A = arith.constant 0.000000e+00 : f32
        %max3A_366 = vector.broadcast %max3A : f32 to vector<16xf32>
        %max3A_367 = arith.maximumf %add3A_323, %max3A_366 : vector<16xf32>
        %mul3A_368 = arith.constant 2.000000e+00 : f32
        %mul3A_369 = vector.broadcast %mul3A_368 : f32 to vector<16xf32>
        %mul3A_370 = arith.mulf %mul3A_369, %div3A_338 : vector<16xf32>
        %mul3A_371 = arith.mulf %mul3A_370, %add3A_365 : vector<16xf32>
        %add3A_372 = arith.addf %max3A_367, %mul3A_371 : vector<16xf32>
        %mul3A_373 = arith.mulf %div3A_330, %add3A_372 : vector<16xf32>
        %swap3A = arith.index_cast %mul3A_241 : i32 to index
        %swap3A_374 = arith.constant 0 : index
        %swap3A_375 = tpu.vector_load %arg22[%swap3A, %swap3A_374] {strides = array<i32>} : memref<80x16xf32, #tpu.memory_space<vmem>>, vector<1x16xf32>,
        %swap3A_376 = vector.shape_cast %swap3A_375 : vector<1x16xf32> to vector<16xf32>
        %swap3A_377 = vector.shape_cast %mul3A_373 : vector<16xf32> to vector<1x16xf32>
        tpu.vector_store %arg22[%swap3A, %swap3A_374], %swap3A_377 {strides = array<i32>} : memref<80x16xf32, #tpu.memory_space<vmem>>, vector<1x16xf32>,
        %mul3A_378 = arith.constant 2 : i32
        %mul3A_379 = arith.muli %mul3A_378, %scan3A_234 : i32
        %add3A_380 = arith.constant 1 : i32
        %add3A_381 = arith.addi %mul3A_379, %add3A_380 : i32
        %slice3A_382 = vector.extract_strided_slice %get3A_239 {offsets = [8], sizes = [1], strides = [1]} : vector<16xf32> to vector<1xf32>
        %squeeze3A_383 = vector.extract %slice3A_382[0] : f32 from vector<1xf32>
        %mul3A_384 = vector.broadcast %squeeze3A_383 : f32 to vector<16xf32>
        %mul3A_385 = arith.mulf %mul3A_384, %get3A_12 : vector<16xf32>
        %add3A_386 = arith.addf %get3A_92, %mul3A_385 : vector<16xf32>
        %mul3A_387 = vector.broadcast %squeeze3A_383 : f32 to vector<16xf32>
        %mul3A_388 = arith.mulf %mul3A_387, %get3A_52 : vector<16xf32>
        %add3A_389 = arith.addf %get3A_97, %mul3A_388 : vector<16xf32>
        %slice3A_390 = vector.extract_strided_slice %get3A_239 {offsets = [9], sizes = [1], strides = [1]} : vector<16xf32> to vector<1xf32>
        %squeeze3A_391 = vector.extract %slice3A_390[0] : f32 from vector<1xf32>
        %mul3A_392 = vector.broadcast %squeeze3A_391 : f32 to vector<16xf32>
        %mul3A_393 = arith.mulf %mul3A_392, %get3A_17 : vector<16xf32>
        %add3A_394 = arith.addf %add3A_386, %mul3A_393 : vector<16xf32>
        %mul3A_395 = vector.broadcast %squeeze3A_391 : f32 to vector<16xf32>
        %mul3A_396 = arith.mulf %mul3A_395, %get3A_57 : vector<16xf32>
        %add3A_397 = arith.addf %add3A_389, %mul3A_396 : vector<16xf32>
        %slice3A_398 = vector.extract_strided_slice %get3A_239 {offsets = [10], sizes = [1], strides = [1]} : vector<16xf32> to vector<1xf32>
        %squeeze3A_399 = vector.extract %slice3A_398[0] : f32 from vector<1xf32>
        %mul3A_400 = vector.broadcast %squeeze3A_399 : f32 to vector<16xf32>
        %mul3A_401 = arith.mulf %mul3A_400, %get3A_22 : vector<16xf32>
        %add3A_402 = arith.addf %add3A_394, %mul3A_401 : vector<16xf32>
        %mul3A_403 = vector.broadcast %squeeze3A_399 : f32 to vector<16xf32>
        %mul3A_404 = arith.mulf %mul3A_403, %get3A_62 : vector<16xf32>
        %add3A_405 = arith.addf %add3A_397, %mul3A_404 : vector<16xf32>
        %slice3A_406 = vector.extract_strided_slice %get3A_239 {offsets = [11], sizes = [1], strides = [1]} : vector<16xf32> to vector<1xf32>
        %squeeze3A_407 = vector.extract %slice3A_406[0] : f32 from vector<1xf32>
        %mul3A_408 = vector.broadcast %squeeze3A_407 : f32 to vector<16xf32>
        %mul3A_409 = arith.mulf %mul3A_408, %get3A_27 : vector<16xf32>
        %add3A_410 = arith.addf %add3A_402, %mul3A_409 : vector<16xf32>
        %mul3A_411 = vector.broadcast %squeeze3A_407 : f32 to vector<16xf32>
        %mul3A_412 = arith.mulf %mul3A_411, %get3A_67 : vector<16xf32>
        %add3A_413 = arith.addf %add3A_405, %mul3A_412 : vector<16xf32>
        %slice3A_414 = vector.extract_strided_slice %get3A_239 {offsets = [12], sizes = [1], strides = [1]} : vector<16xf32> to vector<1xf32>
        %squeeze3A_415 = vector.extract %slice3A_414[0] : f32 from vector<1xf32>
        %mul3A_416 = vector.broadcast %squeeze3A_415 : f32 to vector<16xf32>
        %mul3A_417 = arith.mulf %mul3A_416, %get3A_32 : vector<16xf32>
        %add3A_418 = arith.addf %add3A_410, %mul3A_417 : vector<16xf32>
        %mul3A_419 = vector.broadcast %squeeze3A_415 : f32 to vector<16xf32>
        %mul3A_420 = arith.mulf %mul3A_419, %get3A_72 : vector<16xf32>
        %add3A_421 = arith.addf %add3A_413, %mul3A_420 : vector<16xf32>
        %slice3A_422 = vector.extract_strided_slice %get3A_239 {offsets = [13], sizes = [1], strides = [1]} : vector<16xf32> to vector<1xf32>
        %squeeze3A_423 = vector.extract %slice3A_422[0] : f32 from vector<1xf32>
        %mul3A_424 = vector.broadcast %squeeze3A_423 : f32 to vector<16xf32>
        %mul3A_425 = arith.mulf %mul3A_424, %get3A_37 : vector<16xf32>
        %add3A_426 = arith.addf %add3A_418, %mul3A_425 : vector<16xf32>
        %mul3A_427 = vector.broadcast %squeeze3A_423 : f32 to vector<16xf32>
        %mul3A_428 = arith.mulf %mul3A_427, %get3A_77 : vector<16xf32>
        %add3A_429 = arith.addf %add3A_421, %mul3A_428 : vector<16xf32>
        %slice3A_430 = vector.extract_strided_slice %get3A_239 {offsets = [14], sizes = [1], strides = [1]} : vector<16xf32> to vector<1xf32>
        %squeeze3A_431 = vector.extract %slice3A_430[0] : f32 from vector<1xf32>
        %mul3A_432 = vector.broadcast %squeeze3A_431 : f32 to vector<16xf32>
        %mul3A_433 = arith.mulf %mul3A_432, %get3A_42 : vector<16xf32>
        %add3A_434 = arith.addf %add3A_426, %mul3A_433 : vector<16xf32>
        %mul3A_435 = vector.broadcast %squeeze3A_431 : f32 to vector<16xf32>
        %mul3A_436 = arith.mulf %mul3A_435, %get3A_82 : vector<16xf32>
        %add3A_437 = arith.addf %add3A_429, %mul3A_436 : vector<16xf32>
        %slice3A_438 = vector.extract_strided_slice %get3A_239 {offsets = [15], sizes = [1], strides = [1]} : vector<16xf32> to vector<1xf32>
        %squeeze3A_439 = vector.extract %slice3A_438[0] : f32 from vector<1xf32>
        %mul3A_440 = vector.broadcast %squeeze3A_439 : f32 to vector<16xf32>
        %mul3A_441 = arith.mulf %mul3A_440, %get3A_47 : vector<16xf32>
        %add3A_442 = arith.addf %add3A_434, %mul3A_441 : vector<16xf32>
        %mul3A_443 = vector.broadcast %squeeze3A_439 : f32 to vector<16xf32>
        %mul3A_444 = arith.mulf %mul3A_443, %get3A_87 : vector<16xf32>
        %add3A_445 = arith.addf %add3A_437, %mul3A_444 : vector<16xf32>
        %get3A_446 = arith.index_cast %add3A_381 : i32 to index
        %get3A_447 = arith.constant 0 : index
        %get3A_448 = tpu.vector_load %arg20[%get3A_446, %get3A_447] {strides = array<i32>} : memref<80x32xf32, #tpu.memory_space<vmem>>, vector<1x16xf32>,
        %get3A_449 = vector.shape_cast %get3A_448 : vector<1x16xf32> to vector<16xf32>
        %add3A_450 = arith.addf %add3A_442, %get3A_449 : vector<16xf32>
        %get3A_451 = arith.index_cast %add3A_381 : i32 to index
        %get3A_452 = arith.constant 0 : index
        %get3A_453 = tpu.vector_load %arg21[%get3A_451, %get3A_452] {strides = array<i32>} : memref<80x32xf32, #tpu.memory_space<vmem>>, vector<1x16xf32>,
        %get3A_454 = vector.shape_cast %get3A_453 : vector<1x16xf32> to vector<16xf32>
        %add3A_455 = arith.addf %add3A_450, %get3A_454 : vector<16xf32>
        %get3A_456 = arith.index_cast %add3A_381 : i32 to index
        %get3A_457 = arith.constant 16 : index
        %get3A_458 = tpu.vector_load %arg20[%get3A_456, %get3A_457] {strides = array<i32>} : memref<80x32xf32, #tpu.memory_space<vmem>>, vector<1x16xf32>,
        %get3A_459 = vector.shape_cast %get3A_458 : vector<1x16xf32> to vector<16xf32>
        %add3A_460 = arith.addf %add3A_445, %get3A_459 : vector<16xf32>
        %get3A_461 = arith.index_cast %add3A_381 : i32 to index
        %get3A_462 = arith.constant 16 : index
        %get3A_463 = tpu.vector_load %arg21[%get3A_461, %get3A_462] {strides = array<i32>} : memref<80x32xf32, #tpu.memory_space<vmem>>, vector<1x16xf32>,
        %get3A_464 = vector.shape_cast %get3A_463 : vector<1x16xf32> to vector<16xf32>
        %add3A_465 = arith.addf %add3A_460, %get3A_464 : vector<16xf32>
        %neg3A_466 = arith.constant 0.000000e+00 : f32
        %neg3A_467 = vector.broadcast %neg3A_466 : f32 to vector<16xf32>
        %neg3A_468 = arith.subf %neg3A_467, %add3A_455 : vector<16xf32>
        %exp3A_469 = math.exp %neg3A_468 : vector<16xf32>
        %add3A_470 = arith.constant 1.000000e+00 : f32
        %add3A_471 = vector.broadcast %add3A_470 : f32 to vector<16xf32>
        %add3A_472 = arith.addf %add3A_471, %exp3A_469 : vector<16xf32>
        %div3A_473 = arith.constant 1.000000e+00 : f32
        %div3A_474 = vector.broadcast %div3A_473 : f32 to vector<16xf32>
        %div3A_475 = arith.divf %div3A_474, %add3A_472 : vector<16xf32>
        %abs3A_476 = math.absf %add3A_465 : vector<16xf32>
        %neg3A_477 = arith.constant 0.000000e+00 : f32
        %neg3A_478 = vector.broadcast %neg3A_477 : f32 to vector<16xf32>
        %neg3A_479 = arith.subf %neg3A_478, %abs3A_476 : vector<16xf32>
        %exp3A_480 = math.exp %neg3A_479 : vector<16xf32>
        %add3A_481 = arith.constant 2.000000e+00 : f32
        %add3A_482 = vector.broadcast %add3A_481 : f32 to vector<16xf32>
        %add3A_483 = arith.addf %exp3A_480, %add3A_482 : vector<16xf32>
        %div3A_484 = arith.divf %exp3A_480, %add3A_483 : vector<16xf32>
        %mul3A_485 = arith.mulf %div3A_484, %div3A_484 : vector<16xf32>
        %mul3A_486 = arith.constant 0.0769230798 : f32
        %mul3A_487 = vector.broadcast %mul3A_486 : f32 to vector<16xf32>
        %mul3A_488 = arith.mulf %mul3A_485, %mul3A_487 : vector<16xf32>
        %add3A_489 = arith.constant 0.0909090936 : f32
        %add3A_490 = vector.broadcast %add3A_489 : f32 to vector<16xf32>
        %add3A_491 = arith.addf %mul3A_488, %add3A_490 : vector<16xf32>
        %mul3A_492 = arith.mulf %add3A_491, %mul3A_485 : vector<16xf32>
        %add3A_493 = arith.constant 0.111111112 : f32
        %add3A_494 = vector.broadcast %add3A_493 : f32 to vector<16xf32>
        %add3A_495 = arith.addf %mul3A_492, %add3A_494 : vector<16xf32>
        %mul3A_496 = arith.mulf %add3A_495, %mul3A_485 : vector<16xf32>
        %add3A_497 = arith.constant 0.142857149 : f32
        %add3A_498 = vector.broadcast %add3A_497 : f32 to vector<16xf32>
        %add3A_499 = arith.addf %mul3A_496, %add3A_498 : vector<16xf32>
        %mul3A_500 = arith.mulf %add3A_499, %mul3A_485 : vector<16xf32>
        %add3A_501 = arith.constant 2.000000e-01 : f32
        %add3A_502 = vector.broadcast %add3A_501 : f32 to vector<16xf32>
        %add3A_503 = arith.addf %mul3A_500, %add3A_502 : vector<16xf32>
        %mul3A_504 = arith.mulf %add3A_503, %mul3A_485 : vector<16xf32>
        %add3A_505 = arith.constant 0.333333343 : f32
        %add3A_506 = vector.broadcast %add3A_505 : f32 to vector<16xf32>
        %add3A_507 = arith.addf %mul3A_504, %add3A_506 : vector<16xf32>
        %mul3A_508 = arith.mulf %add3A_507, %mul3A_485 : vector<16xf32>
        %add3A_509 = arith.constant 1.000000e+00 : f32
        %add3A_510 = vector.broadcast %add3A_509 : f32 to vector<16xf32>
        %add3A_511 = arith.addf %mul3A_508, %add3A_510 : vector<16xf32>
        %max3A_512 = arith.constant 0.000000e+00 : f32
        %max3A_513 = vector.broadcast %max3A_512 : f32 to vector<16xf32>
        %max3A_514 = arith.maximumf %add3A_465, %max3A_513 : vector<16xf32>
        %mul3A_515 = arith.constant 2.000000e+00 : f32
        %mul3A_516 = vector.broadcast %mul3A_515 : f32 to vector<16xf32>
        %mul3A_517 = arith.mulf %mul3A_516, %div3A_484 : vector<16xf32>
        %mul3A_518 = arith.mulf %mul3A_517, %add3A_511 : vector<16xf32>
        %add3A_519 = arith.addf %max3A_514, %mul3A_518 : vector<16xf32>
        %mul3A_520 = arith.mulf %div3A_475, %add3A_519 : vector<16xf32>
        %swap3A_521 = arith.index_cast %add3A_381 : i32 to index
        %swap3A_522 = arith.constant 0 : index
        %swap3A_523 = tpu.vector_load %arg22[%swap3A_521, %swap3A_522] {strides = array<i32>} : memref<80x16xf32, #tpu.memory_space<vmem>>, vector<1x16xf32>,
        %swap3A_524 = vector.shape_cast %swap3A_523 : vector<1x16xf32> to vector<16xf32>
        %swap3A_525 = vector.shape_cast %mul3A_520 : vector<16xf32> to vector<1x16xf32>
        tpu.vector_store %arg22[%swap3A_521, %swap3A_522], %swap3A_525 {strides = array<i32>} : memref<80x16xf32, #tpu.memory_space<vmem>>, vector<1x16xf32>,
      }
      %scan3A_226 = arith.constant 40 : i32
      "tpu.region"() ({
        %run_scoped3A = tpu.sem_alloc : memref<!tpu.dma_semaphore, #tpu.memory_space<semaphore_mem>>
        %dma_start3A_234 = arith.constant 0 : i32
        %dma_start3A_235 = arith.constant 0 : i32
        %dma_start3A_236 = tpu.memref_slice %arg10[%dma_start3A_234, %dma_start3A_235] : memref<100000x16xf32, #tpu.memory_space<vmem_shared>> -> memref<100000x16xf32, #tpu.memory_space<vmem_shared>>
        tpu.enqueue_indirect_dma source(%arg22 : memref<80x16xf32, #tpu.memory_space<vmem>>) target(%dma_start3A_236 : memref<100000x16xf32, #tpu.memory_space<vmem_shared>>) offsets(%arg17 : memref<80xi32, #tpu.memory_space<vmem>>) semaphore(%run_scoped3A : memref<!tpu.dma_semaphore, #tpu.memory_space<semaphore_mem>>) {add = true}
        %dma_wait3A_237 = arith.constant 0 : i32
        %dma_wait3A_238 = arith.constant 0 : i32
        %dma_wait3A_239 = tpu.memref_slice %arg10[%dma_wait3A_237, %dma_wait3A_238] : memref<100000x16xf32, #tpu.memory_space<vmem_shared>> -> memref<100000x16xf32, #tpu.memory_space<vmem_shared>>
        tpu.wait_indirect_dma semaphore(%run_scoped3A : memref<!tpu.dma_semaphore, #tpu.memory_space<semaphore_mem>>) src(%arg22 : memref<80x16xf32, #tpu.memory_space<vmem>>) dst(%dma_wait3A_239 : memref<100000x16xf32, #tpu.memory_space<vmem_shared>>)
        tpu.yield
      }) : () -> ()
      %add3A_227 = arith.constant 2 : i32
      %add3A_228 = arith.addi %add3A_199, %add3A_227 : i32
      %lt3A_229 = arith.constant 1250 : i32
      %lt3A_230 = arith.cmpi slt, %add3A_228, %lt3A_229 : i32
      %convert_element_type3A_231 = arith.extui %lt3A_230 : i1 to i32
      %cond3A_232 = arith.constant 0 : i32
      %cond3A_233 = arith.cmpi ne, %convert_element_type3A_231, %cond3A_232 : i32
      scf.if %cond3A_233 {
        %add3A_234 = arith.constant 2 : i32
        %add3A_235 = arith.addi %add3A_199, %add3A_234 : i32
        %mul3A_236 = arith.constant 80 : i32
        %mul3A_237 = arith.muli %add3A_235, %mul3A_236 : i32
        %add3A_238 = arith.addi %mul3A_0, %mul3A_237 : i32
        %dma_start3A_239 = tpu.memref_slice %arg4[%add3A_238] : memref<1600000xi32, #tpu.memory_space<hbm>> -> memref<80xi32, #tpu.memory_space<hbm>>
        %dma_start3A_240 = tpu.memref_slice %arg4[%add3A_238] : memref<1600000xi32, #tpu.memory_space<hbm>> -> memref<80xi32, #tpu.memory_space<hbm>>
        tpu.enqueue_dma source(%dma_start3A_240 : memref<80xi32, #tpu.memory_space<hbm>>) target(%arg17 : memref<80xi32, #tpu.memory_space<vmem>>) target_semaphore(%arg24 : memref<!tpu.dma_semaphore, #tpu.memory_space<semaphore_mem>>)
        %dma_start3A_241 = tpu.memref_slice %arg5[%add3A_238] : memref<1600000xi32, #tpu.memory_space<hbm>> -> memref<80xi32, #tpu.memory_space<hbm>>
        %dma_start3A_242 = tpu.memref_slice %arg5[%add3A_238] : memref<1600000xi32, #tpu.memory_space<hbm>> -> memref<80xi32, #tpu.memory_space<hbm>>
        tpu.enqueue_dma source(%dma_start3A_242 : memref<80xi32, #tpu.memory_space<hbm>>) target(%arg18 : memref<80xi32, #tpu.memory_space<vmem>>) target_semaphore(%arg24 : memref<!tpu.dma_semaphore, #tpu.memory_space<semaphore_mem>>)
        %mul3A_243 = arith.constant 8 : i32
        %mul3A_244 = arith.muli %add3A_238, %mul3A_243 : i32
        %dma_start3A_245 = tpu.memref_slice %arg6[%mul3A_244] : memref<12800000xf32, #tpu.memory_space<hbm>> -> memref<640xf32, #tpu.memory_space<hbm>>
        %dma_start3A_246 = tpu.memref_slice %arg6[%mul3A_244] : memref<12800000xf32, #tpu.memory_space<hbm>> -> memref<640xf32, #tpu.memory_space<hbm>>
        tpu.enqueue_dma source(%dma_start3A_246 : memref<640xf32, #tpu.memory_space<hbm>>) target(%arg19 : memref<640xf32, #tpu.memory_space<vmem>>) target_semaphore(%arg24 : memref<!tpu.dma_semaphore, #tpu.memory_space<semaphore_mem>>)
      } else {
      }
    }
    %scan3A_145 = arith.constant 625 : i32
    %barrier3A_146 = arith.constant 0 : index
    tpu.barrier barrier_id(%barrier3A_146)
    %lt3A_147 = arith.constant 15 : i32
    %lt3A_148 = arith.cmpi slt, %arg1, %lt3A_147 : i32
    %convert_element_type3A_149 = arith.extui %lt3A_148 : i1 to i32
    %cond3A_150 = arith.constant 0 : i32
    %cond3A_151 = arith.cmpi ne, %convert_element_type3A_149, %cond3A_150 : i32
    scf.if %cond3A_151 {
      "tpu.region"() ({
        %run_scoped3A = tpu.sem_alloc : memref<!tpu.dma_semaphore, #tpu.memory_space<semaphore_mem>>
        %dma_start3A_157 = arith.constant 0 : i32
        %dma_start3A_158 = tpu.memref_slice %arg9[%arg0, %mul3A_2, %dma_start3A_157] : memref<2x100000x16xf32, #tpu.memory_space<hbm>> -> memref<1x6256x16xf32, #tpu.memory_space<hbm>>
        %dma_start3A_159 = tpu.memref_squeeze %dma_start3A_158 : memref<1x6256x16xf32, #tpu.memory_space<hbm>> -> memref<6256x16xf32, #tpu.memory_space<hbm>>
        %dma_start3A_160 = arith.constant 0 : i32
        %dma_start3A_161 = tpu.memref_slice %arg10[%mul3A_2, %dma_start3A_160] : memref<100000x16xf32, #tpu.memory_space<vmem_shared>> -> memref<6256x16xf32, #tpu.memory_space<vmem_shared>>
        tpu.enqueue_dma source(%dma_start3A_161 : memref<6256x16xf32, #tpu.memory_space<vmem_shared>>) target(%dma_start3A_159 : memref<6256x16xf32, #tpu.memory_space<hbm>>) target_semaphore(%run_scoped3A : memref<!tpu.dma_semaphore, #tpu.memory_space<semaphore_mem>>)
        %dma_wait3A_162 = arith.constant 0 : i32
        %dma_wait3A_163 = tpu.memref_slice %arg9[%arg0, %mul3A_2, %dma_wait3A_162] : memref<2x100000x16xf32, #tpu.memory_space<hbm>> -> memref<1x6256x16xf32, #tpu.memory_space<hbm>>
        %dma_wait3A_164 = tpu.memref_squeeze %dma_wait3A_163 : memref<1x6256x16xf32, #tpu.memory_space<hbm>> -> memref<6256x16xf32, #tpu.memory_space<hbm>>
        %dma_wait3A_165 = arith.constant 0 : i32
        %dma_wait3A_166 = tpu.memref_slice %arg10[%mul3A_2, %dma_wait3A_165] : memref<100000x16xf32, #tpu.memory_space<vmem_shared>> -> memref<6256x16xf32, #tpu.memory_space<vmem_shared>>
        tpu.wait_dma2 semaphore(%run_scoped3A : memref<!tpu.dma_semaphore, #tpu.memory_space<semaphore_mem>>) src(%dma_wait3A_166 : memref<6256x16xf32, #tpu.memory_space<vmem_shared>>) dst(%dma_wait3A_164 : memref<6256x16xf32, #tpu.memory_space<hbm>>)
        tpu.yield
      }) : () -> ()
    } else {
    }
    %eq3A_152 = arith.constant 15 : i32
    %eq3A_153 = arith.cmpi eq, %arg1, %eq3A_152 : i32
    %convert_element_type3A_154 = arith.extui %eq3A_153 : i1 to i32
    %cond3A_155 = arith.constant 0 : i32
    %cond3A_156 = arith.cmpi ne, %convert_element_type3A_154, %cond3A_155 : i32
    scf.if %cond3A_156 {
      "tpu.region"() ({
        %run_scoped3A = tpu.sem_alloc : memref<!tpu.dma_semaphore, #tpu.memory_space<semaphore_mem>>
        %dma_start3A_157 = arith.constant 93840 : i32
        %dma_start3A_158 = arith.constant 0 : i32
        %dma_start3A_159 = tpu.memref_slice %arg9[%arg0, %dma_start3A_157, %dma_start3A_158] : memref<2x100000x16xf32, #tpu.memory_space<hbm>> -> memref<1x6160x16xf32, #tpu.memory_space<hbm>>
        %dma_start3A_160 = tpu.memref_squeeze %dma_start3A_159 : memref<1x6160x16xf32, #tpu.memory_space<hbm>> -> memref<6160x16xf32, #tpu.memory_space<hbm>>
        %dma_start3A_161 = arith.constant 93840 : i32
        %dma_start3A_162 = arith.constant 0 : i32
        %dma_start3A_163 = tpu.memref_slice %arg10[%dma_start3A_161, %dma_start3A_162] : memref<100000x16xf32, #tpu.memory_space<vmem_shared>> -> memref<6160x16xf32, #tpu.memory_space<vmem_shared>>
        tpu.enqueue_dma source(%dma_start3A_163 : memref<6160x16xf32, #tpu.memory_space<vmem_shared>>) target(%dma_start3A_160 : memref<6160x16xf32, #tpu.memory_space<hbm>>) target_semaphore(%run_scoped3A : memref<!tpu.dma_semaphore, #tpu.memory_space<semaphore_mem>>)
        %dma_wait3A_164 = arith.constant 93840 : i32
        %dma_wait3A_165 = arith.constant 0 : i32
        %dma_wait3A_166 = tpu.memref_slice %arg9[%arg0, %dma_wait3A_164, %dma_wait3A_165] : memref<2x100000x16xf32, #tpu.memory_space<hbm>> -> memref<1x6160x16xf32, #tpu.memory_space<hbm>>
        %dma_wait3A_167 = tpu.memref_squeeze %dma_wait3A_166 : memref<1x6160x16xf32, #tpu.memory_space<hbm>> -> memref<6160x16xf32, #tpu.memory_space<hbm>>
        %dma_wait3A_168 = arith.constant 93840 : i32
        %dma_wait3A_169 = arith.constant 0 : i32
        %dma_wait3A_170 = tpu.memref_slice %arg10[%dma_wait3A_168, %dma_wait3A_169] : memref<100000x16xf32, #tpu.memory_space<vmem_shared>> -> memref<6160x16xf32, #tpu.memory_space<vmem_shared>>
        tpu.wait_dma2 semaphore(%run_scoped3A : memref<!tpu.dma_semaphore, #tpu.memory_space<semaphore_mem>>) src(%dma_wait3A_170 : memref<6160x16xf32, #tpu.memory_space<vmem_shared>>) dst(%dma_wait3A_167 : memref<6160x16xf32, #tpu.memory_space<hbm>>)
        tpu.yield
      }) : () -> ()
    } else {
    }
    return
  }
}

#map = affine_map<(d0, d1) -> (0, 0, 0)>
#map1 = affine_map<(d0, d1) -> (0)>
#map2 = affine_map<(d0, d1) -> (0, 0)>
module attributes {stable_mosaic.version = 14 : i64} {
  func.func @_sc_edge(%arg0: i32, %arg1: i32, %arg2: memref<2x100000x32xf32, #tpu.memory_space<hbm>>, %arg3: memref<2x100000x32xf32, #tpu.memory_space<hbm>>, %arg4: memref<1600000xi32, #tpu.memory_space<hbm>>, %arg5: memref<1600000xi32, #tpu.memory_space<hbm>>, %arg6: memref<12800000xf32, #tpu.memory_space<hbm>>, %arg7: memref<2x9x32xf32, #tpu.memory_space<hbm>>, %arg8: memref<100000x16xf32, #tpu.memory_space<hbm>>, %arg9: memref<2x100000x16xf32, #tpu.memory_space<hbm>>, %arg10: memref<100000x16xf32, #tpu.memory_space<vmem_shared>>, %arg11: memref<9x32xf32, #tpu.memory_space<vmem>>, %arg12: memref<80xi32, #tpu.memory_space<vmem>>, %arg13: memref<80xi32, #tpu.memory_space<vmem>>, %arg14: memref<640xf32, #tpu.memory_space<vmem>>, %arg15: memref<80x32xf32, #tpu.memory_space<vmem>>, %arg16: memref<80x32xf32, #tpu.memory_space<vmem>>, %arg17: memref<80xi32, #tpu.memory_space<vmem>>, %arg18: memref<80xi32, #tpu.memory_space<vmem>>, %arg19: memref<640xf32, #tpu.memory_space<vmem>>, %arg20: memref<80x32xf32, #tpu.memory_space<vmem>>, %arg21: memref<80x32xf32, #tpu.memory_space<vmem>>, %arg22: memref<80x16xf32, #tpu.memory_space<vmem>>, %arg23: memref<!tpu.dma_semaphore, #tpu.memory_space<semaphore_mem>>, %arg24: memref<!tpu.dma_semaphore, #tpu.memory_space<semaphore_mem>>, %arg25: memref<!tpu.dma_semaphore, #tpu.memory_space<semaphore_mem>>, %arg26: memref<!tpu.dma_semaphore, #tpu.memory_space<semaphore_mem>>) attributes {dimension_semantics = [#tpu.dimension_semantics<core_parallel>, #tpu.dimension_semantics<subcore_parallel>], iteration_bounds = array<i64: 2, 16>, scalar_prefetch = 0 : i64, scratch_operands = 17 : i64, tpu.core_type = #tpu.core_type<sc_vector_subcore>, window_params = [{transform_indices = #map}, {transform_indices = #map}, {transform_indices = #map1}, {transform_indices = #map1}, {transform_indices = #map1}, {transform_indices = #map}, {transform_indices = #map2}, {transform_indices = #map}]} {
    %mul3A = arith.constant 100000 : i32
    %mul3A_0 = arith.muli %arg1, %mul3A : i32
    %mul3A_1 = arith.constant 6256 : i32
    %mul3A_2 = arith.muli %arg1, %mul3A_1 : i32
    %lt3A = arith.constant 15 : i32
    %lt3A_3 = arith.cmpi slt, %arg1, %lt3A : i32
    %convert_element_type3A = arith.extui %lt3A_3 : i1 to i32
    %cond3A = arith.constant 0 : i32
    %cond3A_4 = arith.cmpi ne, %convert_element_type3A, %cond3A : i32
    scf.if %cond3A_4 {
      "tpu.region"() ({
        %run_scoped3A = tpu.sem_alloc : memref<!tpu.dma_semaphore, #tpu.memory_space<semaphore_mem>>
        %dma_start3A_157 = arith.constant 0 : i32
        %dma_start3A_158 = tpu.memref_slice %arg10[%mul3A_2, %dma_start3A_157] : memref<100000x16xf32, #tpu.memory_space<vmem_shared>> -> memref<6256x16xf32, #tpu.memory_space<vmem_shared>>
        %dma_start3A_159 = arith.constant 0 : i32
        %dma_start3A_160 = tpu.memref_slice %arg8[%mul3A_2, %dma_start3A_159] : memref<100000x16xf32, #tpu.memory_space<hbm>> -> memref<6256x16xf32, #tpu.memory_space<hbm>>
        tpu.enqueue_dma source(%dma_start3A_160 : memref<6256x16xf32, #tpu.memory_space<hbm>>) target(%dma_start3A_158 : memref<6256x16xf32, #tpu.memory_space<vmem_shared>>) target_semaphore(%run_scoped3A : memref<!tpu.dma_semaphore, #tpu.memory_space<semaphore_mem>>)
        %dma_wait3A_161 = arith.constant 0 : i32
        %dma_wait3A_162 = tpu.memref_slice %arg10[%mul3A_2, %dma_wait3A_161] : memref<100000x16xf32, #tpu.memory_space<vmem_shared>> -> memref<6256x16xf32, #tpu.memory_space<vmem_shared>>
        %dma_wait3A_163 = arith.constant 0 : i32
        %dma_wait3A_164 = tpu.memref_slice %arg8[%mul3A_2, %dma_wait3A_163] : memref<100000x16xf32, #tpu.memory_space<hbm>> -> memref<6256x16xf32, #tpu.memory_space<hbm>>
        tpu.wait_dma2 semaphore(%run_scoped3A : memref<!tpu.dma_semaphore, #tpu.memory_space<semaphore_mem>>) src(%dma_wait3A_164 : memref<6256x16xf32, #tpu.memory_space<hbm>>) dst(%dma_wait3A_162 : memref<6256x16xf32, #tpu.memory_space<vmem_shared>>)
        tpu.yield
      }) : () -> ()
    } else {
    }
    %eq3A = arith.constant 15 : i32
    %eq3A_5 = arith.cmpi eq, %arg1, %eq3A : i32
    %convert_element_type3A_6 = arith.extui %eq3A_5 : i1 to i32
    %cond3A_7 = arith.constant 0 : i32
    %cond3A_8 = arith.cmpi ne, %convert_element_type3A_6, %cond3A_7 : i32
    scf.if %cond3A_8 {
      "tpu.region"() ({
        %run_scoped3A = tpu.sem_alloc : memref<!tpu.dma_semaphore, #tpu.memory_space<semaphore_mem>>
        %dma_start3A_157 = arith.constant 93840 : i32
        %dma_start3A_158 = arith.constant 0 : i32
        %dma_start3A_159 = tpu.memref_slice %arg10[%dma_start3A_157, %dma_start3A_158] : memref<100000x16xf32, #tpu.memory_space<vmem_shared>> -> memref<6160x16xf32, #tpu.memory_space<vmem_shared>>
        %dma_start3A_160 = arith.constant 93840 : i32
        %dma_start3A_161 = arith.constant 0 : i32
        %dma_start3A_162 = tpu.memref_slice %arg8[%dma_start3A_160, %dma_start3A_161] : memref<100000x16xf32, #tpu.memory_space<hbm>> -> memref<6160x16xf32, #tpu.memory_space<hbm>>
        tpu.enqueue_dma source(%dma_start3A_162 : memref<6160x16xf32, #tpu.memory_space<hbm>>) target(%dma_start3A_159 : memref<6160x16xf32, #tpu.memory_space<vmem_shared>>) target_semaphore(%run_scoped3A : memref<!tpu.dma_semaphore, #tpu.memory_space<semaphore_mem>>)
        %dma_wait3A_163 = arith.constant 93840 : i32
        %dma_wait3A_164 = arith.constant 0 : i32
        %dma_wait3A_165 = tpu.memref_slice %arg10[%dma_wait3A_163, %dma_wait3A_164] : memref<100000x16xf32, #tpu.memory_space<vmem_shared>> -> memref<6160x16xf32, #tpu.memory_space<vmem_shared>>
        %dma_wait3A_166 = arith.constant 93840 : i32
        %dma_wait3A_167 = arith.constant 0 : i32
        %dma_wait3A_168 = tpu.memref_slice %arg8[%dma_wait3A_166, %dma_wait3A_167] : memref<100000x16xf32, #tpu.memory_space<hbm>> -> memref<6160x16xf32, #tpu.memory_space<hbm>>
        tpu.wait_dma2 semaphore(%run_scoped3A : memref<!tpu.dma_semaphore, #tpu.memory_space<semaphore_mem>>) src(%dma_wait3A_168 : memref<6160x16xf32, #tpu.memory_space<hbm>>) dst(%dma_wait3A_165 : memref<6160x16xf32, #tpu.memory_space<vmem_shared>>)
        tpu.yield
      }) : () -> ()
    } else {
    }
    "tpu.region"() ({
      %run_scoped3A = tpu.sem_alloc : memref<!tpu.dma_semaphore, #tpu.memory_space<semaphore_mem>>
      %dma_start3A_157 = arith.constant 0 : i32
      %dma_start3A_158 = arith.constant 0 : i32
      %dma_start3A_159 = tpu.memref_slice %arg7[%arg0, %dma_start3A_157, %dma_start3A_158] : memref<2x9x32xf32, #tpu.memory_space<hbm>> -> memref<1x9x32xf32, #tpu.memory_space<hbm>>
      %dma_start3A_160 = tpu.memref_squeeze %dma_start3A_159 : memref<1x9x32xf32, #tpu.memory_space<hbm>> -> memref<9x32xf32, #tpu.memory_space<hbm>>
      %dma_start3A_161 = arith.constant 0 : i32
      %dma_start3A_162 = arith.constant 0 : i32
      %dma_start3A_163 = tpu.memref_slice %arg7[%arg0, %dma_start3A_161, %dma_start3A_162] : memref<2x9x32xf32, #tpu.memory_space<hbm>> -> memref<1x9x32xf32, #tpu.memory_space<hbm>>
      %dma_start3A_164 = tpu.memref_squeeze %dma_start3A_163 : memref<1x9x32xf32, #tpu.memory_space<hbm>> -> memref<9x32xf32, #tpu.memory_space<hbm>>
      tpu.enqueue_dma source(%dma_start3A_164 : memref<9x32xf32, #tpu.memory_space<hbm>>) target(%arg11 : memref<9x32xf32, #tpu.memory_space<vmem>>) target_semaphore(%run_scoped3A : memref<!tpu.dma_semaphore, #tpu.memory_space<semaphore_mem>>)
      %dma_wait3A_165 = arith.constant 0 : i32
      %dma_wait3A_166 = arith.constant 0 : i32
      %dma_wait3A_167 = tpu.memref_slice %arg7[%arg0, %dma_wait3A_165, %dma_wait3A_166] : memref<2x9x32xf32, #tpu.memory_space<hbm>> -> memref<1x9x32xf32, #tpu.memory_space<hbm>>
      %dma_wait3A_168 = tpu.memref_squeeze %dma_wait3A_167 : memref<1x9x32xf32, #tpu.memory_space<hbm>> -> memref<9x32xf32, #tpu.memory_space<hbm>>
      %dma_wait3A_169 = arith.constant 0 : i32
      %dma_wait3A_170 = arith.constant 0 : i32
      %dma_wait3A_171 = tpu.memref_slice %arg7[%arg0, %dma_wait3A_169, %dma_wait3A_170] : memref<2x9x32xf32, #tpu.memory_space<hbm>> -> memref<1x9x32xf32, #tpu.memory_space<hbm>>
      %dma_wait3A_172 = tpu.memref_squeeze %dma_wait3A_171 : memref<1x9x32xf32, #tpu.memory_space<hbm>> -> memref<9x32xf32, #tpu.memory_space<hbm>>
      tpu.wait_dma2 semaphore(%run_scoped3A : memref<!tpu.dma_semaphore, #tpu.memory_space<semaphore_mem>>) src(%dma_wait3A_172 : memref<9x32xf32, #tpu.memory_space<hbm>>) dst(%arg11 : memref<9x32xf32, #tpu.memory_space<vmem>>)
      tpu.yield
    }) : () -> ()
    %barrier3A = arith.constant 0 : index
    tpu.barrier barrier_id(%barrier3A)
    %get3A = arith.constant 0 : i32
    %get3A_9 = arith.index_cast %get3A : i32 to index
    %get3A_10 = arith.constant 0 : index
    %get3A_11 = tpu.vector_load %arg11[%get3A_9, %get3A_10] {strides = array<i32>} : memref<9x32xf32, #tpu.memory_space<vmem>>, vector<1x16xf32>,
    %get3A_12 = vector.shape_cast %get3A_11 : vector<1x16xf32> to vector<16xf32>
    %get3A_13 = arith.constant 1 : i32
    %get3A_14 = arith.index_cast %get3A_13 : i32 to index
    %get3A_15 = arith.constant 0 : index
    %get3A_16 = tpu.vector_load %arg11[%get3A_14, %get3A_15] {strides = array<i32>} : memref<9x32xf32, #tpu.memory_space<vmem>>, vector<1x16xf32>,
    %get3A_17 = vector.shape_cast %get3A_16 : vector<1x16xf32> to vector<16xf32>
    %get3A_18 = arith.constant 2 : i32
    %get3A_19 = arith.index_cast %get3A_18 : i32 to index
    %get3A_20 = arith.constant 0 : index
    %get3A_21 = tpu.vector_load %arg11[%get3A_19, %get3A_20] {strides = array<i32>} : memref<9x32xf32, #tpu.memory_space<vmem>>, vector<1x16xf32>,
    %get3A_22 = vector.shape_cast %get3A_21 : vector<1x16xf32> to vector<16xf32>
    %get3A_23 = arith.constant 3 : i32
    %get3A_24 = arith.index_cast %get3A_23 : i32 to index
    %get3A_25 = arith.constant 0 : index
    %get3A_26 = tpu.vector_load %arg11[%get3A_24, %get3A_25] {strides = array<i32>} : memref<9x32xf32, #tpu.memory_space<vmem>>, vector<1x16xf32>,
    %get3A_27 = vector.shape_cast %get3A_26 : vector<1x16xf32> to vector<16xf32>
    %get3A_28 = arith.constant 4 : i32
    %get3A_29 = arith.index_cast %get3A_28 : i32 to index
    %get3A_30 = arith.constant 0 : index
    %get3A_31 = tpu.vector_load %arg11[%get3A_29, %get3A_30] {strides = array<i32>} : memref<9x32xf32, #tpu.memory_space<vmem>>, vector<1x16xf32>,
    %get3A_32 = vector.shape_cast %get3A_31 : vector<1x16xf32> to vector<16xf32>
    %get3A_33 = arith.constant 5 : i32
    %get3A_34 = arith.index_cast %get3A_33 : i32 to index
    %get3A_35 = arith.constant 0 : index
    %get3A_36 = tpu.vector_load %arg11[%get3A_34, %get3A_35] {strides = array<i32>} : memref<9x32xf32, #tpu.memory_space<vmem>>, vector<1x16xf32>,
    %get3A_37 = vector.shape_cast %get3A_36 : vector<1x16xf32> to vector<16xf32>
    %get3A_38 = arith.constant 6 : i32
    %get3A_39 = arith.index_cast %get3A_38 : i32 to index
    %get3A_40 = arith.constant 0 : index
    %get3A_41 = tpu.vector_load %arg11[%get3A_39, %get3A_40] {strides = array<i32>} : memref<9x32xf32, #tpu.memory_space<vmem>>, vector<1x16xf32>,
    %get3A_42 = vector.shape_cast %get3A_41 : vector<1x16xf32> to vector<16xf32>
    %get3A_43 = arith.constant 7 : i32
    %get3A_44 = arith.index_cast %get3A_43 : i32 to index
    %get3A_45 = arith.constant 0 : index
    %get3A_46 = tpu.vector_load %arg11[%get3A_44, %get3A_45] {strides = array<i32>} : memref<9x32xf32, #tpu.memory_space<vmem>>, vector<1x16xf32>,
    %get3A_47 = vector.shape_cast %get3A_46 : vector<1x16xf32> to vector<16xf32>
    %get3A_48 = arith.constant 0 : i32
    %get3A_49 = arith.index_cast %get3A_48 : i32 to index
    %get3A_50 = arith.constant 16 : index
    %get3A_51 = tpu.vector_load %arg11[%get3A_49, %get3A_50] {strides = array<i32>} : memref<9x32xf32, #tpu.memory_space<vmem>>, vector<1x16xf32>,
    %get3A_52 = vector.shape_cast %get3A_51 : vector<1x16xf32> to vector<16xf32>
    %get3A_53 = arith.constant 1 : i32
    %get3A_54 = arith.index_cast %get3A_53 : i32 to index
    %get3A_55 = arith.constant 16 : index
    %get3A_56 = tpu.vector_load %arg11[%get3A_54, %get3A_55] {strides = array<i32>} : memref<9x32xf32, #tpu.memory_space<vmem>>, vector<1x16xf32>,
    %get3A_57 = vector.shape_cast %get3A_56 : vector<1x16xf32> to vector<16xf32>
    %get3A_58 = arith.constant 2 : i32
    %get3A_59 = arith.index_cast %get3A_58 : i32 to index
    %get3A_60 = arith.constant 16 : index
    %get3A_61 = tpu.vector_load %arg11[%get3A_59, %get3A_60] {strides = array<i32>} : memref<9x32xf32, #tpu.memory_space<vmem>>, vector<1x16xf32>,
    %get3A_62 = vector.shape_cast %get3A_61 : vector<1x16xf32> to vector<16xf32>
    %get3A_63 = arith.constant 3 : i32
    %get3A_64 = arith.index_cast %get3A_63 : i32 to index
    %get3A_65 = arith.constant 16 : index
    %get3A_66 = tpu.vector_load %arg11[%get3A_64, %get3A_65] {strides = array<i32>} : memref<9x32xf32, #tpu.memory_space<vmem>>, vector<1x16xf32>,
    %get3A_67 = vector.shape_cast %get3A_66 : vector<1x16xf32> to vector<16xf32>
    %get3A_68 = arith.constant 4 : i32
    %get3A_69 = arith.index_cast %get3A_68 : i32 to index
    %get3A_70 = arith.constant 16 : index
    %get3A_71 = tpu.vector_load %arg11[%get3A_69, %get3A_70] {strides = array<i32>} : memref<9x32xf32, #tpu.memory_space<vmem>>, vector<1x16xf32>,
    %get3A_72 = vector.shape_cast %get3A_71 : vector<1x16xf32> to vector<16xf32>
    %get3A_73 = arith.constant 5 : i32
    %get3A_74 = arith.index_cast %get3A_73 : i32 to index
    %get3A_75 = arith.constant 16 : index
    %get3A_76 = tpu.vector_load %arg11[%get3A_74, %get3A_75] {strides = array<i32>} : memref<9x32xf32, #tpu.memory_space<vmem>>, vector<1x16xf32>,
    %get3A_77 = vector.shape_cast %get3A_76 : vector<1x16xf32> to vector<16xf32>
    %get3A_78 = arith.constant 6 : i32
    %get3A_79 = arith.index_cast %get3A_78 : i32 to index
    %get3A_80 = arith.constant 16 : index
    %get3A_81 = tpu.vector_load %arg11[%get3A_79, %get3A_80] {strides = array<i32>} : memref<9x32xf32, #tpu.memory_space<vmem>>, vector<1x16xf32>,
    %get3A_82 = vector.shape_cast %get3A_81 : vector<1x16xf32> to vector<16xf32>
    %get3A_83 = arith.constant 7 : i32
    %get3A_84 = arith.index_cast %get3A_83 : i32 to index
    %get3A_85 = arith.constant 16 : index
    %get3A_86 = tpu.vector_load %arg11[%get3A_84, %get3A_85] {strides = array<i32>} : memref<9x32xf32, #tpu.memory_space<vmem>>, vector<1x16xf32>,
    %get3A_87 = vector.shape_cast %get3A_86 : vector<1x16xf32> to vector<16xf32>
    %get3A_88 = arith.constant 8 : i32
    %get3A_89 = arith.index_cast %get3A_88 : i32 to index
    %get3A_90 = arith.constant 0 : index
    %get3A_91 = tpu.vector_load %arg11[%get3A_89, %get3A_90] {strides = array<i32>} : memref<9x32xf32, #tpu.memory_space<vmem>>, vector<1x16xf32>,
    %get3A_92 = vector.shape_cast %get3A_91 : vector<1x16xf32> to vector<16xf32>
    %get3A_93 = arith.constant 8 : i32
    %get3A_94 = arith.index_cast %get3A_93 : i32 to index
    %get3A_95 = arith.constant 16 : index
    %get3A_96 = tpu.vector_load %arg11[%get3A_94, %get3A_95] {strides = array<i32>} : memref<9x32xf32, #tpu.memory_space<vmem>>, vector<1x16xf32>,
    %get3A_97 = vector.shape_cast %get3A_96 : vector<1x16xf32> to vector<16xf32>
    %add3A = arith.constant 0 : i32
    %add3A_98 = arith.addi %mul3A_0, %add3A : i32
    %dma_start3A = tpu.memref_slice %arg4[%add3A_98] : memref<1600000xi32, #tpu.memory_space<hbm>> -> memref<80xi32, #tpu.memory_space<hbm>>
    %dma_start3A_99 = tpu.memref_slice %arg4[%add3A_98] : memref<1600000xi32, #tpu.memory_space<hbm>> -> memref<80xi32, #tpu.memory_space<hbm>>
    tpu.enqueue_dma source(%dma_start3A_99 : memref<80xi32, #tpu.memory_space<hbm>>) target(%arg12 : memref<80xi32, #tpu.memory_space<vmem>>) target_semaphore(%arg23 : memref<!tpu.dma_semaphore, #tpu.memory_space<semaphore_mem>>)
    %dma_start3A_100 = tpu.memref_slice %arg5[%add3A_98] : memref<1600000xi32, #tpu.memory_space<hbm>> -> memref<80xi32, #tpu.memory_space<hbm>>
    %dma_start3A_101 = tpu.memref_slice %arg5[%add3A_98] : memref<1600000xi32, #tpu.memory_space<hbm>> -> memref<80xi32, #tpu.memory_space<hbm>>
    tpu.enqueue_dma source(%dma_start3A_101 : memref<80xi32, #tpu.memory_space<hbm>>) target(%arg13 : memref<80xi32, #tpu.memory_space<vmem>>) target_semaphore(%arg23 : memref<!tpu.dma_semaphore, #tpu.memory_space<semaphore_mem>>)
    %mul3A_102 = arith.constant 8 : i32
    %mul3A_103 = arith.muli %add3A_98, %mul3A_102 : i32
    %dma_start3A_104 = tpu.memref_slice %arg6[%mul3A_103] : memref<12800000xf32, #tpu.memory_space<hbm>> -> memref<640xf32, #tpu.memory_space<hbm>>
    %dma_start3A_105 = tpu.memref_slice %arg6[%mul3A_103] : memref<12800000xf32, #tpu.memory_space<hbm>> -> memref<640xf32, #tpu.memory_space<hbm>>
    tpu.enqueue_dma source(%dma_start3A_105 : memref<640xf32, #tpu.memory_space<hbm>>) target(%arg14 : memref<640xf32, #tpu.memory_space<vmem>>) target_semaphore(%arg23 : memref<!tpu.dma_semaphore, #tpu.memory_space<semaphore_mem>>)
    %dma_wait3A = arith.constant 0 : i32
    %dma_wait3A_106 = tpu.memref_slice %arg4[%dma_wait3A] : memref<1600000xi32, #tpu.memory_space<hbm>> -> memref<80xi32, #tpu.memory_space<hbm>>
    %dma_wait3A_107 = arith.constant 0 : i32
    %dma_wait3A_108 = tpu.memref_slice %arg4[%dma_wait3A_107] : memref<1600000xi32, #tpu.memory_space<hbm>> -> memref<80xi32, #tpu.memory_space<hbm>>
    tpu.wait_dma2 semaphore(%arg23 : memref<!tpu.dma_semaphore, #tpu.memory_space<semaphore_mem>>) src(%dma_wait3A_108 : memref<80xi32, #tpu.memory_space<hbm>>) dst(%arg12 : memref<80xi32, #tpu.memory_space<vmem>>)
    %dma_wait3A_109 = arith.constant 0 : i32
    %dma_wait3A_110 = tpu.memref_slice %arg5[%dma_wait3A_109] : memref<1600000xi32, #tpu.memory_space<hbm>> -> memref<80xi32, #tpu.memory_space<hbm>>
    %dma_wait3A_111 = arith.constant 0 : i32
    %dma_wait3A_112 = tpu.memref_slice %arg5[%dma_wait3A_111] : memref<1600000xi32, #tpu.memory_space<hbm>> -> memref<80xi32, #tpu.memory_space<hbm>>
    tpu.wait_dma2 semaphore(%arg23 : memref<!tpu.dma_semaphore, #tpu.memory_space<semaphore_mem>>) src(%dma_wait3A_112 : memref<80xi32, #tpu.memory_space<hbm>>) dst(%arg13 : memref<80xi32, #tpu.memory_space<vmem>>)
    %dma_wait3A_113 = arith.constant 0 : i32
    %dma_wait3A_114 = tpu.memref_slice %arg6[%dma_wait3A_113] : memref<12800000xf32, #tpu.memory_space<hbm>> -> memref<640xf32, #tpu.memory_space<hbm>>
    %dma_wait3A_115 = arith.constant 0 : i32
    %dma_wait3A_116 = tpu.memref_slice %arg6[%dma_wait3A_115] : memref<12800000xf32, #tpu.memory_space<hbm>> -> memref<640xf32, #tpu.memory_space<hbm>>
    tpu.wait_dma2 semaphore(%arg23 : memref<!tpu.dma_semaphore, #tpu.memory_space<semaphore_mem>>) src(%dma_wait3A_116 : memref<640xf32, #tpu.memory_space<hbm>>) dst(%arg14 : memref<640xf32, #tpu.memory_space<vmem>>)
    %dma_start3A_117 = arith.constant 0 : i32
    %dma_start3A_118 = arith.constant 0 : i32
    %dma_start3A_119 = tpu.memref_slice %arg2[%arg0, %dma_start3A_117, %dma_start3A_118] : memref<2x100000x32xf32, #tpu.memory_space<hbm>> -> memref<1x100000x32xf32, #tpu.memory_space<hbm>>
    %dma_start3A_120 = tpu.memref_squeeze %dma_start3A_119 : memref<1x100000x32xf32, #tpu.memory_space<hbm>> -> memref<100000x32xf32, #tpu.memory_space<hbm>>
    %dma_start3A_121 = arith.constant 0 : i32
    %dma_start3A_122 = arith.constant 0 : i32
    %dma_start3A_123 = tpu.memref_slice %dma_start3A_120[%dma_start3A_121, %dma_start3A_122] : memref<100000x32xf32, #tpu.memory_space<hbm>> -> memref<100000x32xf32, #tpu.memory_space<hbm>>
    tpu.enqueue_indirect_dma source(%dma_start3A_123 : memref<100000x32xf32, #tpu.memory_space<hbm>>) target(%arg15 : memref<80x32xf32, #tpu.memory_space<vmem>>) offsets(%arg12 : memref<80xi32, #tpu.memory_space<vmem>>) semaphore(%arg25 : memref<!tpu.dma_semaphore, #tpu.memory_space<semaphore_mem>>)
    %dma_start3A_124 = arith.constant 0 : i32
    %dma_start3A_125 = arith.constant 0 : i32
    %dma_start3A_126 = tpu.memref_slice %arg3[%arg0, %dma_start3A_124, %dma_start3A_125] : memref<2x100000x32xf32, #tpu.memory_space<hbm>> -> memref<1x100000x32xf32, #tpu.memory_space<hbm>>
    %dma_start3A_127 = tpu.memref_squeeze %dma_start3A_126 : memref<1x100000x32xf32, #tpu.memory_space<hbm>> -> memref<100000x32xf32, #tpu.memory_space<hbm>>
    %dma_start3A_128 = arith.constant 0 : i32
    %dma_start3A_129 = arith.constant 0 : i32
    %dma_start3A_130 = tpu.memref_slice %dma_start3A_127[%dma_start3A_128, %dma_start3A_129] : memref<100000x32xf32, #tpu.memory_space<hbm>> -> memref<100000x32xf32, #tpu.memory_space<hbm>>
    tpu.enqueue_indirect_dma source(%dma_start3A_130 : memref<100000x32xf32, #tpu.memory_space<hbm>>) target(%arg16 : memref<80x32xf32, #tpu.memory_space<vmem>>) offsets(%arg13 : memref<80xi32, #tpu.memory_space<vmem>>) semaphore(%arg25 : memref<!tpu.dma_semaphore, #tpu.memory_space<semaphore_mem>>)
    %add3A_131 = arith.constant 80 : i32
    %add3A_132 = arith.addi %mul3A_0, %add3A_131 : i32
    %dma_start3A_133 = tpu.memref_slice %arg4[%add3A_132] : memref<1600000xi32, #tpu.memory_space<hbm>> -> memref<80xi32, #tpu.memory_space<hbm>>
    %dma_start3A_134 = tpu.memref_slice %arg4[%add3A_132] : memref<1600000xi32, #tpu.memory_space<hbm>> -> memref<80xi32, #tpu.memory_space<hbm>>
    tpu.enqueue_dma source(%dma_start3A_134 : memref<80xi32, #tpu.memory_space<hbm>>) target(%arg17 : memref<80xi32, #tpu.memory_space<vmem>>) target_semaphore(%arg24 : memref<!tpu.dma_semaphore, #tpu.memory_space<semaphore_mem>>)
    %dma_start3A_135 = tpu.memref_slice %arg5[%add3A_132] : memref<1600000xi32, #tpu.memory_space<hbm>> -> memref<80xi32, #tpu.memory_space<hbm>>
    %dma_start3A_136 = tpu.memref_slice %arg5[%add3A_132] : memref<1600000xi32, #tpu.memory_space<hbm>> -> memref<80xi32, #tpu.memory_space<hbm>>
    tpu.enqueue_dma source(%dma_start3A_136 : memref<80xi32, #tpu.memory_space<hbm>>) target(%arg18 : memref<80xi32, #tpu.memory_space<vmem>>) target_semaphore(%arg24 : memref<!tpu.dma_semaphore, #tpu.memory_space<semaphore_mem>>)
    %mul3A_137 = arith.constant 8 : i32
    %mul3A_138 = arith.muli %add3A_132, %mul3A_137 : i32
    %dma_start3A_139 = tpu.memref_slice %arg6[%mul3A_138] : memref<12800000xf32, #tpu.memory_space<hbm>> -> memref<640xf32, #tpu.memory_space<hbm>>
    %dma_start3A_140 = tpu.memref_slice %arg6[%mul3A_138] : memref<12800000xf32, #tpu.memory_space<hbm>> -> memref<640xf32, #tpu.memory_space<hbm>>
    tpu.enqueue_dma source(%dma_start3A_140 : memref<640xf32, #tpu.memory_space<hbm>>) target(%arg19 : memref<640xf32, #tpu.memory_space<vmem>>) target_semaphore(%arg24 : memref<!tpu.dma_semaphore, #tpu.memory_space<semaphore_mem>>)
    %scan3A = arith.constant 0 : i32
    %scan3A_141 = arith.constant 0 : i32
    %scan3A_142 = arith.constant 625 : i32
    %scan3A_143 = arith.addi %scan3A_141, %scan3A_142 : i32
    %scan3A_144 = arith.constant 1 : i32
    scf.for %scan3A_157 = %scan3A_141 to %scan3A_143 step %scan3A_144  : i32 {
      %mul3A_158 = arith.constant 2 : i32
      %mul3A_159 = arith.muli %mul3A_158, %scan3A_157 : i32
      %add3A_160 = arith.constant 0 : i32
      %add3A_161 = arith.addi %mul3A_159, %add3A_160 : i32
      %dma_wait3A_162 = arith.constant 0 : i32
      %dma_wait3A_163 = arith.constant 0 : i32
      %dma_wait3A_164 = tpu.memref_slice %arg2[%arg0, %dma_wait3A_162, %dma_wait3A_163] : memref<2x100000x32xf32, #tpu.memory_space<hbm>> -> memref<1x100000x32xf32, #tpu.memory_space<hbm>>
      %dma_wait3A_165 = tpu.memref_squeeze %dma_wait3A_164 : memref<1x100000x32xf32, #tpu.memory_space<hbm>> -> memref<100000x32xf32, #tpu.memory_space<hbm>>
      %dma_wait3A_166 = arith.constant 0 : i32
      %dma_wait3A_167 = arith.constant 0 : i32
      %dma_wait3A_168 = tpu.memref_slice %dma_wait3A_165[%dma_wait3A_166, %dma_wait3A_167] : memref<100000x32xf32, #tpu.memory_space<hbm>> -> memref<100000x32xf32, #tpu.memory_space<hbm>>
      tpu.wait_indirect_dma semaphore(%arg25 : memref<!tpu.dma_semaphore, #tpu.memory_space<semaphore_mem>>) src(%dma_wait3A_168 : memref<100000x32xf32, #tpu.memory_space<hbm>>) dst(%arg15 : memref<80x32xf32, #tpu.memory_space<vmem>>)
      %dma_wait3A_169 = arith.constant 0 : i32
      %dma_wait3A_170 = arith.constant 0 : i32
      %dma_wait3A_171 = tpu.memref_slice %arg3[%arg0, %dma_wait3A_169, %dma_wait3A_170] : memref<2x100000x32xf32, #tpu.memory_space<hbm>> -> memref<1x100000x32xf32, #tpu.memory_space<hbm>>
      %dma_wait3A_172 = tpu.memref_squeeze %dma_wait3A_171 : memref<1x100000x32xf32, #tpu.memory_space<hbm>> -> memref<100000x32xf32, #tpu.memory_space<hbm>>
      %dma_wait3A_173 = arith.constant 0 : i32
      %dma_wait3A_174 = arith.constant 0 : i32
      %dma_wait3A_175 = tpu.memref_slice %dma_wait3A_172[%dma_wait3A_173, %dma_wait3A_174] : memref<100000x32xf32, #tpu.memory_space<hbm>> -> memref<100000x32xf32, #tpu.memory_space<hbm>>
      tpu.wait_indirect_dma semaphore(%arg25 : memref<!tpu.dma_semaphore, #tpu.memory_space<semaphore_mem>>) src(%dma_wait3A_175 : memref<100000x32xf32, #tpu.memory_space<hbm>>) dst(%arg16 : memref<80x32xf32, #tpu.memory_space<vmem>>)
      %add3A_176 = arith.constant 1 : i32
      %add3A_177 = arith.addi %add3A_161, %add3A_176 : i32
      %lt3A_178 = arith.constant 1250 : i32
      %lt3A_179 = arith.cmpi slt, %add3A_177, %lt3A_178 : i32
      %convert_element_type3A_180 = arith.extui %lt3A_179 : i1 to i32
      %cond3A_181 = arith.constant 0 : i32
      %cond3A_182 = arith.cmpi ne, %convert_element_type3A_180, %cond3A_181 : i32
      scf.if %cond3A_182 {
        %dma_wait3A_234 = arith.constant 0 : i32
        %dma_wait3A_235 = tpu.memref_slice %arg4[%dma_wait3A_234] : memref<1600000xi32, #tpu.memory_space<hbm>> -> memref<80xi32, #tpu.memory_space<hbm>>
        %dma_wait3A_236 = arith.constant 0 : i32
        %dma_wait3A_237 = tpu.memref_slice %arg4[%dma_wait3A_236] : memref<1600000xi32, #tpu.memory_space<hbm>> -> memref<80xi32, #tpu.memory_space<hbm>>
        tpu.wait_dma2 semaphore(%arg24 : memref<!tpu.dma_semaphore, #tpu.memory_space<semaphore_mem>>) src(%dma_wait3A_237 : memref<80xi32, #tpu.memory_space<hbm>>) dst(%arg17 : memref<80xi32, #tpu.memory_space<vmem>>)
        %dma_wait3A_238 = arith.constant 0 : i32
        %dma_wait3A_239 = tpu.memref_slice %arg5[%dma_wait3A_238] : memref<1600000xi32, #tpu.memory_space<hbm>> -> memref<80xi32, #tpu.memory_space<hbm>>
        %dma_wait3A_240 = arith.constant 0 : i32
        %dma_wait3A_241 = tpu.memref_slice %arg5[%dma_wait3A_240] : memref<1600000xi32, #tpu.memory_space<hbm>> -> memref<80xi32, #tpu.memory_space<hbm>>
        tpu.wait_dma2 semaphore(%arg24 : memref<!tpu.dma_semaphore, #tpu.memory_space<semaphore_mem>>) src(%dma_wait3A_241 : memref<80xi32, #tpu.memory_space<hbm>>) dst(%arg18 : memref<80xi32, #tpu.memory_space<vmem>>)
        %dma_wait3A_242 = arith.constant 0 : i32
        %dma_wait3A_243 = tpu.memref_slice %arg6[%dma_wait3A_242] : memref<12800000xf32, #tpu.memory_space<hbm>> -> memref<640xf32, #tpu.memory_space<hbm>>
        %dma_wait3A_244 = arith.constant 0 : i32
        %dma_wait3A_245 = tpu.memref_slice %arg6[%dma_wait3A_244] : memref<12800000xf32, #tpu.memory_space<hbm>> -> memref<640xf32, #tpu.memory_space<hbm>>
        tpu.wait_dma2 semaphore(%arg24 : memref<!tpu.dma_semaphore, #tpu.memory_space<semaphore_mem>>) src(%dma_wait3A_245 : memref<640xf32, #tpu.memory_space<hbm>>) dst(%arg19 : memref<640xf32, #tpu.memory_space<vmem>>)
        %dma_start3A_246 = arith.constant 0 : i32
        %dma_start3A_247 = arith.constant 0 : i32
        %dma_start3A_248 = tpu.memref_slice %arg2[%arg0, %dma_start3A_246, %dma_start3A_247] : memref<2x100000x32xf32, #tpu.memory_space<hbm>> -> memref<1x100000x32xf32, #tpu.memory_space<hbm>>
        %dma_start3A_249 = tpu.memref_squeeze %dma_start3A_248 : memref<1x100000x32xf32, #tpu.memory_space<hbm>> -> memref<100000x32xf32, #tpu.memory_space<hbm>>
        %dma_start3A_250 = arith.constant 0 : i32
        %dma_start3A_251 = arith.constant 0 : i32
        %dma_start3A_252 = tpu.memref_slice %dma_start3A_249[%dma_start3A_250, %dma_start3A_251] : memref<100000x32xf32, #tpu.memory_space<hbm>> -> memref<100000x32xf32, #tpu.memory_space<hbm>>
        tpu.enqueue_indirect_dma source(%dma_start3A_252 : memref<100000x32xf32, #tpu.memory_space<hbm>>) target(%arg20 : memref<80x32xf32, #tpu.memory_space<vmem>>) offsets(%arg17 : memref<80xi32, #tpu.memory_space<vmem>>) semaphore(%arg26 : memref<!tpu.dma_semaphore, #tpu.memory_space<semaphore_mem>>)
        %dma_start3A_253 = arith.constant 0 : i32
        %dma_start3A_254 = arith.constant 0 : i32
        %dma_start3A_255 = tpu.memref_slice %arg3[%arg0, %dma_start3A_253, %dma_start3A_254] : memref<2x100000x32xf32, #tpu.memory_space<hbm>> -> memref<1x100000x32xf32, #tpu.memory_space<hbm>>
        %dma_start3A_256 = tpu.memref_squeeze %dma_start3A_255 : memref<1x100000x32xf32, #tpu.memory_space<hbm>> -> memref<100000x32xf32, #tpu.memory_space<hbm>>
        %dma_start3A_257 = arith.constant 0 : i32
        %dma_start3A_258 = arith.constant 0 : i32
        %dma_start3A_259 = tpu.memref_slice %dma_start3A_256[%dma_start3A_257, %dma_start3A_258] : memref<100000x32xf32, #tpu.memory_space<hbm>> -> memref<100000x32xf32, #tpu.memory_space<hbm>>
        tpu.enqueue_indirect_dma source(%dma_start3A_259 : memref<100000x32xf32, #tpu.memory_space<hbm>>) target(%arg21 : memref<80x32xf32, #tpu.memory_space<vmem>>) offsets(%arg18 : memref<80xi32, #tpu.memory_space<vmem>>) semaphore(%arg26 : memref<!tpu.dma_semaphore, #tpu.memory_space<semaphore_mem>>)
      } else {
      }
      %scan3A_183 = arith.constant 0 : i32
      %scan3A_184 = arith.constant 0 : i32
      %scan3A_185 = arith.constant 40 : i32
      %scan3A_186 = arith.addi %scan3A_184, %scan3A_185 : i32
      %scan3A_187 = arith.constant 1 : i32
      scf.for %scan3A_234 = %scan3A_184 to %scan3A_186 step %scan3A_187  : i32 {
        %mul3A_235 = arith.constant 16 : i32
        %mul3A_236 = arith.muli %scan3A_234, %mul3A_235 : i32
        %get3A_237 = arith.index_cast %mul3A_236 : i32 to index
        %get3A_238 = tpu.vector_load %arg14[%get3A_237] {strides = array<i32>} : memref<640xf32, #tpu.memory_space<vmem>>, vector<16xf32>,
        %get3A_239 = vector.shape_cast %get3A_238 : vector<16xf32> to vector<16xf32>
        %mul3A_240 = arith.constant 2 : i32
        %mul3A_241 = arith.muli %mul3A_240, %scan3A_234 : i32
        %slice3A = vector.extract_strided_slice %get3A_239 {offsets = [0], sizes = [1], strides = [1]} : vector<16xf32> to vector<1xf32>
        %squeeze3A = vector.extract %slice3A[0] : f32 from vector<1xf32>
        %mul3A_242 = vector.broadcast %squeeze3A : f32 to vector<16xf32>
        %mul3A_243 = arith.mulf %mul3A_242, %get3A_12 : vector<16xf32>
        %add3A_244 = arith.addf %get3A_92, %mul3A_243 : vector<16xf32>
        %mul3A_245 = vector.broadcast %squeeze3A : f32 to vector<16xf32>
        %mul3A_246 = arith.mulf %mul3A_245, %get3A_52 : vector<16xf32>
        %add3A_247 = arith.addf %get3A_97, %mul3A_246 : vector<16xf32>
        %slice3A_248 = vector.extract_strided_slice %get3A_239 {offsets = [1], sizes = [1], strides = [1]} : vector<16xf32> to vector<1xf32>
        %squeeze3A_249 = vector.extract %slice3A_248[0] : f32 from vector<1xf32>
        %mul3A_250 = vector.broadcast %squeeze3A_249 : f32 to vector<16xf32>
        %mul3A_251 = arith.mulf %mul3A_250, %get3A_17 : vector<16xf32>
        %add3A_252 = arith.addf %add3A_244, %mul3A_251 : vector<16xf32>
        %mul3A_253 = vector.broadcast %squeeze3A_249 : f32 to vector<16xf32>
        %mul3A_254 = arith.mulf %mul3A_253, %get3A_57 : vector<16xf32>
        %add3A_255 = arith.addf %add3A_247, %mul3A_254 : vector<16xf32>
        %slice3A_256 = vector.extract_strided_slice %get3A_239 {offsets = [2], sizes = [1], strides = [1]} : vector<16xf32> to vector<1xf32>
        %squeeze3A_257 = vector.extract %slice3A_256[0] : f32 from vector<1xf32>
        %mul3A_258 = vector.broadcast %squeeze3A_257 : f32 to vector<16xf32>
        %mul3A_259 = arith.mulf %mul3A_258, %get3A_22 : vector<16xf32>
        %add3A_260 = arith.addf %add3A_252, %mul3A_259 : vector<16xf32>
        %mul3A_261 = vector.broadcast %squeeze3A_257 : f32 to vector<16xf32>
        %mul3A_262 = arith.mulf %mul3A_261, %get3A_62 : vector<16xf32>
        %add3A_263 = arith.addf %add3A_255, %mul3A_262 : vector<16xf32>
        %slice3A_264 = vector.extract_strided_slice %get3A_239 {offsets = [3], sizes = [1], strides = [1]} : vector<16xf32> to vector<1xf32>
        %squeeze3A_265 = vector.extract %slice3A_264[0] : f32 from vector<1xf32>
        %mul3A_266 = vector.broadcast %squeeze3A_265 : f32 to vector<16xf32>
        %mul3A_267 = arith.mulf %mul3A_266, %get3A_27 : vector<16xf32>
        %add3A_268 = arith.addf %add3A_260, %mul3A_267 : vector<16xf32>
        %mul3A_269 = vector.broadcast %squeeze3A_265 : f32 to vector<16xf32>
        %mul3A_270 = arith.mulf %mul3A_269, %get3A_67 : vector<16xf32>
        %add3A_271 = arith.addf %add3A_263, %mul3A_270 : vector<16xf32>
        %slice3A_272 = vector.extract_strided_slice %get3A_239 {offsets = [4], sizes = [1], strides = [1]} : vector<16xf32> to vector<1xf32>
        %squeeze3A_273 = vector.extract %slice3A_272[0] : f32 from vector<1xf32>
        %mul3A_274 = vector.broadcast %squeeze3A_273 : f32 to vector<16xf32>
        %mul3A_275 = arith.mulf %mul3A_274, %get3A_32 : vector<16xf32>
        %add3A_276 = arith.addf %add3A_268, %mul3A_275 : vector<16xf32>
        %mul3A_277 = vector.broadcast %squeeze3A_273 : f32 to vector<16xf32>
        %mul3A_278 = arith.mulf %mul3A_277, %get3A_72 : vector<16xf32>
        %add3A_279 = arith.addf %add3A_271, %mul3A_278 : vector<16xf32>
        %slice3A_280 = vector.extract_strided_slice %get3A_239 {offsets = [5], sizes = [1], strides = [1]} : vector<16xf32> to vector<1xf32>
        %squeeze3A_281 = vector.extract %slice3A_280[0] : f32 from vector<1xf32>
        %mul3A_282 = vector.broadcast %squeeze3A_281 : f32 to vector<16xf32>
        %mul3A_283 = arith.mulf %mul3A_282, %get3A_37 : vector<16xf32>
        %add3A_284 = arith.addf %add3A_276, %mul3A_283 : vector<16xf32>
        %mul3A_285 = vector.broadcast %squeeze3A_281 : f32 to vector<16xf32>
        %mul3A_286 = arith.mulf %mul3A_285, %get3A_77 : vector<16xf32>
        %add3A_287 = arith.addf %add3A_279, %mul3A_286 : vector<16xf32>
        %slice3A_288 = vector.extract_strided_slice %get3A_239 {offsets = [6], sizes = [1], strides = [1]} : vector<16xf32> to vector<1xf32>
        %squeeze3A_289 = vector.extract %slice3A_288[0] : f32 from vector<1xf32>
        %mul3A_290 = vector.broadcast %squeeze3A_289 : f32 to vector<16xf32>
        %mul3A_291 = arith.mulf %mul3A_290, %get3A_42 : vector<16xf32>
        %add3A_292 = arith.addf %add3A_284, %mul3A_291 : vector<16xf32>
        %mul3A_293 = vector.broadcast %squeeze3A_289 : f32 to vector<16xf32>
        %mul3A_294 = arith.mulf %mul3A_293, %get3A_82 : vector<16xf32>
        %add3A_295 = arith.addf %add3A_287, %mul3A_294 : vector<16xf32>
        %slice3A_296 = vector.extract_strided_slice %get3A_239 {offsets = [7], sizes = [1], strides = [1]} : vector<16xf32> to vector<1xf32>
        %squeeze3A_297 = vector.extract %slice3A_296[0] : f32 from vector<1xf32>
        %mul3A_298 = vector.broadcast %squeeze3A_297 : f32 to vector<16xf32>
        %mul3A_299 = arith.mulf %mul3A_298, %get3A_47 : vector<16xf32>
        %add3A_300 = arith.addf %add3A_292, %mul3A_299 : vector<16xf32>
        %mul3A_301 = vector.broadcast %squeeze3A_297 : f32 to vector<16xf32>
        %mul3A_302 = arith.mulf %mul3A_301, %get3A_87 : vector<16xf32>
        %add3A_303 = arith.addf %add3A_295, %mul3A_302 : vector<16xf32>
        %get3A_304 = arith.index_cast %mul3A_241 : i32 to index
        %get3A_305 = arith.constant 0 : index
        %get3A_306 = tpu.vector_load %arg15[%get3A_304, %get3A_305] {strides = array<i32>} : memref<80x32xf32, #tpu.memory_space<vmem>>, vector<1x16xf32>,
        %get3A_307 = vector.shape_cast %get3A_306 : vector<1x16xf32> to vector<16xf32>
        %add3A_308 = arith.addf %add3A_300, %get3A_307 : vector<16xf32>
        %get3A_309 = arith.index_cast %mul3A_241 : i32 to index
        %get3A_310 = arith.constant 0 : index
        %get3A_311 = tpu.vector_load %arg16[%get3A_309, %get3A_310] {strides = array<i32>} : memref<80x32xf32, #tpu.memory_space<vmem>>, vector<1x16xf32>,
        %get3A_312 = vector.shape_cast %get3A_311 : vector<1x16xf32> to vector<16xf32>
        %add3A_313 = arith.addf %add3A_308, %get3A_312 : vector<16xf32>
        %get3A_314 = arith.index_cast %mul3A_241 : i32 to index
        %get3A_315 = arith.constant 16 : index
        %get3A_316 = tpu.vector_load %arg15[%get3A_314, %get3A_315] {strides = array<i32>} : memref<80x32xf32, #tpu.memory_space<vmem>>, vector<1x16xf32>,
        %get3A_317 = vector.shape_cast %get3A_316 : vector<1x16xf32> to vector<16xf32>
        %add3A_318 = arith.addf %add3A_303, %get3A_317 : vector<16xf32>
        %get3A_319 = arith.index_cast %mul3A_241 : i32 to index
        %get3A_320 = arith.constant 16 : index
        %get3A_321 = tpu.vector_load %arg16[%get3A_319, %get3A_320] {strides = array<i32>} : memref<80x32xf32, #tpu.memory_space<vmem>>, vector<1x16xf32>,
        %get3A_322 = vector.shape_cast %get3A_321 : vector<1x16xf32> to vector<16xf32>
        %add3A_323 = arith.addf %add3A_318, %get3A_322 : vector<16xf32>
        %neg3A = arith.constant 0.000000e+00 : f32
        %neg3A_324 = vector.broadcast %neg3A : f32 to vector<16xf32>
        %neg3A_325 = arith.subf %neg3A_324, %add3A_313 : vector<16xf32>
        %exp3A = math.exp %neg3A_325 : vector<16xf32>
        %add3A_326 = arith.constant 1.000000e+00 : f32
        %add3A_327 = vector.broadcast %add3A_326 : f32 to vector<16xf32>
        %add3A_328 = arith.addf %add3A_327, %exp3A : vector<16xf32>
        %div3A = arith.constant 1.000000e+00 : f32
        %div3A_329 = vector.broadcast %div3A : f32 to vector<16xf32>
        %div3A_330 = arith.divf %div3A_329, %add3A_328 : vector<16xf32>
        %abs3A = math.absf %add3A_323 : vector<16xf32>
        %neg3A_331 = arith.constant 0.000000e+00 : f32
        %neg3A_332 = vector.broadcast %neg3A_331 : f32 to vector<16xf32>
        %neg3A_333 = arith.subf %neg3A_332, %abs3A : vector<16xf32>
        %exp3A_334 = math.exp %neg3A_333 : vector<16xf32>
        %add3A_335 = arith.constant 2.000000e+00 : f32
        %add3A_336 = vector.broadcast %add3A_335 : f32 to vector<16xf32>
        %add3A_337 = arith.addf %exp3A_334, %add3A_336 : vector<16xf32>
        %div3A_338 = arith.divf %exp3A_334, %add3A_337 : vector<16xf32>
        %mul3A_339 = arith.mulf %div3A_338, %div3A_338 : vector<16xf32>
        %mul3A_340 = arith.constant 0.0769230798 : f32
        %mul3A_341 = vector.broadcast %mul3A_340 : f32 to vector<16xf32>
        %mul3A_342 = arith.mulf %mul3A_339, %mul3A_341 : vector<16xf32>
        %add3A_343 = arith.constant 0.0909090936 : f32
        %add3A_344 = vector.broadcast %add3A_343 : f32 to vector<16xf32>
        %add3A_345 = arith.addf %mul3A_342, %add3A_344 : vector<16xf32>
        %mul3A_346 = arith.mulf %add3A_345, %mul3A_339 : vector<16xf32>
        %add3A_347 = arith.constant 0.111111112 : f32
        %add3A_348 = vector.broadcast %add3A_347 : f32 to vector<16xf32>
        %add3A_349 = arith.addf %mul3A_346, %add3A_348 : vector<16xf32>
        %mul3A_350 = arith.mulf %add3A_349, %mul3A_339 : vector<16xf32>
        %add3A_351 = arith.constant 0.142857149 : f32
        %add3A_352 = vector.broadcast %add3A_351 : f32 to vector<16xf32>
        %add3A_353 = arith.addf %mul3A_350, %add3A_352 : vector<16xf32>
        %mul3A_354 = arith.mulf %add3A_353, %mul3A_339 : vector<16xf32>
        %add3A_355 = arith.constant 2.000000e-01 : f32
        %add3A_356 = vector.broadcast %add3A_355 : f32 to vector<16xf32>
        %add3A_357 = arith.addf %mul3A_354, %add3A_356 : vector<16xf32>
        %mul3A_358 = arith.mulf %add3A_357, %mul3A_339 : vector<16xf32>
        %add3A_359 = arith.constant 0.333333343 : f32
        %add3A_360 = vector.broadcast %add3A_359 : f32 to vector<16xf32>
        %add3A_361 = arith.addf %mul3A_358, %add3A_360 : vector<16xf32>
        %mul3A_362 = arith.mulf %add3A_361, %mul3A_339 : vector<16xf32>
        %add3A_363 = arith.constant 1.000000e+00 : f32
        %add3A_364 = vector.broadcast %add3A_363 : f32 to vector<16xf32>
        %add3A_365 = arith.addf %mul3A_362, %add3A_364 : vector<16xf32>
        %max3A = arith.constant 0.000000e+00 : f32
        %max3A_366 = vector.broadcast %max3A : f32 to vector<16xf32>
        %max3A_367 = arith.maximumf %add3A_323, %max3A_366 : vector<16xf32>
        %mul3A_368 = arith.constant 2.000000e+00 : f32
        %mul3A_369 = vector.broadcast %mul3A_368 : f32 to vector<16xf32>
        %mul3A_370 = arith.mulf %mul3A_369, %div3A_338 : vector<16xf32>
        %mul3A_371 = arith.mulf %mul3A_370, %add3A_365 : vector<16xf32>
        %add3A_372 = arith.addf %max3A_367, %mul3A_371 : vector<16xf32>
        %mul3A_373 = arith.mulf %div3A_330, %add3A_372 : vector<16xf32>
        %swap3A = arith.index_cast %mul3A_241 : i32 to index
        %swap3A_374 = arith.constant 0 : index
        %swap3A_375 = tpu.vector_load %arg22[%swap3A, %swap3A_374] {strides = array<i32>} : memref<80x16xf32, #tpu.memory_space<vmem>>, vector<1x16xf32>,
        %swap3A_376 = vector.shape_cast %swap3A_375 : vector<1x16xf32> to vector<16xf32>
        %swap3A_377 = vector.shape_cast %mul3A_373 : vector<16xf32> to vector<1x16xf32>
        tpu.vector_store %arg22[%swap3A, %swap3A_374], %swap3A_377 {strides = array<i32>} : memref<80x16xf32, #tpu.memory_space<vmem>>, vector<1x16xf32>,
        %mul3A_378 = arith.constant 2 : i32
        %mul3A_379 = arith.muli %mul3A_378, %scan3A_234 : i32
        %add3A_380 = arith.constant 1 : i32
        %add3A_381 = arith.addi %mul3A_379, %add3A_380 : i32
        %slice3A_382 = vector.extract_strided_slice %get3A_239 {offsets = [8], sizes = [1], strides = [1]} : vector<16xf32> to vector<1xf32>
        %squeeze3A_383 = vector.extract %slice3A_382[0] : f32 from vector<1xf32>
        %mul3A_384 = vector.broadcast %squeeze3A_383 : f32 to vector<16xf32>
        %mul3A_385 = arith.mulf %mul3A_384, %get3A_12 : vector<16xf32>
        %add3A_386 = arith.addf %get3A_92, %mul3A_385 : vector<16xf32>
        %mul3A_387 = vector.broadcast %squeeze3A_383 : f32 to vector<16xf32>
        %mul3A_388 = arith.mulf %mul3A_387, %get3A_52 : vector<16xf32>
        %add3A_389 = arith.addf %get3A_97, %mul3A_388 : vector<16xf32>
        %slice3A_390 = vector.extract_strided_slice %get3A_239 {offsets = [9], sizes = [1], strides = [1]} : vector<16xf32> to vector<1xf32>
        %squeeze3A_391 = vector.extract %slice3A_390[0] : f32 from vector<1xf32>
        %mul3A_392 = vector.broadcast %squeeze3A_391 : f32 to vector<16xf32>
        %mul3A_393 = arith.mulf %mul3A_392, %get3A_17 : vector<16xf32>
        %add3A_394 = arith.addf %add3A_386, %mul3A_393 : vector<16xf32>
        %mul3A_395 = vector.broadcast %squeeze3A_391 : f32 to vector<16xf32>
        %mul3A_396 = arith.mulf %mul3A_395, %get3A_57 : vector<16xf32>
        %add3A_397 = arith.addf %add3A_389, %mul3A_396 : vector<16xf32>
        %slice3A_398 = vector.extract_strided_slice %get3A_239 {offsets = [10], sizes = [1], strides = [1]} : vector<16xf32> to vector<1xf32>
        %squeeze3A_399 = vector.extract %slice3A_398[0] : f32 from vector<1xf32>
        %mul3A_400 = vector.broadcast %squeeze3A_399 : f32 to vector<16xf32>
        %mul3A_401 = arith.mulf %mul3A_400, %get3A_22 : vector<16xf32>
        %add3A_402 = arith.addf %add3A_394, %mul3A_401 : vector<16xf32>
        %mul3A_403 = vector.broadcast %squeeze3A_399 : f32 to vector<16xf32>
        %mul3A_404 = arith.mulf %mul3A_403, %get3A_62 : vector<16xf32>
        %add3A_405 = arith.addf %add3A_397, %mul3A_404 : vector<16xf32>
        %slice3A_406 = vector.extract_strided_slice %get3A_239 {offsets = [11], sizes = [1], strides = [1]} : vector<16xf32> to vector<1xf32>
        %squeeze3A_407 = vector.extract %slice3A_406[0] : f32 from vector<1xf32>
        %mul3A_408 = vector.broadcast %squeeze3A_407 : f32 to vector<16xf32>
        %mul3A_409 = arith.mulf %mul3A_408, %get3A_27 : vector<16xf32>
        %add3A_410 = arith.addf %add3A_402, %mul3A_409 : vector<16xf32>
        %mul3A_411 = vector.broadcast %squeeze3A_407 : f32 to vector<16xf32>
        %mul3A_412 = arith.mulf %mul3A_411, %get3A_67 : vector<16xf32>
        %add3A_413 = arith.addf %add3A_405, %mul3A_412 : vector<16xf32>
        %slice3A_414 = vector.extract_strided_slice %get3A_239 {offsets = [12], sizes = [1], strides = [1]} : vector<16xf32> to vector<1xf32>
        %squeeze3A_415 = vector.extract %slice3A_414[0] : f32 from vector<1xf32>
        %mul3A_416 = vector.broadcast %squeeze3A_415 : f32 to vector<16xf32>
        %mul3A_417 = arith.mulf %mul3A_416, %get3A_32 : vector<16xf32>
        %add3A_418 = arith.addf %add3A_410, %mul3A_417 : vector<16xf32>
        %mul3A_419 = vector.broadcast %squeeze3A_415 : f32 to vector<16xf32>
        %mul3A_420 = arith.mulf %mul3A_419, %get3A_72 : vector<16xf32>
        %add3A_421 = arith.addf %add3A_413, %mul3A_420 : vector<16xf32>
        %slice3A_422 = vector.extract_strided_slice %get3A_239 {offsets = [13], sizes = [1], strides = [1]} : vector<16xf32> to vector<1xf32>
        %squeeze3A_423 = vector.extract %slice3A_422[0] : f32 from vector<1xf32>
        %mul3A_424 = vector.broadcast %squeeze3A_423 : f32 to vector<16xf32>
        %mul3A_425 = arith.mulf %mul3A_424, %get3A_37 : vector<16xf32>
        %add3A_426 = arith.addf %add3A_418, %mul3A_425 : vector<16xf32>
        %mul3A_427 = vector.broadcast %squeeze3A_423 : f32 to vector<16xf32>
        %mul3A_428 = arith.mulf %mul3A_427, %get3A_77 : vector<16xf32>
        %add3A_429 = arith.addf %add3A_421, %mul3A_428 : vector<16xf32>
        %slice3A_430 = vector.extract_strided_slice %get3A_239 {offsets = [14], sizes = [1], strides = [1]} : vector<16xf32> to vector<1xf32>
        %squeeze3A_431 = vector.extract %slice3A_430[0] : f32 from vector<1xf32>
        %mul3A_432 = vector.broadcast %squeeze3A_431 : f32 to vector<16xf32>
        %mul3A_433 = arith.mulf %mul3A_432, %get3A_42 : vector<16xf32>
        %add3A_434 = arith.addf %add3A_426, %mul3A_433 : vector<16xf32>
        %mul3A_435 = vector.broadcast %squeeze3A_431 : f32 to vector<16xf32>
        %mul3A_436 = arith.mulf %mul3A_435, %get3A_82 : vector<16xf32>
        %add3A_437 = arith.addf %add3A_429, %mul3A_436 : vector<16xf32>
        %slice3A_438 = vector.extract_strided_slice %get3A_239 {offsets = [15], sizes = [1], strides = [1]} : vector<16xf32> to vector<1xf32>
        %squeeze3A_439 = vector.extract %slice3A_438[0] : f32 from vector<1xf32>
        %mul3A_440 = vector.broadcast %squeeze3A_439 : f32 to vector<16xf32>
        %mul3A_441 = arith.mulf %mul3A_440, %get3A_47 : vector<16xf32>
        %add3A_442 = arith.addf %add3A_434, %mul3A_441 : vector<16xf32>
        %mul3A_443 = vector.broadcast %squeeze3A_439 : f32 to vector<16xf32>
        %mul3A_444 = arith.mulf %mul3A_443, %get3A_87 : vector<16xf32>
        %add3A_445 = arith.addf %add3A_437, %mul3A_444 : vector<16xf32>
        %get3A_446 = arith.index_cast %add3A_381 : i32 to index
        %get3A_447 = arith.constant 0 : index
        %get3A_448 = tpu.vector_load %arg15[%get3A_446, %get3A_447] {strides = array<i32>} : memref<80x32xf32, #tpu.memory_space<vmem>>, vector<1x16xf32>,
        %get3A_449 = vector.shape_cast %get3A_448 : vector<1x16xf32> to vector<16xf32>
        %add3A_450 = arith.addf %add3A_442, %get3A_449 : vector<16xf32>
        %get3A_451 = arith.index_cast %add3A_381 : i32 to index
        %get3A_452 = arith.constant 0 : index
        %get3A_453 = tpu.vector_load %arg16[%get3A_451, %get3A_452] {strides = array<i32>} : memref<80x32xf32, #tpu.memory_space<vmem>>, vector<1x16xf32>,
        %get3A_454 = vector.shape_cast %get3A_453 : vector<1x16xf32> to vector<16xf32>
        %add3A_455 = arith.addf %add3A_450, %get3A_454 : vector<16xf32>
        %get3A_456 = arith.index_cast %add3A_381 : i32 to index
        %get3A_457 = arith.constant 16 : index
        %get3A_458 = tpu.vector_load %arg15[%get3A_456, %get3A_457] {strides = array<i32>} : memref<80x32xf32, #tpu.memory_space<vmem>>, vector<1x16xf32>,
        %get3A_459 = vector.shape_cast %get3A_458 : vector<1x16xf32> to vector<16xf32>
        %add3A_460 = arith.addf %add3A_445, %get3A_459 : vector<16xf32>
        %get3A_461 = arith.index_cast %add3A_381 : i32 to index
        %get3A_462 = arith.constant 16 : index
        %get3A_463 = tpu.vector_load %arg16[%get3A_461, %get3A_462] {strides = array<i32>} : memref<80x32xf32, #tpu.memory_space<vmem>>, vector<1x16xf32>,
        %get3A_464 = vector.shape_cast %get3A_463 : vector<1x16xf32> to vector<16xf32>
        %add3A_465 = arith.addf %add3A_460, %get3A_464 : vector<16xf32>
        %neg3A_466 = arith.constant 0.000000e+00 : f32
        %neg3A_467 = vector.broadcast %neg3A_466 : f32 to vector<16xf32>
        %neg3A_468 = arith.subf %neg3A_467, %add3A_455 : vector<16xf32>
        %exp3A_469 = math.exp %neg3A_468 : vector<16xf32>
        %add3A_470 = arith.constant 1.000000e+00 : f32
        %add3A_471 = vector.broadcast %add3A_470 : f32 to vector<16xf32>
        %add3A_472 = arith.addf %add3A_471, %exp3A_469 : vector<16xf32>
        %div3A_473 = arith.constant 1.000000e+00 : f32
        %div3A_474 = vector.broadcast %div3A_473 : f32 to vector<16xf32>
        %div3A_475 = arith.divf %div3A_474, %add3A_472 : vector<16xf32>
        %abs3A_476 = math.absf %add3A_465 : vector<16xf32>
        %neg3A_477 = arith.constant 0.000000e+00 : f32
        %neg3A_478 = vector.broadcast %neg3A_477 : f32 to vector<16xf32>
        %neg3A_479 = arith.subf %neg3A_478, %abs3A_476 : vector<16xf32>
        %exp3A_480 = math.exp %neg3A_479 : vector<16xf32>
        %add3A_481 = arith.constant 2.000000e+00 : f32
        %add3A_482 = vector.broadcast %add3A_481 : f32 to vector<16xf32>
        %add3A_483 = arith.addf %exp3A_480, %add3A_482 : vector<16xf32>
        %div3A_484 = arith.divf %exp3A_480, %add3A_483 : vector<16xf32>
        %mul3A_485 = arith.mulf %div3A_484, %div3A_484 : vector<16xf32>
        %mul3A_486 = arith.constant 0.0769230798 : f32
        %mul3A_487 = vector.broadcast %mul3A_486 : f32 to vector<16xf32>
        %mul3A_488 = arith.mulf %mul3A_485, %mul3A_487 : vector<16xf32>
        %add3A_489 = arith.constant 0.0909090936 : f32
        %add3A_490 = vector.broadcast %add3A_489 : f32 to vector<16xf32>
        %add3A_491 = arith.addf %mul3A_488, %add3A_490 : vector<16xf32>
        %mul3A_492 = arith.mulf %add3A_491, %mul3A_485 : vector<16xf32>
        %add3A_493 = arith.constant 0.111111112 : f32
        %add3A_494 = vector.broadcast %add3A_493 : f32 to vector<16xf32>
        %add3A_495 = arith.addf %mul3A_492, %add3A_494 : vector<16xf32>
        %mul3A_496 = arith.mulf %add3A_495, %mul3A_485 : vector<16xf32>
        %add3A_497 = arith.constant 0.142857149 : f32
        %add3A_498 = vector.broadcast %add3A_497 : f32 to vector<16xf32>
        %add3A_499 = arith.addf %mul3A_496, %add3A_498 : vector<16xf32>
        %mul3A_500 = arith.mulf %add3A_499, %mul3A_485 : vector<16xf32>
        %add3A_501 = arith.constant 2.000000e-01 : f32
        %add3A_502 = vector.broadcast %add3A_501 : f32 to vector<16xf32>
        %add3A_503 = arith.addf %mul3A_500, %add3A_502 : vector<16xf32>
        %mul3A_504 = arith.mulf %add3A_503, %mul3A_485 : vector<16xf32>
        %add3A_505 = arith.constant 0.333333343 : f32
        %add3A_506 = vector.broadcast %add3A_505 : f32 to vector<16xf32>
        %add3A_507 = arith.addf %mul3A_504, %add3A_506 : vector<16xf32>
        %mul3A_508 = arith.mulf %add3A_507, %mul3A_485 : vector<16xf32>
        %add3A_509 = arith.constant 1.000000e+00 : f32
        %add3A_510 = vector.broadcast %add3A_509 : f32 to vector<16xf32>
        %add3A_511 = arith.addf %mul3A_508, %add3A_510 : vector<16xf32>
        %max3A_512 = arith.constant 0.000000e+00 : f32
        %max3A_513 = vector.broadcast %max3A_512 : f32 to vector<16xf32>
        %max3A_514 = arith.maximumf %add3A_465, %max3A_513 : vector<16xf32>
        %mul3A_515 = arith.constant 2.000000e+00 : f32
        %mul3A_516 = vector.broadcast %mul3A_515 : f32 to vector<16xf32>
        %mul3A_517 = arith.mulf %mul3A_516, %div3A_484 : vector<16xf32>
        %mul3A_518 = arith.mulf %mul3A_517, %add3A_511 : vector<16xf32>
        %add3A_519 = arith.addf %max3A_514, %mul3A_518 : vector<16xf32>
        %mul3A_520 = arith.mulf %div3A_475, %add3A_519 : vector<16xf32>
        %swap3A_521 = arith.index_cast %add3A_381 : i32 to index
        %swap3A_522 = arith.constant 0 : index
        %swap3A_523 = tpu.vector_load %arg22[%swap3A_521, %swap3A_522] {strides = array<i32>} : memref<80x16xf32, #tpu.memory_space<vmem>>, vector<1x16xf32>,
        %swap3A_524 = vector.shape_cast %swap3A_523 : vector<1x16xf32> to vector<16xf32>
        %swap3A_525 = vector.shape_cast %mul3A_520 : vector<16xf32> to vector<1x16xf32>
        tpu.vector_store %arg22[%swap3A_521, %swap3A_522], %swap3A_525 {strides = array<i32>} : memref<80x16xf32, #tpu.memory_space<vmem>>, vector<1x16xf32>,
      }
      %scan3A_188 = arith.constant 40 : i32
      "tpu.region"() ({
        %run_scoped3A = tpu.sem_alloc : memref<!tpu.dma_semaphore, #tpu.memory_space<semaphore_mem>>
        %dma_start3A_234 = arith.constant 0 : i32
        %dma_start3A_235 = arith.constant 0 : i32
        %dma_start3A_236 = tpu.memref_slice %arg10[%dma_start3A_234, %dma_start3A_235] : memref<100000x16xf32, #tpu.memory_space<vmem_shared>> -> memref<100000x16xf32, #tpu.memory_space<vmem_shared>>
        tpu.enqueue_indirect_dma source(%arg22 : memref<80x16xf32, #tpu.memory_space<vmem>>) target(%dma_start3A_236 : memref<100000x16xf32, #tpu.memory_space<vmem_shared>>) offsets(%arg12 : memref<80xi32, #tpu.memory_space<vmem>>) semaphore(%run_scoped3A : memref<!tpu.dma_semaphore, #tpu.memory_space<semaphore_mem>>) {add = true}
        %dma_wait3A_237 = arith.constant 0 : i32
        %dma_wait3A_238 = arith.constant 0 : i32
        %dma_wait3A_239 = tpu.memref_slice %arg10[%dma_wait3A_237, %dma_wait3A_238] : memref<100000x16xf32, #tpu.memory_space<vmem_shared>> -> memref<100000x16xf32, #tpu.memory_space<vmem_shared>>
        tpu.wait_indirect_dma semaphore(%run_scoped3A : memref<!tpu.dma_semaphore, #tpu.memory_space<semaphore_mem>>) src(%arg22 : memref<80x16xf32, #tpu.memory_space<vmem>>) dst(%dma_wait3A_239 : memref<100000x16xf32, #tpu.memory_space<vmem_shared>>)
        tpu.yield
      }) : () -> ()
      %add3A_189 = arith.constant 2 : i32
      %add3A_190 = arith.addi %add3A_161, %add3A_189 : i32
      %lt3A_191 = arith.constant 1250 : i32
      %lt3A_192 = arith.cmpi slt, %add3A_190, %lt3A_191 : i32
      %convert_element_type3A_193 = arith.extui %lt3A_192 : i1 to i32
      %cond3A_194 = arith.constant 0 : i32
      %cond3A_195 = arith.cmpi ne, %convert_element_type3A_193, %cond3A_194 : i32
      scf.if %cond3A_195 {
        %add3A_234 = arith.constant 2 : i32
        %add3A_235 = arith.addi %add3A_161, %add3A_234 : i32
        %mul3A_236 = arith.constant 80 : i32
        %mul3A_237 = arith.muli %add3A_235, %mul3A_236 : i32
        %add3A_238 = arith.addi %mul3A_0, %mul3A_237 : i32
        %dma_start3A_239 = tpu.memref_slice %arg4[%add3A_238] : memref<1600000xi32, #tpu.memory_space<hbm>> -> memref<80xi32, #tpu.memory_space<hbm>>
        %dma_start3A_240 = tpu.memref_slice %arg4[%add3A_238] : memref<1600000xi32, #tpu.memory_space<hbm>> -> memref<80xi32, #tpu.memory_space<hbm>>
        tpu.enqueue_dma source(%dma_start3A_240 : memref<80xi32, #tpu.memory_space<hbm>>) target(%arg12 : memref<80xi32, #tpu.memory_space<vmem>>) target_semaphore(%arg23 : memref<!tpu.dma_semaphore, #tpu.memory_space<semaphore_mem>>)
        %dma_start3A_241 = tpu.memref_slice %arg5[%add3A_238] : memref<1600000xi32, #tpu.memory_space<hbm>> -> memref<80xi32, #tpu.memory_space<hbm>>
        %dma_start3A_242 = tpu.memref_slice %arg5[%add3A_238] : memref<1600000xi32, #tpu.memory_space<hbm>> -> memref<80xi32, #tpu.memory_space<hbm>>
        tpu.enqueue_dma source(%dma_start3A_242 : memref<80xi32, #tpu.memory_space<hbm>>) target(%arg13 : memref<80xi32, #tpu.memory_space<vmem>>) target_semaphore(%arg23 : memref<!tpu.dma_semaphore, #tpu.memory_space<semaphore_mem>>)
        %mul3A_243 = arith.constant 8 : i32
        %mul3A_244 = arith.muli %add3A_238, %mul3A_243 : i32
        %dma_start3A_245 = tpu.memref_slice %arg6[%mul3A_244] : memref<12800000xf32, #tpu.memory_space<hbm>> -> memref<640xf32, #tpu.memory_space<hbm>>
        %dma_start3A_246 = tpu.memref_slice %arg6[%mul3A_244] : memref<12800000xf32, #tpu.memory_space<hbm>> -> memref<640xf32, #tpu.memory_space<hbm>>
        tpu.enqueue_dma source(%dma_start3A_246 : memref<640xf32, #tpu.memory_space<hbm>>) target(%arg14 : memref<640xf32, #tpu.memory_space<vmem>>) target_semaphore(%arg23 : memref<!tpu.dma_semaphore, #tpu.memory_space<semaphore_mem>>)
      } else {
      }
      %mul3A_196 = arith.constant 2 : i32
      %mul3A_197 = arith.muli %mul3A_196, %scan3A_157 : i32
      %add3A_198 = arith.constant 1 : i32
      %add3A_199 = arith.addi %mul3A_197, %add3A_198 : i32
      %dma_wait3A_200 = arith.constant 0 : i32
      %dma_wait3A_201 = arith.constant 0 : i32
      %dma_wait3A_202 = tpu.memref_slice %arg2[%arg0, %dma_wait3A_200, %dma_wait3A_201] : memref<2x100000x32xf32, #tpu.memory_space<hbm>> -> memref<1x100000x32xf32, #tpu.memory_space<hbm>>
      %dma_wait3A_203 = tpu.memref_squeeze %dma_wait3A_202 : memref<1x100000x32xf32, #tpu.memory_space<hbm>> -> memref<100000x32xf32, #tpu.memory_space<hbm>>
      %dma_wait3A_204 = arith.constant 0 : i32
      %dma_wait3A_205 = arith.constant 0 : i32
      %dma_wait3A_206 = tpu.memref_slice %dma_wait3A_203[%dma_wait3A_204, %dma_wait3A_205] : memref<100000x32xf32, #tpu.memory_space<hbm>> -> memref<100000x32xf32, #tpu.memory_space<hbm>>
      tpu.wait_indirect_dma semaphore(%arg26 : memref<!tpu.dma_semaphore, #tpu.memory_space<semaphore_mem>>) src(%dma_wait3A_206 : memref<100000x32xf32, #tpu.memory_space<hbm>>) dst(%arg20 : memref<80x32xf32, #tpu.memory_space<vmem>>)
      %dma_wait3A_207 = arith.constant 0 : i32
      %dma_wait3A_208 = arith.constant 0 : i32
      %dma_wait3A_209 = tpu.memref_slice %arg3[%arg0, %dma_wait3A_207, %dma_wait3A_208] : memref<2x100000x32xf32, #tpu.memory_space<hbm>> -> memref<1x100000x32xf32, #tpu.memory_space<hbm>>
      %dma_wait3A_210 = tpu.memref_squeeze %dma_wait3A_209 : memref<1x100000x32xf32, #tpu.memory_space<hbm>> -> memref<100000x32xf32, #tpu.memory_space<hbm>>
      %dma_wait3A_211 = arith.constant 0 : i32
      %dma_wait3A_212 = arith.constant 0 : i32
      %dma_wait3A_213 = tpu.memref_slice %dma_wait3A_210[%dma_wait3A_211, %dma_wait3A_212] : memref<100000x32xf32, #tpu.memory_space<hbm>> -> memref<100000x32xf32, #tpu.memory_space<hbm>>
      tpu.wait_indirect_dma semaphore(%arg26 : memref<!tpu.dma_semaphore, #tpu.memory_space<semaphore_mem>>) src(%dma_wait3A_213 : memref<100000x32xf32, #tpu.memory_space<hbm>>) dst(%arg21 : memref<80x32xf32, #tpu.memory_space<vmem>>)
      %add3A_214 = arith.constant 1 : i32
      %add3A_215 = arith.addi %add3A_199, %add3A_214 : i32
      %lt3A_216 = arith.constant 1250 : i32
      %lt3A_217 = arith.cmpi slt, %add3A_215, %lt3A_216 : i32
      %convert_element_type3A_218 = arith.extui %lt3A_217 : i1 to i32
      %cond3A_219 = arith.constant 0 : i32
      %cond3A_220 = arith.cmpi ne, %convert_element_type3A_218, %cond3A_219 : i32
      scf.if %cond3A_220 {
        %dma_wait3A_234 = arith.constant 0 : i32
        %dma_wait3A_235 = tpu.memref_slice %arg4[%dma_wait3A_234] : memref<1600000xi32, #tpu.memory_space<hbm>> -> memref<80xi32, #tpu.memory_space<hbm>>
        %dma_wait3A_236 = arith.constant 0 : i32
        %dma_wait3A_237 = tpu.memref_slice %arg4[%dma_wait3A_236] : memref<1600000xi32, #tpu.memory_space<hbm>> -> memref<80xi32, #tpu.memory_space<hbm>>
        tpu.wait_dma2 semaphore(%arg23 : memref<!tpu.dma_semaphore, #tpu.memory_space<semaphore_mem>>) src(%dma_wait3A_237 : memref<80xi32, #tpu.memory_space<hbm>>) dst(%arg12 : memref<80xi32, #tpu.memory_space<vmem>>)
        %dma_wait3A_238 = arith.constant 0 : i32
        %dma_wait3A_239 = tpu.memref_slice %arg5[%dma_wait3A_238] : memref<1600000xi32, #tpu.memory_space<hbm>> -> memref<80xi32, #tpu.memory_space<hbm>>
        %dma_wait3A_240 = arith.constant 0 : i32
        %dma_wait3A_241 = tpu.memref_slice %arg5[%dma_wait3A_240] : memref<1600000xi32, #tpu.memory_space<hbm>> -> memref<80xi32, #tpu.memory_space<hbm>>
        tpu.wait_dma2 semaphore(%arg23 : memref<!tpu.dma_semaphore, #tpu.memory_space<semaphore_mem>>) src(%dma_wait3A_241 : memref<80xi32, #tpu.memory_space<hbm>>) dst(%arg13 : memref<80xi32, #tpu.memory_space<vmem>>)
        %dma_wait3A_242 = arith.constant 0 : i32
        %dma_wait3A_243 = tpu.memref_slice %arg6[%dma_wait3A_242] : memref<12800000xf32, #tpu.memory_space<hbm>> -> memref<640xf32, #tpu.memory_space<hbm>>
        %dma_wait3A_244 = arith.constant 0 : i32
        %dma_wait3A_245 = tpu.memref_slice %arg6[%dma_wait3A_244] : memref<12800000xf32, #tpu.memory_space<hbm>> -> memref<640xf32, #tpu.memory_space<hbm>>
        tpu.wait_dma2 semaphore(%arg23 : memref<!tpu.dma_semaphore, #tpu.memory_space<semaphore_mem>>) src(%dma_wait3A_245 : memref<640xf32, #tpu.memory_space<hbm>>) dst(%arg14 : memref<640xf32, #tpu.memory_space<vmem>>)
        %dma_start3A_246 = arith.constant 0 : i32
        %dma_start3A_247 = arith.constant 0 : i32
        %dma_start3A_248 = tpu.memref_slice %arg2[%arg0, %dma_start3A_246, %dma_start3A_247] : memref<2x100000x32xf32, #tpu.memory_space<hbm>> -> memref<1x100000x32xf32, #tpu.memory_space<hbm>>
        %dma_start3A_249 = tpu.memref_squeeze %dma_start3A_248 : memref<1x100000x32xf32, #tpu.memory_space<hbm>> -> memref<100000x32xf32, #tpu.memory_space<hbm>>
        %dma_start3A_250 = arith.constant 0 : i32
        %dma_start3A_251 = arith.constant 0 : i32
        %dma_start3A_252 = tpu.memref_slice %dma_start3A_249[%dma_start3A_250, %dma_start3A_251] : memref<100000x32xf32, #tpu.memory_space<hbm>> -> memref<100000x32xf32, #tpu.memory_space<hbm>>
        tpu.enqueue_indirect_dma source(%dma_start3A_252 : memref<100000x32xf32, #tpu.memory_space<hbm>>) target(%arg15 : memref<80x32xf32, #tpu.memory_space<vmem>>) offsets(%arg12 : memref<80xi32, #tpu.memory_space<vmem>>) semaphore(%arg25 : memref<!tpu.dma_semaphore, #tpu.memory_space<semaphore_mem>>)
        %dma_start3A_253 = arith.constant 0 : i32
        %dma_start3A_254 = arith.constant 0 : i32
        %dma_start3A_255 = tpu.memref_slice %arg3[%arg0, %dma_start3A_253, %dma_start3A_254] : memref<2x100000x32xf32, #tpu.memory_space<hbm>> -> memref<1x100000x32xf32, #tpu.memory_space<hbm>>
        %dma_start3A_256 = tpu.memref_squeeze %dma_start3A_255 : memref<1x100000x32xf32, #tpu.memory_space<hbm>> -> memref<100000x32xf32, #tpu.memory_space<hbm>>
        %dma_start3A_257 = arith.constant 0 : i32
        %dma_start3A_258 = arith.constant 0 : i32
        %dma_start3A_259 = tpu.memref_slice %dma_start3A_256[%dma_start3A_257, %dma_start3A_258] : memref<100000x32xf32, #tpu.memory_space<hbm>> -> memref<100000x32xf32, #tpu.memory_space<hbm>>
        tpu.enqueue_indirect_dma source(%dma_start3A_259 : memref<100000x32xf32, #tpu.memory_space<hbm>>) target(%arg16 : memref<80x32xf32, #tpu.memory_space<vmem>>) offsets(%arg13 : memref<80xi32, #tpu.memory_space<vmem>>) semaphore(%arg25 : memref<!tpu.dma_semaphore, #tpu.memory_space<semaphore_mem>>)
      } else {
      }
      %scan3A_221 = arith.constant 0 : i32
      %scan3A_222 = arith.constant 0 : i32
      %scan3A_223 = arith.constant 40 : i32
      %scan3A_224 = arith.addi %scan3A_222, %scan3A_223 : i32
      %scan3A_225 = arith.constant 1 : i32
      scf.for %scan3A_234 = %scan3A_222 to %scan3A_224 step %scan3A_225  : i32 {
        %mul3A_235 = arith.constant 16 : i32
        %mul3A_236 = arith.muli %scan3A_234, %mul3A_235 : i32
        %get3A_237 = arith.index_cast %mul3A_236 : i32 to index
        %get3A_238 = tpu.vector_load %arg19[%get3A_237] {strides = array<i32>} : memref<640xf32, #tpu.memory_space<vmem>>, vector<16xf32>,
        %get3A_239 = vector.shape_cast %get3A_238 : vector<16xf32> to vector<16xf32>
        %mul3A_240 = arith.constant 2 : i32
        %mul3A_241 = arith.muli %mul3A_240, %scan3A_234 : i32
        %slice3A = vector.extract_strided_slice %get3A_239 {offsets = [0], sizes = [1], strides = [1]} : vector<16xf32> to vector<1xf32>
        %squeeze3A = vector.extract %slice3A[0] : f32 from vector<1xf32>
        %mul3A_242 = vector.broadcast %squeeze3A : f32 to vector<16xf32>
        %mul3A_243 = arith.mulf %mul3A_242, %get3A_12 : vector<16xf32>
        %add3A_244 = arith.addf %get3A_92, %mul3A_243 : vector<16xf32>
        %mul3A_245 = vector.broadcast %squeeze3A : f32 to vector<16xf32>
        %mul3A_246 = arith.mulf %mul3A_245, %get3A_52 : vector<16xf32>
        %add3A_247 = arith.addf %get3A_97, %mul3A_246 : vector<16xf32>
        %slice3A_248 = vector.extract_strided_slice %get3A_239 {offsets = [1], sizes = [1], strides = [1]} : vector<16xf32> to vector<1xf32>
        %squeeze3A_249 = vector.extract %slice3A_248[0] : f32 from vector<1xf32>
        %mul3A_250 = vector.broadcast %squeeze3A_249 : f32 to vector<16xf32>
        %mul3A_251 = arith.mulf %mul3A_250, %get3A_17 : vector<16xf32>
        %add3A_252 = arith.addf %add3A_244, %mul3A_251 : vector<16xf32>
        %mul3A_253 = vector.broadcast %squeeze3A_249 : f32 to vector<16xf32>
        %mul3A_254 = arith.mulf %mul3A_253, %get3A_57 : vector<16xf32>
        %add3A_255 = arith.addf %add3A_247, %mul3A_254 : vector<16xf32>
        %slice3A_256 = vector.extract_strided_slice %get3A_239 {offsets = [2], sizes = [1], strides = [1]} : vector<16xf32> to vector<1xf32>
        %squeeze3A_257 = vector.extract %slice3A_256[0] : f32 from vector<1xf32>
        %mul3A_258 = vector.broadcast %squeeze3A_257 : f32 to vector<16xf32>
        %mul3A_259 = arith.mulf %mul3A_258, %get3A_22 : vector<16xf32>
        %add3A_260 = arith.addf %add3A_252, %mul3A_259 : vector<16xf32>
        %mul3A_261 = vector.broadcast %squeeze3A_257 : f32 to vector<16xf32>
        %mul3A_262 = arith.mulf %mul3A_261, %get3A_62 : vector<16xf32>
        %add3A_263 = arith.addf %add3A_255, %mul3A_262 : vector<16xf32>
        %slice3A_264 = vector.extract_strided_slice %get3A_239 {offsets = [3], sizes = [1], strides = [1]} : vector<16xf32> to vector<1xf32>
        %squeeze3A_265 = vector.extract %slice3A_264[0] : f32 from vector<1xf32>
        %mul3A_266 = vector.broadcast %squeeze3A_265 : f32 to vector<16xf32>
        %mul3A_267 = arith.mulf %mul3A_266, %get3A_27 : vector<16xf32>
        %add3A_268 = arith.addf %add3A_260, %mul3A_267 : vector<16xf32>
        %mul3A_269 = vector.broadcast %squeeze3A_265 : f32 to vector<16xf32>
        %mul3A_270 = arith.mulf %mul3A_269, %get3A_67 : vector<16xf32>
        %add3A_271 = arith.addf %add3A_263, %mul3A_270 : vector<16xf32>
        %slice3A_272 = vector.extract_strided_slice %get3A_239 {offsets = [4], sizes = [1], strides = [1]} : vector<16xf32> to vector<1xf32>
        %squeeze3A_273 = vector.extract %slice3A_272[0] : f32 from vector<1xf32>
        %mul3A_274 = vector.broadcast %squeeze3A_273 : f32 to vector<16xf32>
        %mul3A_275 = arith.mulf %mul3A_274, %get3A_32 : vector<16xf32>
        %add3A_276 = arith.addf %add3A_268, %mul3A_275 : vector<16xf32>
        %mul3A_277 = vector.broadcast %squeeze3A_273 : f32 to vector<16xf32>
        %mul3A_278 = arith.mulf %mul3A_277, %get3A_72 : vector<16xf32>
        %add3A_279 = arith.addf %add3A_271, %mul3A_278 : vector<16xf32>
        %slice3A_280 = vector.extract_strided_slice %get3A_239 {offsets = [5], sizes = [1], strides = [1]} : vector<16xf32> to vector<1xf32>
        %squeeze3A_281 = vector.extract %slice3A_280[0] : f32 from vector<1xf32>
        %mul3A_282 = vector.broadcast %squeeze3A_281 : f32 to vector<16xf32>
        %mul3A_283 = arith.mulf %mul3A_282, %get3A_37 : vector<16xf32>
        %add3A_284 = arith.addf %add3A_276, %mul3A_283 : vector<16xf32>
        %mul3A_285 = vector.broadcast %squeeze3A_281 : f32 to vector<16xf32>
        %mul3A_286 = arith.mulf %mul3A_285, %get3A_77 : vector<16xf32>
        %add3A_287 = arith.addf %add3A_279, %mul3A_286 : vector<16xf32>
        %slice3A_288 = vector.extract_strided_slice %get3A_239 {offsets = [6], sizes = [1], strides = [1]} : vector<16xf32> to vector<1xf32>
        %squeeze3A_289 = vector.extract %slice3A_288[0] : f32 from vector<1xf32>
        %mul3A_290 = vector.broadcast %squeeze3A_289 : f32 to vector<16xf32>
        %mul3A_291 = arith.mulf %mul3A_290, %get3A_42 : vector<16xf32>
        %add3A_292 = arith.addf %add3A_284, %mul3A_291 : vector<16xf32>
        %mul3A_293 = vector.broadcast %squeeze3A_289 : f32 to vector<16xf32>
        %mul3A_294 = arith.mulf %mul3A_293, %get3A_82 : vector<16xf32>
        %add3A_295 = arith.addf %add3A_287, %mul3A_294 : vector<16xf32>
        %slice3A_296 = vector.extract_strided_slice %get3A_239 {offsets = [7], sizes = [1], strides = [1]} : vector<16xf32> to vector<1xf32>
        %squeeze3A_297 = vector.extract %slice3A_296[0] : f32 from vector<1xf32>
        %mul3A_298 = vector.broadcast %squeeze3A_297 : f32 to vector<16xf32>
        %mul3A_299 = arith.mulf %mul3A_298, %get3A_47 : vector<16xf32>
        %add3A_300 = arith.addf %add3A_292, %mul3A_299 : vector<16xf32>
        %mul3A_301 = vector.broadcast %squeeze3A_297 : f32 to vector<16xf32>
        %mul3A_302 = arith.mulf %mul3A_301, %get3A_87 : vector<16xf32>
        %add3A_303 = arith.addf %add3A_295, %mul3A_302 : vector<16xf32>
        %get3A_304 = arith.index_cast %mul3A_241 : i32 to index
        %get3A_305 = arith.constant 0 : index
        %get3A_306 = tpu.vector_load %arg20[%get3A_304, %get3A_305] {strides = array<i32>} : memref<80x32xf32, #tpu.memory_space<vmem>>, vector<1x16xf32>,
        %get3A_307 = vector.shape_cast %get3A_306 : vector<1x16xf32> to vector<16xf32>
        %add3A_308 = arith.addf %add3A_300, %get3A_307 : vector<16xf32>
        %get3A_309 = arith.index_cast %mul3A_241 : i32 to index
        %get3A_310 = arith.constant 0 : index
        %get3A_311 = tpu.vector_load %arg21[%get3A_309, %get3A_310] {strides = array<i32>} : memref<80x32xf32, #tpu.memory_space<vmem>>, vector<1x16xf32>,
        %get3A_312 = vector.shape_cast %get3A_311 : vector<1x16xf32> to vector<16xf32>
        %add3A_313 = arith.addf %add3A_308, %get3A_312 : vector<16xf32>
        %get3A_314 = arith.index_cast %mul3A_241 : i32 to index
        %get3A_315 = arith.constant 16 : index
        %get3A_316 = tpu.vector_load %arg20[%get3A_314, %get3A_315] {strides = array<i32>} : memref<80x32xf32, #tpu.memory_space<vmem>>, vector<1x16xf32>,
        %get3A_317 = vector.shape_cast %get3A_316 : vector<1x16xf32> to vector<16xf32>
        %add3A_318 = arith.addf %add3A_303, %get3A_317 : vector<16xf32>
        %get3A_319 = arith.index_cast %mul3A_241 : i32 to index
        %get3A_320 = arith.constant 16 : index
        %get3A_321 = tpu.vector_load %arg21[%get3A_319, %get3A_320] {strides = array<i32>} : memref<80x32xf32, #tpu.memory_space<vmem>>, vector<1x16xf32>,
        %get3A_322 = vector.shape_cast %get3A_321 : vector<1x16xf32> to vector<16xf32>
        %add3A_323 = arith.addf %add3A_318, %get3A_322 : vector<16xf32>
        %neg3A = arith.constant 0.000000e+00 : f32
        %neg3A_324 = vector.broadcast %neg3A : f32 to vector<16xf32>
        %neg3A_325 = arith.subf %neg3A_324, %add3A_313 : vector<16xf32>
        %exp3A = math.exp %neg3A_325 : vector<16xf32>
        %add3A_326 = arith.constant 1.000000e+00 : f32
        %add3A_327 = vector.broadcast %add3A_326 : f32 to vector<16xf32>
        %add3A_328 = arith.addf %add3A_327, %exp3A : vector<16xf32>
        %div3A = arith.constant 1.000000e+00 : f32
        %div3A_329 = vector.broadcast %div3A : f32 to vector<16xf32>
        %div3A_330 = arith.divf %div3A_329, %add3A_328 : vector<16xf32>
        %abs3A = math.absf %add3A_323 : vector<16xf32>
        %neg3A_331 = arith.constant 0.000000e+00 : f32
        %neg3A_332 = vector.broadcast %neg3A_331 : f32 to vector<16xf32>
        %neg3A_333 = arith.subf %neg3A_332, %abs3A : vector<16xf32>
        %exp3A_334 = math.exp %neg3A_333 : vector<16xf32>
        %add3A_335 = arith.constant 2.000000e+00 : f32
        %add3A_336 = vector.broadcast %add3A_335 : f32 to vector<16xf32>
        %add3A_337 = arith.addf %exp3A_334, %add3A_336 : vector<16xf32>
        %div3A_338 = arith.divf %exp3A_334, %add3A_337 : vector<16xf32>
        %mul3A_339 = arith.mulf %div3A_338, %div3A_338 : vector<16xf32>
        %mul3A_340 = arith.constant 0.0769230798 : f32
        %mul3A_341 = vector.broadcast %mul3A_340 : f32 to vector<16xf32>
        %mul3A_342 = arith.mulf %mul3A_339, %mul3A_341 : vector<16xf32>
        %add3A_343 = arith.constant 0.0909090936 : f32
        %add3A_344 = vector.broadcast %add3A_343 : f32 to vector<16xf32>
        %add3A_345 = arith.addf %mul3A_342, %add3A_344 : vector<16xf32>
        %mul3A_346 = arith.mulf %add3A_345, %mul3A_339 : vector<16xf32>
        %add3A_347 = arith.constant 0.111111112 : f32
        %add3A_348 = vector.broadcast %add3A_347 : f32 to vector<16xf32>
        %add3A_349 = arith.addf %mul3A_346, %add3A_348 : vector<16xf32>
        %mul3A_350 = arith.mulf %add3A_349, %mul3A_339 : vector<16xf32>
        %add3A_351 = arith.constant 0.142857149 : f32
        %add3A_352 = vector.broadcast %add3A_351 : f32 to vector<16xf32>
        %add3A_353 = arith.addf %mul3A_350, %add3A_352 : vector<16xf32>
        %mul3A_354 = arith.mulf %add3A_353, %mul3A_339 : vector<16xf32>
        %add3A_355 = arith.constant 2.000000e-01 : f32
        %add3A_356 = vector.broadcast %add3A_355 : f32 to vector<16xf32>
        %add3A_357 = arith.addf %mul3A_354, %add3A_356 : vector<16xf32>
        %mul3A_358 = arith.mulf %add3A_357, %mul3A_339 : vector<16xf32>
        %add3A_359 = arith.constant 0.333333343 : f32
        %add3A_360 = vector.broadcast %add3A_359 : f32 to vector<16xf32>
        %add3A_361 = arith.addf %mul3A_358, %add3A_360 : vector<16xf32>
        %mul3A_362 = arith.mulf %add3A_361, %mul3A_339 : vector<16xf32>
        %add3A_363 = arith.constant 1.000000e+00 : f32
        %add3A_364 = vector.broadcast %add3A_363 : f32 to vector<16xf32>
        %add3A_365 = arith.addf %mul3A_362, %add3A_364 : vector<16xf32>
        %max3A = arith.constant 0.000000e+00 : f32
        %max3A_366 = vector.broadcast %max3A : f32 to vector<16xf32>
        %max3A_367 = arith.maximumf %add3A_323, %max3A_366 : vector<16xf32>
        %mul3A_368 = arith.constant 2.000000e+00 : f32
        %mul3A_369 = vector.broadcast %mul3A_368 : f32 to vector<16xf32>
        %mul3A_370 = arith.mulf %mul3A_369, %div3A_338 : vector<16xf32>
        %mul3A_371 = arith.mulf %mul3A_370, %add3A_365 : vector<16xf32>
        %add3A_372 = arith.addf %max3A_367, %mul3A_371 : vector<16xf32>
        %mul3A_373 = arith.mulf %div3A_330, %add3A_372 : vector<16xf32>
        %swap3A = arith.index_cast %mul3A_241 : i32 to index
        %swap3A_374 = arith.constant 0 : index
        %swap3A_375 = tpu.vector_load %arg22[%swap3A, %swap3A_374] {strides = array<i32>} : memref<80x16xf32, #tpu.memory_space<vmem>>, vector<1x16xf32>,
        %swap3A_376 = vector.shape_cast %swap3A_375 : vector<1x16xf32> to vector<16xf32>
        %swap3A_377 = vector.shape_cast %mul3A_373 : vector<16xf32> to vector<1x16xf32>
        tpu.vector_store %arg22[%swap3A, %swap3A_374], %swap3A_377 {strides = array<i32>} : memref<80x16xf32, #tpu.memory_space<vmem>>, vector<1x16xf32>,
        %mul3A_378 = arith.constant 2 : i32
        %mul3A_379 = arith.muli %mul3A_378, %scan3A_234 : i32
        %add3A_380 = arith.constant 1 : i32
        %add3A_381 = arith.addi %mul3A_379, %add3A_380 : i32
        %slice3A_382 = vector.extract_strided_slice %get3A_239 {offsets = [8], sizes = [1], strides = [1]} : vector<16xf32> to vector<1xf32>
        %squeeze3A_383 = vector.extract %slice3A_382[0] : f32 from vector<1xf32>
        %mul3A_384 = vector.broadcast %squeeze3A_383 : f32 to vector<16xf32>
        %mul3A_385 = arith.mulf %mul3A_384, %get3A_12 : vector<16xf32>
        %add3A_386 = arith.addf %get3A_92, %mul3A_385 : vector<16xf32>
        %mul3A_387 = vector.broadcast %squeeze3A_383 : f32 to vector<16xf32>
        %mul3A_388 = arith.mulf %mul3A_387, %get3A_52 : vector<16xf32>
        %add3A_389 = arith.addf %get3A_97, %mul3A_388 : vector<16xf32>
        %slice3A_390 = vector.extract_strided_slice %get3A_239 {offsets = [9], sizes = [1], strides = [1]} : vector<16xf32> to vector<1xf32>
        %squeeze3A_391 = vector.extract %slice3A_390[0] : f32 from vector<1xf32>
        %mul3A_392 = vector.broadcast %squeeze3A_391 : f32 to vector<16xf32>
        %mul3A_393 = arith.mulf %mul3A_392, %get3A_17 : vector<16xf32>
        %add3A_394 = arith.addf %add3A_386, %mul3A_393 : vector<16xf32>
        %mul3A_395 = vector.broadcast %squeeze3A_391 : f32 to vector<16xf32>
        %mul3A_396 = arith.mulf %mul3A_395, %get3A_57 : vector<16xf32>
        %add3A_397 = arith.addf %add3A_389, %mul3A_396 : vector<16xf32>
        %slice3A_398 = vector.extract_strided_slice %get3A_239 {offsets = [10], sizes = [1], strides = [1]} : vector<16xf32> to vector<1xf32>
        %squeeze3A_399 = vector.extract %slice3A_398[0] : f32 from vector<1xf32>
        %mul3A_400 = vector.broadcast %squeeze3A_399 : f32 to vector<16xf32>
        %mul3A_401 = arith.mulf %mul3A_400, %get3A_22 : vector<16xf32>
        %add3A_402 = arith.addf %add3A_394, %mul3A_401 : vector<16xf32>
        %mul3A_403 = vector.broadcast %squeeze3A_399 : f32 to vector<16xf32>
        %mul3A_404 = arith.mulf %mul3A_403, %get3A_62 : vector<16xf32>
        %add3A_405 = arith.addf %add3A_397, %mul3A_404 : vector<16xf32>
        %slice3A_406 = vector.extract_strided_slice %get3A_239 {offsets = [11], sizes = [1], strides = [1]} : vector<16xf32> to vector<1xf32>
        %squeeze3A_407 = vector.extract %slice3A_406[0] : f32 from vector<1xf32>
        %mul3A_408 = vector.broadcast %squeeze3A_407 : f32 to vector<16xf32>
        %mul3A_409 = arith.mulf %mul3A_408, %get3A_27 : vector<16xf32>
        %add3A_410 = arith.addf %add3A_402, %mul3A_409 : vector<16xf32>
        %mul3A_411 = vector.broadcast %squeeze3A_407 : f32 to vector<16xf32>
        %mul3A_412 = arith.mulf %mul3A_411, %get3A_67 : vector<16xf32>
        %add3A_413 = arith.addf %add3A_405, %mul3A_412 : vector<16xf32>
        %slice3A_414 = vector.extract_strided_slice %get3A_239 {offsets = [12], sizes = [1], strides = [1]} : vector<16xf32> to vector<1xf32>
        %squeeze3A_415 = vector.extract %slice3A_414[0] : f32 from vector<1xf32>
        %mul3A_416 = vector.broadcast %squeeze3A_415 : f32 to vector<16xf32>
        %mul3A_417 = arith.mulf %mul3A_416, %get3A_32 : vector<16xf32>
        %add3A_418 = arith.addf %add3A_410, %mul3A_417 : vector<16xf32>
        %mul3A_419 = vector.broadcast %squeeze3A_415 : f32 to vector<16xf32>
        %mul3A_420 = arith.mulf %mul3A_419, %get3A_72 : vector<16xf32>
        %add3A_421 = arith.addf %add3A_413, %mul3A_420 : vector<16xf32>
        %slice3A_422 = vector.extract_strided_slice %get3A_239 {offsets = [13], sizes = [1], strides = [1]} : vector<16xf32> to vector<1xf32>
        %squeeze3A_423 = vector.extract %slice3A_422[0] : f32 from vector<1xf32>
        %mul3A_424 = vector.broadcast %squeeze3A_423 : f32 to vector<16xf32>
        %mul3A_425 = arith.mulf %mul3A_424, %get3A_37 : vector<16xf32>
        %add3A_426 = arith.addf %add3A_418, %mul3A_425 : vector<16xf32>
        %mul3A_427 = vector.broadcast %squeeze3A_423 : f32 to vector<16xf32>
        %mul3A_428 = arith.mulf %mul3A_427, %get3A_77 : vector<16xf32>
        %add3A_429 = arith.addf %add3A_421, %mul3A_428 : vector<16xf32>
        %slice3A_430 = vector.extract_strided_slice %get3A_239 {offsets = [14], sizes = [1], strides = [1]} : vector<16xf32> to vector<1xf32>
        %squeeze3A_431 = vector.extract %slice3A_430[0] : f32 from vector<1xf32>
        %mul3A_432 = vector.broadcast %squeeze3A_431 : f32 to vector<16xf32>
        %mul3A_433 = arith.mulf %mul3A_432, %get3A_42 : vector<16xf32>
        %add3A_434 = arith.addf %add3A_426, %mul3A_433 : vector<16xf32>
        %mul3A_435 = vector.broadcast %squeeze3A_431 : f32 to vector<16xf32>
        %mul3A_436 = arith.mulf %mul3A_435, %get3A_82 : vector<16xf32>
        %add3A_437 = arith.addf %add3A_429, %mul3A_436 : vector<16xf32>
        %slice3A_438 = vector.extract_strided_slice %get3A_239 {offsets = [15], sizes = [1], strides = [1]} : vector<16xf32> to vector<1xf32>
        %squeeze3A_439 = vector.extract %slice3A_438[0] : f32 from vector<1xf32>
        %mul3A_440 = vector.broadcast %squeeze3A_439 : f32 to vector<16xf32>
        %mul3A_441 = arith.mulf %mul3A_440, %get3A_47 : vector<16xf32>
        %add3A_442 = arith.addf %add3A_434, %mul3A_441 : vector<16xf32>
        %mul3A_443 = vector.broadcast %squeeze3A_439 : f32 to vector<16xf32>
        %mul3A_444 = arith.mulf %mul3A_443, %get3A_87 : vector<16xf32>
        %add3A_445 = arith.addf %add3A_437, %mul3A_444 : vector<16xf32>
        %get3A_446 = arith.index_cast %add3A_381 : i32 to index
        %get3A_447 = arith.constant 0 : index
        %get3A_448 = tpu.vector_load %arg20[%get3A_446, %get3A_447] {strides = array<i32>} : memref<80x32xf32, #tpu.memory_space<vmem>>, vector<1x16xf32>,
        %get3A_449 = vector.shape_cast %get3A_448 : vector<1x16xf32> to vector<16xf32>
        %add3A_450 = arith.addf %add3A_442, %get3A_449 : vector<16xf32>
        %get3A_451 = arith.index_cast %add3A_381 : i32 to index
        %get3A_452 = arith.constant 0 : index
        %get3A_453 = tpu.vector_load %arg21[%get3A_451, %get3A_452] {strides = array<i32>} : memref<80x32xf32, #tpu.memory_space<vmem>>, vector<1x16xf32>,
        %get3A_454 = vector.shape_cast %get3A_453 : vector<1x16xf32> to vector<16xf32>
        %add3A_455 = arith.addf %add3A_450, %get3A_454 : vector<16xf32>
        %get3A_456 = arith.index_cast %add3A_381 : i32 to index
        %get3A_457 = arith.constant 16 : index
        %get3A_458 = tpu.vector_load %arg20[%get3A_456, %get3A_457] {strides = array<i32>} : memref<80x32xf32, #tpu.memory_space<vmem>>, vector<1x16xf32>,
        %get3A_459 = vector.shape_cast %get3A_458 : vector<1x16xf32> to vector<16xf32>
        %add3A_460 = arith.addf %add3A_445, %get3A_459 : vector<16xf32>
        %get3A_461 = arith.index_cast %add3A_381 : i32 to index
        %get3A_462 = arith.constant 16 : index
        %get3A_463 = tpu.vector_load %arg21[%get3A_461, %get3A_462] {strides = array<i32>} : memref<80x32xf32, #tpu.memory_space<vmem>>, vector<1x16xf32>,
        %get3A_464 = vector.shape_cast %get3A_463 : vector<1x16xf32> to vector<16xf32>
        %add3A_465 = arith.addf %add3A_460, %get3A_464 : vector<16xf32>
        %neg3A_466 = arith.constant 0.000000e+00 : f32
        %neg3A_467 = vector.broadcast %neg3A_466 : f32 to vector<16xf32>
        %neg3A_468 = arith.subf %neg3A_467, %add3A_455 : vector<16xf32>
        %exp3A_469 = math.exp %neg3A_468 : vector<16xf32>
        %add3A_470 = arith.constant 1.000000e+00 : f32
        %add3A_471 = vector.broadcast %add3A_470 : f32 to vector<16xf32>
        %add3A_472 = arith.addf %add3A_471, %exp3A_469 : vector<16xf32>
        %div3A_473 = arith.constant 1.000000e+00 : f32
        %div3A_474 = vector.broadcast %div3A_473 : f32 to vector<16xf32>
        %div3A_475 = arith.divf %div3A_474, %add3A_472 : vector<16xf32>
        %abs3A_476 = math.absf %add3A_465 : vector<16xf32>
        %neg3A_477 = arith.constant 0.000000e+00 : f32
        %neg3A_478 = vector.broadcast %neg3A_477 : f32 to vector<16xf32>
        %neg3A_479 = arith.subf %neg3A_478, %abs3A_476 : vector<16xf32>
        %exp3A_480 = math.exp %neg3A_479 : vector<16xf32>
        %add3A_481 = arith.constant 2.000000e+00 : f32
        %add3A_482 = vector.broadcast %add3A_481 : f32 to vector<16xf32>
        %add3A_483 = arith.addf %exp3A_480, %add3A_482 : vector<16xf32>
        %div3A_484 = arith.divf %exp3A_480, %add3A_483 : vector<16xf32>
        %mul3A_485 = arith.mulf %div3A_484, %div3A_484 : vector<16xf32>
        %mul3A_486 = arith.constant 0.0769230798 : f32
        %mul3A_487 = vector.broadcast %mul3A_486 : f32 to vector<16xf32>
        %mul3A_488 = arith.mulf %mul3A_485, %mul3A_487 : vector<16xf32>
        %add3A_489 = arith.constant 0.0909090936 : f32
        %add3A_490 = vector.broadcast %add3A_489 : f32 to vector<16xf32>
        %add3A_491 = arith.addf %mul3A_488, %add3A_490 : vector<16xf32>
        %mul3A_492 = arith.mulf %add3A_491, %mul3A_485 : vector<16xf32>
        %add3A_493 = arith.constant 0.111111112 : f32
        %add3A_494 = vector.broadcast %add3A_493 : f32 to vector<16xf32>
        %add3A_495 = arith.addf %mul3A_492, %add3A_494 : vector<16xf32>
        %mul3A_496 = arith.mulf %add3A_495, %mul3A_485 : vector<16xf32>
        %add3A_497 = arith.constant 0.142857149 : f32
        %add3A_498 = vector.broadcast %add3A_497 : f32 to vector<16xf32>
        %add3A_499 = arith.addf %mul3A_496, %add3A_498 : vector<16xf32>
        %mul3A_500 = arith.mulf %add3A_499, %mul3A_485 : vector<16xf32>
        %add3A_501 = arith.constant 2.000000e-01 : f32
        %add3A_502 = vector.broadcast %add3A_501 : f32 to vector<16xf32>
        %add3A_503 = arith.addf %mul3A_500, %add3A_502 : vector<16xf32>
        %mul3A_504 = arith.mulf %add3A_503, %mul3A_485 : vector<16xf32>
        %add3A_505 = arith.constant 0.333333343 : f32
        %add3A_506 = vector.broadcast %add3A_505 : f32 to vector<16xf32>
        %add3A_507 = arith.addf %mul3A_504, %add3A_506 : vector<16xf32>
        %mul3A_508 = arith.mulf %add3A_507, %mul3A_485 : vector<16xf32>
        %add3A_509 = arith.constant 1.000000e+00 : f32
        %add3A_510 = vector.broadcast %add3A_509 : f32 to vector<16xf32>
        %add3A_511 = arith.addf %mul3A_508, %add3A_510 : vector<16xf32>
        %max3A_512 = arith.constant 0.000000e+00 : f32
        %max3A_513 = vector.broadcast %max3A_512 : f32 to vector<16xf32>
        %max3A_514 = arith.maximumf %add3A_465, %max3A_513 : vector<16xf32>
        %mul3A_515 = arith.constant 2.000000e+00 : f32
        %mul3A_516 = vector.broadcast %mul3A_515 : f32 to vector<16xf32>
        %mul3A_517 = arith.mulf %mul3A_516, %div3A_484 : vector<16xf32>
        %mul3A_518 = arith.mulf %mul3A_517, %add3A_511 : vector<16xf32>
        %add3A_519 = arith.addf %max3A_514, %mul3A_518 : vector<16xf32>
        %mul3A_520 = arith.mulf %div3A_475, %add3A_519 : vector<16xf32>
        %swap3A_521 = arith.index_cast %add3A_381 : i32 to index
        %swap3A_522 = arith.constant 0 : index
        %swap3A_523 = tpu.vector_load %arg22[%swap3A_521, %swap3A_522] {strides = array<i32>} : memref<80x16xf32, #tpu.memory_space<vmem>>, vector<1x16xf32>,
        %swap3A_524 = vector.shape_cast %swap3A_523 : vector<1x16xf32> to vector<16xf32>
        %swap3A_525 = vector.shape_cast %mul3A_520 : vector<16xf32> to vector<1x16xf32>
        tpu.vector_store %arg22[%swap3A_521, %swap3A_522], %swap3A_525 {strides = array<i32>} : memref<80x16xf32, #tpu.memory_space<vmem>>, vector<1x16xf32>,
      }
      %scan3A_226 = arith.constant 40 : i32
      "tpu.region"() ({
        %run_scoped3A = tpu.sem_alloc : memref<!tpu.dma_semaphore, #tpu.memory_space<semaphore_mem>>
        %dma_start3A_234 = arith.constant 0 : i32
        %dma_start3A_235 = arith.constant 0 : i32
        %dma_start3A_236 = tpu.memref_slice %arg10[%dma_start3A_234, %dma_start3A_235] : memref<100000x16xf32, #tpu.memory_space<vmem_shared>> -> memref<100000x16xf32, #tpu.memory_space<vmem_shared>>
        tpu.enqueue_indirect_dma source(%arg22 : memref<80x16xf32, #tpu.memory_space<vmem>>) target(%dma_start3A_236 : memref<100000x16xf32, #tpu.memory_space<vmem_shared>>) offsets(%arg17 : memref<80xi32, #tpu.memory_space<vmem>>) semaphore(%run_scoped3A : memref<!tpu.dma_semaphore, #tpu.memory_space<semaphore_mem>>) {add = true}
        %dma_wait3A_237 = arith.constant 0 : i32
        %dma_wait3A_238 = arith.constant 0 : i32
        %dma_wait3A_239 = tpu.memref_slice %arg10[%dma_wait3A_237, %dma_wait3A_238] : memref<100000x16xf32, #tpu.memory_space<vmem_shared>> -> memref<100000x16xf32, #tpu.memory_space<vmem_shared>>
        tpu.wait_indirect_dma semaphore(%run_scoped3A : memref<!tpu.dma_semaphore, #tpu.memory_space<semaphore_mem>>) src(%arg22 : memref<80x16xf32, #tpu.memory_space<vmem>>) dst(%dma_wait3A_239 : memref<100000x16xf32, #tpu.memory_space<vmem_shared>>)
        tpu.yield
      }) : () -> ()
      %add3A_227 = arith.constant 2 : i32
      %add3A_228 = arith.addi %add3A_199, %add3A_227 : i32
      %lt3A_229 = arith.constant 1250 : i32
      %lt3A_230 = arith.cmpi slt, %add3A_228, %lt3A_229 : i32
      %convert_element_type3A_231 = arith.extui %lt3A_230 : i1 to i32
      %cond3A_232 = arith.constant 0 : i32
      %cond3A_233 = arith.cmpi ne, %convert_element_type3A_231, %cond3A_232 : i32
      scf.if %cond3A_233 {
        %add3A_234 = arith.constant 2 : i32
        %add3A_235 = arith.addi %add3A_199, %add3A_234 : i32
        %mul3A_236 = arith.constant 80 : i32
        %mul3A_237 = arith.muli %add3A_235, %mul3A_236 : i32
        %add3A_238 = arith.addi %mul3A_0, %mul3A_237 : i32
        %dma_start3A_239 = tpu.memref_slice %arg4[%add3A_238] : memref<1600000xi32, #tpu.memory_space<hbm>> -> memref<80xi32, #tpu.memory_space<hbm>>
        %dma_start3A_240 = tpu.memref_slice %arg4[%add3A_238] : memref<1600000xi32, #tpu.memory_space<hbm>> -> memref<80xi32, #tpu.memory_space<hbm>>
        tpu.enqueue_dma source(%dma_start3A_240 : memref<80xi32, #tpu.memory_space<hbm>>) target(%arg17 : memref<80xi32, #tpu.memory_space<vmem>>) target_semaphore(%arg24 : memref<!tpu.dma_semaphore, #tpu.memory_space<semaphore_mem>>)
        %dma_start3A_241 = tpu.memref_slice %arg5[%add3A_238] : memref<1600000xi32, #tpu.memory_space<hbm>> -> memref<80xi32, #tpu.memory_space<hbm>>
        %dma_start3A_242 = tpu.memref_slice %arg5[%add3A_238] : memref<1600000xi32, #tpu.memory_space<hbm>> -> memref<80xi32, #tpu.memory_space<hbm>>
        tpu.enqueue_dma source(%dma_start3A_242 : memref<80xi32, #tpu.memory_space<hbm>>) target(%arg18 : memref<80xi32, #tpu.memory_space<vmem>>) target_semaphore(%arg24 : memref<!tpu.dma_semaphore, #tpu.memory_space<semaphore_mem>>)
        %mul3A_243 = arith.constant 8 : i32
        %mul3A_244 = arith.muli %add3A_238, %mul3A_243 : i32
        %dma_start3A_245 = tpu.memref_slice %arg6[%mul3A_244] : memref<12800000xf32, #tpu.memory_space<hbm>> -> memref<640xf32, #tpu.memory_space<hbm>>
        %dma_start3A_246 = tpu.memref_slice %arg6[%mul3A_244] : memref<12800000xf32, #tpu.memory_space<hbm>> -> memref<640xf32, #tpu.memory_space<hbm>>
        tpu.enqueue_dma source(%dma_start3A_246 : memref<640xf32, #tpu.memory_space<hbm>>) target(%arg19 : memref<640xf32, #tpu.memory_space<vmem>>) target_semaphore(%arg24 : memref<!tpu.dma_semaphore, #tpu.memory_space<semaphore_mem>>)
      } else {
      }
    }
    %scan3A_145 = arith.constant 625 : i32
    %barrier3A_146 = arith.constant 0 : index
    tpu.barrier barrier_id(%barrier3A_146)
    %lt3A_147 = arith.constant 15 : i32
    %lt3A_148 = arith.cmpi slt, %arg1, %lt3A_147 : i32
    %convert_element_type3A_149 = arith.extui %lt3A_148 : i1 to i32
    %cond3A_150 = arith.constant 0 : i32
    %cond3A_151 = arith.cmpi ne, %convert_element_type3A_149, %cond3A_150 : i32
    scf.if %cond3A_151 {
      "tpu.region"() ({
        %run_scoped3A = tpu.sem_alloc : memref<!tpu.dma_semaphore, #tpu.memory_space<semaphore_mem>>
        %dma_start3A_157 = arith.constant 0 : i32
        %dma_start3A_158 = tpu.memref_slice %arg9[%arg0, %mul3A_2, %dma_start3A_157] : memref<2x100000x16xf32, #tpu.memory_space<hbm>> -> memref<1x6256x16xf32, #tpu.memory_space<hbm>>
        %dma_start3A_159 = tpu.memref_squeeze %dma_start3A_158 : memref<1x6256x16xf32, #tpu.memory_space<hbm>> -> memref<6256x16xf32, #tpu.memory_space<hbm>>
        %dma_start3A_160 = arith.constant 0 : i32
        %dma_start3A_161 = tpu.memref_slice %arg10[%mul3A_2, %dma_start3A_160] : memref<100000x16xf32, #tpu.memory_space<vmem_shared>> -> memref<6256x16xf32, #tpu.memory_space<vmem_shared>>
        tpu.enqueue_dma source(%dma_start3A_161 : memref<6256x16xf32, #tpu.memory_space<vmem_shared>>) target(%dma_start3A_159 : memref<6256x16xf32, #tpu.memory_space<hbm>>) target_semaphore(%run_scoped3A : memref<!tpu.dma_semaphore, #tpu.memory_space<semaphore_mem>>)
        %dma_wait3A_162 = arith.constant 0 : i32
        %dma_wait3A_163 = tpu.memref_slice %arg9[%arg0, %mul3A_2, %dma_wait3A_162] : memref<2x100000x16xf32, #tpu.memory_space<hbm>> -> memref<1x6256x16xf32, #tpu.memory_space<hbm>>
        %dma_wait3A_164 = tpu.memref_squeeze %dma_wait3A_163 : memref<1x6256x16xf32, #tpu.memory_space<hbm>> -> memref<6256x16xf32, #tpu.memory_space<hbm>>
        %dma_wait3A_165 = arith.constant 0 : i32
        %dma_wait3A_166 = tpu.memref_slice %arg10[%mul3A_2, %dma_wait3A_165] : memref<100000x16xf32, #tpu.memory_space<vmem_shared>> -> memref<6256x16xf32, #tpu.memory_space<vmem_shared>>
        tpu.wait_dma2 semaphore(%run_scoped3A : memref<!tpu.dma_semaphore, #tpu.memory_space<semaphore_mem>>) src(%dma_wait3A_166 : memref<6256x16xf32, #tpu.memory_space<vmem_shared>>) dst(%dma_wait3A_164 : memref<6256x16xf32, #tpu.memory_space<hbm>>)
        tpu.yield
      }) : () -> ()
    } else {
    }
    %eq3A_152 = arith.constant 15 : i32
    %eq3A_153 = arith.cmpi eq, %arg1, %eq3A_152 : i32
    %convert_element_type3A_154 = arith.extui %eq3A_153 : i1 to i32
    %cond3A_155 = arith.constant 0 : i32
    %cond3A_156 = arith.cmpi ne, %convert_element_type3A_154, %cond3A_155 : i32
    scf.if %cond3A_156 {
      "tpu.region"() ({
        %run_scoped3A = tpu.sem_alloc : memref<!tpu.dma_semaphore, #tpu.memory_space<semaphore_mem>>
        %dma_start3A_157 = arith.constant 93840 : i32
        %dma_start3A_158 = arith.constant 0 : i32
        %dma_start3A_159 = tpu.memref_slice %arg9[%arg0, %dma_start3A_157, %dma_start3A_158] : memref<2x100000x16xf32, #tpu.memory_space<hbm>> -> memref<1x6160x16xf32, #tpu.memory_space<hbm>>
        %dma_start3A_160 = tpu.memref_squeeze %dma_start3A_159 : memref<1x6160x16xf32, #tpu.memory_space<hbm>> -> memref<6160x16xf32, #tpu.memory_space<hbm>>
        %dma_start3A_161 = arith.constant 93840 : i32
        %dma_start3A_162 = arith.constant 0 : i32
        %dma_start3A_163 = tpu.memref_slice %arg10[%dma_start3A_161, %dma_start3A_162] : memref<100000x16xf32, #tpu.memory_space<vmem_shared>> -> memref<6160x16xf32, #tpu.memory_space<vmem_shared>>
        tpu.enqueue_dma source(%dma_start3A_163 : memref<6160x16xf32, #tpu.memory_space<vmem_shared>>) target(%dma_start3A_160 : memref<6160x16xf32, #tpu.memory_space<hbm>>) target_semaphore(%run_scoped3A : memref<!tpu.dma_semaphore, #tpu.memory_space<semaphore_mem>>)
        %dma_wait3A_164 = arith.constant 93840 : i32
        %dma_wait3A_165 = arith.constant 0 : i32
        %dma_wait3A_166 = tpu.memref_slice %arg9[%arg0, %dma_wait3A_164, %dma_wait3A_165] : memref<2x100000x16xf32, #tpu.memory_space<hbm>> -> memref<1x6160x16xf32, #tpu.memory_space<hbm>>
        %dma_wait3A_167 = tpu.memref_squeeze %dma_wait3A_166 : memref<1x6160x16xf32, #tpu.memory_space<hbm>> -> memref<6160x16xf32, #tpu.memory_space<hbm>>
        %dma_wait3A_168 = arith.constant 93840 : i32
        %dma_wait3A_169 = arith.constant 0 : i32
        %dma_wait3A_170 = tpu.memref_slice %arg10[%dma_wait3A_168, %dma_wait3A_169] : memref<100000x16xf32, #tpu.memory_space<vmem_shared>> -> memref<6160x16xf32, #tpu.memory_space<vmem_shared>>
        tpu.wait_dma2 semaphore(%run_scoped3A : memref<!tpu.dma_semaphore, #tpu.memory_space<semaphore_mem>>) src(%dma_wait3A_170 : memref<6160x16xf32, #tpu.memory_space<vmem_shared>>) dst(%dma_wait3A_167 : memref<6160x16xf32, #tpu.memory_space<hbm>>)
        tpu.yield
      }) : () -> ()
    } else {
    }
    return
  }
}

module attributes {stable_mosaic.version = 14 : i64} {
  func.func @_proj_body(%arg0: i32, %arg1: memref<2000x20xf32, #tpu.memory_space<vmem>>, %arg2: memref<20x128xf32, #tpu.memory_space<vmem>>, %arg3: memref<2x2000x32xf32, #tpu.memory_space<vmem>>, %arg4: memref<2x2000x32xf32, #tpu.memory_space<vmem>>) attributes {dimension_semantics = [#tpu.dimension_semantics<arbitrary>], iteration_bounds = array<i64: 50>, scalar_prefetch = 0 : i64, scratch_operands = 0 : i64, tpu.core_type = #tpu.core_type<tc>, window_params = [{transform_indices = @transform_0, window_bounds = array<i64: 2000, 20>}, {pipeline_mode = #tpu.pipeline_mode<synchronous>, transform_indices = @transform_1, window_bounds = array<i64: 20, 128>}, {transform_indices = @transform_2, window_bounds = array<i64: 2, 2000, 32>}, {transform_indices = @transform_3, window_bounds = array<i64: 2, 2000, 32>}]} {
    %get3A = arith.constant 0 : index
    %get3A_0 = arith.constant 0 : index
    %get3A_1 = vector.load %arg1[%get3A, %get3A_0] : memref<2000x20xf32, #tpu.memory_space<vmem>>, vector<2000x20xf32>
    %get3A_2 = arith.constant 0 : index
    %get3A_3 = arith.constant 0 : index
    %get3A_4 = vector.load %arg2[%get3A_2, %get3A_3] : memref<20x128xf32, #tpu.memory_space<vmem>>, vector<20x128xf32>
    %dot_general3A = arith.constant dense<0.000000e+00> : vector<2000x128xf32>
    %dot_general3A_5 = tpu.matmul %get3A_1, %get3A_4, %dot_general3A {dimension_numbers = #tpu.dot_dimension_numbers<[1], [0], [0], [1], [0, 0, 1, 1], [], []>, transpose_lhs_hint = false} : vector<2000x20xf32>, vector<20x128xf32>, vector<2000x128xf32> -> vector<2000x128xf32>
    %slice3A = vector.extract_strided_slice %dot_general3A_5 {offsets = [0, 0], sizes = [2000, 32], strides = [1, 1]} : vector<2000x128xf32> to vector<2000x32xf32>
    %slice3A_6 = vector.extract_strided_slice %dot_general3A_5 {offsets = [0, 32], sizes = [2000, 32], strides = [1, 1]} : vector<2000x128xf32> to vector<2000x32xf32>
    %stack3A = vector.shape_cast %slice3A : vector<2000x32xf32> to vector<1x2000x32xf32>
    %stack3A_7 = vector.shape_cast %slice3A_6 : vector<2000x32xf32> to vector<1x2000x32xf32>
    %stack3A_8 = tpu.concatenate %stack3A, %stack3A_7 in 0 : vector<1x2000x32xf32>, vector<1x2000x32xf32> -> vector<2x2000x32xf32>
    %slice3A_9 = vector.extract_strided_slice %dot_general3A_5 {offsets = [0, 64], sizes = [2000, 32], strides = [1, 1]} : vector<2000x128xf32> to vector<2000x32xf32>
    %slice3A_10 = vector.extract_strided_slice %dot_general3A_5 {offsets = [0, 96], sizes = [2000, 32], strides = [1, 1]} : vector<2000x128xf32> to vector<2000x32xf32>
    %stack3A_11 = vector.shape_cast %slice3A_9 : vector<2000x32xf32> to vector<1x2000x32xf32>
    %stack3A_12 = vector.shape_cast %slice3A_10 : vector<2000x32xf32> to vector<1x2000x32xf32>
    %stack3A_13 = tpu.concatenate %stack3A_11, %stack3A_12 in 0 : vector<1x2000x32xf32>, vector<1x2000x32xf32> -> vector<2x2000x32xf32>
    %swap3A = arith.constant 0 : index
    %swap3A_14 = arith.constant 0 : index
    %swap3A_15 = arith.constant 0 : index
    %swap3A_16 = vector.load %arg3[%swap3A, %swap3A_14, %swap3A_15] : memref<2x2000x32xf32, #tpu.memory_space<vmem>>, vector<2x2000x32xf32>
    tpu.vector_store %arg3[%swap3A, %swap3A_14, %swap3A_15], %stack3A_8 {strides = array<i32>} : memref<2x2000x32xf32, #tpu.memory_space<vmem>>, vector<2x2000x32xf32>,
    %swap3A_17 = arith.constant 0 : index
    %swap3A_18 = arith.constant 0 : index
    %swap3A_19 = arith.constant 0 : index
    %swap3A_20 = vector.load %arg4[%swap3A_17, %swap3A_18, %swap3A_19] : memref<2x2000x32xf32, #tpu.memory_space<vmem>>, vector<2x2000x32xf32>
    tpu.vector_store %arg4[%swap3A_17, %swap3A_18, %swap3A_19], %stack3A_13 {strides = array<i32>} : memref<2x2000x32xf32, #tpu.memory_space<vmem>>, vector<2x2000x32xf32>,
    return
  }
  func.func @transform_0(%arg0: i32) -> (i32, i32) {
    %c0_i32 = arith.constant 0 : i32
    %c0_i32_0 = arith.constant 0 : i32
    return %arg0, %c0_i32 : i32, i32
  }
  func.func @transform_1(%arg0: i32) -> (i32, i32) {
    %c0_i32 = arith.constant 0 : i32
    %c0_i32_0 = arith.constant 0 : i32
    %c0_i32_1 = arith.constant 0 : i32
    return %c0_i32, %c0_i32_0 : i32, i32
  }
  func.func @transform_2(%arg0: i32) -> (i32, i32, i32) {
    %c0_i32 = arith.constant 0 : i32
    %c0_i32_0 = arith.constant 0 : i32
    %c0_i32_1 = arith.constant 0 : i32
    return %c0_i32, %arg0, %c0_i32_0 : i32, i32, i32
  }
  func.func @transform_3(%arg0: i32) -> (i32, i32, i32) {
    %c0_i32 = arith.constant 0 : i32
    %c0_i32_0 = arith.constant 0 : i32
    %c0_i32_1 = arith.constant 0 : i32
    return %c0_i32, %arg0, %c0_i32_0 : i32, i32, i32
  }
}

module attributes {stable_mosaic.version = 14 : i64} {
  func.func @_stats_body(%arg0: i32, %arg1: memref<2000x20xf32, #tpu.memory_space<vmem>>, %arg2: memref<2000x16xf32, #tpu.memory_space<vmem>>, %arg3: memref<2000x16xf32, #tpu.memory_space<vmem>>, %arg4: memref<2000x20xf32, #tpu.memory_space<vmem>>, %arg5: memref<2x20xf32, #tpu.memory_space<vmem>>) attributes {dimension_semantics = [#tpu.dimension_semantics<arbitrary>], iteration_bounds = array<i64: 50>, scalar_prefetch = 0 : i64, scratch_operands = 0 : i64, tpu.core_type = #tpu.core_type<tc>, window_params = [{transform_indices = @transform_0, window_bounds = array<i64: 2000, 20>}, {transform_indices = @transform_1, window_bounds = array<i64: 2000, 16>}, {transform_indices = @transform_2, window_bounds = array<i64: 2000, 16>}, {transform_indices = @transform_3, window_bounds = array<i64: 2000, 20>}, {pipeline_mode = #tpu.pipeline_mode<synchronous>, transform_indices = @transform_4, window_bounds = array<i64: 2, 20>}]} {
    %get3A = arith.constant 0 : index
    %get3A_0 = arith.constant 0 : index
    %get3A_1 = vector.load %arg1[%get3A, %get3A_0] : memref<2000x20xf32, #tpu.memory_space<vmem>>, vector<2000x20xf32>
    %get3A_2 = arith.constant 0 : index
    %get3A_3 = arith.constant 0 : index
    %get3A_4 = vector.load %arg2[%get3A_2, %get3A_3] : memref<2000x16xf32, #tpu.memory_space<vmem>>, vector<2000x16xf32>
    %get3A_5 = arith.constant 0 : index
    %get3A_6 = arith.constant 0 : index
    %get3A_7 = vector.load %arg3[%get3A_5, %get3A_6] : memref<2000x16xf32, #tpu.memory_space<vmem>>, vector<2000x16xf32>
    %slice3A = vector.extract_strided_slice %get3A_7 {offsets = [0, 12], sizes = [2000, 4], strides = [1, 1]} : vector<2000x16xf32> to vector<2000x4xf32>
    %concatenate3A = tpu.concatenate %get3A_4, %slice3A in 1 : vector<2000x16xf32>, vector<2000x4xf32> -> vector<2000x20xf32>
    %add3A = arith.addf %get3A_1, %concatenate3A : vector<2000x20xf32>
    %swap3A = arith.constant 0 : index
    %swap3A_8 = arith.constant 0 : index
    %swap3A_9 = vector.load %arg4[%swap3A, %swap3A_8] : memref<2000x20xf32, #tpu.memory_space<vmem>>, vector<2000x20xf32>
    tpu.vector_store %arg4[%swap3A, %swap3A_8], %add3A {strides = array<i32>} : memref<2000x20xf32, #tpu.memory_space<vmem>>, vector<2000x20xf32>,
    %eq3A = arith.constant 0 : i32
    %eq3A_10 = arith.cmpi eq, %arg0, %eq3A : i32
    %convert_element_type3A = arith.extui %eq3A_10 : i1 to i32
    %cond3A = arith.constant 0 : i32
    %cond3A_11 = arith.cmpi ne, %convert_element_type3A, %cond3A : i32
    scf.if %cond3A_11 {
      %broadcast_in_dim3A = arith.constant 0.000000e+00 : f32
      %broadcast_in_dim3A_24 = vector.broadcast %broadcast_in_dim3A : f32 to vector<2x20xf32>
      %swap3A_25 = arith.constant 0 : index
      %swap3A_26 = arith.constant 0 : index
      %swap3A_27 = vector.load %arg5[%swap3A_25, %swap3A_26] : memref<2x20xf32, #tpu.memory_space<vmem>>, vector<2x20xf32>
      tpu.vector_store %arg5[%swap3A_25, %swap3A_26], %broadcast_in_dim3A_24 {strides = array<i32>} : memref<2x20xf32, #tpu.memory_space<vmem>>, vector<2x20xf32>,
    } else {
    }
    %get3A_12 = arith.constant 0 : index
    %get3A_13 = arith.constant 0 : index
    %get3A_14 = vector.load %arg5[%get3A_12, %get3A_13] : memref<2x20xf32, #tpu.memory_space<vmem>>, vector<2x20xf32>
    %reduce_sum3A = arith.constant dense<0.000000e+00> : vector<20xf32>
    %reduce_sum3A_15 = vector.multi_reduction <add>, %add3A, %reduce_sum3A [0] : vector<2000x20xf32> to vector<20xf32>
    %mul3A = arith.mulf %add3A, %add3A : vector<2000x20xf32>
    %reduce_sum3A_16 = arith.constant dense<0.000000e+00> : vector<20xf32>
    %reduce_sum3A_17 = vector.multi_reduction <add>, %mul3A, %reduce_sum3A_16 [0] : vector<2000x20xf32> to vector<20xf32>
    %stack3A = vector.shape_cast %reduce_sum3A_15 : vector<20xf32> to vector<1x20xf32>
    %stack3A_18 = vector.shape_cast %reduce_sum3A_17 : vector<20xf32> to vector<1x20xf32>
    %stack3A_19 = tpu.concatenate %stack3A, %stack3A_18 in 0 : vector<1x20xf32>, vector<1x20xf32> -> vector<2x20xf32>
    %add3A_20 = arith.addf %get3A_14, %stack3A_19 : vector<2x20xf32>
    %swap3A_21 = arith.constant 0 : index
    %swap3A_22 = arith.constant 0 : index
    %swap3A_23 = vector.load %arg5[%swap3A_21, %swap3A_22] : memref<2x20xf32, #tpu.memory_space<vmem>>, vector<2x20xf32>
    tpu.vector_store %arg5[%swap3A_21, %swap3A_22], %add3A_20 {strides = array<i32>} : memref<2x20xf32, #tpu.memory_space<vmem>>, vector<2x20xf32>,
    return
  }
  func.func @transform_0(%arg0: i32) -> (i32, i32) {
    %c0_i32 = arith.constant 0 : i32
    %c0_i32_0 = arith.constant 0 : i32
    return %arg0, %c0_i32 : i32, i32
  }
  func.func @transform_1(%arg0: i32) -> (i32, i32) {
    %c0_i32 = arith.constant 0 : i32
    %c0_i32_0 = arith.constant 0 : i32
    return %arg0, %c0_i32 : i32, i32
  }
  func.func @transform_2(%arg0: i32) -> (i32, i32) {
    %c0_i32 = arith.constant 0 : i32
    %c0_i32_0 = arith.constant 0 : i32
    return %arg0, %c0_i32 : i32, i32
  }
  func.func @transform_3(%arg0: i32) -> (i32, i32) {
    %c0_i32 = arith.constant 0 : i32
    %c0_i32_0 = arith.constant 0 : i32
    return %arg0, %c0_i32 : i32, i32
  }
  func.func @transform_4(%arg0: i32) -> (i32, i32) {
    %c0_i32 = arith.constant 0 : i32
    %c0_i32_0 = arith.constant 0 : i32
    %c0_i32_1 = arith.constant 0 : i32
    return %c0_i32, %c0_i32_0 : i32, i32
  }
}

module attributes {stable_mosaic.version = 14 : i64} {
  func.func @_apply_proj_body(%arg0: i32, %arg1: memref<2000x20xf32, #tpu.memory_space<vmem>>, %arg2: memref<2x20xf32, #tpu.memory_space<vmem>>, %arg3: memref<2x20xf32, #tpu.memory_space<vmem>>, %arg4: memref<20x128xf32, #tpu.memory_space<vmem>>, %arg5: memref<2000x20xf32, #tpu.memory_space<vmem>>, %arg6: memref<2x2000x32xf32, #tpu.memory_space<vmem>>, %arg7: memref<2x2000x32xf32, #tpu.memory_space<vmem>>) attributes {dimension_semantics = [#tpu.dimension_semantics<arbitrary>], iteration_bounds = array<i64: 50>, scalar_prefetch = 0 : i64, scratch_operands = 0 : i64, tpu.core_type = #tpu.core_type<tc>, window_params = [{transform_indices = @transform_0, window_bounds = array<i64: 2000, 20>}, {pipeline_mode = #tpu.pipeline_mode<synchronous>, transform_indices = @transform_1, window_bounds = array<i64: 2, 20>}, {pipeline_mode = #tpu.pipeline_mode<synchronous>, transform_indices = @transform_2, window_bounds = array<i64: 2, 20>}, {pipeline_mode = #tpu.pipeline_mode<synchronous>, transform_indices = @transform_3, window_bounds = array<i64: 20, 128>}, {transform_indices = @transform_4, window_bounds = array<i64: 2000, 20>}, {transform_indices = @transform_5, window_bounds = array<i64: 2, 2000, 32>}, {transform_indices = @transform_6, window_bounds = array<i64: 2, 2000, 32>}]} {
    %get3A = arith.constant 0 : index
    %get3A_0 = arith.constant 0 : index
    %get3A_1 = vector.load %arg1[%get3A, %get3A_0] : memref<2000x20xf32, #tpu.memory_space<vmem>>, vector<2000x20xf32>
    %get3A_2 = arith.constant 0 : index
    %get3A_3 = arith.constant 0 : index
    %get3A_4 = vector.load %arg2[%get3A_2, %get3A_3] : memref<2x20xf32, #tpu.memory_space<vmem>>, vector<1x20xf32>
    %mul3A = arith.constant 9.99999974E-6 : f32
    %mul3A_5 = vector.broadcast %mul3A : f32 to vector<1x20xf32>
    %mul3A_6 = arith.mulf %get3A_4, %mul3A_5 : vector<1x20xf32>
    %get3A_7 = arith.constant 1 : index
    %get3A_8 = arith.constant 0 : index
    %get3A_9 = vector.load %arg2[%get3A_7, %get3A_8] : memref<2x20xf32, #tpu.memory_space<vmem>>, vector<1x20xf32>
    %mul3A_10 = arith.constant 9.99999974E-6 : f32
    %mul3A_11 = vector.broadcast %mul3A_10 : f32 to vector<1x20xf32>
    %mul3A_12 = arith.mulf %get3A_9, %mul3A_11 : vector<1x20xf32>
    %mul3A_13 = arith.mulf %mul3A_6, %mul3A_6 : vector<1x20xf32>
    %sub3A = arith.subf %mul3A_12, %mul3A_13 : vector<1x20xf32>
    %get3A_14 = arith.constant 0 : index
    %get3A_15 = arith.constant 0 : index
    %get3A_16 = vector.load %arg3[%get3A_14, %get3A_15] : memref<2x20xf32, #tpu.memory_space<vmem>>, vector<1x20xf32>
    %add3A = arith.constant 9.99999974E-6 : f32
    %add3A_17 = vector.broadcast %add3A : f32 to vector<1x20xf32>
    %add3A_18 = arith.addf %sub3A, %add3A_17 : vector<1x20xf32>
    %rsqrt3A = math.rsqrt %add3A_18 : vector<1x20xf32>
    %mul3A_19 = arith.mulf %get3A_16, %rsqrt3A : vector<1x20xf32>
    %sub3A_20 = vector.broadcast %mul3A_6 : vector<1x20xf32> to vector<2000x20xf32>
    %sub3A_21 = arith.subf %get3A_1, %sub3A_20 : vector<2000x20xf32>
    %mul3A_22 = vector.broadcast %mul3A_19 : vector<1x20xf32> to vector<2000x20xf32>
    %mul3A_23 = arith.mulf %sub3A_21, %mul3A_22 : vector<2000x20xf32>
    %get3A_24 = arith.constant 1 : index
    %get3A_25 = arith.constant 0 : index
    %get3A_26 = vector.load %arg3[%get3A_24, %get3A_25] : memref<2x20xf32, #tpu.memory_space<vmem>>, vector<1x20xf32>
    %add3A_27 = vector.broadcast %get3A_26 : vector<1x20xf32> to vector<2000x20xf32>
    %add3A_28 = arith.addf %mul3A_23, %add3A_27 : vector<2000x20xf32>
    %tanh3A = math.tanh %add3A_28 : vector<2000x20xf32>
    %swap3A = arith.constant 0 : index
    %swap3A_29 = arith.constant 0 : index
    %swap3A_30 = vector.load %arg5[%swap3A, %swap3A_29] : memref<2000x20xf32, #tpu.memory_space<vmem>>, vector<2000x20xf32>
    tpu.vector_store %arg5[%swap3A, %swap3A_29], %tanh3A {strides = array<i32>} : memref<2000x20xf32, #tpu.memory_space<vmem>>, vector<2000x20xf32>,
    %get3A_31 = arith.constant 0 : index
    %get3A_32 = arith.constant 0 : index
    %get3A_33 = vector.load %arg4[%get3A_31, %get3A_32] : memref<20x128xf32, #tpu.memory_space<vmem>>, vector<20x128xf32>
    %dot_general3A = arith.constant dense<0.000000e+00> : vector<2000x128xf32>
    %dot_general3A_34 = tpu.matmul %tanh3A, %get3A_33, %dot_general3A {dimension_numbers = #tpu.dot_dimension_numbers<[1], [0], [0], [1], [0, 0, 1, 1], [], []>, transpose_lhs_hint = false} : vector<2000x20xf32>, vector<20x128xf32>, vector<2000x128xf32> -> vector<2000x128xf32>
    %slice3A = vector.extract_strided_slice %dot_general3A_34 {offsets = [0, 0], sizes = [2000, 32], strides = [1, 1]} : vector<2000x128xf32> to vector<2000x32xf32>
    %slice3A_35 = vector.extract_strided_slice %dot_general3A_34 {offsets = [0, 32], sizes = [2000, 32], strides = [1, 1]} : vector<2000x128xf32> to vector<2000x32xf32>
    %stack3A = vector.shape_cast %slice3A : vector<2000x32xf32> to vector<1x2000x32xf32>
    %stack3A_36 = vector.shape_cast %slice3A_35 : vector<2000x32xf32> to vector<1x2000x32xf32>
    %stack3A_37 = tpu.concatenate %stack3A, %stack3A_36 in 0 : vector<1x2000x32xf32>, vector<1x2000x32xf32> -> vector<2x2000x32xf32>
    %slice3A_38 = vector.extract_strided_slice %dot_general3A_34 {offsets = [0, 64], sizes = [2000, 32], strides = [1, 1]} : vector<2000x128xf32> to vector<2000x32xf32>
    %slice3A_39 = vector.extract_strided_slice %dot_general3A_34 {offsets = [0, 96], sizes = [2000, 32], strides = [1, 1]} : vector<2000x128xf32> to vector<2000x32xf32>
    %stack3A_40 = vector.shape_cast %slice3A_38 : vector<2000x32xf32> to vector<1x2000x32xf32>
    %stack3A_41 = vector.shape_cast %slice3A_39 : vector<2000x32xf32> to vector<1x2000x32xf32>
    %stack3A_42 = tpu.concatenate %stack3A_40, %stack3A_41 in 0 : vector<1x2000x32xf32>, vector<1x2000x32xf32> -> vector<2x2000x32xf32>
    %swap3A_43 = arith.constant 0 : index
    %swap3A_44 = arith.constant 0 : index
    %swap3A_45 = arith.constant 0 : index
    %swap3A_46 = vector.load %arg6[%swap3A_43, %swap3A_44, %swap3A_45] : memref<2x2000x32xf32, #tpu.memory_space<vmem>>, vector<2x2000x32xf32>
    tpu.vector_store %arg6[%swap3A_43, %swap3A_44, %swap3A_45], %stack3A_37 {strides = array<i32>} : memref<2x2000x32xf32, #tpu.memory_space<vmem>>, vector<2x2000x32xf32>,
    %swap3A_47 = arith.constant 0 : index
    %swap3A_48 = arith.constant 0 : index
    %swap3A_49 = arith.constant 0 : index
    %swap3A_50 = vector.load %arg7[%swap3A_47, %swap3A_48, %swap3A_49] : memref<2x2000x32xf32, #tpu.memory_space<vmem>>, vector<2x2000x32xf32>
    tpu.vector_store %arg7[%swap3A_47, %swap3A_48, %swap3A_49], %stack3A_42 {strides = array<i32>} : memref<2x2000x32xf32, #tpu.memory_space<vmem>>, vector<2x2000x32xf32>,
    return
  }
  func.func @transform_0(%arg0: i32) -> (i32, i32) {
    %c0_i32 = arith.constant 0 : i32
    %c0_i32_0 = arith.constant 0 : i32
    return %arg0, %c0_i32 : i32, i32
  }
  func.func @transform_1(%arg0: i32) -> (i32, i32) {
    %c0_i32 = arith.constant 0 : i32
    %c0_i32_0 = arith.constant 0 : i32
    %c0_i32_1 = arith.constant 0 : i32
    return %c0_i32, %c0_i32_0 : i32, i32
  }
  func.func @transform_2(%arg0: i32) -> (i32, i32) {
    %c0_i32 = arith.constant 0 : i32
    %c0_i32_0 = arith.constant 0 : i32
    %c0_i32_1 = arith.constant 0 : i32
    return %c0_i32, %c0_i32_0 : i32, i32
  }
  func.func @transform_3(%arg0: i32) -> (i32, i32) {
    %c0_i32 = arith.constant 0 : i32
    %c0_i32_0 = arith.constant 0 : i32
    %c0_i32_1 = arith.constant 0 : i32
    return %c0_i32, %c0_i32_0 : i32, i32
  }
  func.func @transform_4(%arg0: i32) -> (i32, i32) {
    %c0_i32 = arith.constant 0 : i32
    %c0_i32_0 = arith.constant 0 : i32
    return %arg0, %c0_i32 : i32, i32
  }
  func.func @transform_5(%arg0: i32) -> (i32, i32, i32) {
    %c0_i32 = arith.constant 0 : i32
    %c0_i32_0 = arith.constant 0 : i32
    %c0_i32_1 = arith.constant 0 : i32
    return %c0_i32, %arg0, %c0_i32_0 : i32, i32, i32
  }
  func.func @transform_6(%arg0: i32) -> (i32, i32, i32) {
    %c0_i32 = arith.constant 0 : i32
    %c0_i32_0 = arith.constant 0 : i32
    %c0_i32_1 = arith.constant 0 : i32
    return %c0_i32, %arg0, %c0_i32_0 : i32, i32, i32
  }
}

module attributes {stable_mosaic.version = 14 : i64} {
  func.func @_apply_pool_body(%arg0: i32, %arg1: memref<2000x20xf32, #tpu.memory_space<vmem>>, %arg2: memref<2x20xf32, #tpu.memory_space<vmem>>, %arg3: memref<2x20xf32, #tpu.memory_space<vmem>>, %arg4: memref<1x1x2000xi32, #tpu.memory_space<vmem>>, %arg5: memref<128x20xf32, #tpu.memory_space<vmem>>) attributes {dimension_semantics = [#tpu.dimension_semantics<arbitrary>], iteration_bounds = array<i64: 50>, scalar_prefetch = 0 : i64, scratch_operands = 0 : i64, tpu.core_type = #tpu.core_type<tc>, window_params = [{transform_indices = @transform_0, window_bounds = array<i64: 2000, 20>}, {pipeline_mode = #tpu.pipeline_mode<synchronous>, transform_indices = @transform_1, window_bounds = array<i64: 2, 20>}, {pipeline_mode = #tpu.pipeline_mode<synchronous>, transform_indices = @transform_2, window_bounds = array<i64: 2, 20>}, {transform_indices = @transform_3, window_bounds = array<i64: 1, 1, 2000>}, {pipeline_mode = #tpu.pipeline_mode<synchronous>, transform_indices = @transform_4, window_bounds = array<i64: 128, 20>}]} {
    %get3A = arith.constant 0 : index
    %get3A_0 = arith.constant 0 : index
    %get3A_1 = vector.load %arg1[%get3A, %get3A_0] : memref<2000x20xf32, #tpu.memory_space<vmem>>, vector<2000x20xf32>
    %get3A_2 = arith.constant 0 : index
    %get3A_3 = arith.constant 0 : index
    %get3A_4 = vector.load %arg2[%get3A_2, %get3A_3] : memref<2x20xf32, #tpu.memory_space<vmem>>, vector<1x20xf32>
    %mul3A = arith.constant 9.99999974E-6 : f32
    %mul3A_5 = vector.broadcast %mul3A : f32 to vector<1x20xf32>
    %mul3A_6 = arith.mulf %get3A_4, %mul3A_5 : vector<1x20xf32>
    %get3A_7 = arith.constant 1 : index
    %get3A_8 = arith.constant 0 : index
    %get3A_9 = vector.load %arg2[%get3A_7, %get3A_8] : memref<2x20xf32, #tpu.memory_space<vmem>>, vector<1x20xf32>
    %mul3A_10 = arith.constant 9.99999974E-6 : f32
    %mul3A_11 = vector.broadcast %mul3A_10 : f32 to vector<1x20xf32>
    %mul3A_12 = arith.mulf %get3A_9, %mul3A_11 : vector<1x20xf32>
    %mul3A_13 = arith.mulf %mul3A_6, %mul3A_6 : vector<1x20xf32>
    %sub3A = arith.subf %mul3A_12, %mul3A_13 : vector<1x20xf32>
    %get3A_14 = arith.constant 0 : index
    %get3A_15 = arith.constant 0 : index
    %get3A_16 = vector.load %arg3[%get3A_14, %get3A_15] : memref<2x20xf32, #tpu.memory_space<vmem>>, vector<1x20xf32>
    %add3A = arith.constant 9.99999974E-6 : f32
    %add3A_17 = vector.broadcast %add3A : f32 to vector<1x20xf32>
    %add3A_18 = arith.addf %sub3A, %add3A_17 : vector<1x20xf32>
    %rsqrt3A = math.rsqrt %add3A_18 : vector<1x20xf32>
    %mul3A_19 = arith.mulf %get3A_16, %rsqrt3A : vector<1x20xf32>
    %sub3A_20 = vector.broadcast %mul3A_6 : vector<1x20xf32> to vector<2000x20xf32>
    %sub3A_21 = arith.subf %get3A_1, %sub3A_20 : vector<2000x20xf32>
    %mul3A_22 = vector.broadcast %mul3A_19 : vector<1x20xf32> to vector<2000x20xf32>
    %mul3A_23 = arith.mulf %sub3A_21, %mul3A_22 : vector<2000x20xf32>
    %get3A_24 = arith.constant 1 : index
    %get3A_25 = arith.constant 0 : index
    %get3A_26 = vector.load %arg3[%get3A_24, %get3A_25] : memref<2x20xf32, #tpu.memory_space<vmem>>, vector<1x20xf32>
    %add3A_27 = vector.broadcast %get3A_26 : vector<1x20xf32> to vector<2000x20xf32>
    %add3A_28 = arith.addf %mul3A_23, %add3A_27 : vector<2000x20xf32>
    %tanh3A = math.tanh %add3A_28 : vector<2000x20xf32>
    %get3A_29 = arith.constant 0 : index
    %get3A_30 = arith.constant 0 : index
    %get3A_31 = arith.constant 0 : index
    %get3A_32 = vector.load %arg4[%get3A_29, %get3A_30, %get3A_31] : memref<1x1x2000xi32, #tpu.memory_space<vmem>>, vector<1x1x2000xi32>
    %get3A_33 = vector.shape_cast %get3A_32 : vector<1x1x2000xi32> to vector<2000xi32>
    %broadcast_in_dim3A = vector.shape_cast %get3A_33 : vector<2000xi32> to vector<2000x1xi32>
    %iota3A = tpu.iota {dimensions = array<i32: 1>} : vector<1x128xi32>
    %eq3A = vector.broadcast %broadcast_in_dim3A : vector<2000x1xi32> to vector<2000x128xi32>
    %eq3A_34 = vector.broadcast %iota3A : vector<1x128xi32> to vector<2000x128xi32>
    %eq3A_35 = arith.cmpi eq, %eq3A, %eq3A_34 : vector<2000x128xi32>
    %convert_element_type3A = arith.extui %eq3A_35 : vector<2000x128xi1> to vector<2000x128xi32>
    %convert_element_type3A_36 = arith.sitofp %convert_element_type3A : vector<2000x128xi32> to vector<2000x128xf32>
    %eq3A_37 = arith.constant 0 : i32
    %eq3A_38 = arith.cmpi eq, %arg0, %eq3A_37 : i32
    %convert_element_type3A_39 = arith.extui %eq3A_38 : i1 to i32
    %cond3A = arith.constant 0 : i32
    %cond3A_40 = arith.cmpi ne, %convert_element_type3A_39, %cond3A : i32
    scf.if %cond3A_40 {
      %broadcast_in_dim3A_48 = arith.constant 0.000000e+00 : f32
      %broadcast_in_dim3A_49 = vector.broadcast %broadcast_in_dim3A_48 : f32 to vector<128x20xf32>
      %swap3A_50 = arith.constant 0 : index
      %swap3A_51 = arith.constant 0 : index
      %swap3A_52 = vector.load %arg5[%swap3A_50, %swap3A_51] : memref<128x20xf32, #tpu.memory_space<vmem>>, vector<128x20xf32>
      tpu.vector_store %arg5[%swap3A_50, %swap3A_51], %broadcast_in_dim3A_49 {strides = array<i32>} : memref<128x20xf32, #tpu.memory_space<vmem>>, vector<128x20xf32>,
    } else {
    }
    %get3A_41 = arith.constant 0 : index
    %get3A_42 = arith.constant 0 : index
    %get3A_43 = vector.load %arg5[%get3A_41, %get3A_42] : memref<128x20xf32, #tpu.memory_space<vmem>>, vector<128x20xf32>
    %dot_general3A = arith.constant dense<0.000000e+00> : vector<128x20xf32>
    %dot_general3A_44 = tpu.matmul %convert_element_type3A_36, %tanh3A, %dot_general3A {dimension_numbers = #tpu.dot_dimension_numbers<[0], [0], [1], [1], [0, 1, 1, 1], [], []>, transpose_lhs_hint = false} : vector<2000x128xf32>, vector<2000x20xf32>, vector<128x20xf32> -> vector<128x20xf32>
    %add3A_45 = arith.addf %get3A_43, %dot_general3A_44 : vector<128x20xf32>
    %swap3A = arith.constant 0 : index
    %swap3A_46 = arith.constant 0 : index
    %swap3A_47 = vector.load %arg5[%swap3A, %swap3A_46] : memref<128x20xf32, #tpu.memory_space<vmem>>, vector<128x20xf32>
    tpu.vector_store %arg5[%swap3A, %swap3A_46], %add3A_45 {strides = array<i32>} : memref<128x20xf32, #tpu.memory_space<vmem>>, vector<128x20xf32>,
    return
  }
  func.func @transform_0(%arg0: i32) -> (i32, i32) {
    %c0_i32 = arith.constant 0 : i32
    %c0_i32_0 = arith.constant 0 : i32
    return %arg0, %c0_i32 : i32, i32
  }
  func.func @transform_1(%arg0: i32) -> (i32, i32) {
    %c0_i32 = arith.constant 0 : i32
    %c0_i32_0 = arith.constant 0 : i32
    %c0_i32_1 = arith.constant 0 : i32
    return %c0_i32, %c0_i32_0 : i32, i32
  }
  func.func @transform_2(%arg0: i32) -> (i32, i32) {
    %c0_i32 = arith.constant 0 : i32
    %c0_i32_0 = arith.constant 0 : i32
    %c0_i32_1 = arith.constant 0 : i32
    return %c0_i32, %c0_i32_0 : i32, i32
  }
  func.func @transform_3(%arg0: i32) -> (i32, i32, i32) {
    %c0_i32 = arith.constant 0 : i32
    %c0_i32_0 = arith.constant 0 : i32
    %c0_i32_1 = arith.constant 0 : i32
    return %arg0, %c0_i32, %c0_i32_0 : i32, i32, i32
  }
  func.func @transform_4(%arg0: i32) -> (i32, i32) {
    %c0_i32 = arith.constant 0 : i32
    %c0_i32_0 = arith.constant 0 : i32
    %c0_i32_1 = arith.constant 0 : i32
    return %c0_i32, %c0_i32_0 : i32, i32
  }
}

module attributes {stable_mosaic.version = 14 : i64} {
  func.func @_mlp_body(%arg0: memref<128x20xf32, #tpu.memory_space<vmem>>, %arg1: memref<20x32xf32, #tpu.memory_space<vmem>>, %arg2: memref<1x32xf32, #tpu.memory_space<vmem>>, %arg3: memref<32x8xf32, #tpu.memory_space<vmem>>, %arg4: memref<1x8xf32, #tpu.memory_space<vmem>>, %arg5: memref<8x1xf32, #tpu.memory_space<vmem>>, %arg6: memref<1x1xf32, #tpu.memory_space<vmem>>, %arg7: memref<128x1xf32, #tpu.memory_space<vmem>>) attributes {dimension_semantics = [], scalar_prefetch = 0 : i64, scratch_operands = 0 : i64, tpu.core_type = #tpu.core_type<tc>} {
    %get3A = arith.constant 0 : index
    %get3A_0 = arith.constant 0 : index
    %get3A_1 = vector.load %arg0[%get3A, %get3A_0] : memref<128x20xf32, #tpu.memory_space<vmem>>, vector<128x20xf32>
    %get3A_2 = arith.constant 0 : index
    %get3A_3 = arith.constant 0 : index
    %get3A_4 = vector.load %arg1[%get3A_2, %get3A_3] : memref<20x32xf32, #tpu.memory_space<vmem>>, vector<20x32xf32>
    %dot_general3A = arith.constant dense<0.000000e+00> : vector<128x32xf32>
    %dot_general3A_5 = tpu.matmul %get3A_1, %get3A_4, %dot_general3A {dimension_numbers = #tpu.dot_dimension_numbers<[1], [0], [0], [1], [0, 0, 1, 1], [], []>, transpose_lhs_hint = false} : vector<128x20xf32>, vector<20x32xf32>, vector<128x32xf32> -> vector<128x32xf32>
    %get3A_6 = arith.constant 0 : index
    %get3A_7 = arith.constant 0 : index
    %get3A_8 = vector.load %arg2[%get3A_6, %get3A_7] : memref<1x32xf32, #tpu.memory_space<vmem>>, vector<1x32xf32>
    %add3A = vector.broadcast %get3A_8 : vector<1x32xf32> to vector<128x32xf32>
    %add3A_9 = arith.addf %dot_general3A_5, %add3A : vector<128x32xf32>
    %tanh3A = math.tanh %add3A_9 : vector<128x32xf32>
    %get3A_10 = arith.constant 0 : index
    %get3A_11 = arith.constant 0 : index
    %get3A_12 = vector.load %arg3[%get3A_10, %get3A_11] : memref<32x8xf32, #tpu.memory_space<vmem>>, vector<32x8xf32>
    %dot_general3A_13 = arith.constant dense<0.000000e+00> : vector<128x8xf32>
    %dot_general3A_14 = tpu.matmul %tanh3A, %get3A_12, %dot_general3A_13 {dimension_numbers = #tpu.dot_dimension_numbers<[1], [0], [0], [1], [0, 0, 1, 1], [], []>, transpose_lhs_hint = false} : vector<128x32xf32>, vector<32x8xf32>, vector<128x8xf32> -> vector<128x8xf32>
    %get3A_15 = arith.constant 0 : index
    %get3A_16 = arith.constant 0 : index
    %get3A_17 = vector.load %arg4[%get3A_15, %get3A_16] : memref<1x8xf32, #tpu.memory_space<vmem>>, vector<1x8xf32>
    %add3A_18 = vector.broadcast %get3A_17 : vector<1x8xf32> to vector<128x8xf32>
    %add3A_19 = arith.addf %dot_general3A_14, %add3A_18 : vector<128x8xf32>
    %tanh3A_20 = math.tanh %add3A_19 : vector<128x8xf32>
    %get3A_21 = arith.constant 0 : index
    %get3A_22 = arith.constant 0 : index
    %get3A_23 = vector.load %arg5[%get3A_21, %get3A_22] : memref<8x1xf32, #tpu.memory_space<vmem>>, vector<8x1xf32>
    %dot_general3A_24 = arith.constant dense<0.000000e+00> : vector<128x1xf32>
    %dot_general3A_25 = tpu.matmul %tanh3A_20, %get3A_23, %dot_general3A_24 {dimension_numbers = #tpu.dot_dimension_numbers<[1], [0], [0], [1], [0, 0, 1, 1], [], []>, transpose_lhs_hint = false} : vector<128x8xf32>, vector<8x1xf32>, vector<128x1xf32> -> vector<128x1xf32>
    %get3A_26 = arith.constant 0 : index
    %get3A_27 = arith.constant 0 : index
    %get3A_28 = vector.load %arg6[%get3A_26, %get3A_27] : memref<1x1xf32, #tpu.memory_space<vmem>>, vector<1x1xf32>
    %add3A_29 = vector.broadcast %get3A_28 : vector<1x1xf32> to vector<128x1xf32>
    %add3A_30 = arith.addf %dot_general3A_25, %add3A_29 : vector<128x1xf32>
    %swap3A = arith.constant 0 : index
    %swap3A_31 = arith.constant 0 : index
    %swap3A_32 = vector.load %arg7[%swap3A, %swap3A_31] : memref<128x1xf32, #tpu.memory_space<vmem>>, vector<128x1xf32>
    tpu.vector_store %arg7[%swap3A, %swap3A_31], %add3A_30 {strides = array<i32>} : memref<128x1xf32, #tpu.memory_space<vmem>>, vector<128x1xf32>,
    return
  }
}

</mosaic_0001>

<sc_bundles>
// kernel: kernel.10.cloned.1.call-start
scs
__scs_entry_jumppad:
0x0: {  	(pc) =	sbr.rel $0x88, $3  }
0x1: {  	(tag) =	ssettag $0x0;
	lr =	simm.s32 $0x1  }
0x2: {  	[smem:$0x3F8B] =	sst lr;
	_ =	strace $0xD0000000  }
0x3: {  	_ = 	snop  }
0x4: {  	_ = 	snop  }
0x5: {  	_ = 	snop  }
0x6: {  	_ = 	snop  }
0x7: {  	_ = 	snop  }
__scs_overlays_trampoline_lowered:
0x8: {  	[smem:$0x3F9A] =	sst s0  }
0x9: {  	[smem:$0x3F9B] =	sst s1  }
0xa: {  	[smem:$0x3F9C] =	sst s2  }
0xb: {  	[smem:$0x3F9D] =	sst s3  }
0xc: {  	[smem:$0x3F9E] =	sst s4  }
0xd: {  	[smem:$0x3F9F] =	sst s5  }
0xe: {  	[smem:$0x3FA0] =	sst s6  }
0xf: {  	[smem:$0x3FA1] =	sst s7  }
0x10: {  	[smem:$0x3FA2] =	sst s8  }
0x11: {  	[smem:$0x3FA3] =	sst s9;
	s0 =	simm.s32 @!p0 $0x0  }
0x12: {  	s1 =	sld [smem:$0x3F89];
	s0 =	simm.s32 @p0 $0x1  }
0x13: {  	[smem:$0x3FA4] =	sst s0;
	s0 =	simm.s32 @!p1 $0x0  }
0x14: {  	s2 =	sld [smem:$0x3F88];
	s0 =	simm.s32 @p1 $0x1  }
0x15: {  	[smem:$0x3FA5] =	sst s0;
	s0 =	simm.s32 @!p2 $0x0  }
0x16: {  	s3 =	sld [smem:$0x3FDB];
	s0 =	simm.s32 @p2 $0x1  }
0x17: {  	s4 =	simm.s32 $0x1BF5;
	[smem:$0x3FA7] =	sst s0  }
0x18: {  	s0 =	sld [smem:$0x3F8A];
	_ =	swait.ge [sflag:s4], $0x0  }
0x19: {  	s7 =	sld [smem:$0x3F8B]  }
0x1a: {  	s8 =	sadd.s32 $0xFFFFE003, lr  }
0x1b: {  	s9 =	sadd.s32 $0xFFFFFEF7, lr;
	s5 =	simm.s32 $0xFFFFFFFF;
	p2 =	slt.u32 s8, $0xFFFFF086  }
0x1c: {  	p1 =	slt.u32 s9, $0xF7A;
	s5 =	simm.s32 @!p2 $0x0  }
0x1d: {  	s5 =	simm.s32 @p1 $0x1;
	p0 =	seq.s32 s7, s2  }
0x1e: {  	s7 =	smul.u32 @!p0 $0xF7A, s2;
	p2 =	seq.s32 @!p0 s5, $0x0  }
0x1f: {  	s9 =	smul.u32 $0xF7A, s1;
	s8 =	simm.s32 @!p0 $0x1BF5;
	p2 =	por !p2, p0  }
0x20: {  	[sflag:s8] =	ssyncset.s32 @!p0 $0xFFFFF086;
	s6 =	sadd.s32 @!p0 s3, s7;
	s7 =	simm.s32 @!p0 $0x108  }
0x21: {  	s3 =	sadd.s32 s3, s9;
	s6 =	sadd.s32 @!p0 $0x88, s6;
	s7 =	simm.s32 @p2 $0x1082  }
0x22: {  	[simem:s7], [sflag:s8] =	dma.local @!p0 [hbm:s6], $0xF7A  }
0x23: {  	s9 =	sor.u32 $0xD0000000, s2;
	s6 =	simm.s32 $0x108;
	_ =	swait.ge @!p0 [sflag:s8], $0x0  }
0x24: {  	s3 =	sadd.s32 $0x88, s3;
	s6 =	simm.s32 @!p1 $0x1082;
	[sflag:s4] =	ssyncset.s32 $0xFFFFF086  }
0x25: {  	[simem:s6], [sflag:s4] =	dma.local [hbm:s3], $0xF7A  }
0x26: {  	[smem:$0x3F8B] =	sst s1;
	(tag) =	ssettag s2;
	_ =	strace s9  }
0x27: {  	s1 =	sld [smem:$0x3F9B]  }
0x28: {  	s2 =	sld [smem:$0x3F9C]  }
0x29: {  	s4 =	sld [smem:$0x3F9E]  }
0x2a: {  	p0 =	seq.s32 s5, $0x0;
	s5 =	sld [smem:$0x3F9F]  }
0x2b: {  	s6 =	sld [smem:$0x3FA0]  }
0x2c: {  	s7 =	sld [smem:$0x3FA1]  }
0x2d: {  	s3 =	simm.s32 $0x108;
	s8 =	sld [smem:$0x3FA2]  }
0x2e: {  	s3 =	simm.s32 @!p0 $0x1082;
	s9 =	sld [smem:$0x3FA3]  }
0x2f: {  	lr =	sadd.s32 s0, s3;
	s0 =	sld [smem:$0x3F9A]  }
0x30: {  	s3 =	sld [smem:$0x3F9D]  }
0x31: {  	[smem:$0x3FA6] =	sst s10  }
0x32: {  	s10 =	sld [smem:$0x3FA4];
	_ =	sdelay $0x3  }
0x33: {  	p0 =	seq.s32 s10, $0x1;
	s10 =	sld [smem:$0x3FA6];
	_ =	sdelay $0x3  }
0x34: {  	[smem:$0x3FA6] =	sst s10  }
0x35: {  	s10 =	sld [smem:$0x3FA5];
	_ =	sdelay $0x3  }
0x36: {  	p1 =	seq.s32 s10, $0x1;
	s10 =	sld [smem:$0x3FA6];
	_ =	sdelay $0x3  }
0x37: {  	[smem:$0x3FA6] =	sst s10  }
0x38: {  	s10 =	sld [smem:$0x3FA7]  }
0x39: {  	_ = 	snop;
	(pc) =	sbr.ind lr, $3  }
0x3a: {  	_ = 	snop  }
0x3b: {  	_ = 	snop  }
0x3c: {  	p2 =	seq.s32 s10, $0x1;
	s10 =	sld [smem:$0x3FA6]  }
0x3d: {  	_ =	shalt  }
0x3e: {  	_ =	shalt  }
0x3f: {  	_ =	shalt  }
0x40: {  	_ =	shalt  }
0x41: {  	_ =	shalt  }
0x42: {  	_ =	shalt  }
0x43: {  	_ =	shalt  }
0x44: {  	_ =	shalt  }
0x45: {  	_ =	shalt  }
0x46: {  	_ =	shalt  }
0x47: {  	_ =	shalt  }
0x48: {  	_ =	shalt  }
0x49: {  	_ =	shalt  }
0x4a: {  	_ =	shalt  }
0x4b: {  	_ =	shalt  }
0x4c: {  	_ =	shalt  }
0x4d: {  	_ =	shalt  }
0x4e: {  	_ =	shalt  }
0x4f: {  	_ =	shalt  }
0x50: {  	_ =	shalt  }
0x51: {  	_ =	shalt  }
0x52: {  	_ =	shalt  }
0x53: {  	_ =	shalt  }
0x54: {  	_ =	shalt  }
0x55: {  	_ =	shalt  }
0x56: {  	_ =	shalt  }
0x57: {  	_ =	shalt  }
0x58: {  	_ =	shalt  }
0x59: {  	_ =	shalt  }
0x5a: {  	_ =	shalt  }
0x5b: {  	_ =	shalt  }
0x5c: {  	_ =	shalt  }
0x5d: {  	_ =	shalt  }
0x5e: {  	_ =	shalt  }
0x5f: {  	_ =	shalt  }
0x60: {  	_ =	shalt  }
0x61: {  	_ =	shalt  }
0x62: {  	_ =	shalt  }
0x63: {  	_ =	shalt  }
0x64: {  	_ =	shalt  }
0x65: {  	_ =	shalt  }
0x66: {  	_ =	shalt  }
0x67: {  	_ =	shalt  }
0x68: {  	_ =	shalt  }
0x69: {  	_ =	shalt  }
0x6a: {  	_ =	shalt  }
0x6b: {  	_ =	shalt  }
0x6c: {  	_ =	shalt  }
0x6d: {  	_ =	shalt  }
0x6e: {  	_ =	shalt  }
0x6f: {  	_ =	shalt  }
0x70: {  	_ =	shalt  }
0x71: {  	_ =	shalt  }
0x72: {  	_ =	shalt  }
0x73: {  	_ =	shalt  }
0x74: {  	_ =	shalt  }
0x75: {  	_ =	shalt  }
0x76: {  	_ =	shalt  }
0x77: {  	_ =	shalt  }
0x78: {  	_ =	shalt  }
0x79: {  	_ =	shalt  }
0x7a: {  	_ =	shalt  }
0x7b: {  	_ =	shalt  }
0x7c: {  	_ =	shalt  }
0x7d: {  	_ =	shalt  }
0x7e: {  	_ =	shalt  }
0x7f: {  	_ =	shalt  }
0x80: {  	_ =	shalt  }
0x81: {  	_ =	shalt  }
0x82: {  	_ =	shalt  }
0x83: {  	_ =	shalt  }
0x84: {  	_ =	shalt  }
0x85: {  	_ =	shalt  }
0x86: {  	_ =	shalt  }
0x87: {  	_ =	shalt  }
.Lfunc_end0:
.L_simem_size_0:
called_computation_lowered:
.L_overlay_start_0:
0x88: {  	s2 =	sld [smem:$0x3FD9]  }
0x89: {  	s3 =	sld [smem:$0x3FFE];
	_ =	sdelay $0x1  }
0x8a: {  	s1 =	srdreg.scid  }
0x8b: {  	s0 =	sand.u32 $0x1, s1  }
0x8c: {  	s16 =	sshll.u32 s0, $0xA;
	s2 =	sadd.s32 s3, s2  }
0x8d: {  	s2 =	sadd.s32 s2, s16  }
0x8e: {  	[smem:$0x3FB2] =	sst s2  }
0x8f: {  	_ = 	snop  }
0x90: {  	(tm) =	ssettm $0x1  }
0x91: {  	s17 =	sld [smem:$0x3FFB];
	_ =	sdelay $0x3  }
0x92: {  	_ =	strace s17  }
0x93: {  	s2 =	sld [smem:$0x3FFC];
	_ =	sdelay $0x3  }
0x94: {  	_ =	strace s2  }
0x95: {  	s2 =	sld [smem:$0x3FFD];
	_ =	sdelay $0x3  }
0x96: {  	_ =	strace s2  }
0x97: {  	_ =	strace $0x8FFFFFFF  }
0x98: {  	s18 =	sld [smem:$0x3FDB];
	_ =	sdelay $0x1  }
0x99: {  	s19 =	simm.s32 $_scs_section_size  }
0x9a: {  	s4 =	simm.s32 $_size__tile_overlayer_lowered;
	s5 =	simm.s32 $_tile_overlayer_lowered  }
0x9b: {  	s22 =	simm.s32 $0x1BFF;
	s21 =	sshll.u32 s5, $0x1;
	s2 =	sadd.s32 s19, s18  }
0x9c: {  	s6 =	simm.s32 $0x0;
	s20 =	sshll.u32 s4, $0x1;
	s4 =	sadd.s32 s21, s2  }
0x9d: {  	[timem:s6], [sflag:s22] =	dma.local [hbm:s4], s20  }
0x9e: {  	_ =	swait.ge [sflag:s22], s20  }
0x9f: {  	s3 =	ssub.s32 $0x0, s20;
	[sflag:s22] =	ssyncset.done $0x0  }
0xa0: {  	[sflag:s22] =	ssyncadd.s32 s3;
	_ =	sdelay $0x1  }
0xa1: {  	s23 =	simm.s32 $0x1B8B  }
0xa2: {  	_ =	swait.ge [sflag:s23], $0x1  }
0xa3: {  	[sflag:s23] =	ssyncset.done $0x0  }
0xa4: {  	s25 =	simm.s32 $0x1B8E;
	s24 =	sld [smem:$0x3FFE];
	[sflag:s23] =	ssyncadd.s32 $0xFFFFFFFF  }
0xa5: {  	s26 =	simm.s32 $execute0_lowered;
	[smem:$0x3FD2] =	sst s25  }
0xa6: {  	s4 =	sshll.u32 s26, $0x1;
	_ =	strace $0x80000046;
	[dreg:$0x1] =	wrdreg $0xFFFFFFFF  }
0xa7: {  	s28 =	simm.s32 $_size_execute0_lowered;
	s2 =	sadd.s32 s2, s4;
	[dreg:$0x0] =	wrdreg $0x0  }
0xa8: {  	s4 =	sshll.u32 s28, $0x1;
	[dreg:$0x2] =	wrdreg s2  }
0xa9: {  	[dreg:$0x3] =	wrdreg s4  }
0xaa: {  	[dreg:$0x4] =	wrdreg $0xC0  }
0xab: {  	_ =	task [dreg:s6], $0x5FFFF  }
0xac: {  	[dreg:$0x1] =	wrdreg $0xFFFFFFFF  }
0xad: {  	[dreg:$0x0] =	wrdreg $0x60  }
0xae: {  	[dreg:$0x2] =	wrdreg s24  }
0xaf: {  	[dreg:$0x3] =	wrdreg $0x0  }
0xb0: {  	[dreg:$0x4] =	wrdreg $0x9  }
0xb1: {  	_ =	task.clear_ibuf [dreg:s6], $0x5FFFF;
	_ =	strace $0x90000046  }
0xb2: {  	s29 =	simm.s32 $0x9;
	_ =	strace $0x80000048  }
0xb3: {  	_ =	swait.ge [sflag:s29], $0x1  }
0xb4: {  	[sflag:s29] =	ssyncadd.s32 $0xFFFFFFFF  }
0xb5: {  	_ =	strace $0x90000048  }
0xb6: {  	_ =	sfence  }
0xb7: {  	s30 =	sld [smem:$0x0];
	_ =	sdelay $0x2  }
0xb8: {  	s31 =	sshll.u32 s1, $0xD;
	s1 =	sshrl.u32 s1, $0x2  }
0xb9: {  	s3 =	sand.u32 $0x4000, s31;
	s1 =	sadd.s32 s1, s30  }
0xba: {  	s0 =	sor.u32 s3, s0;
	s1 =	sshll.u32 s1, $0x11  }
0xbb: {  	s0 =	sor.u32 s1, s0  }
0xbc: {  	s0 =	sadd.s32 $0x8F2B, s0  }
0xbd: {  	[sflag:s0] =	ssyncadd.remote.s32 $0x1  }
0xbe: {  	_ =	sfence.sel $0xFFFF  }
0xbf: {  	[dreg:$0x0] =	wrdreg $0xFFFFFFFF;
	(pc) =	sbr.abs _section_cstart, $3  }
0xc0: {  	[dreg:$0x1] =	wrdreg $0xFFFFFFFF  }
0xc1: {  	_ =	task.clear_ibuf [dreg:s6], $0x2FFFF;
	_ =	strace $0x9FFFFFFF  }
0xc2: {  	(tm) =	ssettm $0x7FFFFFFF  }
0xc3: {  	_ =	shalt  }
tec
execute0_lowered:
.L_overlay_start_1:
0x0: {  	(tag) =	ssettag $0x1  }
0x1: {  	s0 =	rddreg [dreg:$0x0]  }
0x2: {  	s1 =	rddreg [dreg:$0x1];
	s2 =	simm.s32 $0x0  }
0x3: {  	s3 =	srdreg.scid;
	s14 =	stileid.u32;
	s28 =	simm.s32 $0x187C0  }
0x4: {  	s31 =	simm.s32 $0x1;
	s30 =	simm.s32 $0x19F30;
	s4 =	sadd.s32 $0x281600, s0  }
0x5: {  	[smem:$0x7FF] =	sst s2;
	s7 =	smul.u32 $0x18700, s14;
	s6 =	sadd.s32 $0x2B2400, s0  }
0x6: {  	s3 =	sand.u32 $0x1, s3;
	s13 =	sadd.s32 $0x469C00, s0;
	s29 =	smul.u32 $0x186A0, s14  }
0x7: {  	s16 =	sadd.s32 $0x16E900, s1;
	p0 =	seq.s32 s14, $0xF;
	s5 =	smul.u32 $0x61A80, s3  }
0x8: {  	_ =	strace $0x80000047;
	s9 =	smul.u32 $0x24, s3;
	s11 =	ssub.s32 $0x2, s3  }
0x9: {  	[dreg:$0x5] =	wrdreg s16;
	s3 =	smul.u32 $0x186A00, s3;
	s10 =	sshrl.u32 s7, $0x3  }
0xa: {  	s12 =	sshrl.u32 s11, $0x1;
	s15 =	sadd.s32 s7, s1;
	s18 =	sshrl.u32 s29, $0x3  }
0xb: {  	s20 =	sadd.s32 $0x50, s29;
	s21 =	sadd.s32 s6, s29;
	s8 =	sadd.s32 s5, s0  }
0xc: {  	s5 =	sadd.s32 $0x250800, s0;
	s9 =	sadd.s32 s9, s0;
	s10 =	sadd.s32 s10, s0  }
0xd: {  	s11 =	ssub.s32 s11, s12;
	[dreg:$0x3] =	wrdreg s15;
	s0 =	sadd.s32 $0x466B20, s0  }
0xe: {  	s19 =	sadd.s32 s4, s18;
	[dreg:$0xa] =	wrdreg s21;
	s22 =	sshrl.u32 s20, $0x3  }
0xf: {  	s25 =	sadd.s32 s7, s3;
	s3 =	sshrl.u32 s3, $0x3;
	s21 =	sadd.s32 $0xF0, s29  }
0x10: {  	s7 =	simm.s32 $0x3;
	s12 =	simm.s32 $0x0;
	[dreg:$0x6] =	wrdreg s0  }
0x11: {  	s10 =	sadd.s32 $0x438E00, s10;
	s17 =	sadd.s32 $0x6000, s9;
	[dreg:$0x8] =	wrdreg s19  }
0x12: {  	s0 =	sadd.s32 s5, s18;
	s15 =	sadd.s32 $0x7A7A00, s8;
	[dreg:$0x4] =	wrdreg s10  }
0x13: {  	s16 =	sadd.s32 $0x18D200, s8;
	s23 =	sadd.s32 s4, s22;
	[dreg:$0x7] =	wrdreg s17  }
0x14: {  	s24 =	sadd.s32 s5, s22;
	s26 =	sadd.s32 s13, s3;
	[dreg:$0x9] =	wrdreg s0  }
0x15: {  	s3 =	simm.s32 $0x19F80;
	s8 =	simm.s32 $0x2;
	[dreg:$0xb] =	wrdreg s23  }
0x16: {  	s9 =	simm.s32 $0x1A200;
	[dreg:$0xc] =	wrdreg s24;
	s0 =	sadd.s32 s6, s20  }
.Ltmp0:
0x17: {  	s20 =	sadd.s32 $0xA0, s29;
	s29 =	smax.u32 s11, $0x1;
	(pc) =	sbr.rel .LBB2_1-.Ltmp0, $4  }
0x18: {  	s10 =	simm.s32 $0x1AC00;
	[dreg:$0xd] =	wrdreg s0;
	s0 =	sshrl.u32 s25, $0x3  }
0x19: {  	s11 =	simm.s32 $0x1B600;
	[dreg:$0x10] =	wrdreg s29;
	s0 =	sadd.s32 s13, s0  }
0x1a: {  	s25 =	simm.s32 $0x19EE0;
	[dreg:$0xe] =	wrdreg s0;
	s0 =	sadd.s32 $0x2DD20, s26  }
0x1b: {  	s26 =	simm.s32 $0x5;
	[dreg:$0xf] =	wrdreg s0;
	s0 =	simm.s32 $0x50  }
.LBB2_8:
0x1c: {  	[bflag:$0x0] =	sbarrier.arrive $0xFFFF  }
0x1d: {  	s17 =	simm.s32 @p0 $0x1FC5;
	s18 =	rddreg [dreg:$0xf]  }
0x1e: {  	[hbm:s18], [sflag:s17] =	dma.local @p0 [spmem:s13], $0x3020  }
0x1f: {  	s13 =	simm.s32 @p0 $0x5  }
0x20: {  	_ =	swait.ge @p0 [sflag:s13], $0x3020  }
0x21: {  	[sflag:s13] =	ssyncset.done @p0 $0x0  }
0x22: {  	[sflag:s13] =	ssyncadd.s32 @p0 $0xFFFFCFE0;
	s13 =	rddreg [dreg:$0xe]  }
0x23: {  	[hbm:s13], [sflag:s14] =	dma.local @!p0 [spmem:s29], $0x30E0  }
0x24: {  	s13 =	simm.s32 @!p0 $0x5  }
0x25: {  	_ =	swait.ge @!p0 [sflag:s13], $0x30E0  }
0x26: {  	s12 =	sadd.s32 $0x1, s12;
	s29 =	rddreg [dreg:$0x10]  }
0x27: {  	p1 =	sne.s32 s12, s29  }
.Ltmp1:
0x28: {  	_ = 	snop;
	(pc) =	sbr.rel @!p1 .LBB2_9-.Ltmp1, $3  }
0x29: {  	_ =	sdelay $0x1  }
0x2a: {  	[sflag:s13] =	ssyncset.done @!p0 $0x0  }
0x2b: {  	[sflag:s13] =	ssyncadd.s32 @!p0 $0xFFFFCF20  }
.LBB2_1:
0x2c: {  	s13 =	rddreg [dreg:$0x5]  }
0x2d: {  	s14 =	simm.s32 @p0 $0x1FC5;
	s17 =	rddreg [dreg:$0x6];
	s13 =	sshrl.u32 @p0 s13, $0x3  }
0x2e: {  	[spmem:s13], [sflag:s14] =	dma.local @p0 [hbm:s17], $0x3020  }
0x2f: {  	s14 =	simm.s32 @p0 $0x5  }
0x30: {  	s17 =	stileid.u32;
	_ =	swait.ge @p0 [sflag:s14], $0x3020  }
0x31: {  	s17 =	sshll.u32 @!p0 s17, $0x6;
	[sflag:s14] =	ssyncset.done @p0 $0x0  }
0x32: {  	[sflag:s14] =	ssyncadd.s32 @p0 $0xFFFFCFE0;
	s14 =	sor.u32 @!p0 $0x1C05, s17;
	s17 =	rddreg [dreg:$0x3]  }
0x33: {  	s29 =	sshrl.u32 @!p0 s17, $0x3;
	s17 =	rddreg [dreg:$0x4]  }
0x34: {  	[spmem:s29], [sflag:s14] =	dma.local @!p0 [hbm:s17], $0x30E0  }
0x35: {  	s17 =	simm.s32 @!p0 $0x5  }
0x36: {  	_ =	swait.ge @!p0 [sflag:s17], $0x30E0  }
0x37: {  	[sflag:s17] =	ssyncset.done @!p0 $0x0  }
0x38: {  	s18 =	simm.s32 $0x186A0;
	s24 =	rddreg [dreg:$0x7];
	[sflag:s17] =	ssyncadd.s32 @!p0 $0xFFFFCF20  }
0x39: {  	[tilespmem:s18], [sflag:$0x5] =	stream.linear.gather [hbm4b:s24+s2], $0x120, $0x38;
	[tilespmem:$0x1BB00] =	vst v63  }
0x3a: {  	_ =	swait.ge [sflag:s26], $0x120  }
0x3b: {  	[sflag:s26] =	ssyncset.done $0x0  }
0x3c: {  	[sflag:s26] =	ssyncadd.s32 $0xFFFFFEE0  }
0x3d: {  	[bflag:$0x0] =	sbarrier.arrive $0xFFFF  }
0x3e: {  	v0 =	vld [tilespmem:$0x186A0]  }
0x3f: {  	v1 =	vld [tilespmem:$0x186C0]  }
0x40: {  	v2 =	vld [tilespmem:$0x186E0]  }
0x41: {  	v3 =	vld [tilespmem:$0x18700]  }
0x42: {  	v4 =	vld [tilespmem:$0x18720]  }
0x43: {  	v5 =	vld [tilespmem:$0x18740]  }
0x44: {  	v6 =	vld [tilespmem:$0x18760]  }
0x45: {  	v7 =	vld [tilespmem:$0x18780]  }
0x46: {  	v8 =	vld [tilespmem:$0x186B0]  }
0x47: {  	v9 =	vld [tilespmem:$0x186D0]  }
0x48: {  	v10 =	vld [tilespmem:$0x186F0]  }
0x49: {  	v11 =	vld [tilespmem:$0x18710]  }
0x4a: {  	v12 =	vld [tilespmem:$0x18730]  }
0x4b: {  	v13 =	vld [tilespmem:$0x18750]  }
0x4c: {  	v14 =	vld [tilespmem:$0x18770]  }
0x4d: {  	v15 =	vld [tilespmem:$0x18790]  }
0x4e: {  	v16 =	vld [tilespmem:$0x187A0];
	s18 =	rddreg [dreg:$0x8]  }
0x4f: {  	v17 =	vld [tilespmem:$0x187B0];
	[tilespmem:s28], [sflag:$0x1] =	stream.linear.gather [hbm4b:s18+s2], $0x50, $0x38  }
0x50: {  	s22 =	simm.s32 $0x18810;
	s19 =	rddreg [dreg:$0x9]  }
0x51: {  	[tilespmem:s22], [sflag:$0x1] =	stream.linear.gather [hbm4b:s19+s2], $0x50, $0x38;
	[tilespmem:$0x1BB00] =	vst v63  }
0x52: {  	s23 =	rddreg [dreg:$0xa];
	s19 =	simm.s32 $0x18860  }
0x53: {  	[tilespmem:s19], [sflag:$0x1] =	stream.linear.gather [hbm4b:s23+s2], $0x280, $0x38;
	[tilespmem:$0x1BB00] =	vst v63  }
0x54: {  	_ =	swait.ge [sflag:s31], $0x50  }
0x55: {  	[sflag:s31] =	ssyncset.done $0x0  }
0x56: {  	[sflag:s31] =	ssyncadd.s32 $0xFFFFFFB0  }
0x57: {  	_ =	swait.ge [sflag:s31], $0x50  }
0x58: {  	[sflag:s31] =	ssyncset.done $0x0  }
0x59: {  	[sflag:s31] =	ssyncadd.s32 $0xFFFFFFB0  }
0x5a: {  	_ =	swait.ge [sflag:s31], $0x280  }
0x5b: {  	[sflag:s31] =	ssyncset.done $0x0  }
0x5c: {  	s24 =	simm.s32 $0x18AE0;
	[sflag:s31] =	ssyncadd.s32 $0xFFFFFD80  }
0x5d: {  	[tilespmem:s24], [sflag:$0x3] =	stream.indirect.gather [hbm4b:s15+s0], $0x20, s28, s0, $0xb8;
	[tilespmem:$0x1BB00] =	vst v63  }
0x5e: {  	s19 =	simm.s32 $0x194E0  }
0x5f: {  	[tilespmem:s19], [sflag:$0x3] =	stream.indirect.gather [hbm4b:s16+s0], $0x20, s22, s0, $0xb8;
	[tilespmem:$0x1BB00] =	vst v63  }
0x60: {  	s22 =	rddreg [dreg:$0xb]  }
0x61: {  	[tilespmem:s25], [sflag:$0x2] =	stream.linear.gather [hbm4b:s22+s2], $0x50, $0x38;
	[tilespmem:$0x1BB00] =	vst v63  }
0x62: {  	s23 =	rddreg [dreg:$0xc]  }
0x63: {  	[tilespmem:s30], [sflag:$0x2] =	stream.linear.gather [hbm4b:s23+s2], $0x50, $0x38;
	[tilespmem:$0x1BB00] =	vst v63  }
0x64: {  	s17 =	simm.s32 $0x0;
	s24 =	rddreg [dreg:$0xd]  }
0x65: {  	[tilespmem:s3], [sflag:$0x2] =	stream.linear.gather [hbm4b:s24+s2], $0x280, $0x38;
	[tilespmem:$0x1BB00] =	vst v63  }
.LBB2_2:
0x66: {  	_ =	swait.ge [sflag:s7], $0xA00  }
0x67: {  	[sflag:s7] =	ssyncset.done $0x0  }
0x68: {  	[sflag:s7] =	ssyncadd.s32 $0xFFFFF600  }
0x69: {  	_ =	swait.ge [sflag:s7], $0xA00  }
0x6a: {  	[sflag:s7] =	ssyncset.done $0x0  }
0x6b: {  	[sflag:s7] =	ssyncadd.s32 $0xFFFFF600  }
0x6c: {  	_ =	swait.ge [sflag:s8], $0x50  }
0x6d: {  	[sflag:s8] =	ssyncset.done $0x0  }
0x6e: {  	[sflag:s8] =	ssyncadd.s32 $0xFFFFFFB0  }
0x6f: {  	_ =	swait.ge [sflag:s8], $0x50  }
0x70: {  	[sflag:s8] =	ssyncset.done $0x0  }
0x71: {  	[sflag:s8] =	ssyncadd.s32 $0xFFFFFFB0  }
0x72: {  	_ =	swait.ge [sflag:s8], $0x280  }
0x73: {  	[sflag:s8] =	ssyncset.done $0x0  }
0x74: {  	[sflag:s8] =	ssyncadd.s32 $0xFFFFFD80  }
0x75: {  	[tilespmem:s9], [sflag:$0x4] =	stream.indirect.gather [hbm4b:s15+s0], $0x20, s25, s0, $0xb8;
	[tilespmem:$0x1BB00] =	vst v63  }
0x76: {  	s18 =	simm.s32 $0x18860  }
0x77: {  	[tilespmem:s10], [sflag:$0x4] =	stream.indirect.gather [hbm4b:s16+s0], $0x20, s30, s0, $0xb8;
	[tilespmem:$0x1BB00] =	vst v63  }
0x78: {  	v18 =	vld [tilespmem:s18+$0x0];
	_ =	sdelay $0x4  }
0x79: {  	v19 =	vbroadcast v18, $0x0;
	_ =	sdelay $0x1  }
0x7a: {  	v20 =	vbroadcast v18, $0x1;
	v21 =	vmul.f32 v19, v8;
	_ =	sdelay $0x1  }
0x7b: {  	v22 =	vbroadcast v18, $0x2;
	v23 =	vmul.f32 v20, v9;
	v21 =	vadd.f32 v21, v17;
	_ =	sdelay $0x1  }
0x7c: {  	v24 =	vbroadcast v18, $0x3;
	v25 =	vmul.f32 v22, v10;
	v21 =	vadd.f32 v21, v23;
	_ =	sdelay $0x1  }
0x7d: {  	v58 =	vbroadcast v18, $0x4;
	v26 =	vmul.f32 v24, v11;
	v21 =	vadd.f32 v21, v25;
	_ =	sdelay $0x1  }
0x7e: {  	v59 =	vbroadcast v18, $0x5;
	v27 =	vmul.f32 v58, v12;
	v21 =	vadd.f32 v21, v26;
	_ =	sdelay $0x1  }
0x7f: {  	v60 =	vbroadcast v18, $0x6;
	v28 =	vmul.f32 v59, v13;
	v21 =	vadd.f32 v21, v27  }
0x80: {  	v61 =	vbroadcast v18, $0x7  }
0x81: {  	s19 =	simm.s32 $0x0;
	v19 =	vmul.f32 v19, v0;
	v29 =	vmul.f32 v60, v14;
	v21 =	vadd.f32 v21, v28  }
0x82: {  	v62 =	vld [tilespmem:s19+$0x18AF0];
	v20 =	vmul.f32 v20, v1  }
0x83: {  	v30 =	vmul.f32 v61, v15;
	v19 =	vadd.f32 v19, v16;
	v21 =	vadd.f32 v21, v29  }
0x84: {  	v63 =	vld [tilespmem:s19+$0x194F0]  }
0x85: {  	v22 =	vmul.f32 v22, v2;
	v19 =	vadd.f32 v19, v20;
	v20 =	vadd.f32 v21, v30;
	_ =	sdelay $0x1  }
0x86: {  	v24 =	vmul.f32 v24, v3;
	v19 =	vadd.f32 v19, v22;
	v20 =	vadd.f32 v20, v62;
	_ =	sdelay $0x1  }
0x87: {  	v19 =	vadd.f32 v19, v24;
	v28 =	vmul.f32 v58, v4;
	v20 =	vadd.f32 v20, v63;
	_ =	sdelay $0x1  }
0x88: {  	v19 =	vadd.f32 v19, v28;
	v29 =	vmul.f32 v59, v5;
	v30 =	vand.u32 $0x7FFFFFFF, v20  }
0x89: {  	v22 =	vsub.f32 $0.0e+00, v30  }
0x8a: {  	v31 =	vmul.f32 v60, v6;
	v19 =	vadd.f32 v19, v29  }
0x8b: {  	v32 =	vld [tilespmem:s19+$0x18AE0];
	v22 =	vmul.f32 $1.442695020e+00, v22  }
0x8c: {  	v33 =	vmul.f32 v61, v7;
	v19 =	vadd.f32 v19, v31  }
0x8d: {  	v34 =	vld [tilespmem:s19+$0x194E0];
	(erf) = vpow2.f32 v22  }
0x8e: {  	v19 =	vadd.f32 v19, v33;
	_ =	sdelay $0x1  }
0x8f: {  	v19 =	vadd.f32 v19, v32;
	_ =	sdelay $0x1  }
0x90: {  	v19 =	vadd.f32 v19, v34;
	_ =	sdelay $0x1  }
0x91: {  	v19 =	vsub.f32 $0.0e+00, v19;
	_ =	sdelay $0x1  }
0x92: {  	v19 =	vmul.f32 $1.442695020e+00, v19;
	v35 =	vpop (erf)  }
0x93: {  	v36 =	vadd.f32 $2.000000000e+00, v35  }
0x94: {  	(erf) = vpow2.f32 v19  }
0x95: {  	(erf) = vrcp.f32 v36;
	_ =	sdelay $0x7  }
0x96: {  	v19 =	vpop (erf)  }
0x97: {  	v22 =	vpop (erf)  }
0x98: {  	v21 =	vmul.f32 v22, v35;
	_ =	sdelay $0x1  }
0x99: {  	v22 =	vmul.f32 v21, v21;
	_ =	sdelay $0x1  }
0x9a: {  	v37 =	vmul.f32 $7.692307980e-02, v22;
	_ =	sdelay $0x1  }
0x9b: {  	v23 =	vadd.f32 $9.090909360e-02, v37;
	_ =	sdelay $0x1  }
0x9c: {  	v23 =	vmul.f32 v23, v22;
	_ =	sdelay $0x1  }
0x9d: {  	v23 =	vadd.f32 $1.111111120e-01, v23;
	_ =	sdelay $0x1  }
0x9e: {  	v23 =	vmul.f32 v23, v22;
	_ =	sdelay $0x1  }
0x9f: {  	v23 =	vadd.f32 $1.428571490e-01, v23;
	_ =	sdelay $0x1  }
0xa0: {  	v23 =	vmul.f32 v23, v22;
	_ =	sdelay $0x1  }
0xa1: {  	v23 =	vadd.f32 $2.000000030e-01, v23  }
0xa2: {  	v38 =	vbroadcast v18, $0x8;
	v39 =	vbroadcast v18, $0xA  }
0xa3: {  	v41 =	vbroadcast v18, $0x9;
	v19 =	vadd.f32 $1.000000000e+00, v19;
	v23 =	vmul.f32 v23, v22  }
0xa4: {  	v42 =	vbroadcast v18, $0xB;
	v40 =	vmul.f32 v38, v8  }
0xa5: {  	v24 =	vmul.f32 v38, v0;
	(erf) = vrcp.f32 v19;
	v19 =	vadd.f32 $3.333333430e-01, v23  }
0xa6: {  	v45 =	vbroadcast v18, $0xC;
	v44 =	vmul.f32 v41, v9;
	v43 =	vadd.f32 v40, v17  }
0xa7: {  	v47 =	vmul.f32 v41, v1;
	v24 =	vadd.f32 v24, v16;
	v19 =	vmul.f32 v19, v22  }
0xa8: {  	v48 =	vmul.f32 v39, v10;
	v46 =	vadd.f32 v43, v44;
	v21 =	vadd.f32 v21, v21  }
0xa9: {  	v50 =	vmul.f32 v39, v2;
	v23 =	vadd.f32 v24, v47;
	v19 =	vadd.f32 $1.000000000e+00, v19  }
0xaa: {  	v51 =	vbroadcast v18, $0xD;
	v49 =	vmul.f32 v42, v11;
	v22 =	vadd.f32 v46, v48  }
0xab: {  	v53 =	vmul.f32 v42, v3;
	v52 =	vadd.f32 v23, v50;
	v19 =	vmul.f32 v19, v21  }
0xac: {  	v54 =	vmul.f32 v45, v12;
	v20 =	vmax.f32 v20, $0.0e+00;
	v22 =	vadd.f32 v22, v49  }
0xad: {  	v55 =	vmul.f32 v45, v4;
	v21 =	vadd.f32 v52, v53;
	v19 =	vadd.f32 v19, v20  }
0xae: {  	v57 =	vmul.f32 v51, v13;
	v58 =	vmul.f32 v51, v5;
	v56 =	vpop (erf);
	v22 =	vadd.f32 v22, v54  }
0xaf: {  	v20 =	vbroadcast v18, $0xE;
	v21 =	vadd.f32 v21, v55;
	v19 =	vmul.f32 v19, v56  }
0xb0: {  	s22 =	simm.s32 $0x1B610;
	v22 =	vadd.f32 v22, v57;
	v18 =	vbroadcast v18, $0xF  }
0xb1: {  	v59 =	vmul.f32 v20, v14;
	v20 =	vmul.f32 v20, v6;
	[tilespmem:s22+$0xFFFFFFF0] =	vst v19;
	v19 =	vadd.f32 v21, v58  }
0xb2: {  	v60 =	vld [tilespmem:s19+$0x18B10]  }
0xb3: {  	v22 =	vadd.f32 v22, v59;
	v61 =	vld [tilespmem:s19+$0x18B00];
	v19 =	vadd.f32 v19, v20;
	v20 =	vmul.f32 v18, v15  }
0xb4: {  	v62 =	vld [tilespmem:s19+$0x19510];
	v18 =	vmul.f32 v18, v7  }
0xb5: {  	v63 =	vld [tilespmem:s19+$0x19500];
	v20 =	vadd.f32 v22, v20  }
0xb6: {  	v18 =	vadd.f32 v19, v18  }
0xb7: {  	v19 =	vadd.f32 v20, v60  }
0xb8: {  	v20 =	vadd.f32 v18, v61  }
0xb9: {  	v18 =	vadd.f32 v19, v62  }
0xba: {  	s23 =	simm.s32 $0x100;
	s19 =	simm.s32 $0x1B610;
	v19 =	vadd.f32 v20, v63  }
.LBB2_3:
0xbb: {  	p1 =	sne.s32 s23, $0x2700;
	v20 =	vand.u32 $0x7FFFFFFF, v18;
	s18 =	sadd.s32 $0x10, s18;
	s22 =	sadd.s32 $0x20, s22  }
0xbc: {  	s24 =	smov.u32 s23;
	s23 =	sadd.s32 $0x100, s23;
	v19 =	vsub.f32 $0.0e+00, v19;
	v20 =	vsub.f32 $0.0e+00, v20;
	_ =	sdelay $0x1  }
0xbd: {  	v19 =	vmul.f32 $1.442695020e+00, v19;
	v20 =	vmul.f32 $1.442695020e+00, v20;
	_ =	sdelay $0x1  }
0xbe: {  	(erf) = vpow2.f32 v20  }
0xbf: {  	(erf) = vpow2.f32 v19;
	_ =	sdelay $0x7  }
0xc0: {  	v19 =	vpop (erf)  }
0xc1: {  	v20 =	vadd.f32 $2.000000000e+00, v19;
	v21 =	vpop (erf)  }
0xc2: {  	v21 =	vadd.f32 $1.000000000e+00, v21  }
0xc3: {  	(erf) = vrcp.f32 v20;
	_ =	sdelay $0x2  }
0xc4: {  	s24 =	sshra.s32 s24, $0x2;
	_ =	sdelay $0x5  }
0xc5: {  	v20 =	vpop (erf)  }
0xc6: {  	v19 =	vmul.f32 v20, v19;
	_ =	sdelay $0x1  }
0xc7: {  	v20 =	vmul.f32 v19, v19;
	_ =	sdelay $0x1  }
0xc8: {  	v22 =	vmul.f32 $7.692307980e-02, v20;
	_ =	sdelay $0x1  }
0xc9: {  	v22 =	vadd.f32 $9.090909360e-02, v22;
	_ =	sdelay $0x1  }
0xca: {  	v22 =	vmul.f32 v22, v20;
	_ =	sdelay $0x1  }
0xcb: {  	v22 =	vadd.f32 $1.111111120e-01, v22;
	_ =	sdelay $0x1  }
0xcc: {  	v22 =	vmul.f32 v22, v20;
	_ =	sdelay $0x1  }
0xcd: {  	v22 =	vadd.f32 $1.428571490e-01, v22;
	_ =	sdelay $0x1  }
0xce: {  	v22 =	vmul.f32 v22, v20;
	_ =	sdelay $0x1  }
0xcf: {  	v22 =	vadd.f32 $2.000000030e-01, v22;
	_ =	sdelay $0x1  }
0xd0: {  	v22 =	vmul.f32 v22, v20;
	_ =	sdelay $0x1  }
0xd1: {  	v22 =	vadd.f32 $3.333333430e-01, v22;
	(erf) = vrcp.f32 v21;
	_ =	sdelay $0x1  }
0xd2: {  	v20 =	vmul.f32 v22, v20;
	_ =	sdelay $0x1  }
0xd3: {  	v19 =	vadd.f32 v19, v19;
	v20 =	vadd.f32 $1.000000000e+00, v20;
	_ =	sdelay $0x1  }
0xd4: {  	v20 =	vmul.f32 v20, v19  }
0xd5: {  	v18 =	vmax.f32 v18, $0.0e+00  }
0xd6: {  	v18 =	vadd.f32 v20, v18  }
0xd7: {  	v19 =	vpop (erf)  }
0xd8: {  	v18 =	vmul.f32 v18, v19;
	_ =	sdelay $0x1  }
0xd9: {  	[tilespmem:s19+$0x0] =	vst v18;
	s19 =	smov.u32 s22  }
0xda: {  	v18 =	vld [tilespmem:s18+$0x0];
	_ =	sdelay $0x3  }
0xdb: {  	v19 =	vld [tilespmem:s24+$0x194F0]  }
0xdc: {  	v20 =	vbroadcast v18, $0x0;
	v21 =	vbroadcast v18, $0x1;
	v22 =	vld [tilespmem:s24+$0x18AE0]  }
0xdd: {  	v23 =	vbroadcast v18, $0x2;
	v24 =	vbroadcast v18, $0x3  }
0xde: {  	v26 =	vbroadcast v18, $0x4;
	v25 =	vmul.f32 v20, v8  }
0xdf: {  	v28 =	vbroadcast v18, $0x5;
	v27 =	vmul.f32 v21, v9  }
0xe0: {  	v30 =	vbroadcast v18, $0x6;
	v29 =	vmul.f32 v23, v2;
	v25 =	vadd.f32 v25, v17  }
0xe1: {  	v20 =	vmul.f32 v20, v0;
	v23 =	vmul.f32 v23, v10  }
0xe2: {  	v31 =	vbroadcast v18, $0xA;
	v25 =	vadd.f32 v25, v27;
	v27 =	vbroadcast v18, $0x8  }
0xe3: {  	v21 =	vmul.f32 v21, v1;
	v32 =	vmul.f32 v24, v11;
	v20 =	vadd.f32 v20, v16  }
0xe4: {  	v34 =	vbroadcast v18, $0xB;
	v23 =	vadd.f32 v25, v23;
	v25 =	vld [tilespmem:s24+$0x194E0];
	v33 =	vmul.f32 v27, v8  }
0xe5: {  	v35 =	vbroadcast v18, $0x9;
	v20 =	vadd.f32 v20, v21;
	v21 =	vmul.f32 v26, v12  }
0xe6: {  	v23 =	vadd.f32 v23, v32;
	v32 =	vbroadcast v18, $0x7;
	v33 =	vadd.f32 v33, v17  }
0xe7: {  	v24 =	vmul.f32 v24, v3;
	v20 =	vadd.f32 v20, v29;
	v29 =	vmul.f32 v28, v13  }
0xe8: {  	v26 =	vmul.f32 v26, v4;
	v21 =	vadd.f32 v23, v21;
	v23 =	vbroadcast v18, $0xC  }
0xe9: {  	v36 =	vmul.f32 v31, v10;
	v20 =	vadd.f32 v20, v24;
	v24 =	vmul.f32 v30, v14  }
0xea: {  	v37 =	vmul.f32 v35, v9;
	v38 =	vmul.f32 v34, v11;
	v21 =	vadd.f32 v21, v29;
	v29 =	vld [tilespmem:s24+$0x18AF0]  }
0xeb: {  	v20 =	vadd.f32 v20, v26;
	v26 =	vmul.f32 v28, v5;
	v28 =	vmul.f32 v32, v15  }
0xec: {  	v21 =	vadd.f32 v21, v24;
	v24 =	vmul.f32 v27, v0;
	v27 =	vadd.f32 v33, v37  }
0xed: {  	v20 =	vadd.f32 v20, v26;
	v26 =	vmul.f32 v30, v6;
	v30 =	vbroadcast v18, $0xD  }
0xee: {  	v33 =	vbroadcast v18, $0xE;
	v21 =	vadd.f32 v21, v28;
	v28 =	vmul.f32 v35, v1  }
0xef: {  	v20 =	vadd.f32 v20, v26;
	v26 =	vmul.f32 v32, v7;
	v24 =	vadd.f32 v24, v16  }
0xf0: {  	v27 =	vadd.f32 v27, v36;
	v21 =	vadd.f32 v21, v29;
	v29 =	vmul.f32 v33, v14  }
0xf1: {  	v20 =	vadd.f32 v20, v26;
	v26 =	vmul.f32 v31, v2;
	v24 =	vadd.f32 v24, v28  }
0xf2: {  	v19 =	vadd.f32 v21, v19;
	v21 =	vadd.f32 v27, v38;
	v27 =	vmul.f32 v23, v12  }
0xf3: {  	v20 =	vadd.f32 v20, v22;
	v22 =	vadd.f32 v24, v26;
	v24 =	vmul.f32 v30, v13  }
0xf4: {  	v28 =	vmul.f32 v34, v3;
	v26 =	vand.u32 $0x7FFFFFFF, v19;
	v21 =	vadd.f32 v21, v27  }
0xf5: {  	v18 =	vbroadcast v18, $0xF;
	v20 =	vadd.f32 v20, v25;
	v25 =	vsub.f32 $0.0e+00, v26  }
0xf6: {  	v23 =	vmul.f32 v23, v4;
	v22 =	vadd.f32 v22, v28;
	v21 =	vadd.f32 v21, v24  }
0xf7: {  	v20 =	vsub.f32 $0.0e+00, v20;
	v24 =	vmul.f32 $1.442695020e+00, v25  }
0xf8: {  	v22 =	vadd.f32 v22, v23;
	v23 =	vmul.f32 v30, v5;
	v21 =	vadd.f32 v21, v29  }
0xf9: {  	v20 =	vmul.f32 $1.442695020e+00, v20;
	(erf) = vpow2.f32 v24  }
0xfa: {  	v22 =	vadd.f32 v22, v23;
	v23 =	vmul.f32 v33, v6  }
0xfb: {  	(erf) = vpow2.f32 v20  }
0xfc: {  	v20 =	vadd.f32 v22, v23;
	_ =	sdelay $0x5  }
0xfd: {  	v22 =	vpop (erf)  }
0xfe: {  	v23 =	vadd.f32 $2.000000000e+00, v22  }
0xff: {  	v24 =	vpop (erf)  }
0x100: {  	v24 =	vadd.f32 $1.000000000e+00, v24;
	(erf) = vrcp.f32 v23;
	_ =	sdelay $0x8  }
0x101: {  	v23 =	vpop (erf)  }
0x102: {  	v22 =	vmul.f32 v23, v22;
	_ =	sdelay $0x1  }
0x103: {  	v23 =	vmul.f32 v22, v22;
	_ =	sdelay $0x1  }
0x104: {  	v25 =	vmul.f32 $7.692307980e-02, v23;
	_ =	sdelay $0x1  }
0x105: {  	v25 =	vadd.f32 $9.090909360e-02, v25;
	_ =	sdelay $0x1  }
0x106: {  	v25 =	vmul.f32 v25, v23;
	_ =	sdelay $0x1  }
0x107: {  	v25 =	vadd.f32 $1.111111120e-01, v25;
	_ =	sdelay $0x1  }
0x108: {  	v25 =	vmul.f32 v25, v23;
	_ =	sdelay $0x1  }
0x109: {  	v25 =	vadd.f32 $1.428571490e-01, v25;
	_ =	sdelay $0x1  }
0x10a: {  	v25 =	vmul.f32 v25, v23;
	_ =	sdelay $0x1  }
0x10b: {  	v25 =	vadd.f32 $2.000000030e-01, v25;
	_ =	sdelay $0x1  }
0x10c: {  	v25 =	vmul.f32 v25, v23  }
0x10d: {  	(erf) = vrcp.f32 v24  }
0x10e: {  	v24 =	vadd.f32 $3.333333430e-01, v25;
	_ =	sdelay $0x1  }
0x10f: {  	v23 =	vmul.f32 v24, v23  }
0x110: {  	v22 =	vadd.f32 v22, v22  }
0x111: {  	v23 =	vadd.f32 $1.000000000e+00, v23;
	_ =	sdelay $0x1  }
0x112: {  	v19 =	vmax.f32 v19, $0.0e+00;
	v23 =	vmul.f32 v23, v22;
	_ =	sdelay $0x1  }
0x113: {  	v19 =	vadd.f32 v23, v19;
	v22 =	vpop (erf);
	_ =	sdelay $0x1  }
0x114: {  	v19 =	vmul.f32 v19, v22;
	_ =	sdelay $0x1  }
0x115: {  	[tilespmem:s22+$0xFFFFFFF0] =	vst v19  }
0x116: {  	v19 =	vld [tilespmem:s24+$0x18B10]  }
0x117: {  	v22 =	vmul.f32 v18, v15;
	v23 =	vld [tilespmem:s24+$0x18B00]  }
0x118: {  	v18 =	vmul.f32 v18, v7;
	v24 =	vld [tilespmem:s24+$0x19510]  }
0x119: {  	v21 =	vadd.f32 v21, v22;
	v22 =	vld [tilespmem:s24+$0x19500]  }
.Ltmp2:
0x11a: {  	v18 =	vadd.f32 v20, v18;
	(pc) =	sbr.rel @p1 .LBB2_3-.Ltmp2, $4  }
0x11b: {  	v19 =	vadd.f32 v21, v19  }
0x11c: {  	v20 =	vadd.f32 v18, v23  }
0x11d: {  	v18 =	vadd.f32 v19, v24  }
0x11e: {  	v19 =	vadd.f32 v20, v22  }
0x11f: {  	v20 =	vand.u32 $0x7FFFFFFF, v18  }
0x120: {  	v20 =	vsub.f32 $0.0e+00, v20;
	_ =	sdelay $0x1  }
0x121: {  	v20 =	vmul.f32 $1.442695020e+00, v20;
	_ =	sdelay $0x1  }
0x122: {  	(erf) = vpow2.f32 v20;
	_ =	sdelay $0x6  }
0x123: {  	v19 =	vsub.f32 $0.0e+00, v19;
	_ =	sdelay $0x1  }
0x124: {  	v19 =	vmul.f32 $1.442695020e+00, v19;
	v20 =	vpop (erf)  }
0x125: {  	v21 =	vadd.f32 $2.000000000e+00, v20  }
0x126: {  	(erf) = vpow2.f32 v19  }
0x127: {  	(erf) = vrcp.f32 v21;
	_ =	sdelay $0x7  }
0x128: {  	v19 =	vpop (erf)  }
0x129: {  	v21 =	vpop (erf)  }
0x12a: {  	v20 =	vmul.f32 v21, v20;
	_ =	sdelay $0x1  }
0x12b: {  	v21 =	vmul.f32 v20, v20;
	_ =	sdelay $0x1  }
0x12c: {  	v22 =	vmul.f32 $7.692307980e-02, v21;
	_ =	sdelay $0x1  }
0x12d: {  	v22 =	vadd.f32 $9.090909360e-02, v22;
	_ =	sdelay $0x1  }
0x12e: {  	v22 =	vmul.f32 v22, v21;
	_ =	sdelay $0x1  }
0x12f: {  	v22 =	vadd.f32 $1.111111120e-01, v22;
	_ =	sdelay $0x1  }
0x130: {  	v22 =	vmul.f32 v22, v21;
	_ =	sdelay $0x1  }
0x131: {  	v22 =	vadd.f32 $1.428571490e-01, v22;
	_ =	sdelay $0x1  }
0x132: {  	v22 =	vmul.f32 v22, v21;
	_ =	sdelay $0x1  }
0x133: {  	v22 =	vadd.f32 $2.000000030e-01, v22;
	_ =	sdelay $0x1  }
0x134: {  	v22 =	vmul.f32 v22, v21  }
0x135: {  	v19 =	vadd.f32 $1.000000000e+00, v19  }
0x136: {  	v22 =	vadd.f32 $3.333333430e-01, v22  }
0x137: {  	(erf) = vrcp.f32 v19  }
0x138: {  	v19 =	vmul.f32 v22, v21;
	_ =	sdelay $0x1  }
0x139: {  	v20 =	vadd.f32 v20, v20;
	v19 =	vadd.f32 $1.000000000e+00, v19;
	_ =	sdelay $0x1  }
0x13a: {  	v19 =	vmul.f32 v19, v20;
	_ =	sdelay $0x1  }
0x13b: {  	v18 =	vmax.f32 v18, $0.0e+00  }
0x13c: {  	v18 =	vadd.f32 v19, v18  }
0x13d: {  	v19 =	vpop (erf)  }
0x13e: {  	v18 =	vmul.f32 v18, v19;
	_ =	sdelay $0x1  }
0x13f: {  	[tilespmem:s19+$0x0] =	vst v18  }
0x140: {  	[spmem:s1] =	stream.indirect.scatter.add.f32 [tilespmem:s11], [sflag:$0x5], $0x10, s28, s0, $0xb8;
	[tilespmem:$0x1BB00] =	vst v63  }
0x141: {  	_ =	swait.ge [sflag:s26], $0x500  }
0x142: {  	p1 =	seq.s32 s17, $0x270;
	[sflag:s26] =	ssyncset.done $0x0  }
0x143: {  	s18 =	simm.s32 @p1 $0x4;
	[sflag:s26] =	ssyncadd.s32 $0xFFFFFB00  }
0x144: {  	_ =	swait.ge @p1 [sflag:s18], $0xA00  }
0x145: {  	[sflag:s18] =	ssyncset.done @p1 $0x0  }
0x146: {  	s19 =	smul.u32 @!p1 $0xA0, s17;
	[sflag:s18] =	ssyncadd.s32 @p1 $0xFFFFF600  }
0x147: {  	_ =	swait.ge @p1 [sflag:s18], $0xA00  }
0x148: {  	s19 =	sadd.s32 @!p1 s19, s20;
	[sflag:s18] =	ssyncset.done @p1 $0x0  }
0x149: {  	[sflag:s18] =	ssyncadd.s32 @p1 $0xFFFFF600;
	s18 =	sshrl.u32 @!p1 s19, $0x3  }
0x14a: {  	s23 =	simm.s32 @!p1 $0x0;
	s24 =	simm.s32 @!p1 $0x187C0;
	s22 =	sadd.s32 @!p1 s4, s18  }
0x14b: {  	[tilespmem:s24], [sflag:$0x1] =	stream.linear.gather @!p1 [hbm4b:s22+s23], $0x50, $0x38;
	[tilespmem:$0x1BB00] =	vst v63  }
0x14c: {  	s18 =	sadd.s32 @!p1 s5, s18;
	s22 =	simm.s32 @!p1 $0x18810  }
0x14d: {  	[tilespmem:s22], [sflag:$0x1] =	stream.linear.gather @!p1 [hbm4b:s18+s23], $0x50, $0x38;
	[tilespmem:$0x1BB00] =	vst v63  }
0x14e: {  	s18 =	sadd.s32 @!p1 s6, s19;
	s19 =	simm.s32 @!p1 $0x18860  }
0x14f: {  	[tilespmem:s19], [sflag:$0x1] =	stream.linear.gather @!p1 [hbm4b:s18+s23], $0x280, $0x38;
	[tilespmem:$0x1BB00] =	vst v63  }
0x150: {  	s18 =	simm.s32 @!p1 $0x4  }
0x151: {  	_ =	swait.ge @!p1 [sflag:s18], $0xA00  }
0x152: {  	[sflag:s18] =	ssyncset.done @!p1 $0x0  }
0x153: {  	[sflag:s18] =	ssyncadd.s32 @!p1 $0xFFFFF600  }
0x154: {  	_ =	swait.ge @!p1 [sflag:s18], $0xA00  }
0x155: {  	[sflag:s18] =	ssyncset.done @!p1 $0x0  }
0x156: {  	[sflag:s18] =	ssyncadd.s32 @!p1 $0xFFFFF600;
	s18 =	simm.s32 @!p1 $0x1  }
0x157: {  	_ =	swait.ge @!p1 [sflag:s18], $0x50  }
0x158: {  	[sflag:s18] =	ssyncset.done @!p1 $0x0  }
0x159: {  	[sflag:s18] =	ssyncadd.s32 @!p1 $0xFFFFFFB0  }
0x15a: {  	_ =	swait.ge @!p1 [sflag:s18], $0x50  }
0x15b: {  	[sflag:s18] =	ssyncset.done @!p1 $0x0  }
0x15c: {  	[sflag:s18] =	ssyncadd.s32 @!p1 $0xFFFFFFB0  }
0x15d: {  	_ =	swait.ge @!p1 [sflag:s18], $0x280  }
0x15e: {  	[sflag:s18] =	ssyncset.done @!p1 $0x0  }
0x15f: {  	s19 =	simm.s32 @!p1 $0x18AE0;
	[sflag:s18] =	ssyncadd.s32 @!p1 $0xFFFFFD80;
	s18 =	simm.s32 @!p1 $0x50  }
0x160: {  	[tilespmem:s19], [sflag:$0x3] =	stream.indirect.gather @!p1 [hbm4b:s15+s18], $0x20, s24, s18, $0xb8;
	[tilespmem:$0x1BB00] =	vst v63  }
0x161: {  	s19 =	simm.s32 @!p1 $0x194E0  }
0x162: {  	[tilespmem:s19], [sflag:$0x3] =	stream.indirect.gather @!p1 [hbm4b:s16+s18], $0x20, s22, s18, $0xb8;
	[tilespmem:$0x1BB00] =	vst v63  }
0x163: {  	s18 =	simm.s32 $0x19F80  }
0x164: {  	v18 =	vld [tilespmem:s18+$0x0];
	_ =	sdelay $0x4  }
0x165: {  	v19 =	vbroadcast v18, $0x0;
	_ =	sdelay $0x1  }
0x166: {  	v20 =	vbroadcast v18, $0x1;
	v56 =	vmul.f32 v19, v8;
	_ =	sdelay $0x1  }
0x167: {  	v57 =	vbroadcast v18, $0x2;
	v23 =	vmul.f32 v20, v9;
	v21 =	vadd.f32 v56, v17;
	_ =	sdelay $0x1  }
0x168: {  	v24 =	vbroadcast v18, $0x3;
	v25 =	vmul.f32 v57, v10;
	v21 =	vadd.f32 v21, v23;
	_ =	sdelay $0x1  }
0x169: {  	v58 =	vbroadcast v18, $0x4;
	v26 =	vmul.f32 v24, v11;
	v21 =	vadd.f32 v21, v25;
	_ =	sdelay $0x1  }
0x16a: {  	v59 =	vbroadcast v18, $0x5;
	v27 =	vmul.f32 v58, v12;
	v21 =	vadd.f32 v21, v26;
	_ =	sdelay $0x1  }
0x16b: {  	v60 =	vbroadcast v18, $0x6;
	v28 =	vmul.f32 v59, v13;
	v21 =	vadd.f32 v21, v27  }
0x16c: {  	v61 =	vbroadcast v18, $0x7  }
0x16d: {  	s24 =	simm.s32 $0x0;
	v19 =	vmul.f32 v19, v0;
	v29 =	vmul.f32 v60, v14;
	v21 =	vadd.f32 v21, v28  }
0x16e: {  	v62 =	vld [tilespmem:s24+$0x1A210];
	v20 =	vmul.f32 v20, v1  }
0x16f: {  	v30 =	vmul.f32 v61, v15;
	v19 =	vadd.f32 v19, v16;
	v21 =	vadd.f32 v21, v29  }
0x170: {  	v63 =	vld [tilespmem:s24+$0x1AC10]  }
0x171: {  	v22 =	vmul.f32 v57, v2;
	v19 =	vadd.f32 v19, v20;
	v20 =	vadd.f32 v21, v30;
	_ =	sdelay $0x1  }
0x172: {  	v24 =	vmul.f32 v24, v3;
	v19 =	vadd.f32 v19, v22;
	v20 =	vadd.f32 v20, v62;
	_ =	sdelay $0x1  }
0x173: {  	v19 =	vadd.f32 v19, v24;
	v28 =	vmul.f32 v58, v4;
	v20 =	vadd.f32 v20, v63;
	_ =	sdelay $0x1  }
0x174: {  	v19 =	vadd.f32 v19, v28;
	v29 =	vmul.f32 v59, v5;
	v30 =	vand.u32 $0x7FFFFFFF, v20  }
0x175: {  	v22 =	vsub.f32 $0.0e+00, v30  }
0x176: {  	v31 =	vmul.f32 v60, v6;
	v19 =	vadd.f32 v19, v29  }
0x177: {  	v32 =	vld [tilespmem:s24+$0x1A200];
	v22 =	vmul.f32 $1.442695020e+00, v22  }
0x178: {  	v33 =	vmul.f32 v61, v7;
	v19 =	vadd.f32 v19, v31  }
0x179: {  	v34 =	vld [tilespmem:s24+$0x1AC00];
	(erf) = vpow2.f32 v22  }
0x17a: {  	v19 =	vadd.f32 v19, v33;
	_ =	sdelay $0x1  }
0x17b: {  	v19 =	vadd.f32 v19, v32;
	_ =	sdelay $0x1  }
0x17c: {  	v19 =	vadd.f32 v19, v34;
	_ =	sdelay $0x1  }
0x17d: {  	v19 =	vsub.f32 $0.0e+00, v19;
	_ =	sdelay $0x1  }
0x17e: {  	v19 =	vmul.f32 $1.442695020e+00, v19;
	v35 =	vpop (erf)  }
0x17f: {  	v36 =	vadd.f32 $2.000000000e+00, v35  }
0x180: {  	(erf) = vpow2.f32 v19  }
0x181: {  	(erf) = vrcp.f32 v36;
	_ =	sdelay $0x7  }
0x182: {  	v19 =	vpop (erf)  }
0x183: {  	v22 =	vpop (erf)  }
0x184: {  	v21 =	vmul.f32 v22, v35;
	_ =	sdelay $0x1  }
0x185: {  	v22 =	vmul.f32 v21, v21;
	_ =	sdelay $0x1  }
0x186: {  	v37 =	vmul.f32 $7.692307980e-02, v22;
	_ =	sdelay $0x1  }
0x187: {  	v23 =	vadd.f32 $9.090909360e-02, v37;
	_ =	sdelay $0x1  }
0x188: {  	v23 =	vmul.f32 v23, v22;
	_ =	sdelay $0x1  }
0x189: {  	v23 =	vadd.f32 $1.111111120e-01, v23;
	_ =	sdelay $0x1  }
0x18a: {  	v23 =	vmul.f32 v23, v22;
	_ =	sdelay $0x1  }
0x18b: {  	v23 =	vadd.f32 $1.428571490e-01, v23;
	_ =	sdelay $0x1  }
0x18c: {  	v23 =	vmul.f32 v23, v22;
	_ =	sdelay $0x1  }
0x18d: {  	v23 =	vadd.f32 $2.000000030e-01, v23  }
0x18e: {  	v38 =	vbroadcast v18, $0x8;
	v39 =	vbroadcast v18, $0xA  }
0x18f: {  	v41 =	vbroadcast v18, $0x9;
	v19 =	vadd.f32 $1.000000000e+00, v19;
	v23 =	vmul.f32 v23, v22  }
0x190: {  	v42 =	vbroadcast v18, $0xB;
	v40 =	vmul.f32 v38, v8  }
0x191: {  	v24 =	vmul.f32 v38, v0;
	(erf) = vrcp.f32 v19;
	v19 =	vadd.f32 $3.333333430e-01, v23  }
0x192: {  	v45 =	vbroadcast v18, $0xC;
	v44 =	vmul.f32 v41, v9;
	v43 =	vadd.f32 v40, v17  }
0x193: {  	v47 =	vmul.f32 v41, v1;
	v24 =	vadd.f32 v24, v16;
	v19 =	vmul.f32 v19, v22  }
0x194: {  	v48 =	vmul.f32 v39, v10;
	v46 =	vadd.f32 v43, v44;
	v21 =	vadd.f32 v21, v21  }
0x195: {  	v50 =	vmul.f32 v39, v2;
	v23 =	vadd.f32 v24, v47;
	v19 =	vadd.f32 $1.000000000e+00, v19  }
0x196: {  	v51 =	vbroadcast v18, $0xD;
	v49 =	vmul.f32 v42, v11;
	v22 =	vadd.f32 v46, v48  }
0x197: {  	v53 =	vmul.f32 v42, v3;
	v52 =	vadd.f32 v23, v50;
	v19 =	vmul.f32 v19, v21  }
0x198: {  	v54 =	vmul.f32 v45, v12;
	v20 =	vmax.f32 v20, $0.0e+00;
	v22 =	vadd.f32 v22, v49  }
0x199: {  	v55 =	vmul.f32 v45, v4;
	v21 =	vadd.f32 v52, v53;
	v19 =	vadd.f32 v19, v20  }
0x19a: {  	v57 =	vmul.f32 v51, v13;
	v58 =	vmul.f32 v51, v5;
	v56 =	vpop (erf);
	v22 =	vadd.f32 v22, v54  }
0x19b: {  	v20 =	vbroadcast v18, $0xE;
	v21 =	vadd.f32 v21, v55;
	v19 =	vmul.f32 v19, v56  }
0x19c: {  	s22 =	simm.s32 $0x1B610;
	v22 =	vadd.f32 v22, v57;
	v18 =	vbroadcast v18, $0xF  }
0x19d: {  	v59 =	vmul.f32 v20, v14;
	v20 =	vmul.f32 v20, v6;
	[tilespmem:s22+$0xFFFFFFF0] =	vst v19;
	v19 =	vadd.f32 v21, v58  }
0x19e: {  	v60 =	vld [tilespmem:s24+$0x1A230]  }
0x19f: {  	v22 =	vadd.f32 v22, v59;
	v61 =	vld [tilespmem:s24+$0x1A220];
	v19 =	vadd.f32 v19, v20;
	v20 =	vmul.f32 v18, v15  }
0x1a0: {  	v62 =	vld [tilespmem:s24+$0x1AC30];
	v18 =	vmul.f32 v18, v7  }
0x1a1: {  	v63 =	vld [tilespmem:s24+$0x1AC20];
	v20 =	vadd.f32 v22, v20  }
0x1a2: {  	v18 =	vadd.f32 v19, v18  }
0x1a3: {  	v19 =	vadd.f32 v20, v60  }
0x1a4: {  	v20 =	vadd.f32 v18, v61  }
0x1a5: {  	v18 =	vadd.f32 v19, v62  }
0x1a6: {  	s23 =	simm.s32 $0x100;
	s19 =	simm.s32 $0x1B610;
	v19 =	vadd.f32 v20, v63  }
.LBB2_5:
0x1a7: {  	p2 =	sne.s32 s23, $0x2700;
	v20 =	vand.u32 $0x7FFFFFFF, v18;
	s18 =	sadd.s32 $0x10, s18;
	s22 =	sadd.s32 $0x20, s22  }
0x1a8: {  	s24 =	smov.u32 s23;
	s23 =	sadd.s32 $0x100, s23;
	v19 =	vsub.f32 $0.0e+00, v19;
	v20 =	vsub.f32 $0.0e+00, v20;
	_ =	sdelay $0x1  }
0x1a9: {  	v19 =	vmul.f32 $1.442695020e+00, v19;
	v20 =	vmul.f32 $1.442695020e+00, v20;
	_ =	sdelay $0x1  }
0x1aa: {  	(erf) = vpow2.f32 v20  }
0x1ab: {  	(erf) = vpow2.f32 v19;
	_ =	sdelay $0x7  }
0x1ac: {  	v19 =	vpop (erf)  }
0x1ad: {  	v20 =	vadd.f32 $2.000000000e+00, v19;
	v21 =	vpop (erf)  }
0x1ae: {  	v21 =	vadd.f32 $1.000000000e+00, v21  }
0x1af: {  	(erf) = vrcp.f32 v20;
	_ =	sdelay $0x2  }
0x1b0: {  	s24 =	sshra.s32 s24, $0x2;
	_ =	sdelay $0x5  }
0x1b1: {  	v20 =	vpop (erf)  }
0x1b2: {  	v19 =	vmul.f32 v20, v19;
	_ =	sdelay $0x1  }
0x1b3: {  	v20 =	vmul.f32 v19, v19;
	_ =	sdelay $0x1  }
0x1b4: {  	v22 =	vmul.f32 $7.692307980e-02, v20;
	_ =	sdelay $0x1  }
0x1b5: {  	v22 =	vadd.f32 $9.090909360e-02, v22;
	_ =	sdelay $0x1  }
0x1b6: {  	v22 =	vmul.f32 v22, v20;
	_ =	sdelay $0x1  }
0x1b7: {  	v22 =	vadd.f32 $1.111111120e-01, v22;
	_ =	sdelay $0x1  }
0x1b8: {  	v22 =	vmul.f32 v22, v20;
	_ =	sdelay $0x1  }
0x1b9: {  	v22 =	vadd.f32 $1.428571490e-01, v22;
	_ =	sdelay $0x1  }
0x1ba: {  	v22 =	vmul.f32 v22, v20;
	_ =	sdelay $0x1  }
0x1bb: {  	v22 =	vadd.f32 $2.000000030e-01, v22;
	_ =	sdelay $0x1  }
0x1bc: {  	v22 =	vmul.f32 v22, v20;
	_ =	sdelay $0x1  }
0x1bd: {  	v22 =	vadd.f32 $3.333333430e-01, v22;
	(erf) = vrcp.f32 v21;
	_ =	sdelay $0x1  }
0x1be: {  	v20 =	vmul.f32 v22, v20;
	_ =	sdelay $0x1  }
0x1bf: {  	v19 =	vadd.f32 v19, v19;
	v20 =	vadd.f32 $1.000000000e+00, v20;
	_ =	sdelay $0x1  }
0x1c0: {  	v20 =	vmul.f32 v20, v19  }
0x1c1: {  	v18 =	vmax.f32 v18, $0.0e+00  }
0x1c2: {  	v18 =	vadd.f32 v20, v18  }
0x1c3: {  	v19 =	vpop (erf)  }
0x1c4: {  	v18 =	vmul.f32 v18, v19;
	_ =	sdelay $0x1  }
0x1c5: {  	[tilespmem:s19+$0x0] =	vst v18;
	s19 =	smov.u32 s22  }
0x1c6: {  	v18 =	vld [tilespmem:s18+$0x0];
	_ =	sdelay $0x3  }
0x1c7: {  	v19 =	vld [tilespmem:s24+$0x1AC10]  }
0x1c8: {  	v20 =	vbroadcast v18, $0x0;
	v21 =	vbroadcast v18, $0x1;
	v22 =	vld [tilespmem:s24+$0x1A200]  }
0x1c9: {  	v23 =	vbroadcast v18, $0x2;
	v24 =	vbroadcast v18, $0x3  }
0x1ca: {  	v26 =	vbroadcast v18, $0x4;
	v25 =	vmul.f32 v20, v8  }
0x1cb: {  	v28 =	vbroadcast v18, $0x5;
	v27 =	vmul.f32 v21, v9  }
0x1cc: {  	v30 =	vbroadcast v18, $0x6;
	v29 =	vmul.f32 v23, v2;
	v25 =	vadd.f32 v25, v17  }
0x1cd: {  	v20 =	vmul.f32 v20, v0;
	v23 =	vmul.f32 v23, v10  }
0x1ce: {  	v31 =	vbroadcast v18, $0xA;
	v25 =	vadd.f32 v25, v27;
	v27 =	vbroadcast v18, $0x8  }
0x1cf: {  	v21 =	vmul.f32 v21, v1;
	v32 =	vmul.f32 v24, v11;
	v20 =	vadd.f32 v20, v16  }
0x1d0: {  	v34 =	vbroadcast v18, $0xB;
	v23 =	vadd.f32 v25, v23;
	v25 =	vld [tilespmem:s24+$0x1AC00];
	v33 =	vmul.f32 v27, v8  }
0x1d1: {  	v35 =	vbroadcast v18, $0x9;
	v20 =	vadd.f32 v20, v21;
	v21 =	vmul.f32 v26, v12  }
0x1d2: {  	v23 =	vadd.f32 v23, v32;
	v32 =	vbroadcast v18, $0x7;
	v33 =	vadd.f32 v33, v17  }
0x1d3: {  	v24 =	vmul.f32 v24, v3;
	v20 =	vadd.f32 v20, v29;
	v29 =	vmul.f32 v28, v13  }
0x1d4: {  	v26 =	vmul.f32 v26, v4;
	v21 =	vadd.f32 v23, v21;
	v23 =	vbroadcast v18, $0xC  }
0x1d5: {  	v36 =	vmul.f32 v31, v10;
	v20 =	vadd.f32 v20, v24;
	v24 =	vmul.f32 v30, v14  }
0x1d6: {  	v37 =	vmul.f32 v35, v9;
	v38 =	vmul.f32 v34, v11;
	v21 =	vadd.f32 v21, v29;
	v29 =	vld [tilespmem:s24+$0x1A210]  }
0x1d7: {  	v20 =	vadd.f32 v20, v26;
	v26 =	vmul.f32 v28, v5;
	v28 =	vmul.f32 v32, v15  }
0x1d8: {  	v21 =	vadd.f32 v21, v24;
	v24 =	vmul.f32 v27, v0;
	v27 =	vadd.f32 v33, v37  }
0x1d9: {  	v20 =	vadd.f32 v20, v26;
	v26 =	vmul.f32 v30, v6;
	v30 =	vbroadcast v18, $0xD  }
0x1da: {  	v33 =	vbroadcast v18, $0xE;
	v21 =	vadd.f32 v21, v28;
	v28 =	vmul.f32 v35, v1  }
0x1db: {  	v20 =	vadd.f32 v20, v26;
	v26 =	vmul.f32 v32, v7;
	v24 =	vadd.f32 v24, v16  }
0x1dc: {  	v27 =	vadd.f32 v27, v36;
	v21 =	vadd.f32 v21, v29;
	v29 =	vmul.f32 v33, v14  }
0x1dd: {  	v20 =	vadd.f32 v20, v26;
	v26 =	vmul.f32 v31, v2;
	v24 =	vadd.f32 v24, v28  }
0x1de: {  	v19 =	vadd.f32 v21, v19;
	v21 =	vadd.f32 v27, v38;
	v27 =	vmul.f32 v23, v12  }
0x1df: {  	v20 =	vadd.f32 v20, v22;
	v22 =	vadd.f32 v24, v26;
	v24 =	vmul.f32 v30, v13  }
0x1e0: {  	v28 =	vmul.f32 v34, v3;
	v26 =	vand.u32 $0x7FFFFFFF, v19;
	v21 =	vadd.f32 v21, v27  }
0x1e1: {  	v18 =	vbroadcast v18, $0xF;
	v20 =	vadd.f32 v20, v25;
	v25 =	vsub.f32 $0.0e+00, v26  }
0x1e2: {  	v23 =	vmul.f32 v23, v4;
	v22 =	vadd.f32 v22, v28;
	v21 =	vadd.f32 v21, v24  }
0x1e3: {  	v20 =	vsub.f32 $0.0e+00, v20;
	v24 =	vmul.f32 $1.442695020e+00, v25  }
0x1e4: {  	v22 =	vadd.f32 v22, v23;
	v23 =	vmul.f32 v30, v5;
	v21 =	vadd.f32 v21, v29  }
0x1e5: {  	v20 =	vmul.f32 $1.442695020e+00, v20;
	(erf) = vpow2.f32 v24  }
0x1e6: {  	v22 =	vadd.f32 v22, v23;
	v23 =	vmul.f32 v33, v6  }
0x1e7: {  	(erf) = vpow2.f32 v20  }
0x1e8: {  	v20 =	vadd.f32 v22, v23;
	_ =	sdelay $0x5  }
0x1e9: {  	v22 =	vpop (erf)  }
0x1ea: {  	v23 =	vadd.f32 $2.000000000e+00, v22  }
0x1eb: {  	v24 =	vpop (erf)  }
0x1ec: {  	v24 =	vadd.f32 $1.000000000e+00, v24;
	(erf) = vrcp.f32 v23;
	_ =	sdelay $0x8  }
0x1ed: {  	v23 =	vpop (erf)  }
0x1ee: {  	v22 =	vmul.f32 v23, v22;
	_ =	sdelay $0x1  }
0x1ef: {  	v23 =	vmul.f32 v22, v22;
	_ =	sdelay $0x1  }
0x1f0: {  	v25 =	vmul.f32 $7.692307980e-02, v23;
	_ =	sdelay $0x1  }
0x1f1: {  	v25 =	vadd.f32 $9.090909360e-02, v25;
	_ =	sdelay $0x1  }
0x1f2: {  	v25 =	vmul.f32 v25, v23;
	_ =	sdelay $0x1  }
0x1f3: {  	v25 =	vadd.f32 $1.111111120e-01, v25;
	_ =	sdelay $0x1  }
0x1f4: {  	v25 =	vmul.f32 v25, v23;
	_ =	sdelay $0x1  }
0x1f5: {  	v25 =	vadd.f32 $1.428571490e-01, v25;
	_ =	sdelay $0x1  }
0x1f6: {  	v25 =	vmul.f32 v25, v23;
	_ =	sdelay $0x1  }
0x1f7: {  	v25 =	vadd.f32 $2.000000030e-01, v25;
	_ =	sdelay $0x1  }
0x1f8: {  	v25 =	vmul.f32 v25, v23  }
0x1f9: {  	(erf) = vrcp.f32 v24  }
0x1fa: {  	v24 =	vadd.f32 $3.333333430e-01, v25;
	_ =	sdelay $0x1  }
0x1fb: {  	v23 =	vmul.f32 v24, v23  }
0x1fc: {  	v22 =	vadd.f32 v22, v22  }
0x1fd: {  	v23 =	vadd.f32 $1.000000000e+00, v23;
	_ =	sdelay $0x1  }
0x1fe: {  	v19 =	vmax.f32 v19, $0.0e+00;
	v23 =	vmul.f32 v23, v22;
	_ =	sdelay $0x1  }
0x1ff: {  	v19 =	vadd.f32 v23, v19;
	v22 =	vpop (erf);
	_ =	sdelay $0x1  }
0x200: {  	v19 =	vmul.f32 v19, v22;
	_ =	sdelay $0x1  }
0x201: {  	[tilespmem:s22+$0xFFFFFFF0] =	vst v19  }
0x202: {  	v19 =	vld [tilespmem:s24+$0x1A230]  }
0x203: {  	v22 =	vmul.f32 v18, v15;
	v23 =	vld [tilespmem:s24+$0x1A220]  }
0x204: {  	v18 =	vmul.f32 v18, v7;
	v24 =	vld [tilespmem:s24+$0x1AC30]  }
0x205: {  	v21 =	vadd.f32 v21, v22;
	v22 =	vld [tilespmem:s24+$0x1AC20]  }
.Ltmp3:
0x206: {  	v18 =	vadd.f32 v20, v18;
	(pc) =	sbr.rel @p2 .LBB2_5-.Ltmp3, $4  }
0x207: {  	v19 =	vadd.f32 v21, v19  }
0x208: {  	v20 =	vadd.f32 v18, v23  }
0x209: {  	v18 =	vadd.f32 v19, v24  }
0x20a: {  	v19 =	vadd.f32 v20, v22  }
0x20b: {  	v20 =	vand.u32 $0x7FFFFFFF, v18  }
0x20c: {  	v20 =	vsub.f32 $0.0e+00, v20;
	_ =	sdelay $0x1  }
0x20d: {  	v20 =	vmul.f32 $1.442695020e+00, v20;
	_ =	sdelay $0x1  }
0x20e: {  	(erf) = vpow2.f32 v20;
	_ =	sdelay $0x6  }
0x20f: {  	v19 =	vsub.f32 $0.0e+00, v19;
	_ =	sdelay $0x1  }
0x210: {  	v19 =	vmul.f32 $1.442695020e+00, v19;
	v20 =	vpop (erf)  }
0x211: {  	v21 =	vadd.f32 $2.000000000e+00, v20  }
0x212: {  	(erf) = vpow2.f32 v19  }
0x213: {  	(erf) = vrcp.f32 v21;
	_ =	sdelay $0x7  }
0x214: {  	v19 =	vpop (erf)  }
0x215: {  	v21 =	vpop (erf)  }
0x216: {  	v20 =	vmul.f32 v21, v20;
	_ =	sdelay $0x1  }
0x217: {  	v21 =	vmul.f32 v20, v20;
	_ =	sdelay $0x1  }
0x218: {  	v22 =	vmul.f32 $7.692307980e-02, v21;
	_ =	sdelay $0x1  }
0x219: {  	v22 =	vadd.f32 $9.090909360e-02, v22;
	_ =	sdelay $0x1  }
0x21a: {  	v22 =	vmul.f32 v22, v21;
	_ =	sdelay $0x1  }
0x21b: {  	v22 =	vadd.f32 $1.111111120e-01, v22;
	_ =	sdelay $0x1  }
0x21c: {  	v22 =	vmul.f32 v22, v21;
	_ =	sdelay $0x1  }
0x21d: {  	v22 =	vadd.f32 $1.428571490e-01, v22;
	_ =	sdelay $0x1  }
0x21e: {  	v22 =	vmul.f32 v22, v21;
	_ =	sdelay $0x1  }
0x21f: {  	v22 =	vadd.f32 $2.000000030e-01, v22;
	_ =	sdelay $0x1  }
0x220: {  	v22 =	vmul.f32 v22, v21  }
0x221: {  	v19 =	vadd.f32 $1.000000000e+00, v19  }
0x222: {  	v22 =	vadd.f32 $3.333333430e-01, v22  }
0x223: {  	(erf) = vrcp.f32 v19  }
0x224: {  	v19 =	vmul.f32 v22, v21;
	_ =	sdelay $0x1  }
0x225: {  	v20 =	vadd.f32 v20, v20;
	v19 =	vadd.f32 $1.000000000e+00, v19;
	_ =	sdelay $0x1  }
0x226: {  	v19 =	vmul.f32 v19, v20;
	_ =	sdelay $0x1  }
0x227: {  	v18 =	vmax.f32 v18, $0.0e+00  }
0x228: {  	v18 =	vadd.f32 v19, v18  }
0x229: {  	v19 =	vpop (erf)  }
0x22a: {  	v18 =	vmul.f32 v18, v19;
	_ =	sdelay $0x1  }
.Ltmp4:
0x22b: {  	[tilespmem:s19+$0x0] =	vst v18;
	(pc) =	sbr.rel @p1 .LBB2_8-.Ltmp4, $4  }
0x22c: {  	[spmem:s1] =	stream.indirect.scatter.add.f32 [tilespmem:s11], [sflag:$0x5], $0x10, s25, s0, $0xb8;
	[tilespmem:$0x1BB00] =	vst v63  }
0x22d: {  	_ =	swait.ge [sflag:s26], $0x500  }
0x22e: {  	[sflag:s26] =	ssyncset.done $0x0  }
0x22f: {  	[sflag:s26] =	ssyncadd.s32 $0xFFFFFB00  }
0x230: {  	s18 =	smul.u32 $0xA0, s17;
	_ =	sdelay $0x1  }
0x231: {  	s18 =	sadd.s32 s18, s21  }
0x232: {  	s19 =	sshrl.u32 s18, $0x3  }
0x233: {  	s22 =	sadd.s32 s4, s19  }
0x234: {  	[tilespmem:s25], [sflag:$0x2] =	stream.linear.gather [hbm4b:s22+s2], $0x50, $0x38;
	[tilespmem:$0x1BB00] =	vst v63  }
.Ltmp5:
0x235: {  	_ = 	snop;
	(pc) =	sbr.rel .LBB2_2-.Ltmp5, $4  }
0x236: {  	s19 =	sadd.s32 s5, s19  }
0x237: {  	[tilespmem:s30], [sflag:$0x2] =	stream.linear.gather [hbm4b:s19+s2], $0x50, $0x38;
	[tilespmem:$0x1BB00] =	vst v63  }
0x238: {  	s17 =	sadd.s32 $0x1, s17;
	s18 =	sadd.s32 s6, s18  }
0x239: {  	[tilespmem:s3], [sflag:$0x2] =	stream.linear.gather [hbm4b:s18+s2], $0x280, $0x38;
	[tilespmem:$0x1BB00] =	vst v63  }
.LBB2_9:
0x23a: {  	_ =	sfence.sel $0x180000  }
0x23b: {  	[bflag:$0x0] =	sbarrier.arrive $0xFFFF  }
0x23c: {  	_ =	strace $0x90000047  }
0x23d: {  	s0 =	stileid.u32;
	[bflag:$0x2] =	sbarrier.arrive $0xFFFF  }
0x23e: {  	p0 =	sne.s32 s0, $0x0;
	s0 =	rddreg [dreg:$0x2]  }
0x23f: {  	s0 =	sadd.s32 @!p0 $0x100000, s0  }
0x240: {  	[sflag:s0] =	ssyncadd.tile.s32 @!p0 $0x1;
	_ =	shalt  }
.Lfunc_end2:
_tile_overlayer_lowered:
.L_overlay_start_2:
0x241: {  	(tag) =	ssettag $0x2  }
0x242: {  	s0 =	rddreg [dreg:$0x0];
	s2 =	stileid.u32  }
0x243: {  	s1 =	rddreg [dreg:$0x1];
	p0 =	sne.s32 s2, $0x0  }
0x244: {  	s3 =	rddreg [dreg:$0x2];
	[bflag:$0x3] =	sbarrier.arrive $0xFFFF;
	s2 =	simm.s32 @!p0 $0x1C05  }
0x245: {  	[timem:s3], [sflag:s2] =	dma.local @!p0 [hbm:s0], s1  }
0x246: {  	s0 =	simm.s32 @!p0 $0x5  }
0x247: {  	_ =	swait.ge @!p0 [sflag:s0], s1  }
0x248: {  	s1 =	ssub.s32 @!p0 $0x0, s1;
	[sflag:s0] =	ssyncset.done @!p0 $0x0  }
0x249: {  	[sflag:s0] =	ssyncadd.s32 @!p0 s1  }
0x24a: {  	[bflag:$0x3] =	sbarrier.arrive $0xFFFF  }
0x24b: {  	_ =	shalt  }

// kernel: kernel.13.cloned.1.call-start
scs
__scs_entry_jumppad:
0x0: {  	(pc) =	sbr.rel $0x88, $3  }
0x1: {  	(tag) =	ssettag $0x0;
	lr =	simm.s32 $0x1  }
0x2: {  	[smem:$0x3F8B] =	sst lr;
	_ =	strace $0xD0000000  }
0x3: {  	_ = 	snop  }
0x4: {  	_ = 	snop  }
0x5: {  	_ = 	snop  }
0x6: {  	_ = 	snop  }
0x7: {  	_ = 	snop  }
__scs_overlays_trampoline_lowered:
0x8: {  	[smem:$0x3F9A] =	sst s0  }
0x9: {  	[smem:$0x3F9B] =	sst s1  }
0xa: {  	[smem:$0x3F9C] =	sst s2  }
0xb: {  	[smem:$0x3F9D] =	sst s3  }
0xc: {  	[smem:$0x3F9E] =	sst s4  }
0xd: {  	[smem:$0x3F9F] =	sst s5  }
0xe: {  	[smem:$0x3FA0] =	sst s6  }
0xf: {  	[smem:$0x3FA1] =	sst s7  }
0x10: {  	[smem:$0x3FA2] =	sst s8  }
0x11: {  	[smem:$0x3FA3] =	sst s9;
	s0 =	simm.s32 @!p0 $0x0  }
0x12: {  	s1 =	sld [smem:$0x3F89];
	s0 =	simm.s32 @p0 $0x1  }
0x13: {  	[smem:$0x3FA4] =	sst s0;
	s0 =	simm.s32 @!p1 $0x0  }
0x14: {  	s2 =	sld [smem:$0x3F88];
	s0 =	simm.s32 @p1 $0x1  }
0x15: {  	[smem:$0x3FA5] =	sst s0;
	s0 =	simm.s32 @!p2 $0x0  }
0x16: {  	s3 =	sld [smem:$0x3FDB];
	s0 =	simm.s32 @p2 $0x1  }
0x17: {  	s4 =	simm.s32 $0x1BF5;
	[smem:$0x3FA7] =	sst s0  }
0x18: {  	s0 =	sld [smem:$0x3F8A];
	_ =	swait.ge [sflag:s4], $0x0  }
0x19: {  	s7 =	sld [smem:$0x3F8B]  }
0x1a: {  	s8 =	sadd.s32 $0xFFFFE003, lr  }
0x1b: {  	s9 =	sadd.s32 $0xFFFFFEF7, lr;
	s5 =	simm.s32 $0xFFFFFFFF;
	p2 =	slt.u32 s8, $0xFFFFF086  }
0x1c: {  	p1 =	slt.u32 s9, $0xF7A;
	s5 =	simm.s32 @!p2 $0x0  }
0x1d: {  	s5 =	simm.s32 @p1 $0x1;
	p0 =	seq.s32 s7, s2  }
0x1e: {  	s7 =	smul.u32 @!p0 $0xF7A, s2;
	p2 =	seq.s32 @!p0 s5, $0x0  }
0x1f: {  	s9 =	smul.u32 $0xF7A, s1;
	s8 =	simm.s32 @!p0 $0x1BF5;
	p2 =	por !p2, p0  }
0x20: {  	[sflag:s8] =	ssyncset.s32 @!p0 $0xFFFFF086;
	s6 =	sadd.s32 @!p0 s3, s7;
	s7 =	simm.s32 @!p0 $0x108  }
0x21: {  	s3 =	sadd.s32 s3, s9;
	s6 =	sadd.s32 @!p0 $0x88, s6;
	s7 =	simm.s32 @p2 $0x1082  }
0x22: {  	[simem:s7], [sflag:s8] =	dma.local @!p0 [hbm:s6], $0xF7A  }
0x23: {  	s9 =	sor.u32 $0xD0000000, s2;
	s6 =	simm.s32 $0x108;
	_ =	swait.ge @!p0 [sflag:s8], $0x0  }
0x24: {  	s3 =	sadd.s32 $0x88, s3;
	s6 =	simm.s32 @!p1 $0x1082;
	[sflag:s4] =	ssyncset.s32 $0xFFFFF086  }
0x25: {  	[simem:s6], [sflag:s4] =	dma.local [hbm:s3], $0xF7A  }
0x26: {  	[smem:$0x3F8B] =	sst s1;
	(tag) =	ssettag s2;
	_ =	strace s9  }
0x27: {  	s1 =	sld [smem:$0x3F9B]  }
0x28: {  	s2 =	sld [smem:$0x3F9C]  }
0x29: {  	s4 =	sld [smem:$0x3F9E]  }
0x2a: {  	p0 =	seq.s32 s5, $0x0;
	s5 =	sld [smem:$0x3F9F]  }
0x2b: {  	s6 =	sld [smem:$0x3FA0]  }
0x2c: {  	s7 =	sld [smem:$0x3FA1]  }
0x2d: {  	s3 =	simm.s32 $0x108;
	s8 =	sld [smem:$0x3FA2]  }
0x2e: {  	s3 =	simm.s32 @!p0 $0x1082;
	s9 =	sld [smem:$0x3FA3]  }
0x2f: {  	lr =	sadd.s32 s0, s3;
	s0 =	sld [smem:$0x3F9A]  }
0x30: {  	s3 =	sld [smem:$0x3F9D]  }
0x31: {  	[smem:$0x3FA6] =	sst s10  }
0x32: {  	s10 =	sld [smem:$0x3FA4];
	_ =	sdelay $0x3  }
0x33: {  	p0 =	seq.s32 s10, $0x1;
	s10 =	sld [smem:$0x3FA6];
	_ =	sdelay $0x3  }
0x34: {  	[smem:$0x3FA6] =	sst s10  }
0x35: {  	s10 =	sld [smem:$0x3FA5];
	_ =	sdelay $0x3  }
0x36: {  	p1 =	seq.s32 s10, $0x1;
	s10 =	sld [smem:$0x3FA6];
	_ =	sdelay $0x3  }
0x37: {  	[smem:$0x3FA6] =	sst s10  }
0x38: {  	s10 =	sld [smem:$0x3FA7]  }
0x39: {  	_ = 	snop;
	(pc) =	sbr.ind lr, $3  }
0x3a: {  	_ = 	snop  }
0x3b: {  	_ = 	snop  }
0x3c: {  	p2 =	seq.s32 s10, $0x1;
	s10 =	sld [smem:$0x3FA6]  }
0x3d: {  	_ =	shalt  }
0x3e: {  	_ =	shalt  }
0x3f: {  	_ =	shalt  }
0x40: {  	_ =	shalt  }
0x41: {  	_ =	shalt  }
0x42: {  	_ =	shalt  }
0x43: {  	_ =	shalt  }
0x44: {  	_ =	shalt  }
0x45: {  	_ =	shalt  }
0x46: {  	_ =	shalt  }
0x47: {  	_ =	shalt  }
0x48: {  	_ =	shalt  }
0x49: {  	_ =	shalt  }
0x4a: {  	_ =	shalt  }
0x4b: {  	_ =	shalt  }
0x4c: {  	_ =	shalt  }
0x4d: {  	_ =	shalt  }
0x4e: {  	_ =	shalt  }
0x4f: {  	_ =	shalt  }
0x50: {  	_ =	shalt  }
0x51: {  	_ =	shalt  }
0x52: {  	_ =	shalt  }
0x53: {  	_ =	shalt  }
0x54: {  	_ =	shalt  }
0x55: {  	_ =	shalt  }
0x56: {  	_ =	shalt  }
0x57: {  	_ =	shalt  }
0x58: {  	_ =	shalt  }
0x59: {  	_ =	shalt  }
0x5a: {  	_ =	shalt  }
0x5b: {  	_ =	shalt  }
0x5c: {  	_ =	shalt  }
0x5d: {  	_ =	shalt  }
0x5e: {  	_ =	shalt  }
0x5f: {  	_ =	shalt  }
0x60: {  	_ =	shalt  }
0x61: {  	_ =	shalt  }
0x62: {  	_ =	shalt  }
0x63: {  	_ =	shalt  }
0x64: {  	_ =	shalt  }
0x65: {  	_ =	shalt  }
0x66: {  	_ =	shalt  }
0x67: {  	_ =	shalt  }
0x68: {  	_ =	shalt  }
0x69: {  	_ =	shalt  }
0x6a: {  	_ =	shalt  }
0x6b: {  	_ =	shalt  }
0x6c: {  	_ =	shalt  }
0x6d: {  	_ =	shalt  }
0x6e: {  	_ =	shalt  }
0x6f: {  	_ =	shalt  }
0x70: {  	_ =	shalt  }
0x71: {  	_ =	shalt  }
0x72: {  	_ =	shalt  }
0x73: {  	_ =	shalt  }
0x74: {  	_ =	shalt  }
0x75: {  	_ =	shalt  }
0x76: {  	_ =	shalt  }
0x77: {  	_ =	shalt  }
0x78: {  	_ =	shalt  }
0x79: {  	_ =	shalt  }
0x7a: {  	_ =	shalt  }
0x7b: {  	_ =	shalt  }
0x7c: {  	_ =	shalt  }
0x7d: {  	_ =	shalt  }
0x7e: {  	_ =	shalt  }
0x7f: {  	_ =	shalt  }
0x80: {  	_ =	shalt  }
0x81: {  	_ =	shalt  }
0x82: {  	_ =	shalt  }
0x83: {  	_ =	shalt  }
0x84: {  	_ =	shalt  }
0x85: {  	_ =	shalt  }
0x86: {  	_ =	shalt  }
0x87: {  	_ =	shalt  }
.Lfunc_end0:
.L_simem_size_0:
called_computation.1_lowered:
.L_overlay_start_0:
0x88: {  	s2 =	sld [smem:$0x3FD9]  }
0x89: {  	s3 =	sld [smem:$0x3FFE];
	_ =	sdelay $0x1  }
0x8a: {  	s1 =	srdreg.scid  }
0x8b: {  	s0 =	sand.u32 $0x1, s1  }
0x8c: {  	s16 =	sshll.u32 s0, $0xA;
	s2 =	sadd.s32 s3, s2  }
0x8d: {  	s2 =	sadd.s32 s2, s16  }
0x8e: {  	[smem:$0x3FB2] =	sst s2  }
0x8f: {  	_ = 	snop  }
0x90: {  	(tm) =	ssettm $0x1  }
0x91: {  	s17 =	sld [smem:$0x3FFB];
	_ =	sdelay $0x3  }
0x92: {  	_ =	strace s17  }
0x93: {  	s2 =	sld [smem:$0x3FFC];
	_ =	sdelay $0x3  }
0x94: {  	_ =	strace s2  }
0x95: {  	s2 =	sld [smem:$0x3FFD];
	_ =	sdelay $0x3  }
0x96: {  	_ =	strace s2  }
0x97: {  	_ =	strace $0x8FFFFFFF  }
0x98: {  	s18 =	sld [smem:$0x3FDB];
	_ =	sdelay $0x1  }
0x99: {  	s19 =	simm.s32 $_scs_section_size  }
0x9a: {  	s4 =	simm.s32 $_size__tile_overlayer_lowered;
	s5 =	simm.s32 $_tile_overlayer_lowered  }
0x9b: {  	s22 =	simm.s32 $0x1BFF;
	s21 =	sshll.u32 s5, $0x1;
	s2 =	sadd.s32 s19, s18  }
0x9c: {  	s6 =	simm.s32 $0x0;
	s20 =	sshll.u32 s4, $0x1;
	s4 =	sadd.s32 s21, s2  }
0x9d: {  	[timem:s6], [sflag:s22] =	dma.local [hbm:s4], s20  }
0x9e: {  	_ =	swait.ge [sflag:s22], s20  }
0x9f: {  	s3 =	ssub.s32 $0x0, s20;
	[sflag:s22] =	ssyncset.done $0x0  }
0xa0: {  	[sflag:s22] =	ssyncadd.s32 s3;
	_ =	sdelay $0x1  }
0xa1: {  	s23 =	simm.s32 $0x1B8B  }
0xa2: {  	_ =	swait.ge [sflag:s23], $0x1  }
0xa3: {  	[sflag:s23] =	ssyncset.done $0x0  }
0xa4: {  	s25 =	simm.s32 $0x1B8E;
	s24 =	sld [smem:$0x3FFE];
	[sflag:s23] =	ssyncadd.s32 $0xFFFFFFFF  }
0xa5: {  	s26 =	simm.s32 $execute0_lowered;
	[smem:$0x3FD2] =	sst s25  }
0xa6: {  	s4 =	sshll.u32 s26, $0x1;
	_ =	strace $0x80000049;
	[dreg:$0x1] =	wrdreg $0xFFFFFFFF  }
0xa7: {  	s28 =	simm.s32 $_size_execute0_lowered;
	s2 =	sadd.s32 s2, s4;
	[dreg:$0x0] =	wrdreg $0x0  }
0xa8: {  	s4 =	sshll.u32 s28, $0x1;
	[dreg:$0x2] =	wrdreg s2  }
0xa9: {  	[dreg:$0x3] =	wrdreg s4  }
0xaa: {  	[dreg:$0x4] =	wrdreg $0xC0  }
0xab: {  	_ =	task [dreg:s6], $0x5FFFF  }
0xac: {  	[dreg:$0x1] =	wrdreg $0xFFFFFFFF  }
0xad: {  	[dreg:$0x0] =	wrdreg $0x60  }
0xae: {  	[dreg:$0x2] =	wrdreg s24  }
0xaf: {  	[dreg:$0x3] =	wrdreg $0x0  }
0xb0: {  	[dreg:$0x4] =	wrdreg $0x9  }
0xb1: {  	_ =	task.clear_ibuf [dreg:s6], $0x5FFFF;
	_ =	strace $0x90000049  }
0xb2: {  	s29 =	simm.s32 $0x9;
	_ =	strace $0x8000004B  }
0xb3: {  	_ =	swait.ge [sflag:s29], $0x1  }
0xb4: {  	[sflag:s29] =	ssyncadd.s32 $0xFFFFFFFF  }
0xb5: {  	_ =	strace $0x9000004B  }
0xb6: {  	_ =	sfence  }
0xb7: {  	s30 =	sld [smem:$0x0];
	_ =	sdelay $0x2  }
0xb8: {  	s31 =	sshll.u32 s1, $0xD;
	s1 =	sshrl.u32 s1, $0x2  }
0xb9: {  	s3 =	sand.u32 $0x4000, s31;
	s1 =	sadd.s32 s1, s30  }
0xba: {  	s0 =	sor.u32 s3, s0;
	s1 =	sshll.u32 s1, $0x11  }
0xbb: {  	s0 =	sor.u32 s1, s0  }
0xbc: {  	s0 =	sadd.s32 $0x8F2B, s0  }
0xbd: {  	[sflag:s0] =	ssyncadd.remote.s32 $0x1  }
0xbe: {  	_ =	sfence.sel $0xFFFF  }
0xbf: {  	[dreg:$0x0] =	wrdreg $0xFFFFFFFF;
	(pc) =	sbr.abs _section_cstart, $3  }
0xc0: {  	[dreg:$0x1] =	wrdreg $0xFFFFFFFF  }
0xc1: {  	_ =	task.clear_ibuf [dreg:s6], $0x2FFFF;
	_ =	strace $0x9FFFFFFF  }
0xc2: {  	(tm) =	ssettm $0x7FFFFFFF  }
0xc3: {  	_ =	shalt  }
tec
execute0_lowered:
.L_overlay_start_1:
0x0: {  	(tag) =	ssettag $0x1  }
0x1: {  	s0 =	rddreg [dreg:$0x0]  }
0x2: {  	s1 =	rddreg [dreg:$0x1];
	s2 =	simm.s32 $0x0  }
0x3: {  	s3 =	srdreg.scid;
	s14 =	stileid.u32;
	s28 =	simm.s32 $0x187C0  }
0x4: {  	s31 =	simm.s32 $0x1;
	s30 =	simm.s32 $0x19F30;
	s4 =	sadd.s32 $0x281600, s0  }
0x5: {  	[smem:$0x7FF] =	sst s2;
	s7 =	smul.u32 $0x18700, s14;
	s6 =	sadd.s32 $0x2B2400, s0  }
0x6: {  	s3 =	sand.u32 $0x1, s3;
	s13 =	sadd.s32 $0x52D200, s0;
	s29 =	smul.u32 $0x186A0, s14  }
0x7: {  	s16 =	sadd.s32 $0x16E900, s1;
	p0 =	seq.s32 s14, $0xF;
	s5 =	smul.u32 $0x61A80, s3  }
0x8: {  	_ =	strace $0x8000004A;
	s9 =	smul.u32 $0x24, s3;
	s11 =	ssub.s32 $0x2, s3  }
0x9: {  	[dreg:$0x5] =	wrdreg s16;
	s3 =	smul.u32 $0x186A00, s3;
	s10 =	sshrl.u32 s7, $0x3  }
0xa: {  	s12 =	sshrl.u32 s11, $0x1;
	s15 =	sadd.s32 s7, s1;
	s18 =	sshrl.u32 s29, $0x3  }
0xb: {  	s20 =	sadd.s32 $0x50, s29;
	s21 =	sadd.s32 s6, s29;
	s8 =	sadd.s32 s5, s0  }
0xc: {  	s5 =	sadd.s32 $0x250800, s0;
	s9 =	sadd.s32 s9, s0;
	s10 =	sadd.s32 s10, s0  }
0xd: {  	s11 =	ssub.s32 s11, s12;
	[dreg:$0x3] =	wrdreg s15;
	s0 =	sadd.s32 $0x466B20, s0  }
0xe: {  	s19 =	sadd.s32 s4, s18;
	[dreg:$0xa] =	wrdreg s21;
	s22 =	sshrl.u32 s20, $0x3  }
0xf: {  	s25 =	sadd.s32 s7, s3;
	s3 =	sshrl.u32 s3, $0x3;
	s21 =	sadd.s32 $0xF0, s29  }
0x10: {  	s7 =	simm.s32 $0x3;
	s12 =	simm.s32 $0x0;
	[dreg:$0x6] =	wrdreg s0  }
0x11: {  	s10 =	sadd.s32 $0x438E00, s10;
	s17 =	sadd.s32 $0x6200, s9;
	[dreg:$0x8] =	wrdreg s19  }
0x12: {  	s0 =	sadd.s32 s5, s18;
	s15 =	sadd.s32 $0x18CE00, s8;
	[dreg:$0x4] =	wrdreg s10  }
0x13: {  	s16 =	sadd.s32 $0x469C00, s8;
	s23 =	sadd.s32 s4, s22;
	[dreg:$0x7] =	wrdreg s17  }
0x14: {  	s24 =	sadd.s32 s5, s22;
	s26 =	sadd.s32 s13, s3;
	[dreg:$0x9] =	wrdreg s0  }
0x15: {  	s3 =	simm.s32 $0x19F80;
	s8 =	simm.s32 $0x2;
	[dreg:$0xb] =	wrdreg s23  }
0x16: {  	s9 =	simm.s32 $0x1A200;
	[dreg:$0xc] =	wrdreg s24;
	s0 =	sadd.s32 s6, s20  }
.Ltmp0:
0x17: {  	s20 =	sadd.s32 $0xA0, s29;
	s29 =	smax.u32 s11, $0x1;
	(pc) =	sbr.rel .LBB2_1-.Ltmp0, $4  }
0x18: {  	s10 =	simm.s32 $0x1AC00;
	[dreg:$0xd] =	wrdreg s0;
	s0 =	sshrl.u32 s25, $0x3  }
0x19: {  	s11 =	simm.s32 $0x1B600;
	[dreg:$0x10] =	wrdreg s29;
	s0 =	sadd.s32 s13, s0  }
0x1a: {  	s25 =	simm.s32 $0x19EE0;
	[dreg:$0xe] =	wrdreg s0;
	s0 =	sadd.s32 $0x2DD20, s26  }
0x1b: {  	s26 =	simm.s32 $0x5;
	[dreg:$0xf] =	wrdreg s0;
	s0 =	simm.s32 $0x50  }
.LBB2_8:
0x1c: {  	[bflag:$0x0] =	sbarrier.arrive $0xFFFF  }
0x1d: {  	s17 =	simm.s32 @p0 $0x1FC5;
	s18 =	rddreg [dreg:$0xf]  }
0x1e: {  	[hbm:s18], [sflag:s17] =	dma.local @p0 [spmem:s13], $0x3020  }
0x1f: {  	s13 =	simm.s32 @p0 $0x5  }
0x20: {  	_ =	swait.ge @p0 [sflag:s13], $0x3020  }
0x21: {  	[sflag:s13] =	ssyncset.done @p0 $0x0  }
0x22: {  	[sflag:s13] =	ssyncadd.s32 @p0 $0xFFFFCFE0;
	s13 =	rddreg [dreg:$0xe]  }
0x23: {  	[hbm:s13], [sflag:s14] =	dma.local @!p0 [spmem:s29], $0x30E0  }
0x24: {  	s13 =	simm.s32 @!p0 $0x5  }
0x25: {  	_ =	swait.ge @!p0 [sflag:s13], $0x30E0  }
0x26: {  	s12 =	sadd.s32 $0x1, s12;
	s29 =	rddreg [dreg:$0x10]  }
0x27: {  	p1 =	sne.s32 s12, s29  }
.Ltmp1:
0x28: {  	_ = 	snop;
	(pc) =	sbr.rel @!p1 .LBB2_9-.Ltmp1, $3  }
0x29: {  	_ =	sdelay $0x1  }
0x2a: {  	[sflag:s13] =	ssyncset.done @!p0 $0x0  }
0x2b: {  	[sflag:s13] =	ssyncadd.s32 @!p0 $0xFFFFCF20  }
.LBB2_1:
0x2c: {  	s13 =	rddreg [dreg:$0x5]  }
0x2d: {  	s14 =	simm.s32 @p0 $0x1FC5;
	s17 =	rddreg [dreg:$0x6];
	s13 =	sshrl.u32 @p0 s13, $0x3  }
0x2e: {  	[spmem:s13], [sflag:s14] =	dma.local @p0 [hbm:s17], $0x3020  }
0x2f: {  	s14 =	simm.s32 @p0 $0x5  }
0x30: {  	s17 =	stileid.u32;
	_ =	swait.ge @p0 [sflag:s14], $0x3020  }
0x31: {  	s17 =	sshll.u32 @!p0 s17, $0x6;
	[sflag:s14] =	ssyncset.done @p0 $0x0  }
0x32: {  	[sflag:s14] =	ssyncadd.s32 @p0 $0xFFFFCFE0;
	s14 =	sor.u32 @!p0 $0x1C05, s17;
	s17 =	rddreg [dreg:$0x3]  }
0x33: {  	s29 =	sshrl.u32 @!p0 s17, $0x3;
	s17 =	rddreg [dreg:$0x4]  }
0x34: {  	[spmem:s29], [sflag:s14] =	dma.local @!p0 [hbm:s17], $0x30E0  }
0x35: {  	s17 =	simm.s32 @!p0 $0x5  }
0x36: {  	_ =	swait.ge @!p0 [sflag:s17], $0x30E0  }
0x37: {  	[sflag:s17] =	ssyncset.done @!p0 $0x0  }
0x38: {  	s18 =	simm.s32 $0x186A0;
	s24 =	rddreg [dreg:$0x7];
	[sflag:s17] =	ssyncadd.s32 @!p0 $0xFFFFCF20  }
0x39: {  	[tilespmem:s18], [sflag:$0x5] =	stream.linear.gather [hbm4b:s24+s2], $0x120, $0x38;
	[tilespmem:$0x1BB00] =	vst v63  }
0x3a: {  	_ =	swait.ge [sflag:s26], $0x120  }
0x3b: {  	[sflag:s26] =	ssyncset.done $0x0  }
0x3c: {  	[sflag:s26] =	ssyncadd.s32 $0xFFFFFEE0  }
0x3d: {  	[bflag:$0x0] =	sbarrier.arrive $0xFFFF  }
0x3e: {  	v0 =	vld [tilespmem:$0x186A0]  }
0x3f: {  	v1 =	vld [tilespmem:$0x186C0]  }
0x40: {  	v2 =	vld [tilespmem:$0x186E0]  }
0x41: {  	v3 =	vld [tilespmem:$0x18700]  }
0x42: {  	v4 =	vld [tilespmem:$0x18720]  }
0x43: {  	v5 =	vld [tilespmem:$0x18740]  }
0x44: {  	v6 =	vld [tilespmem:$0x18760]  }
0x45: {  	v7 =	vld [tilespmem:$0x18780]  }
0x46: {  	v8 =	vld [tilespmem:$0x186B0]  }
0x47: {  	v9 =	vld [tilespmem:$0x186D0]  }
0x48: {  	v10 =	vld [tilespmem:$0x186F0]  }
0x49: {  	v11 =	vld [tilespmem:$0x18710]  }
0x4a: {  	v12 =	vld [tilespmem:$0x18730]  }
0x4b: {  	v13 =	vld [tilespmem:$0x18750]  }
0x4c: {  	v14 =	vld [tilespmem:$0x18770]  }
0x4d: {  	v15 =	vld [tilespmem:$0x18790]  }
0x4e: {  	v16 =	vld [tilespmem:$0x187A0];
	s18 =	rddreg [dreg:$0x8]  }
0x4f: {  	v17 =	vld [tilespmem:$0x187B0];
	[tilespmem:s28], [sflag:$0x1] =	stream.linear.gather [hbm4b:s18+s2], $0x50, $0x38  }
0x50: {  	s22 =	simm.s32 $0x18810;
	s19 =	rddreg [dreg:$0x9]  }
0x51: {  	[tilespmem:s22], [sflag:$0x1] =	stream.linear.gather [hbm4b:s19+s2], $0x50, $0x38;
	[tilespmem:$0x1BB00] =	vst v63  }
0x52: {  	s23 =	rddreg [dreg:$0xa];
	s19 =	simm.s32 $0x18860  }
0x53: {  	[tilespmem:s19], [sflag:$0x1] =	stream.linear.gather [hbm4b:s23+s2], $0x280, $0x38;
	[tilespmem:$0x1BB00] =	vst v63  }
0x54: {  	_ =	swait.ge [sflag:s31], $0x50  }
0x55: {  	[sflag:s31] =	ssyncset.done $0x0  }
0x56: {  	[sflag:s31] =	ssyncadd.s32 $0xFFFFFFB0  }
0x57: {  	_ =	swait.ge [sflag:s31], $0x50  }
0x58: {  	[sflag:s31] =	ssyncset.done $0x0  }
0x59: {  	[sflag:s31] =	ssyncadd.s32 $0xFFFFFFB0  }
0x5a: {  	_ =	swait.ge [sflag:s31], $0x280  }
0x5b: {  	[sflag:s31] =	ssyncset.done $0x0  }
0x5c: {  	s24 =	simm.s32 $0x18AE0;
	[sflag:s31] =	ssyncadd.s32 $0xFFFFFD80  }
0x5d: {  	[tilespmem:s24], [sflag:$0x3] =	stream.indirect.gather [hbm4b:s15+s0], $0x20, s28, s0, $0xb8;
	[tilespmem:$0x1BB00] =	vst v63  }
0x5e: {  	s19 =	simm.s32 $0x194E0  }
0x5f: {  	[tilespmem:s19], [sflag:$0x3] =	stream.indirect.gather [hbm4b:s16+s0], $0x20, s22, s0, $0xb8;
	[tilespmem:$0x1BB00] =	vst v63  }
0x60: {  	s22 =	rddreg [dreg:$0xb]  }
0x61: {  	[tilespmem:s25], [sflag:$0x2] =	stream.linear.gather [hbm4b:s22+s2], $0x50, $0x38;
	[tilespmem:$0x1BB00] =	vst v63  }
0x62: {  	s23 =	rddreg [dreg:$0xc]  }
0x63: {  	[tilespmem:s30], [sflag:$0x2] =	stream.linear.gather [hbm4b:s23+s2], $0x50, $0x38;
	[tilespmem:$0x1BB00] =	vst v63  }
0x64: {  	s17 =	simm.s32 $0x0;
	s24 =	rddreg [dreg:$0xd]  }
0x65: {  	[tilespmem:s3], [sflag:$0x2] =	stream.linear.gather [hbm4b:s24+s2], $0x280, $0x38;
	[tilespmem:$0x1BB00] =	vst v63  }
.LBB2_2:
0x66: {  	_ =	swait.ge [sflag:s7], $0xA00  }
0x67: {  	[sflag:s7] =	ssyncset.done $0x0  }
0x68: {  	[sflag:s7] =	ssyncadd.s32 $0xFFFFF600  }
0x69: {  	_ =	swait.ge [sflag:s7], $0xA00  }
0x6a: {  	[sflag:s7] =	ssyncset.done $0x0  }
0x6b: {  	[sflag:s7] =	ssyncadd.s32 $0xFFFFF600  }
0x6c: {  	_ =	swait.ge [sflag:s8], $0x50  }
0x6d: {  	[sflag:s8] =	ssyncset.done $0x0  }
0x6e: {  	[sflag:s8] =	ssyncadd.s32 $0xFFFFFFB0  }
0x6f: {  	_ =	swait.ge [sflag:s8], $0x50  }
0x70: {  	[sflag:s8] =	ssyncset.done $0x0  }
0x71: {  	[sflag:s8] =	ssyncadd.s32 $0xFFFFFFB0  }
0x72: {  	_ =	swait.ge [sflag:s8], $0x280  }
0x73: {  	[sflag:s8] =	ssyncset.done $0x0  }
0x74: {  	[sflag:s8] =	ssyncadd.s32 $0xFFFFFD80  }
0x75: {  	[tilespmem:s9], [sflag:$0x4] =	stream.indirect.gather [hbm4b:s15+s0], $0x20, s25, s0, $0xb8;
	[tilespmem:$0x1BB00] =	vst v63  }
0x76: {  	s18 =	simm.s32 $0x18860  }
0x77: {  	[tilespmem:s10], [sflag:$0x4] =	stream.indirect.gather [hbm4b:s16+s0], $0x20, s30, s0, $0xb8;
	[tilespmem:$0x1BB00] =	vst v63  }
0x78: {  	v18 =	vld [tilespmem:s18+$0x0];
	_ =	sdelay $0x4  }
0x79: {  	v19 =	vbroadcast v18, $0x0;
	_ =	sdelay $0x1  }
0x7a: {  	v20 =	vbroadcast v18, $0x1;
	v21 =	vmul.f32 v19, v8;
	_ =	sdelay $0x1  }
0x7b: {  	v22 =	vbroadcast v18, $0x2;
	v23 =	vmul.f32 v20, v9;
	v21 =	vadd.f32 v21, v17;
	_ =	sdelay $0x1  }
0x7c: {  	v24 =	vbroadcast v18, $0x3;
	v25 =	vmul.f32 v22, v10;
	v21 =	vadd.f32 v21, v23;
	_ =	sdelay $0x1  }
0x7d: {  	v58 =	vbroadcast v18, $0x4;
	v26 =	vmul.f32 v24, v11;
	v21 =	vadd.f32 v21, v25;
	_ =	sdelay $0x1  }
0x7e: {  	v59 =	vbroadcast v18, $0x5;
	v27 =	vmul.f32 v58, v12;
	v21 =	vadd.f32 v21, v26;
	_ =	sdelay $0x1  }
0x7f: {  	v60 =	vbroadcast v18, $0x6;
	v28 =	vmul.f32 v59, v13;
	v21 =	vadd.f32 v21, v27  }
0x80: {  	v61 =	vbroadcast v18, $0x7  }
0x81: {  	s19 =	simm.s32 $0x0;
	v19 =	vmul.f32 v19, v0;
	v29 =	vmul.f32 v60, v14;
	v21 =	vadd.f32 v21, v28  }
0x82: {  	v62 =	vld [tilespmem:s19+$0x18AF0];
	v20 =	vmul.f32 v20, v1  }
0x83: {  	v30 =	vmul.f32 v61, v15;
	v19 =	vadd.f32 v19, v16;
	v21 =	vadd.f32 v21, v29  }
0x84: {  	v63 =	vld [tilespmem:s19+$0x194F0]  }
0x85: {  	v22 =	vmul.f32 v22, v2;
	v19 =	vadd.f32 v19, v20;
	v20 =	vadd.f32 v21, v30;
	_ =	sdelay $0x1  }
0x86: {  	v24 =	vmul.f32 v24, v3;
	v19 =	vadd.f32 v19, v22;
	v20 =	vadd.f32 v20, v62;
	_ =	sdelay $0x1  }
0x87: {  	v19 =	vadd.f32 v19, v24;
	v28 =	vmul.f32 v58, v4;
	v20 =	vadd.f32 v20, v63;
	_ =	sdelay $0x1  }
0x88: {  	v19 =	vadd.f32 v19, v28;
	v29 =	vmul.f32 v59, v5;
	v30 =	vand.u32 $0x7FFFFFFF, v20  }
0x89: {  	v22 =	vsub.f32 $0.0e+00, v30  }
0x8a: {  	v31 =	vmul.f32 v60, v6;
	v19 =	vadd.f32 v19, v29  }
0x8b: {  	v32 =	vld [tilespmem:s19+$0x18AE0];
	v22 =	vmul.f32 $1.442695020e+00, v22  }
0x8c: {  	v33 =	vmul.f32 v61, v7;
	v19 =	vadd.f32 v19, v31  }
0x8d: {  	v34 =	vld [tilespmem:s19+$0x194E0];
	(erf) = vpow2.f32 v22  }
0x8e: {  	v19 =	vadd.f32 v19, v33;
	_ =	sdelay $0x1  }
0x8f: {  	v19 =	vadd.f32 v19, v32;
	_ =	sdelay $0x1  }
0x90: {  	v19 =	vadd.f32 v19, v34;
	_ =	sdelay $0x1  }
0x91: {  	v19 =	vsub.f32 $0.0e+00, v19;
	_ =	sdelay $0x1  }
0x92: {  	v19 =	vmul.f32 $1.442695020e+00, v19;
	v35 =	vpop (erf)  }
0x93: {  	v36 =	vadd.f32 $2.000000000e+00, v35  }
0x94: {  	(erf) = vpow2.f32 v19  }
0x95: {  	(erf) = vrcp.f32 v36;
	_ =	sdelay $0x7  }
0x96: {  	v19 =	vpop (erf)  }
0x97: {  	v22 =	vpop (erf)  }
0x98: {  	v21 =	vmul.f32 v22, v35;
	_ =	sdelay $0x1  }
0x99: {  	v22 =	vmul.f32 v21, v21;
	_ =	sdelay $0x1  }
0x9a: {  	v37 =	vmul.f32 $7.692307980e-02, v22;
	_ =	sdelay $0x1  }
0x9b: {  	v23 =	vadd.f32 $9.090909360e-02, v37;
	_ =	sdelay $0x1  }
0x9c: {  	v23 =	vmul.f32 v23, v22;
	_ =	sdelay $0x1  }
0x9d: {  	v23 =	vadd.f32 $1.111111120e-01, v23;
	_ =	sdelay $0x1  }
0x9e: {  	v23 =	vmul.f32 v23, v22;
	_ =	sdelay $0x1  }
0x9f: {  	v23 =	vadd.f32 $1.428571490e-01, v23;
	_ =	sdelay $0x1  }
0xa0: {  	v23 =	vmul.f32 v23, v22;
	_ =	sdelay $0x1  }
0xa1: {  	v23 =	vadd.f32 $2.000000030e-01, v23  }
0xa2: {  	v38 =	vbroadcast v18, $0x8;
	v39 =	vbroadcast v18, $0xA  }
0xa3: {  	v41 =	vbroadcast v18, $0x9;
	v19 =	vadd.f32 $1.000000000e+00, v19;
	v23 =	vmul.f32 v23, v22  }
0xa4: {  	v42 =	vbroadcast v18, $0xB;
	v40 =	vmul.f32 v38, v8  }
0xa5: {  	v24 =	vmul.f32 v38, v0;
	(erf) = vrcp.f32 v19;
	v19 =	vadd.f32 $3.333333430e-01, v23  }
0xa6: {  	v45 =	vbroadcast v18, $0xC;
	v44 =	vmul.f32 v41, v9;
	v43 =	vadd.f32 v40, v17  }
0xa7: {  	v47 =	vmul.f32 v41, v1;
	v24 =	vadd.f32 v24, v16;
	v19 =	vmul.f32 v19, v22  }
0xa8: {  	v48 =	vmul.f32 v39, v10;
	v46 =	vadd.f32 v43, v44;
	v21 =	vadd.f32 v21, v21  }
0xa9: {  	v50 =	vmul.f32 v39, v2;
	v23 =	vadd.f32 v24, v47;
	v19 =	vadd.f32 $1.000000000e+00, v19  }
0xaa: {  	v51 =	vbroadcast v18, $0xD;
	v49 =	vmul.f32 v42, v11;
	v22 =	vadd.f32 v46, v48  }
0xab: {  	v53 =	vmul.f32 v42, v3;
	v52 =	vadd.f32 v23, v50;
	v19 =	vmul.f32 v19, v21  }
0xac: {  	v54 =	vmul.f32 v45, v12;
	v20 =	vmax.f32 v20, $0.0e+00;
	v22 =	vadd.f32 v22, v49  }
0xad: {  	v55 =	vmul.f32 v45, v4;
	v21 =	vadd.f32 v52, v53;
	v19 =	vadd.f32 v19, v20  }
0xae: {  	v57 =	vmul.f32 v51, v13;
	v58 =	vmul.f32 v51, v5;
	v56 =	vpop (erf);
	v22 =	vadd.f32 v22, v54  }
0xaf: {  	v20 =	vbroadcast v18, $0xE;
	v21 =	vadd.f32 v21, v55;
	v19 =	vmul.f32 v19, v56  }
0xb0: {  	s22 =	simm.s32 $0x1B610;
	v22 =	vadd.f32 v22, v57;
	v18 =	vbroadcast v18, $0xF  }
0xb1: {  	v59 =	vmul.f32 v20, v14;
	v20 =	vmul.f32 v20, v6;
	[tilespmem:s22+$0xFFFFFFF0] =	vst v19;
	v19 =	vadd.f32 v21, v58  }
0xb2: {  	v60 =	vld [tilespmem:s19+$0x18B10]  }
0xb3: {  	v22 =	vadd.f32 v22, v59;
	v61 =	vld [tilespmem:s19+$0x18B00];
	v19 =	vadd.f32 v19, v20;
	v20 =	vmul.f32 v18, v15  }
0xb4: {  	v62 =	vld [tilespmem:s19+$0x19510];
	v18 =	vmul.f32 v18, v7  }
0xb5: {  	v63 =	vld [tilespmem:s19+$0x19500];
	v20 =	vadd.f32 v22, v20  }
0xb6: {  	v18 =	vadd.f32 v19, v18  }
0xb7: {  	v19 =	vadd.f32 v20, v60  }
0xb8: {  	v20 =	vadd.f32 v18, v61  }
0xb9: {  	v18 =	vadd.f32 v19, v62  }
0xba: {  	s23 =	simm.s32 $0x100;
	s19 =	simm.s32 $0x1B610;
	v19 =	vadd.f32 v20, v63  }
.LBB2_3:
0xbb: {  	p1 =	sne.s32 s23, $0x2700;
	v20 =	vand.u32 $0x7FFFFFFF, v18;
	s18 =	sadd.s32 $0x10, s18;
	s22 =	sadd.s32 $0x20, s22  }
0xbc: {  	s24 =	smov.u32 s23;
	s23 =	sadd.s32 $0x100, s23;
	v19 =	vsub.f32 $0.0e+00, v19;
	v20 =	vsub.f32 $0.0e+00, v20;
	_ =	sdelay $0x1  }
0xbd: {  	v19 =	vmul.f32 $1.442695020e+00, v19;
	v20 =	vmul.f32 $1.442695020e+00, v20;
	_ =	sdelay $0x1  }
0xbe: {  	(erf) = vpow2.f32 v20  }
0xbf: {  	(erf) = vpow2.f32 v19;
	_ =	sdelay $0x7  }
0xc0: {  	v19 =	vpop (erf)  }
0xc1: {  	v20 =	vadd.f32 $2.000000000e+00, v19;
	v21 =	vpop (erf)  }
0xc2: {  	v21 =	vadd.f32 $1.000000000e+00, v21  }
0xc3: {  	(erf) = vrcp.f32 v20;
	_ =	sdelay $0x2  }
0xc4: {  	s24 =	sshra.s32 s24, $0x2;
	_ =	sdelay $0x5  }
0xc5: {  	v20 =	vpop (erf)  }
0xc6: {  	v19 =	vmul.f32 v20, v19;
	_ =	sdelay $0x1  }
0xc7: {  	v20 =	vmul.f32 v19, v19;
	_ =	sdelay $0x1  }
0xc8: {  	v22 =	vmul.f32 $7.692307980e-02, v20;
	_ =	sdelay $0x1  }
0xc9: {  	v22 =	vadd.f32 $9.090909360e-02, v22;
	_ =	sdelay $0x1  }
0xca: {  	v22 =	vmul.f32 v22, v20;
	_ =	sdelay $0x1  }
0xcb: {  	v22 =	vadd.f32 $1.111111120e-01, v22;
	_ =	sdelay $0x1  }
0xcc: {  	v22 =	vmul.f32 v22, v20;
	_ =	sdelay $0x1  }
0xcd: {  	v22 =	vadd.f32 $1.428571490e-01, v22;
	_ =	sdelay $0x1  }
0xce: {  	v22 =	vmul.f32 v22, v20;
	_ =	sdelay $0x1  }
0xcf: {  	v22 =	vadd.f32 $2.000000030e-01, v22;
	_ =	sdelay $0x1  }
0xd0: {  	v22 =	vmul.f32 v22, v20;
	_ =	sdelay $0x1  }
0xd1: {  	v22 =	vadd.f32 $3.333333430e-01, v22;
	(erf) = vrcp.f32 v21;
	_ =	sdelay $0x1  }
0xd2: {  	v20 =	vmul.f32 v22, v20;
	_ =	sdelay $0x1  }
0xd3: {  	v19 =	vadd.f32 v19, v19;
	v20 =	vadd.f32 $1.000000000e+00, v20;
	_ =	sdelay $0x1  }
0xd4: {  	v20 =	vmul.f32 v20, v19  }
0xd5: {  	v18 =	vmax.f32 v18, $0.0e+00  }
0xd6: {  	v18 =	vadd.f32 v20, v18  }
0xd7: {  	v19 =	vpop (erf)  }
0xd8: {  	v18 =	vmul.f32 v18, v19;
	_ =	sdelay $0x1  }
0xd9: {  	[tilespmem:s19+$0x0] =	vst v18;
	s19 =	smov.u32 s22  }
0xda: {  	v18 =	vld [tilespmem:s18+$0x0];
	_ =	sdelay $0x3  }
0xdb: {  	v19 =	vld [tilespmem:s24+$0x194F0]  }
0xdc: {  	v20 =	vbroadcast v18, $0x0;
	v21 =	vbroadcast v18, $0x1;
	v22 =	vld [tilespmem:s24+$0x18AE0]  }
0xdd: {  	v23 =	vbroadcast v18, $0x2;
	v24 =	vbroadcast v18, $0x3  }
0xde: {  	v26 =	vbroadcast v18, $0x4;
	v25 =	vmul.f32 v20, v8  }
0xdf: {  	v28 =	vbroadcast v18, $0x5;
	v27 =	vmul.f32 v21, v9  }
0xe0: {  	v30 =	vbroadcast v18, $0x6;
	v29 =	vmul.f32 v23, v2;
	v25 =	vadd.f32 v25, v17  }
0xe1: {  	v20 =	vmul.f32 v20, v0;
	v23 =	vmul.f32 v23, v10  }
0xe2: {  	v31 =	vbroadcast v18, $0xA;
	v25 =	vadd.f32 v25, v27;
	v27 =	vbroadcast v18, $0x8  }
0xe3: {  	v21 =	vmul.f32 v21, v1;
	v32 =	vmul.f32 v24, v11;
	v20 =	vadd.f32 v20, v16  }
0xe4: {  	v34 =	vbroadcast v18, $0xB;
	v23 =	vadd.f32 v25, v23;
	v25 =	vld [tilespmem:s24+$0x194E0];
	v33 =	vmul.f32 v27, v8  }
0xe5: {  	v35 =	vbroadcast v18, $0x9;
	v20 =	vadd.f32 v20, v21;
	v21 =	vmul.f32 v26, v12  }
0xe6: {  	v23 =	vadd.f32 v23, v32;
	v32 =	vbroadcast v18, $0x7;
	v33 =	vadd.f32 v33, v17  }
0xe7: {  	v24 =	vmul.f32 v24, v3;
	v20 =	vadd.f32 v20, v29;
	v29 =	vmul.f32 v28, v13  }
0xe8: {  	v26 =	vmul.f32 v26, v4;
	v21 =	vadd.f32 v23, v21;
	v23 =	vbroadcast v18, $0xC  }
0xe9: {  	v36 =	vmul.f32 v31, v10;
	v20 =	vadd.f32 v20, v24;
	v24 =	vmul.f32 v30, v14  }
0xea: {  	v37 =	vmul.f32 v35, v9;
	v38 =	vmul.f32 v34, v11;
	v21 =	vadd.f32 v21, v29;
	v29 =	vld [tilespmem:s24+$0x18AF0]  }
0xeb: {  	v20 =	vadd.f32 v20, v26;
	v26 =	vmul.f32 v28, v5;
	v28 =	vmul.f32 v32, v15  }
0xec: {  	v21 =	vadd.f32 v21, v24;
	v24 =	vmul.f32 v27, v0;
	v27 =	vadd.f32 v33, v37  }
0xed: {  	v20 =	vadd.f32 v20, v26;
	v26 =	vmul.f32 v30, v6;
	v30 =	vbroadcast v18, $0xD  }
0xee: {  	v33 =	vbroadcast v18, $0xE;
	v21 =	vadd.f32 v21, v28;
	v28 =	vmul.f32 v35, v1  }
0xef: {  	v20 =	vadd.f32 v20, v26;
	v26 =	vmul.f32 v32, v7;
	v24 =	vadd.f32 v24, v16  }
0xf0: {  	v27 =	vadd.f32 v27, v36;
	v21 =	vadd.f32 v21, v29;
	v29 =	vmul.f32 v33, v14  }
0xf1: {  	v20 =	vadd.f32 v20, v26;
	v26 =	vmul.f32 v31, v2;
	v24 =	vadd.f32 v24, v28  }
0xf2: {  	v19 =	vadd.f32 v21, v19;
	v21 =	vadd.f32 v27, v38;
	v27 =	vmul.f32 v23, v12  }
0xf3: {  	v20 =	vadd.f32 v20, v22;
	v22 =	vadd.f32 v24, v26;
	v24 =	vmul.f32 v30, v13  }
0xf4: {  	v28 =	vmul.f32 v34, v3;
	v26 =	vand.u32 $0x7FFFFFFF, v19;
	v21 =	vadd.f32 v21, v27  }
0xf5: {  	v18 =	vbroadcast v18, $0xF;
	v20 =	vadd.f32 v20, v25;
	v25 =	vsub.f32 $0.0e+00, v26  }
0xf6: {  	v23 =	vmul.f32 v23, v4;
	v22 =	vadd.f32 v22, v28;
	v21 =	vadd.f32 v21, v24  }
0xf7: {  	v20 =	vsub.f32 $0.0e+00, v20;
	v24 =	vmul.f32 $1.442695020e+00, v25  }
0xf8: {  	v22 =	vadd.f32 v22, v23;
	v23 =	vmul.f32 v30, v5;
	v21 =	vadd.f32 v21, v29  }
0xf9: {  	v20 =	vmul.f32 $1.442695020e+00, v20;
	(erf) = vpow2.f32 v24  }
0xfa: {  	v22 =	vadd.f32 v22, v23;
	v23 =	vmul.f32 v33, v6  }
0xfb: {  	(erf) = vpow2.f32 v20  }
0xfc: {  	v20 =	vadd.f32 v22, v23;
	_ =	sdelay $0x5  }
0xfd: {  	v22 =	vpop (erf)  }
0xfe: {  	v23 =	vadd.f32 $2.000000000e+00, v22  }
0xff: {  	v24 =	vpop (erf)  }
0x100: {  	v24 =	vadd.f32 $1.000000000e+00, v24;
	(erf) = vrcp.f32 v23;
	_ =	sdelay $0x8  }
0x101: {  	v23 =	vpop (erf)  }
0x102: {  	v22 =	vmul.f32 v23, v22;
	_ =	sdelay $0x1  }
0x103: {  	v23 =	vmul.f32 v22, v22;
	_ =	sdelay $0x1  }
0x104: {  	v25 =	vmul.f32 $7.692307980e-02, v23;
	_ =	sdelay $0x1  }
0x105: {  	v25 =	vadd.f32 $9.090909360e-02, v25;
	_ =	sdelay $0x1  }
0x106: {  	v25 =	vmul.f32 v25, v23;
	_ =	sdelay $0x1  }
0x107: {  	v25 =	vadd.f32 $1.111111120e-01, v25;
	_ =	sdelay $0x1  }
0x108: {  	v25 =	vmul.f32 v25, v23;
	_ =	sdelay $0x1  }
0x109: {  	v25 =	vadd.f32 $1.428571490e-01, v25;
	_ =	sdelay $0x1  }
0x10a: {  	v25 =	vmul.f32 v25, v23;
	_ =	sdelay $0x1  }
0x10b: {  	v25 =	vadd.f32 $2.000000030e-01, v25;
	_ =	sdelay $0x1  }
0x10c: {  	v25 =	vmul.f32 v25, v23  }
0x10d: {  	(erf) = vrcp.f32 v24  }
0x10e: {  	v24 =	vadd.f32 $3.333333430e-01, v25;
	_ =	sdelay $0x1  }
0x10f: {  	v23 =	vmul.f32 v24, v23  }
0x110: {  	v22 =	vadd.f32 v22, v22  }
0x111: {  	v23 =	vadd.f32 $1.000000000e+00, v23;
	_ =	sdelay $0x1  }
0x112: {  	v19 =	vmax.f32 v19, $0.0e+00;
	v23 =	vmul.f32 v23, v22;
	_ =	sdelay $0x1  }
0x113: {  	v19 =	vadd.f32 v23, v19;
	v22 =	vpop (erf);
	_ =	sdelay $0x1  }
0x114: {  	v19 =	vmul.f32 v19, v22;
	_ =	sdelay $0x1  }
0x115: {  	[tilespmem:s22+$0xFFFFFFF0] =	vst v19  }
0x116: {  	v19 =	vld [tilespmem:s24+$0x18B10]  }
0x117: {  	v22 =	vmul.f32 v18, v15;
	v23 =	vld [tilespmem:s24+$0x18B00]  }
0x118: {  	v18 =	vmul.f32 v18, v7;
	v24 =	vld [tilespmem:s24+$0x19510]  }
0x119: {  	v21 =	vadd.f32 v21, v22;
	v22 =	vld [tilespmem:s24+$0x19500]  }
.Ltmp2:
0x11a: {  	v18 =	vadd.f32 v20, v18;
	(pc) =	sbr.rel @p1 .LBB2_3-.Ltmp2, $4  }
0x11b: {  	v19 =	vadd.f32 v21, v19  }
0x11c: {  	v20 =	vadd.f32 v18, v23  }
0x11d: {  	v18 =	vadd.f32 v19, v24  }
0x11e: {  	v19 =	vadd.f32 v20, v22  }
0x11f: {  	v20 =	vand.u32 $0x7FFFFFFF, v18  }
0x120: {  	v20 =	vsub.f32 $0.0e+00, v20;
	_ =	sdelay $0x1  }
0x121: {  	v20 =	vmul.f32 $1.442695020e+00, v20;
	_ =	sdelay $0x1  }
0x122: {  	(erf) = vpow2.f32 v20;
	_ =	sdelay $0x6  }
0x123: {  	v19 =	vsub.f32 $0.0e+00, v19;
	_ =	sdelay $0x1  }
0x124: {  	v19 =	vmul.f32 $1.442695020e+00, v19;
	v20 =	vpop (erf)  }
0x125: {  	v21 =	vadd.f32 $2.000000000e+00, v20  }
0x126: {  	(erf) = vpow2.f32 v19  }
0x127: {  	(erf) = vrcp.f32 v21;
	_ =	sdelay $0x7  }
0x128: {  	v19 =	vpop (erf)  }
0x129: {  	v21 =	vpop (erf)  }
0x12a: {  	v20 =	vmul.f32 v21, v20;
	_ =	sdelay $0x1  }
0x12b: {  	v21 =	vmul.f32 v20, v20;
	_ =	sdelay $0x1  }
0x12c: {  	v22 =	vmul.f32 $7.692307980e-02, v21;
	_ =	sdelay $0x1  }
0x12d: {  	v22 =	vadd.f32 $9.090909360e-02, v22;
	_ =	sdelay $0x1  }
0x12e: {  	v22 =	vmul.f32 v22, v21;
	_ =	sdelay $0x1  }
0x12f: {  	v22 =	vadd.f32 $1.111111120e-01, v22;
	_ =	sdelay $0x1  }
0x130: {  	v22 =	vmul.f32 v22, v21;
	_ =	sdelay $0x1  }
0x131: {  	v22 =	vadd.f32 $1.428571490e-01, v22;
	_ =	sdelay $0x1  }
0x132: {  	v22 =	vmul.f32 v22, v21;
	_ =	sdelay $0x1  }
0x133: {  	v22 =	vadd.f32 $2.000000030e-01, v22;
	_ =	sdelay $0x1  }
0x134: {  	v22 =	vmul.f32 v22, v21  }
0x135: {  	v19 =	vadd.f32 $1.000000000e+00, v19  }
0x136: {  	v22 =	vadd.f32 $3.333333430e-01, v22  }
0x137: {  	(erf) = vrcp.f32 v19  }
0x138: {  	v19 =	vmul.f32 v22, v21;
	_ =	sdelay $0x1  }
0x139: {  	v20 =	vadd.f32 v20, v20;
	v19 =	vadd.f32 $1.000000000e+00, v19;
	_ =	sdelay $0x1  }
0x13a: {  	v19 =	vmul.f32 v19, v20;
	_ =	sdelay $0x1  }
0x13b: {  	v18 =	vmax.f32 v18, $0.0e+00  }
0x13c: {  	v18 =	vadd.f32 v19, v18  }
0x13d: {  	v19 =	vpop (erf)  }
0x13e: {  	v18 =	vmul.f32 v18, v19;
	_ =	sdelay $0x1  }
0x13f: {  	[tilespmem:s19+$0x0] =	vst v18  }
0x140: {  	[spmem:s1] =	stream.indirect.scatter.add.f32 [tilespmem:s11], [sflag:$0x5], $0x10, s28, s0, $0xb8;
	[tilespmem:$0x1BB00] =	vst v63  }
0x141: {  	_ =	swait.ge [sflag:s26], $0x500  }
0x142: {  	p1 =	seq.s32 s17, $0x270;
	[sflag:s26] =	ssyncset.done $0x0  }
0x143: {  	s18 =	simm.s32 @p1 $0x4;
	[sflag:s26] =	ssyncadd.s32 $0xFFFFFB00  }
0x144: {  	_ =	swait.ge @p1 [sflag:s18], $0xA00  }
0x145: {  	[sflag:s18] =	ssyncset.done @p1 $0x0  }
0x146: {  	s19 =	smul.u32 @!p1 $0xA0, s17;
	[sflag:s18] =	ssyncadd.s32 @p1 $0xFFFFF600  }
0x147: {  	_ =	swait.ge @p1 [sflag:s18], $0xA00  }
0x148: {  	s19 =	sadd.s32 @!p1 s19, s20;
	[sflag:s18] =	ssyncset.done @p1 $0x0  }
0x149: {  	[sflag:s18] =	ssyncadd.s32 @p1 $0xFFFFF600;
	s18 =	sshrl.u32 @!p1 s19, $0x3  }
0x14a: {  	s23 =	simm.s32 @!p1 $0x0;
	s24 =	simm.s32 @!p1 $0x187C0;
	s22 =	sadd.s32 @!p1 s4, s18  }
0x14b: {  	[tilespmem:s24], [sflag:$0x1] =	stream.linear.gather @!p1 [hbm4b:s22+s23], $0x50, $0x38;
	[tilespmem:$0x1BB00] =	vst v63  }
0x14c: {  	s18 =	sadd.s32 @!p1 s5, s18;
	s22 =	simm.s32 @!p1 $0x18810  }
0x14d: {  	[tilespmem:s22], [sflag:$0x1] =	stream.linear.gather @!p1 [hbm4b:s18+s23], $0x50, $0x38;
	[tilespmem:$0x1BB00] =	vst v63  }
0x14e: {  	s18 =	sadd.s32 @!p1 s6, s19;
	s19 =	simm.s32 @!p1 $0x18860  }
0x14f: {  	[tilespmem:s19], [sflag:$0x1] =	stream.linear.gather @!p1 [hbm4b:s18+s23], $0x280, $0x38;
	[tilespmem:$0x1BB00] =	vst v63  }
0x150: {  	s18 =	simm.s32 @!p1 $0x4  }
0x151: {  	_ =	swait.ge @!p1 [sflag:s18], $0xA00  }
0x152: {  	[sflag:s18] =	ssyncset.done @!p1 $0x0  }
0x153: {  	[sflag:s18] =	ssyncadd.s32 @!p1 $0xFFFFF600  }
0x154: {  	_ =	swait.ge @!p1 [sflag:s18], $0xA00  }
0x155: {  	[sflag:s18] =	ssyncset.done @!p1 $0x0  }
0x156: {  	[sflag:s18] =	ssyncadd.s32 @!p1 $0xFFFFF600;
	s18 =	simm.s32 @!p1 $0x1  }
0x157: {  	_ =	swait.ge @!p1 [sflag:s18], $0x50  }
0x158: {  	[sflag:s18] =	ssyncset.done @!p1 $0x0  }
0x159: {  	[sflag:s18] =	ssyncadd.s32 @!p1 $0xFFFFFFB0  }
0x15a: {  	_ =	swait.ge @!p1 [sflag:s18], $0x50  }
0x15b: {  	[sflag:s18] =	ssyncset.done @!p1 $0x0  }
0x15c: {  	[sflag:s18] =	ssyncadd.s32 @!p1 $0xFFFFFFB0  }
0x15d: {  	_ =	swait.ge @!p1 [sflag:s18], $0x280  }
0x15e: {  	[sflag:s18] =	ssyncset.done @!p1 $0x0  }
0x15f: {  	s19 =	simm.s32 @!p1 $0x18AE0;
	[sflag:s18] =	ssyncadd.s32 @!p1 $0xFFFFFD80;
	s18 =	simm.s32 @!p1 $0x50  }
0x160: {  	[tilespmem:s19], [sflag:$0x3] =	stream.indirect.gather @!p1 [hbm4b:s15+s18], $0x20, s24, s18, $0xb8;
	[tilespmem:$0x1BB00] =	vst v63  }
0x161: {  	s19 =	simm.s32 @!p1 $0x194E0  }
0x162: {  	[tilespmem:s19], [sflag:$0x3] =	stream.indirect.gather @!p1 [hbm4b:s16+s18], $0x20, s22, s18, $0xb8;
	[tilespmem:$0x1BB00] =	vst v63  }
0x163: {  	s18 =	simm.s32 $0x19F80  }
0x164: {  	v18 =	vld [tilespmem:s18+$0x0];
	_ =	sdelay $0x4  }
0x165: {  	v19 =	vbroadcast v18, $0x0;
	_ =	sdelay $0x1  }
0x166: {  	v20 =	vbroadcast v18, $0x1;
	v56 =	vmul.f32 v19, v8;
	_ =	sdelay $0x1  }
0x167: {  	v57 =	vbroadcast v18, $0x2;
	v23 =	vmul.f32 v20, v9;
	v21 =	vadd.f32 v56, v17;
	_ =	sdelay $0x1  }
0x168: {  	v24 =	vbroadcast v18, $0x3;
	v25 =	vmul.f32 v57, v10;
	v21 =	vadd.f32 v21, v23;
	_ =	sdelay $0x1  }
0x169: {  	v58 =	vbroadcast v18, $0x4;
	v26 =	vmul.f32 v24, v11;
	v21 =	vadd.f32 v21, v25;
	_ =	sdelay $0x1  }
0x16a: {  	v59 =	vbroadcast v18, $0x5;
	v27 =	vmul.f32 v58, v12;
	v21 =	vadd.f32 v21, v26;
	_ =	sdelay $0x1  }
0x16b: {  	v60 =	vbroadcast v18, $0x6;
	v28 =	vmul.f32 v59, v13;
	v21 =	vadd.f32 v21, v27  }
0x16c: {  	v61 =	vbroadcast v18, $0x7  }
0x16d: {  	s24 =	simm.s32 $0x0;
	v19 =	vmul.f32 v19, v0;
	v29 =	vmul.f32 v60, v14;
	v21 =	vadd.f32 v21, v28  }
0x16e: {  	v62 =	vld [tilespmem:s24+$0x1A210];
	v20 =	vmul.f32 v20, v1  }
0x16f: {  	v30 =	vmul.f32 v61, v15;
	v19 =	vadd.f32 v19, v16;
	v21 =	vadd.f32 v21, v29  }
0x170: {  	v63 =	vld [tilespmem:s24+$0x1AC10]  }
0x171: {  	v22 =	vmul.f32 v57, v2;
	v19 =	vadd.f32 v19, v20;
	v20 =	vadd.f32 v21, v30;
	_ =	sdelay $0x1  }
0x172: {  	v24 =	vmul.f32 v24, v3;
	v19 =	vadd.f32 v19, v22;
	v20 =	vadd.f32 v20, v62;
	_ =	sdelay $0x1  }
0x173: {  	v19 =	vadd.f32 v19, v24;
	v28 =	vmul.f32 v58, v4;
	v20 =	vadd.f32 v20, v63;
	_ =	sdelay $0x1  }
0x174: {  	v19 =	vadd.f32 v19, v28;
	v29 =	vmul.f32 v59, v5;
	v30 =	vand.u32 $0x7FFFFFFF, v20  }
0x175: {  	v22 =	vsub.f32 $0.0e+00, v30  }
0x176: {  	v31 =	vmul.f32 v60, v6;
	v19 =	vadd.f32 v19, v29  }
0x177: {  	v32 =	vld [tilespmem:s24+$0x1A200];
	v22 =	vmul.f32 $1.442695020e+00, v22  }
0x178: {  	v33 =	vmul.f32 v61, v7;
	v19 =	vadd.f32 v19, v31  }
0x179: {  	v34 =	vld [tilespmem:s24+$0x1AC00];
	(erf) = vpow2.f32 v22  }
0x17a: {  	v19 =	vadd.f32 v19, v33;
	_ =	sdelay $0x1  }
0x17b: {  	v19 =	vadd.f32 v19, v32;
	_ =	sdelay $0x1  }
0x17c: {  	v19 =	vadd.f32 v19, v34;
	_ =	sdelay $0x1  }
0x17d: {  	v19 =	vsub.f32 $0.0e+00, v19;
	_ =	sdelay $0x1  }
0x17e: {  	v19 =	vmul.f32 $1.442695020e+00, v19;
	v35 =	vpop (erf)  }
0x17f: {  	v36 =	vadd.f32 $2.000000000e+00, v35  }
0x180: {  	(erf) = vpow2.f32 v19  }
0x181: {  	(erf) = vrcp.f32 v36;
	_ =	sdelay $0x7  }
0x182: {  	v19 =	vpop (erf)  }
0x183: {  	v22 =	vpop (erf)  }
0x184: {  	v21 =	vmul.f32 v22, v35;
	_ =	sdelay $0x1  }
0x185: {  	v22 =	vmul.f32 v21, v21;
	_ =	sdelay $0x1  }
0x186: {  	v37 =	vmul.f32 $7.692307980e-02, v22;
	_ =	sdelay $0x1  }
0x187: {  	v23 =	vadd.f32 $9.090909360e-02, v37;
	_ =	sdelay $0x1  }
0x188: {  	v23 =	vmul.f32 v23, v22;
	_ =	sdelay $0x1  }
0x189: {  	v23 =	vadd.f32 $1.111111120e-01, v23;
	_ =	sdelay $0x1  }
0x18a: {  	v23 =	vmul.f32 v23, v22;
	_ =	sdelay $0x1  }
0x18b: {  	v23 =	vadd.f32 $1.428571490e-01, v23;
	_ =	sdelay $0x1  }
0x18c: {  	v23 =	vmul.f32 v23, v22;
	_ =	sdelay $0x1  }
0x18d: {  	v23 =	vadd.f32 $2.000000030e-01, v23  }
0x18e: {  	v38 =	vbroadcast v18, $0x8;
	v39 =	vbroadcast v18, $0xA  }
0x18f: {  	v41 =	vbroadcast v18, $0x9;
	v19 =	vadd.f32 $1.000000000e+00, v19;
	v23 =	vmul.f32 v23, v22  }
0x190: {  	v42 =	vbroadcast v18, $0xB;
	v40 =	vmul.f32 v38, v8  }
0x191: {  	v24 =	vmul.f32 v38, v0;
	(erf) = vrcp.f32 v19;
	v19 =	vadd.f32 $3.333333430e-01, v23  }
0x192: {  	v45 =	vbroadcast v18, $0xC;
	v44 =	vmul.f32 v41, v9;
	v43 =	vadd.f32 v40, v17  }
0x193: {  	v47 =	vmul.f32 v41, v1;
	v24 =	vadd.f32 v24, v16;
	v19 =	vmul.f32 v19, v22  }
0x194: {  	v48 =	vmul.f32 v39, v10;
	v46 =	vadd.f32 v43, v44;
	v21 =	vadd.f32 v21, v21  }
0x195: {  	v50 =	vmul.f32 v39, v2;
	v23 =	vadd.f32 v24, v47;
	v19 =	vadd.f32 $1.000000000e+00, v19  }
0x196: {  	v51 =	vbroadcast v18, $0xD;
	v49 =	vmul.f32 v42, v11;
	v22 =	vadd.f32 v46, v48  }
0x197: {  	v53 =	vmul.f32 v42, v3;
	v52 =	vadd.f32 v23, v50;
	v19 =	vmul.f32 v19, v21  }
0x198: {  	v54 =	vmul.f32 v45, v12;
	v20 =	vmax.f32 v20, $0.0e+00;
	v22 =	vadd.f32 v22, v49  }
0x199: {  	v55 =	vmul.f32 v45, v4;
	v21 =	vadd.f32 v52, v53;
	v19 =	vadd.f32 v19, v20  }
0x19a: {  	v57 =	vmul.f32 v51, v13;
	v58 =	vmul.f32 v51, v5;
	v56 =	vpop (erf);
	v22 =	vadd.f32 v22, v54  }
0x19b: {  	v20 =	vbroadcast v18, $0xE;
	v21 =	vadd.f32 v21, v55;
	v19 =	vmul.f32 v19, v56  }
0x19c: {  	s22 =	simm.s32 $0x1B610;
	v22 =	vadd.f32 v22, v57;
	v18 =	vbroadcast v18, $0xF  }
0x19d: {  	v59 =	vmul.f32 v20, v14;
	v20 =	vmul.f32 v20, v6;
	[tilespmem:s22+$0xFFFFFFF0] =	vst v19;
	v19 =	vadd.f32 v21, v58  }
0x19e: {  	v60 =	vld [tilespmem:s24+$0x1A230]  }
0x19f: {  	v22 =	vadd.f32 v22, v59;
	v61 =	vld [tilespmem:s24+$0x1A220];
	v19 =	vadd.f32 v19, v20;
	v20 =	vmul.f32 v18, v15  }
0x1a0: {  	v62 =	vld [tilespmem:s24+$0x1AC30];
	v18 =	vmul.f32 v18, v7  }
0x1a1: {  	v63 =	vld [tilespmem:s24+$0x1AC20];
	v20 =	vadd.f32 v22, v20  }
0x1a2: {  	v18 =	vadd.f32 v19, v18  }
0x1a3: {  	v19 =	vadd.f32 v20, v60  }
0x1a4: {  	v20 =	vadd.f32 v18, v61  }
0x1a5: {  	v18 =	vadd.f32 v19, v62  }
0x1a6: {  	s23 =	simm.s32 $0x100;
	s19 =	simm.s32 $0x1B610;
	v19 =	vadd.f32 v20, v63  }
.LBB2_5:
0x1a7: {  	p2 =	sne.s32 s23, $0x2700;
	v20 =	vand.u32 $0x7FFFFFFF, v18;
	s18 =	sadd.s32 $0x10, s18;
	s22 =	sadd.s32 $0x20, s22  }
0x1a8: {  	s24 =	smov.u32 s23;
	s23 =	sadd.s32 $0x100, s23;
	v19 =	vsub.f32 $0.0e+00, v19;
	v20 =	vsub.f32 $0.0e+00, v20;
	_ =	sdelay $0x1  }
0x1a9: {  	v19 =	vmul.f32 $1.442695020e+00, v19;
	v20 =	vmul.f32 $1.442695020e+00, v20;
	_ =	sdelay $0x1  }
0x1aa: {  	(erf) = vpow2.f32 v20  }
0x1ab: {  	(erf) = vpow2.f32 v19;
	_ =	sdelay $0x7  }
0x1ac: {  	v19 =	vpop (erf)  }
0x1ad: {  	v20 =	vadd.f32 $2.000000000e+00, v19;
	v21 =	vpop (erf)  }
0x1ae: {  	v21 =	vadd.f32 $1.000000000e+00, v21  }
0x1af: {  	(erf) = vrcp.f32 v20;
	_ =	sdelay $0x2  }
0x1b0: {  	s24 =	sshra.s32 s24, $0x2;
	_ =	sdelay $0x5  }
0x1b1: {  	v20 =	vpop (erf)  }
0x1b2: {  	v19 =	vmul.f32 v20, v19;
	_ =	sdelay $0x1  }
0x1b3: {  	v20 =	vmul.f32 v19, v19;
	_ =	sdelay $0x1  }
0x1b4: {  	v22 =	vmul.f32 $7.692307980e-02, v20;
	_ =	sdelay $0x1  }
0x1b5: {  	v22 =	vadd.f32 $9.090909360e-02, v22;
	_ =	sdelay $0x1  }
0x1b6: {  	v22 =	vmul.f32 v22, v20;
	_ =	sdelay $0x1  }
0x1b7: {  	v22 =	vadd.f32 $1.111111120e-01, v22;
	_ =	sdelay $0x1  }
0x1b8: {  	v22 =	vmul.f32 v22, v20;
	_ =	sdelay $0x1  }
0x1b9: {  	v22 =	vadd.f32 $1.428571490e-01, v22;
	_ =	sdelay $0x1  }
0x1ba: {  	v22 =	vmul.f32 v22, v20;
	_ =	sdelay $0x1  }
0x1bb: {  	v22 =	vadd.f32 $2.000000030e-01, v22;
	_ =	sdelay $0x1  }
0x1bc: {  	v22 =	vmul.f32 v22, v20;
	_ =	sdelay $0x1  }
0x1bd: {  	v22 =	vadd.f32 $3.333333430e-01, v22;
	(erf) = vrcp.f32 v21;
	_ =	sdelay $0x1  }
0x1be: {  	v20 =	vmul.f32 v22, v20;
	_ =	sdelay $0x1  }
0x1bf: {  	v19 =	vadd.f32 v19, v19;
	v20 =	vadd.f32 $1.000000000e+00, v20;
	_ =	sdelay $0x1  }
0x1c0: {  	v20 =	vmul.f32 v20, v19  }
0x1c1: {  	v18 =	vmax.f32 v18, $0.0e+00  }
0x1c2: {  	v18 =	vadd.f32 v20, v18  }
0x1c3: {  	v19 =	vpop (erf)  }
0x1c4: {  	v18 =	vmul.f32 v18, v19;
	_ =	sdelay $0x1  }
0x1c5: {  	[tilespmem:s19+$0x0] =	vst v18;
	s19 =	smov.u32 s22  }
0x1c6: {  	v18 =	vld [tilespmem:s18+$0x0];
	_ =	sdelay $0x3  }
0x1c7: {  	v19 =	vld [tilespmem:s24+$0x1AC10]  }
0x1c8: {  	v20 =	vbroadcast v18, $0x0;
	v21 =	vbroadcast v18, $0x1;
	v22 =	vld [tilespmem:s24+$0x1A200]  }
0x1c9: {  	v23 =	vbroadcast v18, $0x2;
	v24 =	vbroadcast v18, $0x3  }
0x1ca: {  	v26 =	vbroadcast v18, $0x4;
	v25 =	vmul.f32 v20, v8  }
0x1cb: {  	v28 =	vbroadcast v18, $0x5;
	v27 =	vmul.f32 v21, v9  }
0x1cc: {  	v30 =	vbroadcast v18, $0x6;
	v29 =	vmul.f32 v23, v2;
	v25 =	vadd.f32 v25, v17  }
0x1cd: {  	v20 =	vmul.f32 v20, v0;
	v23 =	vmul.f32 v23, v10  }
0x1ce: {  	v31 =	vbroadcast v18, $0xA;
	v25 =	vadd.f32 v25, v27;
	v27 =	vbroadcast v18, $0x8  }
0x1cf: {  	v21 =	vmul.f32 v21, v1;
	v32 =	vmul.f32 v24, v11;
	v20 =	vadd.f32 v20, v16  }
0x1d0: {  	v34 =	vbroadcast v18, $0xB;
	v23 =	vadd.f32 v25, v23;
	v25 =	vld [tilespmem:s24+$0x1AC00];
	v33 =	vmul.f32 v27, v8  }
0x1d1: {  	v35 =	vbroadcast v18, $0x9;
	v20 =	vadd.f32 v20, v21;
	v21 =	vmul.f32 v26, v12  }
0x1d2: {  	v23 =	vadd.f32 v23, v32;
	v32 =	vbroadcast v18, $0x7;
	v33 =	vadd.f32 v33, v17  }
0x1d3: {  	v24 =	vmul.f32 v24, v3;
	v20 =	vadd.f32 v20, v29;
	v29 =	vmul.f32 v28, v13  }
0x1d4: {  	v26 =	vmul.f32 v26, v4;
	v21 =	vadd.f32 v23, v21;
	v23 =	vbroadcast v18, $0xC  }
0x1d5: {  	v36 =	vmul.f32 v31, v10;
	v20 =	vadd.f32 v20, v24;
	v24 =	vmul.f32 v30, v14  }
0x1d6: {  	v37 =	vmul.f32 v35, v9;
	v38 =	vmul.f32 v34, v11;
	v21 =	vadd.f32 v21, v29;
	v29 =	vld [tilespmem:s24+$0x1A210]  }
0x1d7: {  	v20 =	vadd.f32 v20, v26;
	v26 =	vmul.f32 v28, v5;
	v28 =	vmul.f32 v32, v15  }
0x1d8: {  	v21 =	vadd.f32 v21, v24;
	v24 =	vmul.f32 v27, v0;
	v27 =	vadd.f32 v33, v37  }
0x1d9: {  	v20 =	vadd.f32 v20, v26;
	v26 =	vmul.f32 v30, v6;
	v30 =	vbroadcast v18, $0xD  }
0x1da: {  	v33 =	vbroadcast v18, $0xE;
	v21 =	vadd.f32 v21, v28;
	v28 =	vmul.f32 v35, v1  }
0x1db: {  	v20 =	vadd.f32 v20, v26;
	v26 =	vmul.f32 v32, v7;
	v24 =	vadd.f32 v24, v16  }
0x1dc: {  	v27 =	vadd.f32 v27, v36;
	v21 =	vadd.f32 v21, v29;
	v29 =	vmul.f32 v33, v14  }
0x1dd: {  	v20 =	vadd.f32 v20, v26;
	v26 =	vmul.f32 v31, v2;
	v24 =	vadd.f32 v24, v28  }
0x1de: {  	v19 =	vadd.f32 v21, v19;
	v21 =	vadd.f32 v27, v38;
	v27 =	vmul.f32 v23, v12  }
0x1df: {  	v20 =	vadd.f32 v20, v22;
	v22 =	vadd.f32 v24, v26;
	v24 =	vmul.f32 v30, v13  }
0x1e0: {  	v28 =	vmul.f32 v34, v3;
	v26 =	vand.u32 $0x7FFFFFFF, v19;
	v21 =	vadd.f32 v21, v27  }
0x1e1: {  	v18 =	vbroadcast v18, $0xF;
	v20 =	vadd.f32 v20, v25;
	v25 =	vsub.f32 $0.0e+00, v26  }
0x1e2: {  	v23 =	vmul.f32 v23, v4;
	v22 =	vadd.f32 v22, v28;
	v21 =	vadd.f32 v21, v24  }
0x1e3: {  	v20 =	vsub.f32 $0.0e+00, v20;
	v24 =	vmul.f32 $1.442695020e+00, v25  }
0x1e4: {  	v22 =	vadd.f32 v22, v23;
	v23 =	vmul.f32 v30, v5;
	v21 =	vadd.f32 v21, v29  }
0x1e5: {  	v20 =	vmul.f32 $1.442695020e+00, v20;
	(erf) = vpow2.f32 v24  }
0x1e6: {  	v22 =	vadd.f32 v22, v23;
	v23 =	vmul.f32 v33, v6  }
0x1e7: {  	(erf) = vpow2.f32 v20  }
0x1e8: {  	v20 =	vadd.f32 v22, v23;
	_ =	sdelay $0x5  }
0x1e9: {  	v22 =	vpop (erf)  }
0x1ea: {  	v23 =	vadd.f32 $2.000000000e+00, v22  }
0x1eb: {  	v24 =	vpop (erf)  }
0x1ec: {  	v24 =	vadd.f32 $1.000000000e+00, v24;
	(erf) = vrcp.f32 v23;
	_ =	sdelay $0x8  }
0x1ed: {  	v23 =	vpop (erf)  }
0x1ee: {  	v22 =	vmul.f32 v23, v22;
	_ =	sdelay $0x1  }
0x1ef: {  	v23 =	vmul.f32 v22, v22;
	_ =	sdelay $0x1  }
0x1f0: {  	v25 =	vmul.f32 $7.692307980e-02, v23;
	_ =	sdelay $0x1  }
0x1f1: {  	v25 =	vadd.f32 $9.090909360e-02, v25;
	_ =	sdelay $0x1  }
0x1f2: {  	v25 =	vmul.f32 v25, v23;
	_ =	sdelay $0x1  }
0x1f3: {  	v25 =	vadd.f32 $1.111111120e-01, v25;
	_ =	sdelay $0x1  }
0x1f4: {  	v25 =	vmul.f32 v25, v23;
	_ =	sdelay $0x1  }
0x1f5: {  	v25 =	vadd.f32 $1.428571490e-01, v25;
	_ =	sdelay $0x1  }
0x1f6: {  	v25 =	vmul.f32 v25, v23;
	_ =	sdelay $0x1  }
0x1f7: {  	v25 =	vadd.f32 $2.000000030e-01, v25;
	_ =	sdelay $0x1  }
0x1f8: {  	v25 =	vmul.f32 v25, v23  }
0x1f9: {  	(erf) = vrcp.f32 v24  }
0x1fa: {  	v24 =	vadd.f32 $3.333333430e-01, v25;
	_ =	sdelay $0x1  }
0x1fb: {  	v23 =	vmul.f32 v24, v23  }
0x1fc: {  	v22 =	vadd.f32 v22, v22  }
0x1fd: {  	v23 =	vadd.f32 $1.000000000e+00, v23;
	_ =	sdelay $0x1  }
0x1fe: {  	v19 =	vmax.f32 v19, $0.0e+00;
	v23 =	vmul.f32 v23, v22;
	_ =	sdelay $0x1  }
0x1ff: {  	v19 =	vadd.f32 v23, v19;
	v22 =	vpop (erf);
	_ =	sdelay $0x1  }
0x200: {  	v19 =	vmul.f32 v19, v22;
	_ =	sdelay $0x1  }
0x201: {  	[tilespmem:s22+$0xFFFFFFF0] =	vst v19  }
0x202: {  	v19 =	vld [tilespmem:s24+$0x1A230]  }
0x203: {  	v22 =	vmul.f32 v18, v15;
	v23 =	vld [tilespmem:s24+$0x1A220]  }
0x204: {  	v18 =	vmul.f32 v18, v7;
	v24 =	vld [tilespmem:s24+$0x1AC30]  }
0x205: {  	v21 =	vadd.f32 v21, v22;
	v22 =	vld [tilespmem:s24+$0x1AC20]  }
.Ltmp3:
0x206: {  	v18 =	vadd.f32 v20, v18;
	(pc) =	sbr.rel @p2 .LBB2_5-.Ltmp3, $4  }
0x207: {  	v19 =	vadd.f32 v21, v19  }
0x208: {  	v20 =	vadd.f32 v18, v23  }
0x209: {  	v18 =	vadd.f32 v19, v24  }
0x20a: {  	v19 =	vadd.f32 v20, v22  }
0x20b: {  	v20 =	vand.u32 $0x7FFFFFFF, v18  }
0x20c: {  	v20 =	vsub.f32 $0.0e+00, v20;
	_ =	sdelay $0x1  }
0x20d: {  	v20 =	vmul.f32 $1.442695020e+00, v20;
	_ =	sdelay $0x1  }
0x20e: {  	(erf) = vpow2.f32 v20;
	_ =	sdelay $0x6  }
0x20f: {  	v19 =	vsub.f32 $0.0e+00, v19;
	_ =	sdelay $0x1  }
0x210: {  	v19 =	vmul.f32 $1.442695020e+00, v19;
	v20 =	vpop (erf)  }
0x211: {  	v21 =	vadd.f32 $2.000000000e+00, v20  }
0x212: {  	(erf) = vpow2.f32 v19  }
0x213: {  	(erf) = vrcp.f32 v21;
	_ =	sdelay $0x7  }
0x214: {  	v19 =	vpop (erf)  }
0x215: {  	v21 =	vpop (erf)  }
0x216: {  	v20 =	vmul.f32 v21, v20;
	_ =	sdelay $0x1  }
0x217: {  	v21 =	vmul.f32 v20, v20;
	_ =	sdelay $0x1  }
0x218: {  	v22 =	vmul.f32 $7.692307980e-02, v21;
	_ =	sdelay $0x1  }
0x219: {  	v22 =	vadd.f32 $9.090909360e-02, v22;
	_ =	sdelay $0x1  }
0x21a: {  	v22 =	vmul.f32 v22, v21;
	_ =	sdelay $0x1  }
0x21b: {  	v22 =	vadd.f32 $1.111111120e-01, v22;
	_ =	sdelay $0x1  }
0x21c: {  	v22 =	vmul.f32 v22, v21;
	_ =	sdelay $0x1  }
0x21d: {  	v22 =	vadd.f32 $1.428571490e-01, v22;
	_ =	sdelay $0x1  }
0x21e: {  	v22 =	vmul.f32 v22, v21;
	_ =	sdelay $0x1  }
0x21f: {  	v22 =	vadd.f32 $2.000000030e-01, v22;
	_ =	sdelay $0x1  }
0x220: {  	v22 =	vmul.f32 v22, v21  }
0x221: {  	v19 =	vadd.f32 $1.000000000e+00, v19  }
0x222: {  	v22 =	vadd.f32 $3.333333430e-01, v22  }
0x223: {  	(erf) = vrcp.f32 v19  }
0x224: {  	v19 =	vmul.f32 v22, v21;
	_ =	sdelay $0x1  }
0x225: {  	v20 =	vadd.f32 v20, v20;
	v19 =	vadd.f32 $1.000000000e+00, v19;
	_ =	sdelay $0x1  }
0x226: {  	v19 =	vmul.f32 v19, v20;
	_ =	sdelay $0x1  }
0x227: {  	v18 =	vmax.f32 v18, $0.0e+00  }
0x228: {  	v18 =	vadd.f32 v19, v18  }
0x229: {  	v19 =	vpop (erf)  }
0x22a: {  	v18 =	vmul.f32 v18, v19;
	_ =	sdelay $0x1  }
.Ltmp4:
0x22b: {  	[tilespmem:s19+$0x0] =	vst v18;
	(pc) =	sbr.rel @p1 .LBB2_8-.Ltmp4, $4  }
0x22c: {  	[spmem:s1] =	stream.indirect.scatter.add.f32 [tilespmem:s11], [sflag:$0x5], $0x10, s25, s0, $0xb8;
	[tilespmem:$0x1BB00] =	vst v63  }
0x22d: {  	_ =	swait.ge [sflag:s26], $0x500  }
0x22e: {  	[sflag:s26] =	ssyncset.done $0x0  }
0x22f: {  	[sflag:s26] =	ssyncadd.s32 $0xFFFFFB00  }
0x230: {  	s18 =	smul.u32 $0xA0, s17;
	_ =	sdelay $0x1  }
0x231: {  	s18 =	sadd.s32 s18, s21  }
0x232: {  	s19 =	sshrl.u32 s18, $0x3  }
0x233: {  	s22 =	sadd.s32 s4, s19  }
0x234: {  	[tilespmem:s25], [sflag:$0x2] =	stream.linear.gather [hbm4b:s22+s2], $0x50, $0x38;
	[tilespmem:$0x1BB00] =	vst v63  }
.Ltmp5:
0x235: {  	_ = 	snop;
	(pc) =	sbr.rel .LBB2_2-.Ltmp5, $4  }
0x236: {  	s19 =	sadd.s32 s5, s19  }
0x237: {  	[tilespmem:s30], [sflag:$0x2] =	stream.linear.gather [hbm4b:s19+s2], $0x50, $0x38;
	[tilespmem:$0x1BB00] =	vst v63  }
0x238: {  	s17 =	sadd.s32 $0x1, s17;
	s18 =	sadd.s32 s6, s18  }
0x239: {  	[tilespmem:s3], [sflag:$0x2] =	stream.linear.gather [hbm4b:s18+s2], $0x280, $0x38;
	[tilespmem:$0x1BB00] =	vst v63  }
.LBB2_9:
0x23a: {  	_ =	sfence.sel $0x180000  }
0x23b: {  	[bflag:$0x0] =	sbarrier.arrive $0xFFFF  }
0x23c: {  	_ =	strace $0x9000004A  }
0x23d: {  	s0 =	stileid.u32;
	[bflag:$0x2] =	sbarrier.arrive $0xFFFF  }
0x23e: {  	p0 =	sne.s32 s0, $0x0;
	s0 =	rddreg [dreg:$0x2]  }
0x23f: {  	s0 =	sadd.s32 @!p0 $0x100000, s0  }
0x240: {  	[sflag:s0] =	ssyncadd.tile.s32 @!p0 $0x1;
	_ =	shalt  }
.Lfunc_end2:
_tile_overlayer_lowered:
.L_overlay_start_2:
0x241: {  	(tag) =	ssettag $0x2  }
0x242: {  	s0 =	rddreg [dreg:$0x0];
	s2 =	stileid.u32  }
0x243: {  	s1 =	rddreg [dreg:$0x1];
	p0 =	sne.s32 s2, $0x0  }
0x244: {  	s3 =	rddreg [dreg:$0x2];
	[bflag:$0x3] =	sbarrier.arrive $0xFFFF;
	s2 =	simm.s32 @!p0 $0x1C05  }
0x245: {  	[timem:s3], [sflag:s2] =	dma.local @!p0 [hbm:s0], s1  }
0x246: {  	s0 =	simm.s32 @!p0 $0x5  }
0x247: {  	_ =	swait.ge @!p0 [sflag:s0], s1  }
0x248: {  	s1 =	ssub.s32 @!p0 $0x0, s1;
	[sflag:s0] =	ssyncset.done @!p0 $0x0  }
0x249: {  	[sflag:s0] =	ssyncadd.s32 @!p0 s1  }
0x24a: {  	[bflag:$0x3] =	sbarrier.arrive $0xFFFF  }
0x24b: {  	_ =	shalt  }

</sc_bundles>
